<compile_context>
chip_gen: v7x
topology: tpu7x:2x2x1
jax: 0.10.2.dev20260603
libtpu: 0.0.44.dev20260713+nightly
codegen_flags: <defaults>
</compile_context>

<pallas_src>
import functools
import math

import jax
import jax.numpy as jnp
from jax import lax
from jax.experimental import pallas as pl
from jax.experimental.pallas import tpu as pltpu
from jax.experimental.pallas import tpu_sc as plsc

VOCAB = 1000
D = 128
N = 1024 * 200
LANES = 16

NUM_CORES = 2
NUM_SUBCORES = 16
NW = NUM_CORES * NUM_SUBCORES

CHUNK = 128
ROWS_PER_W = N // NW
CHUNKS_PER_W = ROWS_PER_W // CHUNK
NBUF = 2

SCALE = math.sqrt(D)


def _sc_body(table_hbm, idx_hbm, pos_hbm, out_hbm,
             table_sh, idx_v, rows_v, pos_v, out_v,
             tsem, gsem0, gsem1, psem0, psem1, osem0, osem1):
    sid = lax.axis_index("s")
    wid = sid * NUM_CORES + lax.axis_index("c")
    base = pl.multiple_of(wid * ROWS_PER_W, CHUNK)
    sems = [(gsem0, psem0, osem0), (gsem1, psem1, osem1)]

    @pl.when(sid == 0)
    def _():
        pltpu.make_async_copy(table_hbm, table_sh, tsem).start()

    pltpu.sync_copy(idx_hbm.at[pl.ds(base, ROWS_PER_W)], idx_v)

    @pl.when(sid == 0)
    def _():
        pltpu.make_async_copy(table_hbm, table_sh, tsem).wait()

    plsc.subcore_barrier()

    def in_copies(c, b):
        start = pl.multiple_of(base + c * CHUNK, CHUNK)
        idx_sl = idx_v.at[pl.ds(pl.multiple_of(c * CHUNK, CHUNK), CHUNK)]
        g = pltpu.make_async_copy(table_sh.at[idx_sl], rows_v.at[b],
                                  sems[b][0])
        p = pltpu.make_async_copy(pos_hbm.at[pl.ds(start, CHUNK), :],
                                  pos_v.at[b], sems[b][1])
        return g, p

    def out_copy(c, b):
        start = pl.multiple_of(base + c * CHUNK, CHUNK)
        return pltpu.make_async_copy(out_v.at[b],
                                     out_hbm.at[pl.ds(start, CHUNK), :],
                                     sems[b][2])

    def compute(b):
        @plsc.parallel_loop(0, CHUNK, 1, unroll=4)
        def row_body(i):
            for j in range(D // LANES):
                sl = pl.ds(j * LANES, LANES)
                out_v[b, i, sl] = rows_v[b, i, sl] * SCALE + pos_v[b, i, sl]

    for b in range(NBUF):
        g, p = in_copies(b, b)
        g.start()
        p.start()

    for b in range(NBUF):
        g, p = in_copies(b, b)
        g.wait()
        p.wait()
        compute(b)
        out_copy(b, b).start()
        g2, p2 = in_copies(b + NBUF, b)
        g2.start()
        p2.start()

    def steady(i, carry):
        for b in range(NBUF):
            c = i * NBUF + b
            g, p = in_copies(c, b)
            g.wait()
            p.wait()
            out_copy(c - NBUF, b).wait()
            compute(b)
            out_copy(c, b).start()
            g2, p2 = in_copies(c + NBUF, b)
            g2.start()
            p2.start()
        return carry

    lax.fori_loop(1, CHUNKS_PER_W // NBUF - 1, steady, 0)

    for b in range(NBUF):
        c = CHUNKS_PER_W - NBUF + b
        g, p = in_copies(c, b)
        g.wait()
        p.wait()
        out_copy(c - NBUF, b).wait()
        compute(b)
        out_copy(c, b).start()

    for b in range(NBUF):
        out_copy(CHUNKS_PER_W - NBUF + b, b).wait()


@jax.jit
def _sc_embed(x_flat, position_flat, table):
    mesh = plsc.VectorSubcoreMesh(core_axis_name="c", subcore_axis_name="s")
    kern = functools.partial(
        pl.kernel,
        mesh=mesh,
        out_type=jax.ShapeDtypeStruct((N, D), jnp.float32),
        scratch_types=[
            pltpu.VMEM_SHARED((VOCAB, D), jnp.float32),
            pltpu.VMEM((ROWS_PER_W,), jnp.int32),
            pltpu.VMEM((NBUF, CHUNK, D), jnp.float32),
            pltpu.VMEM((NBUF, CHUNK, D), jnp.float32),
            pltpu.VMEM((NBUF, CHUNK, D), jnp.float32),
            pltpu.SemaphoreType.DMA,
            pltpu.SemaphoreType.DMA,
            pltpu.SemaphoreType.DMA,
            pltpu.SemaphoreType.DMA,
            pltpu.SemaphoreType.DMA,
            pltpu.SemaphoreType.DMA,
            pltpu.SemaphoreType.DMA,
        ],
    )(_sc_body)
    return kern(table, x_flat, position_flat)


def kernel(x, position, table):
    x_flat = x.reshape(N)
    pos_flat = position.reshape(N, D)
    out = _sc_embed(x_flat, pos_flat, table)
    return out.reshape(position.shape)

# --- scband reference (transcript-rebuilt; emitter-appended) ---
"""Pipeline reference for scband-sentence-embedding-18451179504494 (READ-ONLY COPY).

The authoritative reference and input builder live on the scoring server;
editing this copy changes nothing except your own understanding.
"""

import jax, jax.numpy as jnp
import numpy as np
import math

VOCAB = 1000
D_MODEL = 128
BATCH = 1024
SEQ = 200

def setup_inputs(seed: int = 0) -> dict:
    key = jax.random.key(seed)
    k1, k2, k3 = jax.random.split(key, 3)
    x = jax.random.randint(k1, (BATCH, SEQ), 0, VOCAB, dtype=jnp.int64 if jax.config.jax_enable_x64 else jnp.int32).astype(jnp.int32)
    position = jax.random.normal(k2, (BATCH, SEQ, D_MODEL), dtype=jnp.float32)
    table = jax.random.normal(k3, (VOCAB, D_MODEL), dtype=jnp.float32) * 0.02
    return {"x": x, "position": position, "table": table}

def reference(x, position, table):
    # SentenceEmbedding.forward: embedding lookup, scale by sqrt(d_model), add position.
    # Dropout(p=0.1) treated as identity (eval mode) for deterministic reference.
    d_model = table.shape[1]
    emb = jnp.take(table, x, axis=0) * math.sqrt(d_model)
    out = emb + position
    return out

if __name__ == "__main__":
    import jax
    _d = setup_inputs()
    print(jax.jit(kernel)(*tuple(_d.values())))

</pallas_src>

<mosaic_0001>
#map = affine_map<(d0, d1) -> (0, 0)>
#map1 = affine_map<(d0, d1) -> (0)>
module attributes {stable_mosaic.version = 14 : i64} {
  func.func @_sc_body(%arg0: i32, %arg1: i32, %arg2: memref<1000x128xf32, #tpu.memory_space<hbm>>, %arg3: memref<204800xi32, #tpu.memory_space<hbm>>, %arg4: memref<204800x128xf32, #tpu.memory_space<hbm>>, %arg5: memref<204800x128xf32, #tpu.memory_space<hbm>>, %arg6: memref<1000x128xf32, #tpu.memory_space<vmem_shared>>, %arg7: memref<6400xi32, #tpu.memory_space<vmem>>, %arg8: memref<2x128x128xf32, #tpu.memory_space<vmem>>, %arg9: memref<2x128x128xf32, #tpu.memory_space<vmem>>, %arg10: memref<2x128x128xf32, #tpu.memory_space<vmem>>, %arg11: memref<!tpu.dma_semaphore, #tpu.memory_space<semaphore_mem>>, %arg12: memref<!tpu.dma_semaphore, #tpu.memory_space<semaphore_mem>>, %arg13: memref<!tpu.dma_semaphore, #tpu.memory_space<semaphore_mem>>, %arg14: memref<!tpu.dma_semaphore, #tpu.memory_space<semaphore_mem>>, %arg15: memref<!tpu.dma_semaphore, #tpu.memory_space<semaphore_mem>>, %arg16: memref<!tpu.dma_semaphore, #tpu.memory_space<semaphore_mem>>, %arg17: memref<!tpu.dma_semaphore, #tpu.memory_space<semaphore_mem>>) attributes {dimension_semantics = [#tpu.dimension_semantics<core_parallel>, #tpu.dimension_semantics<subcore_parallel>], iteration_bounds = array<i64: 2, 16>, scalar_prefetch = 0 : i64, scratch_operands = 12 : i64, tpu.core_type = #tpu.core_type<sc_vector_subcore>, window_params = [{transform_indices = #map}, {transform_indices = #map1}, {transform_indices = #map}, {transform_indices = #map}]} {
    %mul3A = arith.constant 2 : i32
    %mul3A_0 = arith.muli %arg1, %mul3A : i32
    %add3A = arith.addi %mul3A_0, %arg0 : i32
    %mul3A_1 = arith.constant 6400 : i32
    %mul3A_2 = arith.muli %add3A, %mul3A_1 : i32
    %multiple_of3A = tpu.assume_multiple %mul3A_2, 128 : i32
    %eq3A = arith.constant 0 : i32
    %eq3A_3 = arith.cmpi eq, %arg1, %eq3A : i32
    %convert_element_type3A = arith.extui %eq3A_3 : i1 to i32
    %cond3A = arith.constant 0 : i32
    %cond3A_4 = arith.cmpi ne, %convert_element_type3A, %cond3A : i32
    scf.if %cond3A_4 {
      tpu.enqueue_dma source(%arg2 : memref<1000x128xf32, #tpu.memory_space<hbm>>) target(%arg6 : memref<1000x128xf32, #tpu.memory_space<vmem_shared>>) target_semaphore(%arg11 : memref<!tpu.dma_semaphore, #tpu.memory_space<semaphore_mem>>)
    } else {
    }
    "tpu.region"() ({
      %run_scoped3A = tpu.sem_alloc : memref<!tpu.dma_semaphore, #tpu.memory_space<semaphore_mem>>
      %dma_start3A_368 = tpu.memref_slice %arg3[%multiple_of3A] : memref<204800xi32, #tpu.memory_space<hbm>> -> memref<6400xi32, #tpu.memory_space<hbm>>
      %dma_start3A_369 = tpu.memref_slice %arg3[%multiple_of3A] : memref<204800xi32, #tpu.memory_space<hbm>> -> memref<6400xi32, #tpu.memory_space<hbm>>
      tpu.enqueue_dma source(%dma_start3A_369 : memref<6400xi32, #tpu.memory_space<hbm>>) target(%arg7 : memref<6400xi32, #tpu.memory_space<vmem>>) target_semaphore(%run_scoped3A : memref<!tpu.dma_semaphore, #tpu.memory_space<semaphore_mem>>)
      %dma_wait3A_370 = tpu.memref_slice %arg3[%multiple_of3A] : memref<204800xi32, #tpu.memory_space<hbm>> -> memref<6400xi32, #tpu.memory_space<hbm>>
      %dma_wait3A_371 = tpu.memref_slice %arg3[%multiple_of3A] : memref<204800xi32, #tpu.memory_space<hbm>> -> memref<6400xi32, #tpu.memory_space<hbm>>
      tpu.wait_dma2 semaphore(%run_scoped3A : memref<!tpu.dma_semaphore, #tpu.memory_space<semaphore_mem>>) src(%dma_wait3A_371 : memref<6400xi32, #tpu.memory_space<hbm>>) dst(%arg7 : memref<6400xi32, #tpu.memory_space<vmem>>)
      tpu.yield
    }) : () -> ()
    %eq3A_5 = arith.constant 0 : i32
    %eq3A_6 = arith.cmpi eq, %arg1, %eq3A_5 : i32
    %convert_element_type3A_7 = arith.extui %eq3A_6 : i1 to i32
    %cond3A_8 = arith.constant 0 : i32
    %cond3A_9 = arith.cmpi ne, %convert_element_type3A_7, %cond3A_8 : i32
    scf.if %cond3A_9 {
      tpu.wait_dma2 semaphore(%arg11 : memref<!tpu.dma_semaphore, #tpu.memory_space<semaphore_mem>>) src(%arg2 : memref<1000x128xf32, #tpu.memory_space<hbm>>) dst(%arg6 : memref<1000x128xf32, #tpu.memory_space<vmem_shared>>)
    } else {
    }
    %barrier3A = arith.constant 0 : index
    tpu.barrier barrier_id(%barrier3A)
    %add3A_10 = arith.constant 0 : i32
    %add3A_11 = arith.addi %multiple_of3A, %add3A_10 : i32
    %multiple_of3A_12 = tpu.assume_multiple %add3A_11, 128 : i32
    %multiple_of3A_13 = arith.constant 0 : i32
    %multiple_of3A_14 = tpu.assume_multiple %multiple_of3A_13, 128 : i32
    %dma_start3A = arith.constant 0 : i32
    %dma_start3A_15 = arith.constant 0 : i32
    %dma_start3A_16 = arith.constant 0 : i32
    %dma_start3A_17 = tpu.memref_slice %arg8[%dma_start3A, %dma_start3A_15, %dma_start3A_16] : memref<2x128x128xf32, #tpu.memory_space<vmem>> -> memref<1x128x128xf32, #tpu.memory_space<vmem>>
    %dma_start3A_18 = tpu.memref_squeeze %dma_start3A_17 : memref<1x128x128xf32, #tpu.memory_space<vmem>> -> memref<128x128xf32, #tpu.memory_space<vmem>>
    %dma_start3A_19 = tpu.memref_slice %arg7[%multiple_of3A_14] : memref<6400xi32, #tpu.memory_space<vmem>> -> memref<128xi32, #tpu.memory_space<vmem>>
    %dma_start3A_20 = arith.constant 0 : i32
    %dma_start3A_21 = arith.constant 0 : i32
    %dma_start3A_22 = tpu.memref_slice %arg6[%dma_start3A_20, %dma_start3A_21] : memref<1000x128xf32, #tpu.memory_space<vmem_shared>> -> memref<1000x128xf32, #tpu.memory_space<vmem_shared>>
    tpu.enqueue_indirect_dma source(%dma_start3A_22 : memref<1000x128xf32, #tpu.memory_space<vmem_shared>>) target(%dma_start3A_18 : memref<128x128xf32, #tpu.memory_space<vmem>>) offsets(%dma_start3A_19 : memref<128xi32, #tpu.memory_space<vmem>>) semaphore(%arg12 : memref<!tpu.dma_semaphore, #tpu.memory_space<semaphore_mem>>)
    %dma_start3A_23 = arith.constant 0 : i32
    %dma_start3A_24 = arith.constant 0 : i32
    %dma_start3A_25 = arith.constant 0 : i32
    %dma_start3A_26 = tpu.memref_slice %arg9[%dma_start3A_23, %dma_start3A_24, %dma_start3A_25] : memref<2x128x128xf32, #tpu.memory_space<vmem>> -> memref<1x128x128xf32, #tpu.memory_space<vmem>>
    %dma_start3A_27 = tpu.memref_squeeze %dma_start3A_26 : memref<1x128x128xf32, #tpu.memory_space<vmem>> -> memref<128x128xf32, #tpu.memory_space<vmem>>
    %dma_start3A_28 = arith.constant 0 : i32
    %dma_start3A_29 = tpu.memref_slice %arg4[%multiple_of3A_12, %dma_start3A_28] : memref<204800x128xf32, #tpu.memory_space<hbm>> -> memref<128x128xf32, #tpu.memory_space<hbm>>
    %dma_start3A_30 = arith.constant 0 : i32
    %dma_start3A_31 = arith.constant 0 : i32
    %dma_start3A_32 = tpu.memref_slice %arg9[%dma_start3A_23, %dma_start3A_30, %dma_start3A_31] : memref<2x128x128xf32, #tpu.memory_space<vmem>> -> memref<1x128x128xf32, #tpu.memory_space<vmem>>
    %dma_start3A_33 = tpu.memref_squeeze %dma_start3A_32 : memref<1x128x128xf32, #tpu.memory_space<vmem>> -> memref<128x128xf32, #tpu.memory_space<vmem>>
    %dma_start3A_34 = arith.constant 0 : i32
    %dma_start3A_35 = tpu.memref_slice %arg4[%multiple_of3A_12, %dma_start3A_34] : memref<204800x128xf32, #tpu.memory_space<hbm>> -> memref<128x128xf32, #tpu.memory_space<hbm>>
    tpu.enqueue_dma source(%dma_start3A_35 : memref<128x128xf32, #tpu.memory_space<hbm>>) target(%dma_start3A_33 : memref<128x128xf32, #tpu.memory_space<vmem>>) target_semaphore(%arg14 : memref<!tpu.dma_semaphore, #tpu.memory_space<semaphore_mem>>)
    %add3A_36 = arith.constant 128 : i32
    %add3A_37 = arith.addi %multiple_of3A, %add3A_36 : i32
    %multiple_of3A_38 = tpu.assume_multiple %add3A_37, 128 : i32
    %multiple_of3A_39 = arith.constant 128 : i32
    %multiple_of3A_40 = tpu.assume_multiple %multiple_of3A_39, 128 : i32
    %dma_start3A_41 = arith.constant 1 : i32
    %dma_start3A_42 = arith.constant 0 : i32
    %dma_start3A_43 = arith.constant 0 : i32
    %dma_start3A_44 = tpu.memref_slice %arg8[%dma_start3A_41, %dma_start3A_42, %dma_start3A_43] : memref<2x128x128xf32, #tpu.memory_space<vmem>> -> memref<1x128x128xf32, #tpu.memory_space<vmem>>
    %dma_start3A_45 = tpu.memref_squeeze %dma_start3A_44 : memref<1x128x128xf32, #tpu.memory_space<vmem>> -> memref<128x128xf32, #tpu.memory_space<vmem>>
    %dma_start3A_46 = tpu.memref_slice %arg7[%multiple_of3A_40] : memref<6400xi32, #tpu.memory_space<vmem>> -> memref<128xi32, #tpu.memory_space<vmem>>
    %dma_start3A_47 = arith.constant 0 : i32
    %dma_start3A_48 = arith.constant 0 : i32
    %dma_start3A_49 = tpu.memref_slice %arg6[%dma_start3A_47, %dma_start3A_48] : memref<1000x128xf32, #tpu.memory_space<vmem_shared>> -> memref<1000x128xf32, #tpu.memory_space<vmem_shared>>
    tpu.enqueue_indirect_dma source(%dma_start3A_49 : memref<1000x128xf32, #tpu.memory_space<vmem_shared>>) target(%dma_start3A_45 : memref<128x128xf32, #tpu.memory_space<vmem>>) offsets(%dma_start3A_46 : memref<128xi32, #tpu.memory_space<vmem>>) semaphore(%arg13 : memref<!tpu.dma_semaphore, #tpu.memory_space<semaphore_mem>>)
    %dma_start3A_50 = arith.constant 1 : i32
    %dma_start3A_51 = arith.constant 0 : i32
    %dma_start3A_52 = arith.constant 0 : i32
    %dma_start3A_53 = tpu.memref_slice %arg9[%dma_start3A_50, %dma_start3A_51, %dma_start3A_52] : memref<2x128x128xf32, #tpu.memory_space<vmem>> -> memref<1x128x128xf32, #tpu.memory_space<vmem>>
    %dma_start3A_54 = tpu.memref_squeeze %dma_start3A_53 : memref<1x128x128xf32, #tpu.memory_space<vmem>> -> memref<128x128xf32, #tpu.memory_space<vmem>>
    %dma_start3A_55 = arith.constant 0 : i32
    %dma_start3A_56 = tpu.memref_slice %arg4[%multiple_of3A_38, %dma_start3A_55] : memref<204800x128xf32, #tpu.memory_space<hbm>> -> memref<128x128xf32, #tpu.memory_space<hbm>>
    %dma_start3A_57 = arith.constant 0 : i32
    %dma_start3A_58 = arith.constant 0 : i32
    %dma_start3A_59 = tpu.memref_slice %arg9[%dma_start3A_50, %dma_start3A_57, %dma_start3A_58] : memref<2x128x128xf32, #tpu.memory_space<vmem>> -> memref<1x128x128xf32, #tpu.memory_space<vmem>>
    %dma_start3A_60 = tpu.memref_squeeze %dma_start3A_59 : memref<1x128x128xf32, #tpu.memory_space<vmem>> -> memref<128x128xf32, #tpu.memory_space<vmem>>
    %dma_start3A_61 = arith.constant 0 : i32
    %dma_start3A_62 = tpu.memref_slice %arg4[%multiple_of3A_38, %dma_start3A_61] : memref<204800x128xf32, #tpu.memory_space<hbm>> -> memref<128x128xf32, #tpu.memory_space<hbm>>
    tpu.enqueue_dma source(%dma_start3A_62 : memref<128x128xf32, #tpu.memory_space<hbm>>) target(%dma_start3A_60 : memref<128x128xf32, #tpu.memory_space<vmem>>) target_semaphore(%arg15 : memref<!tpu.dma_semaphore, #tpu.memory_space<semaphore_mem>>)
    %add3A_63 = arith.constant 0 : i32
    %add3A_64 = arith.addi %multiple_of3A, %add3A_63 : i32
    %multiple_of3A_65 = tpu.assume_multiple %add3A_64, 128 : i32
    %multiple_of3A_66 = arith.constant 0 : i32
    %multiple_of3A_67 = tpu.assume_multiple %multiple_of3A_66, 128 : i32
    %dma_wait3A = arith.constant 0 : i32
    %dma_wait3A_68 = arith.constant 0 : i32
    %dma_wait3A_69 = arith.constant 0 : i32
    %dma_wait3A_70 = tpu.memref_slice %arg8[%dma_wait3A, %dma_wait3A_68, %dma_wait3A_69] : memref<2x128x128xf32, #tpu.memory_space<vmem>> -> memref<1x128x128xf32, #tpu.memory_space<vmem>>
    %dma_wait3A_71 = tpu.memref_squeeze %dma_wait3A_70 : memref<1x128x128xf32, #tpu.memory_space<vmem>> -> memref<128x128xf32, #tpu.memory_space<vmem>>
    %dma_wait3A_72 = tpu.memref_slice %arg7[%multiple_of3A_67] : memref<6400xi32, #tpu.memory_space<vmem>> -> memref<128xi32, #tpu.memory_space<vmem>>
    %dma_wait3A_73 = arith.constant 0 : i32
    %dma_wait3A_74 = arith.constant 0 : i32
    %dma_wait3A_75 = tpu.memref_slice %arg6[%dma_wait3A_73, %dma_wait3A_74] : memref<1000x128xf32, #tpu.memory_space<vmem_shared>> -> memref<1000x128xf32, #tpu.memory_space<vmem_shared>>
    tpu.wait_indirect_dma semaphore(%arg12 : memref<!tpu.dma_semaphore, #tpu.memory_space<semaphore_mem>>) src(%dma_wait3A_75 : memref<1000x128xf32, #tpu.memory_space<vmem_shared>>) dst(%dma_wait3A_71 : memref<128x128xf32, #tpu.memory_space<vmem>>)
    %dma_wait3A_76 = arith.constant 0 : i32
    %dma_wait3A_77 = arith.constant 0 : i32
    %dma_wait3A_78 = arith.constant 0 : i32
    %dma_wait3A_79 = tpu.memref_slice %arg9[%dma_wait3A_76, %dma_wait3A_77, %dma_wait3A_78] : memref<2x128x128xf32, #tpu.memory_space<vmem>> -> memref<1x128x128xf32, #tpu.memory_space<vmem>>
    %dma_wait3A_80 = tpu.memref_squeeze %dma_wait3A_79 : memref<1x128x128xf32, #tpu.memory_space<vmem>> -> memref<128x128xf32, #tpu.memory_space<vmem>>
    %dma_wait3A_81 = arith.constant 0 : i32
    %dma_wait3A_82 = tpu.memref_slice %arg4[%multiple_of3A_65, %dma_wait3A_81] : memref<204800x128xf32, #tpu.memory_space<hbm>> -> memref<128x128xf32, #tpu.memory_space<hbm>>
    %dma_wait3A_83 = arith.constant 0 : i32
    %dma_wait3A_84 = arith.constant 0 : i32
    %dma_wait3A_85 = tpu.memref_slice %arg9[%dma_wait3A_76, %dma_wait3A_83, %dma_wait3A_84] : memref<2x128x128xf32, #tpu.memory_space<vmem>> -> memref<1x128x128xf32, #tpu.memory_space<vmem>>
    %dma_wait3A_86 = tpu.memref_squeeze %dma_wait3A_85 : memref<1x128x128xf32, #tpu.memory_space<vmem>> -> memref<128x128xf32, #tpu.memory_space<vmem>>
    %dma_wait3A_87 = arith.constant 0 : i32
    %dma_wait3A_88 = tpu.memref_slice %arg4[%multiple_of3A_65, %dma_wait3A_87] : memref<204800x128xf32, #tpu.memory_space<hbm>> -> memref<128x128xf32, #tpu.memory_space<hbm>>
    tpu.wait_dma2 semaphore(%arg14 : memref<!tpu.dma_semaphore, #tpu.memory_space<semaphore_mem>>) src(%dma_wait3A_88 : memref<128x128xf32, #tpu.memory_space<hbm>>) dst(%dma_wait3A_86 : memref<128x128xf32, #tpu.memory_space<vmem>>)
    %parallel_loop3A = arith.constant 0 : i32
    %parallel_loop3A_89 = arith.constant 128 : i32
    %parallel_loop3A_90 = arith.constant 1 : i32
    scf.for %parallel_loop3A_368 = %parallel_loop3A to %parallel_loop3A_89 step %parallel_loop3A_90  : i32 {
      %parallel_loop3A_369 = arith.constant 0 : i32
      %parallel_loop3A_370 = arith.index_cast %parallel_loop3A_369 : i32 to index
      %parallel_loop3A_371 = arith.index_cast %parallel_loop3A_368 : i32 to index
      %parallel_loop3A_372 = arith.constant 0 : index
      %parallel_loop3A_373 = tpu.vector_load %arg8[%parallel_loop3A_370, %parallel_loop3A_371, %parallel_loop3A_372] {strides = array<i32>} : memref<2x128x128xf32, #tpu.memory_space<vmem>>, vector<1x1x16xf32>,
      %parallel_loop3A_374 = vector.shape_cast %parallel_loop3A_373 : vector<1x1x16xf32> to vector<16xf32>
      %parallel_loop3A_375 = arith.constant 11.3137083 : f32
      %parallel_loop3A_376 = vector.broadcast %parallel_loop3A_375 : f32 to vector<16xf32>
      %parallel_loop3A_377 = arith.mulf %parallel_loop3A_374, %parallel_loop3A_376 : vector<16xf32>
      %parallel_loop3A_378 = arith.constant 0 : i32
      %parallel_loop3A_379 = arith.index_cast %parallel_loop3A_378 : i32 to index
      %parallel_loop3A_380 = arith.index_cast %parallel_loop3A_368 : i32 to index
      %parallel_loop3A_381 = arith.constant 0 : index
      %parallel_loop3A_382 = tpu.vector_load %arg9[%parallel_loop3A_379, %parallel_loop3A_380, %parallel_loop3A_381] {strides = array<i32>} : memref<2x128x128xf32, #tpu.memory_space<vmem>>, vector<1x1x16xf32>,
      %parallel_loop3A_383 = vector.shape_cast %parallel_loop3A_382 : vector<1x1x16xf32> to vector<16xf32>
      %parallel_loop3A_384 = arith.addf %parallel_loop3A_377, %parallel_loop3A_383 : vector<16xf32>
      %parallel_loop3A_385 = arith.constant 0 : i32
      %parallel_loop3A_386 = arith.index_cast %parallel_loop3A_385 : i32 to index
      %parallel_loop3A_387 = arith.index_cast %parallel_loop3A_368 : i32 to index
      %parallel_loop3A_388 = arith.constant 0 : index
      %parallel_loop3A_389 = tpu.vector_load %arg10[%parallel_loop3A_386, %parallel_loop3A_387, %parallel_loop3A_388] {strides = array<i32>} : memref<2x128x128xf32, #tpu.memory_space<vmem>>, vector<1x1x16xf32>,
      %parallel_loop3A_390 = vector.shape_cast %parallel_loop3A_389 : vector<1x1x16xf32> to vector<16xf32>
      %parallel_loop3A_391 = vector.shape_cast %parallel_loop3A_384 : vector<16xf32> to vector<1x1x16xf32>
      tpu.vector_store %arg10[%parallel_loop3A_386, %parallel_loop3A_387, %parallel_loop3A_388], %parallel_loop3A_391 {strides = array<i32>} : memref<2x128x128xf32, #tpu.memory_space<vmem>>, vector<1x1x16xf32>,
      %parallel_loop3A_392 = arith.constant 0 : i32
      %parallel_loop3A_393 = arith.index_cast %parallel_loop3A_392 : i32 to index
      %parallel_loop3A_394 = arith.index_cast %parallel_loop3A_368 : i32 to index
      %parallel_loop3A_395 = arith.constant 16 : index
      %parallel_loop3A_396 = tpu.vector_load %arg8[%parallel_loop3A_393, %parallel_loop3A_394, %parallel_loop3A_395] {strides = array<i32>} : memref<2x128x128xf32, #tpu.memory_space<vmem>>, vector<1x1x16xf32>,
      %parallel_loop3A_397 = vector.shape_cast %parallel_loop3A_396 : vector<1x1x16xf32> to vector<16xf32>
      %parallel_loop3A_398 = arith.constant 11.3137083 : f32
      %parallel_loop3A_399 = vector.broadcast %parallel_loop3A_398 : f32 to vector<16xf32>
      %parallel_loop3A_400 = arith.mulf %parallel_loop3A_397, %parallel_loop3A_399 : vector<16xf32>
      %parallel_loop3A_401 = arith.constant 0 : i32
      %parallel_loop3A_402 = arith.index_cast %parallel_loop3A_401 : i32 to index
      %parallel_loop3A_403 = arith.index_cast %parallel_loop3A_368 : i32 to index
      %parallel_loop3A_404 = arith.constant 16 : index
      %parallel_loop3A_405 = tpu.vector_load %arg9[%parallel_loop3A_402, %parallel_loop3A_403, %parallel_loop3A_404] {strides = array<i32>} : memref<2x128x128xf32, #tpu.memory_space<vmem>>, vector<1x1x16xf32>,
      %parallel_loop3A_406 = vector.shape_cast %parallel_loop3A_405 : vector<1x1x16xf32> to vector<16xf32>
      %parallel_loop3A_407 = arith.addf %parallel_loop3A_400, %parallel_loop3A_406 : vector<16xf32>
      %parallel_loop3A_408 = arith.constant 0 : i32
      %parallel_loop3A_409 = arith.index_cast %parallel_loop3A_408 : i32 to index
      %parallel_loop3A_410 = arith.index_cast %parallel_loop3A_368 : i32 to index
      %parallel_loop3A_411 = arith.constant 16 : index
      %parallel_loop3A_412 = tpu.vector_load %arg10[%parallel_loop3A_409, %parallel_loop3A_410, %parallel_loop3A_411] {strides = array<i32>} : memref<2x128x128xf32, #tpu.memory_space<vmem>>, vector<1x1x16xf32>,
      %parallel_loop3A_413 = vector.shape_cast %parallel_loop3A_412 : vector<1x1x16xf32> to vector<16xf32>
      %parallel_loop3A_414 = vector.shape_cast %parallel_loop3A_407 : vector<16xf32> to vector<1x1x16xf32>
      tpu.vector_store %arg10[%parallel_loop3A_409, %parallel_loop3A_410, %parallel_loop3A_411], %parallel_loop3A_414 {strides = array<i32>} : memref<2x128x128xf32, #tpu.memory_space<vmem>>, vector<1x1x16xf32>,
      %parallel_loop3A_415 = arith.constant 0 : i32
      %parallel_loop3A_416 = arith.index_cast %parallel_loop3A_415 : i32 to index
      %parallel_loop3A_417 = arith.index_cast %parallel_loop3A_368 : i32 to index
      %parallel_loop3A_418 = arith.constant 32 : index
      %parallel_loop3A_419 = tpu.vector_load %arg8[%parallel_loop3A_416, %parallel_loop3A_417, %parallel_loop3A_418] {strides = array<i32>} : memref<2x128x128xf32, #tpu.memory_space<vmem>>, vector<1x1x16xf32>,
      %parallel_loop3A_420 = vector.shape_cast %parallel_loop3A_419 : vector<1x1x16xf32> to vector<16xf32>
      %parallel_loop3A_421 = arith.constant 11.3137083 : f32
      %parallel_loop3A_422 = vector.broadcast %parallel_loop3A_421 : f32 to vector<16xf32>
      %parallel_loop3A_423 = arith.mulf %parallel_loop3A_420, %parallel_loop3A_422 : vector<16xf32>
      %parallel_loop3A_424 = arith.constant 0 : i32
      %parallel_loop3A_425 = arith.index_cast %parallel_loop3A_424 : i32 to index
      %parallel_loop3A_426 = arith.index_cast %parallel_loop3A_368 : i32 to index
      %parallel_loop3A_427 = arith.constant 32 : index
      %parallel_loop3A_428 = tpu.vector_load %arg9[%parallel_loop3A_425, %parallel_loop3A_426, %parallel_loop3A_427] {strides = array<i32>} : memref<2x128x128xf32, #tpu.memory_space<vmem>>, vector<1x1x16xf32>,
      %parallel_loop3A_429 = vector.shape_cast %parallel_loop3A_428 : vector<1x1x16xf32> to vector<16xf32>
      %parallel_loop3A_430 = arith.addf %parallel_loop3A_423, %parallel_loop3A_429 : vector<16xf32>
      %parallel_loop3A_431 = arith.constant 0 : i32
      %parallel_loop3A_432 = arith.index_cast %parallel_loop3A_431 : i32 to index
      %parallel_loop3A_433 = arith.index_cast %parallel_loop3A_368 : i32 to index
      %parallel_loop3A_434 = arith.constant 32 : index
      %parallel_loop3A_435 = tpu.vector_load %arg10[%parallel_loop3A_432, %parallel_loop3A_433, %parallel_loop3A_434] {strides = array<i32>} : memref<2x128x128xf32, #tpu.memory_space<vmem>>, vector<1x1x16xf32>,
      %parallel_loop3A_436 = vector.shape_cast %parallel_loop3A_435 : vector<1x1x16xf32> to vector<16xf32>
      %parallel_loop3A_437 = vector.shape_cast %parallel_loop3A_430 : vector<16xf32> to vector<1x1x16xf32>
      tpu.vector_store %arg10[%parallel_loop3A_432, %parallel_loop3A_433, %parallel_loop3A_434], %parallel_loop3A_437 {strides = array<i32>} : memref<2x128x128xf32, #tpu.memory_space<vmem>>, vector<1x1x16xf32>,
      %parallel_loop3A_438 = arith.constant 0 : i32
      %parallel_loop3A_439 = arith.index_cast %parallel_loop3A_438 : i32 to index
      %parallel_loop3A_440 = arith.index_cast %parallel_loop3A_368 : i32 to index
      %parallel_loop3A_441 = arith.constant 48 : index
      %parallel_loop3A_442 = tpu.vector_load %arg8[%parallel_loop3A_439, %parallel_loop3A_440, %parallel_loop3A_441] {strides = array<i32>} : memref<2x128x128xf32, #tpu.memory_space<vmem>>, vector<1x1x16xf32>,
      %parallel_loop3A_443 = vector.shape_cast %parallel_loop3A_442 : vector<1x1x16xf32> to vector<16xf32>
      %parallel_loop3A_444 = arith.constant 11.3137083 : f32
      %parallel_loop3A_445 = vector.broadcast %parallel_loop3A_444 : f32 to vector<16xf32>
      %parallel_loop3A_446 = arith.mulf %parallel_loop3A_443, %parallel_loop3A_445 : vector<16xf32>
      %parallel_loop3A_447 = arith.constant 0 : i32
      %parallel_loop3A_448 = arith.index_cast %parallel_loop3A_447 : i32 to index
      %parallel_loop3A_449 = arith.index_cast %parallel_loop3A_368 : i32 to index
      %parallel_loop3A_450 = arith.constant 48 : index
      %parallel_loop3A_451 = tpu.vector_load %arg9[%parallel_loop3A_448, %parallel_loop3A_449, %parallel_loop3A_450] {strides = array<i32>} : memref<2x128x128xf32, #tpu.memory_space<vmem>>, vector<1x1x16xf32>,
      %parallel_loop3A_452 = vector.shape_cast %parallel_loop3A_451 : vector<1x1x16xf32> to vector<16xf32>
      %parallel_loop3A_453 = arith.addf %parallel_loop3A_446, %parallel_loop3A_452 : vector<16xf32>
      %parallel_loop3A_454 = arith.constant 0 : i32
      %parallel_loop3A_455 = arith.index_cast %parallel_loop3A_454 : i32 to index
      %parallel_loop3A_456 = arith.index_cast %parallel_loop3A_368 : i32 to index
      %parallel_loop3A_457 = arith.constant 48 : index
      %parallel_loop3A_458 = tpu.vector_load %arg10[%parallel_loop3A_455, %parallel_loop3A_456, %parallel_loop3A_457] {strides = array<i32>} : memref<2x128x128xf32, #tpu.memory_space<vmem>>, vector<1x1x16xf32>,
      %parallel_loop3A_459 = vector.shape_cast %parallel_loop3A_458 : vector<1x1x16xf32> to vector<16xf32>
      %parallel_loop3A_460 = vector.shape_cast %parallel_loop3A_453 : vector<16xf32> to vector<1x1x16xf32>
      tpu.vector_store %arg10[%parallel_loop3A_455, %parallel_loop3A_456, %parallel_loop3A_457], %parallel_loop3A_460 {strides = array<i32>} : memref<2x128x128xf32, #tpu.memory_space<vmem>>, vector<1x1x16xf32>,
      %parallel_loop3A_461 = arith.constant 0 : i32
      %parallel_loop3A_462 = arith.index_cast %parallel_loop3A_461 : i32 to index
      %parallel_loop3A_463 = arith.index_cast %parallel_loop3A_368 : i32 to index
      %parallel_loop3A_464 = arith.constant 64 : index
      %parallel_loop3A_465 = tpu.vector_load %arg8[%parallel_loop3A_462, %parallel_loop3A_463, %parallel_loop3A_464] {strides = array<i32>} : memref<2x128x128xf32, #tpu.memory_space<vmem>>, vector<1x1x16xf32>,
      %parallel_loop3A_466 = vector.shape_cast %parallel_loop3A_465 : vector<1x1x16xf32> to vector<16xf32>
      %parallel_loop3A_467 = arith.constant 11.3137083 : f32
      %parallel_loop3A_468 = vector.broadcast %parallel_loop3A_467 : f32 to vector<16xf32>
      %parallel_loop3A_469 = arith.mulf %parallel_loop3A_466, %parallel_loop3A_468 : vector<16xf32>
      %parallel_loop3A_470 = arith.constant 0 : i32
      %parallel_loop3A_471 = arith.index_cast %parallel_loop3A_470 : i32 to index
      %parallel_loop3A_472 = arith.index_cast %parallel_loop3A_368 : i32 to index
      %parallel_loop3A_473 = arith.constant 64 : index
      %parallel_loop3A_474 = tpu.vector_load %arg9[%parallel_loop3A_471, %parallel_loop3A_472, %parallel_loop3A_473] {strides = array<i32>} : memref<2x128x128xf32, #tpu.memory_space<vmem>>, vector<1x1x16xf32>,
      %parallel_loop3A_475 = vector.shape_cast %parallel_loop3A_474 : vector<1x1x16xf32> to vector<16xf32>
      %parallel_loop3A_476 = arith.addf %parallel_loop3A_469, %parallel_loop3A_475 : vector<16xf32>
      %parallel_loop3A_477 = arith.constant 0 : i32
      %parallel_loop3A_478 = arith.index_cast %parallel_loop3A_477 : i32 to index
      %parallel_loop3A_479 = arith.index_cast %parallel_loop3A_368 : i32 to index
      %parallel_loop3A_480 = arith.constant 64 : index
      %parallel_loop3A_481 = tpu.vector_load %arg10[%parallel_loop3A_478, %parallel_loop3A_479, %parallel_loop3A_480] {strides = array<i32>} : memref<2x128x128xf32, #tpu.memory_space<vmem>>, vector<1x1x16xf32>,
      %parallel_loop3A_482 = vector.shape_cast %parallel_loop3A_481 : vector<1x1x16xf32> to vector<16xf32>
      %parallel_loop3A_483 = vector.shape_cast %parallel_loop3A_476 : vector<16xf32> to vector<1x1x16xf32>
      tpu.vector_store %arg10[%parallel_loop3A_478, %parallel_loop3A_479, %parallel_loop3A_480], %parallel_loop3A_483 {strides = array<i32>} : memref<2x128x128xf32, #tpu.memory_space<vmem>>, vector<1x1x16xf32>,
      %parallel_loop3A_484 = arith.constant 0 : i32
      %parallel_loop3A_485 = arith.index_cast %parallel_loop3A_484 : i32 to index
      %parallel_loop3A_486 = arith.index_cast %parallel_loop3A_368 : i32 to index
      %parallel_loop3A_487 = arith.constant 80 : index
      %parallel_loop3A_488 = tpu.vector_load %arg8[%parallel_loop3A_485, %parallel_loop3A_486, %parallel_loop3A_487] {strides = array<i32>} : memref<2x128x128xf32, #tpu.memory_space<vmem>>, vector<1x1x16xf32>,
      %parallel_loop3A_489 = vector.shape_cast %parallel_loop3A_488 : vector<1x1x16xf32> to vector<16xf32>
      %parallel_loop3A_490 = arith.constant 11.3137083 : f32
      %parallel_loop3A_491 = vector.broadcast %parallel_loop3A_490 : f32 to vector<16xf32>
      %parallel_loop3A_492 = arith.mulf %parallel_loop3A_489, %parallel_loop3A_491 : vector<16xf32>
      %parallel_loop3A_493 = arith.constant 0 : i32
      %parallel_loop3A_494 = arith.index_cast %parallel_loop3A_493 : i32 to index
      %parallel_loop3A_495 = arith.index_cast %parallel_loop3A_368 : i32 to index
      %parallel_loop3A_496 = arith.constant 80 : index
      %parallel_loop3A_497 = tpu.vector_load %arg9[%parallel_loop3A_494, %parallel_loop3A_495, %parallel_loop3A_496] {strides = array<i32>} : memref<2x128x128xf32, #tpu.memory_space<vmem>>, vector<1x1x16xf32>,
      %parallel_loop3A_498 = vector.shape_cast %parallel_loop3A_497 : vector<1x1x16xf32> to vector<16xf32>
      %parallel_loop3A_499 = arith.addf %parallel_loop3A_492, %parallel_loop3A_498 : vector<16xf32>
      %parallel_loop3A_500 = arith.constant 0 : i32
      %parallel_loop3A_501 = arith.index_cast %parallel_loop3A_500 : i32 to index
      %parallel_loop3A_502 = arith.index_cast %parallel_loop3A_368 : i32 to index
      %parallel_loop3A_503 = arith.constant 80 : index
      %parallel_loop3A_504 = tpu.vector_load %arg10[%parallel_loop3A_501, %parallel_loop3A_502, %parallel_loop3A_503] {strides = array<i32>} : memref<2x128x128xf32, #tpu.memory_space<vmem>>, vector<1x1x16xf32>,
      %parallel_loop3A_505 = vector.shape_cast %parallel_loop3A_504 : vector<1x1x16xf32> to vector<16xf32>
      %parallel_loop3A_506 = vector.shape_cast %parallel_loop3A_499 : vector<16xf32> to vector<1x1x16xf32>
      tpu.vector_store %arg10[%parallel_loop3A_501, %parallel_loop3A_502, %parallel_loop3A_503], %parallel_loop3A_506 {strides = array<i32>} : memref<2x128x128xf32, #tpu.memory_space<vmem>>, vector<1x1x16xf32>,
      %parallel_loop3A_507 = arith.constant 0 : i32
      %parallel_loop3A_508 = arith.index_cast %parallel_loop3A_507 : i32 to index
      %parallel_loop3A_509 = arith.index_cast %parallel_loop3A_368 : i32 to index
      %parallel_loop3A_510 = arith.constant 96 : index
      %parallel_loop3A_511 = tpu.vector_load %arg8[%parallel_loop3A_508, %parallel_loop3A_509, %parallel_loop3A_510] {strides = array<i32>} : memref<2x128x128xf32, #tpu.memory_space<vmem>>, vector<1x1x16xf32>,
      %parallel_loop3A_512 = vector.shape_cast %parallel_loop3A_511 : vector<1x1x16xf32> to vector<16xf32>
      %parallel_loop3A_513 = arith.constant 11.3137083 : f32
      %parallel_loop3A_514 = vector.broadcast %parallel_loop3A_513 : f32 to vector<16xf32>
      %parallel_loop3A_515 = arith.mulf %parallel_loop3A_512, %parallel_loop3A_514 : vector<16xf32>
      %parallel_loop3A_516 = arith.constant 0 : i32
      %parallel_loop3A_517 = arith.index_cast %parallel_loop3A_516 : i32 to index
      %parallel_loop3A_518 = arith.index_cast %parallel_loop3A_368 : i32 to index
      %parallel_loop3A_519 = arith.constant 96 : index
      %parallel_loop3A_520 = tpu.vector_load %arg9[%parallel_loop3A_517, %parallel_loop3A_518, %parallel_loop3A_519] {strides = array<i32>} : memref<2x128x128xf32, #tpu.memory_space<vmem>>, vector<1x1x16xf32>,
      %parallel_loop3A_521 = vector.shape_cast %parallel_loop3A_520 : vector<1x1x16xf32> to vector<16xf32>
      %parallel_loop3A_522 = arith.addf %parallel_loop3A_515, %parallel_loop3A_521 : vector<16xf32>
      %parallel_loop3A_523 = arith.constant 0 : i32
      %parallel_loop3A_524 = arith.index_cast %parallel_loop3A_523 : i32 to index
      %parallel_loop3A_525 = arith.index_cast %parallel_loop3A_368 : i32 to index
      %parallel_loop3A_526 = arith.constant 96 : index
      %parallel_loop3A_527 = tpu.vector_load %arg10[%parallel_loop3A_524, %parallel_loop3A_525, %parallel_loop3A_526] {strides = array<i32>} : memref<2x128x128xf32, #tpu.memory_space<vmem>>, vector<1x1x16xf32>,
      %parallel_loop3A_528 = vector.shape_cast %parallel_loop3A_527 : vector<1x1x16xf32> to vector<16xf32>
      %parallel_loop3A_529 = vector.shape_cast %parallel_loop3A_522 : vector<16xf32> to vector<1x1x16xf32>
      tpu.vector_store %arg10[%parallel_loop3A_524, %parallel_loop3A_525, %parallel_loop3A_526], %parallel_loop3A_529 {strides = array<i32>} : memref<2x128x128xf32, #tpu.memory_space<vmem>>, vector<1x1x16xf32>,
      %parallel_loop3A_530 = arith.constant 0 : i32
      %parallel_loop3A_531 = arith.index_cast %parallel_loop3A_530 : i32 to index
      %parallel_loop3A_532 = arith.index_cast %parallel_loop3A_368 : i32 to index
      %parallel_loop3A_533 = arith.constant 112 : index
      %parallel_loop3A_534 = tpu.vector_load %arg8[%parallel_loop3A_531, %parallel_loop3A_532, %parallel_loop3A_533] {strides = array<i32>} : memref<2x128x128xf32, #tpu.memory_space<vmem>>, vector<1x1x16xf32>,
      %parallel_loop3A_535 = vector.shape_cast %parallel_loop3A_534 : vector<1x1x16xf32> to vector<16xf32>
      %parallel_loop3A_536 = arith.constant 11.3137083 : f32
      %parallel_loop3A_537 = vector.broadcast %parallel_loop3A_536 : f32 to vector<16xf32>
      %parallel_loop3A_538 = arith.mulf %parallel_loop3A_535, %parallel_loop3A_537 : vector<16xf32>
      %parallel_loop3A_539 = arith.constant 0 : i32
      %parallel_loop3A_540 = arith.index_cast %parallel_loop3A_539 : i32 to index
      %parallel_loop3A_541 = arith.index_cast %parallel_loop3A_368 : i32 to index
      %parallel_loop3A_542 = arith.constant 112 : index
      %parallel_loop3A_543 = tpu.vector_load %arg9[%parallel_loop3A_540, %parallel_loop3A_541, %parallel_loop3A_542] {strides = array<i32>} : memref<2x128x128xf32, #tpu.memory_space<vmem>>, vector<1x1x16xf32>,
      %parallel_loop3A_544 = vector.shape_cast %parallel_loop3A_543 : vector<1x1x16xf32> to vector<16xf32>
      %parallel_loop3A_545 = arith.addf %parallel_loop3A_538, %parallel_loop3A_544 : vector<16xf32>
      %parallel_loop3A_546 = arith.constant 0 : i32
      %parallel_loop3A_547 = arith.index_cast %parallel_loop3A_546 : i32 to index
      %parallel_loop3A_548 = arith.index_cast %parallel_loop3A_368 : i32 to index
      %parallel_loop3A_549 = arith.constant 112 : index
      %parallel_loop3A_550 = tpu.vector_load %arg10[%parallel_loop3A_547, %parallel_loop3A_548, %parallel_loop3A_549] {strides = array<i32>} : memref<2x128x128xf32, #tpu.memory_space<vmem>>, vector<1x1x16xf32>,
      %parallel_loop3A_551 = vector.shape_cast %parallel_loop3A_550 : vector<1x1x16xf32> to vector<16xf32>
      %parallel_loop3A_552 = vector.shape_cast %parallel_loop3A_545 : vector<16xf32> to vector<1x1x16xf32>
      tpu.vector_store %arg10[%parallel_loop3A_547, %parallel_loop3A_548, %parallel_loop3A_549], %parallel_loop3A_552 {strides = array<i32>} : memref<2x128x128xf32, #tpu.memory_space<vmem>>, vector<1x1x16xf32>,
    } {sc.loop_unroll_factor = 4 : i64, sc.parallel_access}
    %add3A_91 = arith.constant 0 : i32
    %add3A_92 = arith.addi %multiple_of3A, %add3A_91 : i32
    %multiple_of3A_93 = tpu.assume_multiple %add3A_92, 128 : i32
    %dma_start3A_94 = arith.constant 0 : i32
    %dma_start3A_95 = arith.constant 0 : i32
    %dma_start3A_96 = arith.constant 0 : i32
    %dma_start3A_97 = tpu.memref_slice %arg10[%dma_start3A_94, %dma_start3A_95, %dma_start3A_96] : memref<2x128x128xf32, #tpu.memory_space<vmem>> -> memref<1x128x128xf32, #tpu.memory_space<vmem>>
    %dma_start3A_98 = tpu.memref_squeeze %dma_start3A_97 : memref<1x128x128xf32, #tpu.memory_space<vmem>> -> memref<128x128xf32, #tpu.memory_space<vmem>>
    %dma_start3A_99 = arith.constant 0 : i32
    %dma_start3A_100 = tpu.memref_slice %arg5[%multiple_of3A_93, %dma_start3A_99] : memref<204800x128xf32, #tpu.memory_space<hbm>> -> memref<128x128xf32, #tpu.memory_space<hbm>>
    %dma_start3A_101 = arith.constant 0 : i32
    %dma_start3A_102 = tpu.memref_slice %arg5[%multiple_of3A_93, %dma_start3A_101] : memref<204800x128xf32, #tpu.memory_space<hbm>> -> memref<128x128xf32, #tpu.memory_space<hbm>>
    %dma_start3A_103 = arith.constant 0 : i32
    %dma_start3A_104 = arith.constant 0 : i32
    %dma_start3A_105 = tpu.memref_slice %arg10[%dma_start3A_94, %dma_start3A_103, %dma_start3A_104] : memref<2x128x128xf32, #tpu.memory_space<vmem>> -> memref<1x128x128xf32, #tpu.memory_space<vmem>>
    %dma_start3A_106 = tpu.memref_squeeze %dma_start3A_105 : memref<1x128x128xf32, #tpu.memory_space<vmem>> -> memref<128x128xf32, #tpu.memory_space<vmem>>
    tpu.enqueue_dma source(%dma_start3A_106 : memref<128x128xf32, #tpu.memory_space<vmem>>) target(%dma_start3A_102 : memref<128x128xf32, #tpu.memory_space<hbm>>) target_semaphore(%arg16 : memref<!tpu.dma_semaphore, #tpu.memory_space<semaphore_mem>>)
    %add3A_107 = arith.constant 256 : i32
    %add3A_108 = arith.addi %multiple_of3A, %add3A_107 : i32
    %multiple_of3A_109 = tpu.assume_multiple %add3A_108, 128 : i32
    %multiple_of3A_110 = arith.constant 256 : i32
    %multiple_of3A_111 = tpu.assume_multiple %multiple_of3A_110, 128 : i32
    %dma_start3A_112 = arith.constant 0 : i32
    %dma_start3A_113 = arith.constant 0 : i32
    %dma_start3A_114 = arith.constant 0 : i32
    %dma_start3A_115 = tpu.memref_slice %arg8[%dma_start3A_112, %dma_start3A_113, %dma_start3A_114] : memref<2x128x128xf32, #tpu.memory_space<vmem>> -> memref<1x128x128xf32, #tpu.memory_space<vmem>>
    %dma_start3A_116 = tpu.memref_squeeze %dma_start3A_115 : memref<1x128x128xf32, #tpu.memory_space<vmem>> -> memref<128x128xf32, #tpu.memory_space<vmem>>
    %dma_start3A_117 = tpu.memref_slice %arg7[%multiple_of3A_111] : memref<6400xi32, #tpu.memory_space<vmem>> -> memref<128xi32, #tpu.memory_space<vmem>>
    %dma_start3A_118 = arith.constant 0 : i32
    %dma_start3A_119 = arith.constant 0 : i32
    %dma_start3A_120 = tpu.memref_slice %arg6[%dma_start3A_118, %dma_start3A_119] : memref<1000x128xf32, #tpu.memory_space<vmem_shared>> -> memref<1000x128xf32, #tpu.memory_space<vmem_shared>>
    tpu.enqueue_indirect_dma source(%dma_start3A_120 : memref<1000x128xf32, #tpu.memory_space<vmem_shared>>) target(%dma_start3A_116 : memref<128x128xf32, #tpu.memory_space<vmem>>) offsets(%dma_start3A_117 : memref<128xi32, #tpu.memory_space<vmem>>) semaphore(%arg12 : memref<!tpu.dma_semaphore, #tpu.memory_space<semaphore_mem>>)
    %dma_start3A_121 = arith.constant 0 : i32
    %dma_start3A_122 = arith.constant 0 : i32
    %dma_start3A_123 = arith.constant 0 : i32
    %dma_start3A_124 = tpu.memref_slice %arg9[%dma_start3A_121, %dma_start3A_122, %dma_start3A_123] : memref<2x128x128xf32, #tpu.memory_space<vmem>> -> memref<1x128x128xf32, #tpu.memory_space<vmem>>
    %dma_start3A_125 = tpu.memref_squeeze %dma_start3A_124 : memref<1x128x128xf32, #tpu.memory_space<vmem>> -> memref<128x128xf32, #tpu.memory_space<vmem>>
    %dma_start3A_126 = arith.constant 0 : i32
    %dma_start3A_127 = tpu.memref_slice %arg4[%multiple_of3A_109, %dma_start3A_126] : memref<204800x128xf32, #tpu.memory_space<hbm>> -> memref<128x128xf32, #tpu.memory_space<hbm>>
    %dma_start3A_128 = arith.constant 0 : i32
    %dma_start3A_129 = arith.constant 0 : i32
    %dma_start3A_130 = tpu.memref_slice %arg9[%dma_start3A_121, %dma_start3A_128, %dma_start3A_129] : memref<2x128x128xf32, #tpu.memory_space<vmem>> -> memref<1x128x128xf32, #tpu.memory_space<vmem>>
    %dma_start3A_131 = tpu.memref_squeeze %dma_start3A_130 : memref<1x128x128xf32, #tpu.memory_space<vmem>> -> memref<128x128xf32, #tpu.memory_space<vmem>>
    %dma_start3A_132 = arith.constant 0 : i32
    %dma_start3A_133 = tpu.memref_slice %arg4[%multiple_of3A_109, %dma_start3A_132] : memref<204800x128xf32, #tpu.memory_space<hbm>> -> memref<128x128xf32, #tpu.memory_space<hbm>>
    tpu.enqueue_dma source(%dma_start3A_133 : memref<128x128xf32, #tpu.memory_space<hbm>>) target(%dma_start3A_131 : memref<128x128xf32, #tpu.memory_space<vmem>>) target_semaphore(%arg14 : memref<!tpu.dma_semaphore, #tpu.memory_space<semaphore_mem>>)
    %add3A_134 = arith.constant 128 : i32
    %add3A_135 = arith.addi %multiple_of3A, %add3A_134 : i32
    %multiple_of3A_136 = tpu.assume_multiple %add3A_135, 128 : i32
    %multiple_of3A_137 = arith.constant 128 : i32
    %multiple_of3A_138 = tpu.assume_multiple %multiple_of3A_137, 128 : i32
    %dma_wait3A_139 = arith.constant 1 : i32
    %dma_wait3A_140 = arith.constant 0 : i32
    %dma_wait3A_141 = arith.constant 0 : i32
    %dma_wait3A_142 = tpu.memref_slice %arg8[%dma_wait3A_139, %dma_wait3A_140, %dma_wait3A_141] : memref<2x128x128xf32, #tpu.memory_space<vmem>> -> memref<1x128x128xf32, #tpu.memory_space<vmem>>
    %dma_wait3A_143 = tpu.memref_squeeze %dma_wait3A_142 : memref<1x128x128xf32, #tpu.memory_space<vmem>> -> memref<128x128xf32, #tpu.memory_space<vmem>>
    %dma_wait3A_144 = tpu.memref_slice %arg7[%multiple_of3A_138] : memref<6400xi32, #tpu.memory_space<vmem>> -> memref<128xi32, #tpu.memory_space<vmem>>
    %dma_wait3A_145 = arith.constant 0 : i32
    %dma_wait3A_146 = arith.constant 0 : i32
    %dma_wait3A_147 = tpu.memref_slice %arg6[%dma_wait3A_145, %dma_wait3A_146] : memref<1000x128xf32, #tpu.memory_space<vmem_shared>> -> memref<1000x128xf32, #tpu.memory_space<vmem_shared>>
    tpu.wait_indirect_dma semaphore(%arg13 : memref<!tpu.dma_semaphore, #tpu.memory_space<semaphore_mem>>) src(%dma_wait3A_147 : memref<1000x128xf32, #tpu.memory_space<vmem_shared>>) dst(%dma_wait3A_143 : memref<128x128xf32, #tpu.memory_space<vmem>>)
    %dma_wait3A_148 = arith.constant 1 : i32
    %dma_wait3A_149 = arith.constant 0 : i32
    %dma_wait3A_150 = arith.constant 0 : i32
    %dma_wait3A_151 = tpu.memref_slice %arg9[%dma_wait3A_148, %dma_wait3A_149, %dma_wait3A_150] : memref<2x128x128xf32, #tpu.memory_space<vmem>> -> memref<1x128x128xf32, #tpu.memory_space<vmem>>
    %dma_wait3A_152 = tpu.memref_squeeze %dma_wait3A_151 : memref<1x128x128xf32, #tpu.memory_space<vmem>> -> memref<128x128xf32, #tpu.memory_space<vmem>>
    %dma_wait3A_153 = arith.constant 0 : i32
    %dma_wait3A_154 = tpu.memref_slice %arg4[%multiple_of3A_136, %dma_wait3A_153] : memref<204800x128xf32, #tpu.memory_space<hbm>> -> memref<128x128xf32, #tpu.memory_space<hbm>>
    %dma_wait3A_155 = arith.constant 0 : i32
    %dma_wait3A_156 = arith.constant 0 : i32
    %dma_wait3A_157 = tpu.memref_slice %arg9[%dma_wait3A_148, %dma_wait3A_155, %dma_wait3A_156] : memref<2x128x128xf32, #tpu.memory_space<vmem>> -> memref<1x128x128xf32, #tpu.memory_space<vmem>>
    %dma_wait3A_158 = tpu.memref_squeeze %dma_wait3A_157 : memref<1x128x128xf32, #tpu.memory_space<vmem>> -> memref<128x128xf32, #tpu.memory_space<vmem>>
    %dma_wait3A_159 = arith.constant 0 : i32
    %dma_wait3A_160 = tpu.memref_slice %arg4[%multiple_of3A_136, %dma_wait3A_159] : memref<204800x128xf32, #tpu.memory_space<hbm>> -> memref<128x128xf32, #tpu.memory_space<hbm>>
    tpu.wait_dma2 semaphore(%arg15 : memref<!tpu.dma_semaphore, #tpu.memory_space<semaphore_mem>>) src(%dma_wait3A_160 : memref<128x128xf32, #tpu.memory_space<hbm>>) dst(%dma_wait3A_158 : memref<128x128xf32, #tpu.memory_space<vmem>>)
    %parallel_loop3A_161 = arith.constant 0 : i32
    %parallel_loop3A_162 = arith.constant 128 : i32
    %parallel_loop3A_163 = arith.constant 1 : i32
    scf.for %parallel_loop3A_368 = %parallel_loop3A_161 to %parallel_loop3A_162 step %parallel_loop3A_163  : i32 {
      %parallel_loop3A_369 = arith.constant 1 : i32
      %parallel_loop3A_370 = arith.index_cast %parallel_loop3A_369 : i32 to index
      %parallel_loop3A_371 = arith.index_cast %parallel_loop3A_368 : i32 to index
      %parallel_loop3A_372 = arith.constant 0 : index
      %parallel_loop3A_373 = tpu.vector_load %arg8[%parallel_loop3A_370, %parallel_loop3A_371, %parallel_loop3A_372] {strides = array<i32>} : memref<2x128x128xf32, #tpu.memory_space<vmem>>, vector<1x1x16xf32>,
      %parallel_loop3A_374 = vector.shape_cast %parallel_loop3A_373 : vector<1x1x16xf32> to vector<16xf32>
      %parallel_loop3A_375 = arith.constant 11.3137083 : f32
      %parallel_loop3A_376 = vector.broadcast %parallel_loop3A_375 : f32 to vector<16xf32>
      %parallel_loop3A_377 = arith.mulf %parallel_loop3A_374, %parallel_loop3A_376 : vector<16xf32>
      %parallel_loop3A_378 = arith.constant 1 : i32
      %parallel_loop3A_379 = arith.index_cast %parallel_loop3A_378 : i32 to index
      %parallel_loop3A_380 = arith.index_cast %parallel_loop3A_368 : i32 to index
      %parallel_loop3A_381 = arith.constant 0 : index
      %parallel_loop3A_382 = tpu.vector_load %arg9[%parallel_loop3A_379, %parallel_loop3A_380, %parallel_loop3A_381] {strides = array<i32>} : memref<2x128x128xf32, #tpu.memory_space<vmem>>, vector<1x1x16xf32>,
      %parallel_loop3A_383 = vector.shape_cast %parallel_loop3A_382 : vector<1x1x16xf32> to vector<16xf32>
      %parallel_loop3A_384 = arith.addf %parallel_loop3A_377, %parallel_loop3A_383 : vector<16xf32>
      %parallel_loop3A_385 = arith.constant 1 : i32
      %parallel_loop3A_386 = arith.index_cast %parallel_loop3A_385 : i32 to index
      %parallel_loop3A_387 = arith.index_cast %parallel_loop3A_368 : i32 to index
      %parallel_loop3A_388 = arith.constant 0 : index
      %parallel_loop3A_389 = tpu.vector_load %arg10[%parallel_loop3A_386, %parallel_loop3A_387, %parallel_loop3A_388] {strides = array<i32>} : memref<2x128x128xf32, #tpu.memory_space<vmem>>, vector<1x1x16xf32>,
      %parallel_loop3A_390 = vector.shape_cast %parallel_loop3A_389 : vector<1x1x16xf32> to vector<16xf32>
      %parallel_loop3A_391 = vector.shape_cast %parallel_loop3A_384 : vector<16xf32> to vector<1x1x16xf32>
      tpu.vector_store %arg10[%parallel_loop3A_386, %parallel_loop3A_387, %parallel_loop3A_388], %parallel_loop3A_391 {strides = array<i32>} : memref<2x128x128xf32, #tpu.memory_space<vmem>>, vector<1x1x16xf32>,
      %parallel_loop3A_392 = arith.constant 1 : i32
      %parallel_loop3A_393 = arith.index_cast %parallel_loop3A_392 : i32 to index
      %parallel_loop3A_394 = arith.index_cast %parallel_loop3A_368 : i32 to index
      %parallel_loop3A_395 = arith.constant 16 : index
      %parallel_loop3A_396 = tpu.vector_load %arg8[%parallel_loop3A_393, %parallel_loop3A_394, %parallel_loop3A_395] {strides = array<i32>} : memref<2x128x128xf32, #tpu.memory_space<vmem>>, vector<1x1x16xf32>,
      %parallel_loop3A_397 = vector.shape_cast %parallel_loop3A_396 : vector<1x1x16xf32> to vector<16xf32>
      %parallel_loop3A_398 = arith.constant 11.3137083 : f32
      %parallel_loop3A_399 = vector.broadcast %parallel_loop3A_398 : f32 to vector<16xf32>
      %parallel_loop3A_400 = arith.mulf %parallel_loop3A_397, %parallel_loop3A_399 : vector<16xf32>
      %parallel_loop3A_401 = arith.constant 1 : i32
      %parallel_loop3A_402 = arith.index_cast %parallel_loop3A_401 : i32 to index
      %parallel_loop3A_403 = arith.index_cast %parallel_loop3A_368 : i32 to index
      %parallel_loop3A_404 = arith.constant 16 : index
      %parallel_loop3A_405 = tpu.vector_load %arg9[%parallel_loop3A_402, %parallel_loop3A_403, %parallel_loop3A_404] {strides = array<i32>} : memref<2x128x128xf32, #tpu.memory_space<vmem>>, vector<1x1x16xf32>,
      %parallel_loop3A_406 = vector.shape_cast %parallel_loop3A_405 : vector<1x1x16xf32> to vector<16xf32>
      %parallel_loop3A_407 = arith.addf %parallel_loop3A_400, %parallel_loop3A_406 : vector<16xf32>
      %parallel_loop3A_408 = arith.constant 1 : i32
      %parallel_loop3A_409 = arith.index_cast %parallel_loop3A_408 : i32 to index
      %parallel_loop3A_410 = arith.index_cast %parallel_loop3A_368 : i32 to index
      %parallel_loop3A_411 = arith.constant 16 : index
      %parallel_loop3A_412 = tpu.vector_load %arg10[%parallel_loop3A_409, %parallel_loop3A_410, %parallel_loop3A_411] {strides = array<i32>} : memref<2x128x128xf32, #tpu.memory_space<vmem>>, vector<1x1x16xf32>,
      %parallel_loop3A_413 = vector.shape_cast %parallel_loop3A_412 : vector<1x1x16xf32> to vector<16xf32>
      %parallel_loop3A_414 = vector.shape_cast %parallel_loop3A_407 : vector<16xf32> to vector<1x1x16xf32>
      tpu.vector_store %arg10[%parallel_loop3A_409, %parallel_loop3A_410, %parallel_loop3A_411], %parallel_loop3A_414 {strides = array<i32>} : memref<2x128x128xf32, #tpu.memory_space<vmem>>, vector<1x1x16xf32>,
      %parallel_loop3A_415 = arith.constant 1 : i32
      %parallel_loop3A_416 = arith.index_cast %parallel_loop3A_415 : i32 to index
      %parallel_loop3A_417 = arith.index_cast %parallel_loop3A_368 : i32 to index
      %parallel_loop3A_418 = arith.constant 32 : index
      %parallel_loop3A_419 = tpu.vector_load %arg8[%parallel_loop3A_416, %parallel_loop3A_417, %parallel_loop3A_418] {strides = array<i32>} : memref<2x128x128xf32, #tpu.memory_space<vmem>>, vector<1x1x16xf32>,
      %parallel_loop3A_420 = vector.shape_cast %parallel_loop3A_419 : vector<1x1x16xf32> to vector<16xf32>
      %parallel_loop3A_421 = arith.constant 11.3137083 : f32
      %parallel_loop3A_422 = vector.broadcast %parallel_loop3A_421 : f32 to vector<16xf32>
      %parallel_loop3A_423 = arith.mulf %parallel_loop3A_420, %parallel_loop3A_422 : vector<16xf32>
      %parallel_loop3A_424 = arith.constant 1 : i32
      %parallel_loop3A_425 = arith.index_cast %parallel_loop3A_424 : i32 to index
      %parallel_loop3A_426 = arith.index_cast %parallel_loop3A_368 : i32 to index
      %parallel_loop3A_427 = arith.constant 32 : index
      %parallel_loop3A_428 = tpu.vector_load %arg9[%parallel_loop3A_425, %parallel_loop3A_426, %parallel_loop3A_427] {strides = array<i32>} : memref<2x128x128xf32, #tpu.memory_space<vmem>>, vector<1x1x16xf32>,
      %parallel_loop3A_429 = vector.shape_cast %parallel_loop3A_428 : vector<1x1x16xf32> to vector<16xf32>
      %parallel_loop3A_430 = arith.addf %parallel_loop3A_423, %parallel_loop3A_429 : vector<16xf32>
      %parallel_loop3A_431 = arith.constant 1 : i32
      %parallel_loop3A_432 = arith.index_cast %parallel_loop3A_431 : i32 to index
      %parallel_loop3A_433 = arith.index_cast %parallel_loop3A_368 : i32 to index
      %parallel_loop3A_434 = arith.constant 32 : index
      %parallel_loop3A_435 = tpu.vector_load %arg10[%parallel_loop3A_432, %parallel_loop3A_433, %parallel_loop3A_434] {strides = array<i32>} : memref<2x128x128xf32, #tpu.memory_space<vmem>>, vector<1x1x16xf32>,
      %parallel_loop3A_436 = vector.shape_cast %parallel_loop3A_435 : vector<1x1x16xf32> to vector<16xf32>
      %parallel_loop3A_437 = vector.shape_cast %parallel_loop3A_430 : vector<16xf32> to vector<1x1x16xf32>
      tpu.vector_store %arg10[%parallel_loop3A_432, %parallel_loop3A_433, %parallel_loop3A_434], %parallel_loop3A_437 {strides = array<i32>} : memref<2x128x128xf32, #tpu.memory_space<vmem>>, vector<1x1x16xf32>,
      %parallel_loop3A_438 = arith.constant 1 : i32
      %parallel_loop3A_439 = arith.index_cast %parallel_loop3A_438 : i32 to index
      %parallel_loop3A_440 = arith.index_cast %parallel_loop3A_368 : i32 to index
      %parallel_loop3A_441 = arith.constant 48 : index
      %parallel_loop3A_442 = tpu.vector_load %arg8[%parallel_loop3A_439, %parallel_loop3A_440, %parallel_loop3A_441] {strides = array<i32>} : memref<2x128x128xf32, #tpu.memory_space<vmem>>, vector<1x1x16xf32>,
      %parallel_loop3A_443 = vector.shape_cast %parallel_loop3A_442 : vector<1x1x16xf32> to vector<16xf32>
      %parallel_loop3A_444 = arith.constant 11.3137083 : f32
      %parallel_loop3A_445 = vector.broadcast %parallel_loop3A_444 : f32 to vector<16xf32>
      %parallel_loop3A_446 = arith.mulf %parallel_loop3A_443, %parallel_loop3A_445 : vector<16xf32>
      %parallel_loop3A_447 = arith.constant 1 : i32
      %parallel_loop3A_448 = arith.index_cast %parallel_loop3A_447 : i32 to index
      %parallel_loop3A_449 = arith.index_cast %parallel_loop3A_368 : i32 to index
      %parallel_loop3A_450 = arith.constant 48 : index
      %parallel_loop3A_451 = tpu.vector_load %arg9[%parallel_loop3A_448, %parallel_loop3A_449, %parallel_loop3A_450] {strides = array<i32>} : memref<2x128x128xf32, #tpu.memory_space<vmem>>, vector<1x1x16xf32>,
      %parallel_loop3A_452 = vector.shape_cast %parallel_loop3A_451 : vector<1x1x16xf32> to vector<16xf32>
      %parallel_loop3A_453 = arith.addf %parallel_loop3A_446, %parallel_loop3A_452 : vector<16xf32>
      %parallel_loop3A_454 = arith.constant 1 : i32
      %parallel_loop3A_455 = arith.index_cast %parallel_loop3A_454 : i32 to index
      %parallel_loop3A_456 = arith.index_cast %parallel_loop3A_368 : i32 to index
      %parallel_loop3A_457 = arith.constant 48 : index
      %parallel_loop3A_458 = tpu.vector_load %arg10[%parallel_loop3A_455, %parallel_loop3A_456, %parallel_loop3A_457] {strides = array<i32>} : memref<2x128x128xf32, #tpu.memory_space<vmem>>, vector<1x1x16xf32>,
      %parallel_loop3A_459 = vector.shape_cast %parallel_loop3A_458 : vector<1x1x16xf32> to vector<16xf32>
      %parallel_loop3A_460 = vector.shape_cast %parallel_loop3A_453 : vector<16xf32> to vector<1x1x16xf32>
      tpu.vector_store %arg10[%parallel_loop3A_455, %parallel_loop3A_456, %parallel_loop3A_457], %parallel_loop3A_460 {strides = array<i32>} : memref<2x128x128xf32, #tpu.memory_space<vmem>>, vector<1x1x16xf32>,
      %parallel_loop3A_461 = arith.constant 1 : i32
      %parallel_loop3A_462 = arith.index_cast %parallel_loop3A_461 : i32 to index
      %parallel_loop3A_463 = arith.index_cast %parallel_loop3A_368 : i32 to index
      %parallel_loop3A_464 = arith.constant 64 : index
      %parallel_loop3A_465 = tpu.vector_load %arg8[%parallel_loop3A_462, %parallel_loop3A_463, %parallel_loop3A_464] {strides = array<i32>} : memref<2x128x128xf32, #tpu.memory_space<vmem>>, vector<1x1x16xf32>,
      %parallel_loop3A_466 = vector.shape_cast %parallel_loop3A_465 : vector<1x1x16xf32> to vector<16xf32>
      %parallel_loop3A_467 = arith.constant 11.3137083 : f32
      %parallel_loop3A_468 = vector.broadcast %parallel_loop3A_467 : f32 to vector<16xf32>
      %parallel_loop3A_469 = arith.mulf %parallel_loop3A_466, %parallel_loop3A_468 : vector<16xf32>
      %parallel_loop3A_470 = arith.constant 1 : i32
      %parallel_loop3A_471 = arith.index_cast %parallel_loop3A_470 : i32 to index
      %parallel_loop3A_472 = arith.index_cast %parallel_loop3A_368 : i32 to index
      %parallel_loop3A_473 = arith.constant 64 : index
      %parallel_loop3A_474 = tpu.vector_load %arg9[%parallel_loop3A_471, %parallel_loop3A_472, %parallel_loop3A_473] {strides = array<i32>} : memref<2x128x128xf32, #tpu.memory_space<vmem>>, vector<1x1x16xf32>,
      %parallel_loop3A_475 = vector.shape_cast %parallel_loop3A_474 : vector<1x1x16xf32> to vector<16xf32>
      %parallel_loop3A_476 = arith.addf %parallel_loop3A_469, %parallel_loop3A_475 : vector<16xf32>
      %parallel_loop3A_477 = arith.constant 1 : i32
      %parallel_loop3A_478 = arith.index_cast %parallel_loop3A_477 : i32 to index
      %parallel_loop3A_479 = arith.index_cast %parallel_loop3A_368 : i32 to index
      %parallel_loop3A_480 = arith.constant 64 : index
      %parallel_loop3A_481 = tpu.vector_load %arg10[%parallel_loop3A_478, %parallel_loop3A_479, %parallel_loop3A_480] {strides = array<i32>} : memref<2x128x128xf32, #tpu.memory_space<vmem>>, vector<1x1x16xf32>,
      %parallel_loop3A_482 = vector.shape_cast %parallel_loop3A_481 : vector<1x1x16xf32> to vector<16xf32>
      %parallel_loop3A_483 = vector.shape_cast %parallel_loop3A_476 : vector<16xf32> to vector<1x1x16xf32>
      tpu.vector_store %arg10[%parallel_loop3A_478, %parallel_loop3A_479, %parallel_loop3A_480], %parallel_loop3A_483 {strides = array<i32>} : memref<2x128x128xf32, #tpu.memory_space<vmem>>, vector<1x1x16xf32>,
      %parallel_loop3A_484 = arith.constant 1 : i32
      %parallel_loop3A_485 = arith.index_cast %parallel_loop3A_484 : i32 to index
      %parallel_loop3A_486 = arith.index_cast %parallel_loop3A_368 : i32 to index
      %parallel_loop3A_487 = arith.constant 80 : index
      %parallel_loop3A_488 = tpu.vector_load %arg8[%parallel_loop3A_485, %parallel_loop3A_486, %parallel_loop3A_487] {strides = array<i32>} : memref<2x128x128xf32, #tpu.memory_space<vmem>>, vector<1x1x16xf32>,
      %parallel_loop3A_489 = vector.shape_cast %parallel_loop3A_488 : vector<1x1x16xf32> to vector<16xf32>
      %parallel_loop3A_490 = arith.constant 11.3137083 : f32
      %parallel_loop3A_491 = vector.broadcast %parallel_loop3A_490 : f32 to vector<16xf32>
      %parallel_loop3A_492 = arith.mulf %parallel_loop3A_489, %parallel_loop3A_491 : vector<16xf32>
      %parallel_loop3A_493 = arith.constant 1 : i32
      %parallel_loop3A_494 = arith.index_cast %parallel_loop3A_493 : i32 to index
      %parallel_loop3A_495 = arith.index_cast %parallel_loop3A_368 : i32 to index
      %parallel_loop3A_496 = arith.constant 80 : index
      %parallel_loop3A_497 = tpu.vector_load %arg9[%parallel_loop3A_494, %parallel_loop3A_495, %parallel_loop3A_496] {strides = array<i32>} : memref<2x128x128xf32, #tpu.memory_space<vmem>>, vector<1x1x16xf32>,
      %parallel_loop3A_498 = vector.shape_cast %parallel_loop3A_497 : vector<1x1x16xf32> to vector<16xf32>
      %parallel_loop3A_499 = arith.addf %parallel_loop3A_492, %parallel_loop3A_498 : vector<16xf32>
      %parallel_loop3A_500 = arith.constant 1 : i32
      %parallel_loop3A_501 = arith.index_cast %parallel_loop3A_500 : i32 to index
      %parallel_loop3A_502 = arith.index_cast %parallel_loop3A_368 : i32 to index
      %parallel_loop3A_503 = arith.constant 80 : index
      %parallel_loop3A_504 = tpu.vector_load %arg10[%parallel_loop3A_501, %parallel_loop3A_502, %parallel_loop3A_503] {strides = array<i32>} : memref<2x128x128xf32, #tpu.memory_space<vmem>>, vector<1x1x16xf32>,
      %parallel_loop3A_505 = vector.shape_cast %parallel_loop3A_504 : vector<1x1x16xf32> to vector<16xf32>
      %parallel_loop3A_506 = vector.shape_cast %parallel_loop3A_499 : vector<16xf32> to vector<1x1x16xf32>
      tpu.vector_store %arg10[%parallel_loop3A_501, %parallel_loop3A_502, %parallel_loop3A_503], %parallel_loop3A_506 {strides = array<i32>} : memref<2x128x128xf32, #tpu.memory_space<vmem>>, vector<1x1x16xf32>,
      %parallel_loop3A_507 = arith.constant 1 : i32
      %parallel_loop3A_508 = arith.index_cast %parallel_loop3A_507 : i32 to index
      %parallel_loop3A_509 = arith.index_cast %parallel_loop3A_368 : i32 to index
      %parallel_loop3A_510 = arith.constant 96 : index
      %parallel_loop3A_511 = tpu.vector_load %arg8[%parallel_loop3A_508, %parallel_loop3A_509, %parallel_loop3A_510] {strides = array<i32>} : memref<2x128x128xf32, #tpu.memory_space<vmem>>, vector<1x1x16xf32>,
      %parallel_loop3A_512 = vector.shape_cast %parallel_loop3A_511 : vector<1x1x16xf32> to vector<16xf32>
      %parallel_loop3A_513 = arith.constant 11.3137083 : f32
      %parallel_loop3A_514 = vector.broadcast %parallel_loop3A_513 : f32 to vector<16xf32>
      %parallel_loop3A_515 = arith.mulf %parallel_loop3A_512, %parallel_loop3A_514 : vector<16xf32>
      %parallel_loop3A_516 = arith.constant 1 : i32
      %parallel_loop3A_517 = arith.index_cast %parallel_loop3A_516 : i32 to index
      %parallel_loop3A_518 = arith.index_cast %parallel_loop3A_368 : i32 to index
      %parallel_loop3A_519 = arith.constant 96 : index
      %parallel_loop3A_520 = tpu.vector_load %arg9[%parallel_loop3A_517, %parallel_loop3A_518, %parallel_loop3A_519] {strides = array<i32>} : memref<2x128x128xf32, #tpu.memory_space<vmem>>, vector<1x1x16xf32>,
      %parallel_loop3A_521 = vector.shape_cast %parallel_loop3A_520 : vector<1x1x16xf32> to vector<16xf32>
      %parallel_loop3A_522 = arith.addf %parallel_loop3A_515, %parallel_loop3A_521 : vector<16xf32>
      %parallel_loop3A_523 = arith.constant 1 : i32
      %parallel_loop3A_524 = arith.index_cast %parallel_loop3A_523 : i32 to index
      %parallel_loop3A_525 = arith.index_cast %parallel_loop3A_368 : i32 to index
      %parallel_loop3A_526 = arith.constant 96 : index
      %parallel_loop3A_527 = tpu.vector_load %arg10[%parallel_loop3A_524, %parallel_loop3A_525, %parallel_loop3A_526] {strides = array<i32>} : memref<2x128x128xf32, #tpu.memory_space<vmem>>, vector<1x1x16xf32>,
      %parallel_loop3A_528 = vector.shape_cast %parallel_loop3A_527 : vector<1x1x16xf32> to vector<16xf32>
      %parallel_loop3A_529 = vector.shape_cast %parallel_loop3A_522 : vector<16xf32> to vector<1x1x16xf32>
      tpu.vector_store %arg10[%parallel_loop3A_524, %parallel_loop3A_525, %parallel_loop3A_526], %parallel_loop3A_529 {strides = array<i32>} : memref<2x128x128xf32, #tpu.memory_space<vmem>>, vector<1x1x16xf32>,
      %parallel_loop3A_530 = arith.constant 1 : i32
      %parallel_loop3A_531 = arith.index_cast %parallel_loop3A_530 : i32 to index
      %parallel_loop3A_532 = arith.index_cast %parallel_loop3A_368 : i32 to index
      %parallel_loop3A_533 = arith.constant 112 : index
      %parallel_loop3A_534 = tpu.vector_load %arg8[%parallel_loop3A_531, %parallel_loop3A_532, %parallel_loop3A_533] {strides = array<i32>} : memref<2x128x128xf32, #tpu.memory_space<vmem>>, vector<1x1x16xf32>,
      %parallel_loop3A_535 = vector.shape_cast %parallel_loop3A_534 : vector<1x1x16xf32> to vector<16xf32>
      %parallel_loop3A_536 = arith.constant 11.3137083 : f32
      %parallel_loop3A_537 = vector.broadcast %parallel_loop3A_536 : f32 to vector<16xf32>
      %parallel_loop3A_538 = arith.mulf %parallel_loop3A_535, %parallel_loop3A_537 : vector<16xf32>
      %parallel_loop3A_539 = arith.constant 1 : i32
      %parallel_loop3A_540 = arith.index_cast %parallel_loop3A_539 : i32 to index
      %parallel_loop3A_541 = arith.index_cast %parallel_loop3A_368 : i32 to index
      %parallel_loop3A_542 = arith.constant 112 : index
      %parallel_loop3A_543 = tpu.vector_load %arg9[%parallel_loop3A_540, %parallel_loop3A_541, %parallel_loop3A_542] {strides = array<i32>} : memref<2x128x128xf32, #tpu.memory_space<vmem>>, vector<1x1x16xf32>,
      %parallel_loop3A_544 = vector.shape_cast %parallel_loop3A_543 : vector<1x1x16xf32> to vector<16xf32>
      %parallel_loop3A_545 = arith.addf %parallel_loop3A_538, %parallel_loop3A_544 : vector<16xf32>
      %parallel_loop3A_546 = arith.constant 1 : i32
      %parallel_loop3A_547 = arith.index_cast %parallel_loop3A_546 : i32 to index
      %parallel_loop3A_548 = arith.index_cast %parallel_loop3A_368 : i32 to index
      %parallel_loop3A_549 = arith.constant 112 : index
      %parallel_loop3A_550 = tpu.vector_load %arg10[%parallel_loop3A_547, %parallel_loop3A_548, %parallel_loop3A_549] {strides = array<i32>} : memref<2x128x128xf32, #tpu.memory_space<vmem>>, vector<1x1x16xf32>,
      %parallel_loop3A_551 = vector.shape_cast %parallel_loop3A_550 : vector<1x1x16xf32> to vector<16xf32>
      %parallel_loop3A_552 = vector.shape_cast %parallel_loop3A_545 : vector<16xf32> to vector<1x1x16xf32>
      tpu.vector_store %arg10[%parallel_loop3A_547, %parallel_loop3A_548, %parallel_loop3A_549], %parallel_loop3A_552 {strides = array<i32>} : memref<2x128x128xf32, #tpu.memory_space<vmem>>, vector<1x1x16xf32>,
    } {sc.loop_unroll_factor = 4 : i64, sc.parallel_access}
    %add3A_164 = arith.constant 128 : i32
    %add3A_165 = arith.addi %multiple_of3A, %add3A_164 : i32
    %multiple_of3A_166 = tpu.assume_multiple %add3A_165, 128 : i32
    %dma_start3A_167 = arith.constant 1 : i32
    %dma_start3A_168 = arith.constant 0 : i32
    %dma_start3A_169 = arith.constant 0 : i32
    %dma_start3A_170 = tpu.memref_slice %arg10[%dma_start3A_167, %dma_start3A_168, %dma_start3A_169] : memref<2x128x128xf32, #tpu.memory_space<vmem>> -> memref<1x128x128xf32, #tpu.memory_space<vmem>>
    %dma_start3A_171 = tpu.memref_squeeze %dma_start3A_170 : memref<1x128x128xf32, #tpu.memory_space<vmem>> -> memref<128x128xf32, #tpu.memory_space<vmem>>
    %dma_start3A_172 = arith.constant 0 : i32
    %dma_start3A_173 = tpu.memref_slice %arg5[%multiple_of3A_166, %dma_start3A_172] : memref<204800x128xf32, #tpu.memory_space<hbm>> -> memref<128x128xf32, #tpu.memory_space<hbm>>
    %dma_start3A_174 = arith.constant 0 : i32
    %dma_start3A_175 = tpu.memref_slice %arg5[%multiple_of3A_166, %dma_start3A_174] : memref<204800x128xf32, #tpu.memory_space<hbm>> -> memref<128x128xf32, #tpu.memory_space<hbm>>
    %dma_start3A_176 = arith.constant 0 : i32
    %dma_start3A_177 = arith.constant 0 : i32
    %dma_start3A_178 = tpu.memref_slice %arg10[%dma_start3A_167, %dma_start3A_176, %dma_start3A_177] : memref<2x128x128xf32, #tpu.memory_space<vmem>> -> memref<1x128x128xf32, #tpu.memory_space<vmem>>
    %dma_start3A_179 = tpu.memref_squeeze %dma_start3A_178 : memref<1x128x128xf32, #tpu.memory_space<vmem>> -> memref<128x128xf32, #tpu.memory_space<vmem>>
    tpu.enqueue_dma source(%dma_start3A_179 : memref<128x128xf32, #tpu.memory_space<vmem>>) target(%dma_start3A_175 : memref<128x128xf32, #tpu.memory_space<hbm>>) target_semaphore(%arg17 : memref<!tpu.dma_semaphore, #tpu.memory_space<semaphore_mem>>)
    %add3A_180 = arith.constant 384 : i32
    %add3A_181 = arith.addi %multiple_of3A, %add3A_180 : i32
    %multiple_of3A_182 = tpu.assume_multiple %add3A_181, 128 : i32
    %multiple_of3A_183 = arith.constant 384 : i32
    %multiple_of3A_184 = tpu.assume_multiple %multiple_of3A_183, 128 : i32
    %dma_start3A_185 = arith.constant 1 : i32
    %dma_start3A_186 = arith.constant 0 : i32
    %dma_start3A_187 = arith.constant 0 : i32
    %dma_start3A_188 = tpu.memref_slice %arg8[%dma_start3A_185, %dma_start3A_186, %dma_start3A_187] : memref<2x128x128xf32, #tpu.memory_space<vmem>> -> memref<1x128x128xf32, #tpu.memory_space<vmem>>
    %dma_start3A_189 = tpu.memref_squeeze %dma_start3A_188 : memref<1x128x128xf32, #tpu.memory_space<vmem>> -> memref<128x128xf32, #tpu.memory_space<vmem>>
    %dma_start3A_190 = tpu.memref_slice %arg7[%multiple_of3A_184] : memref<6400xi32, #tpu.memory_space<vmem>> -> memref<128xi32, #tpu.memory_space<vmem>>
    %dma_start3A_191 = arith.constant 0 : i32
    %dma_start3A_192 = arith.constant 0 : i32
    %dma_start3A_193 = tpu.memref_slice %arg6[%dma_start3A_191, %dma_start3A_192] : memref<1000x128xf32, #tpu.memory_space<vmem_shared>> -> memref<1000x128xf32, #tpu.memory_space<vmem_shared>>
    tpu.enqueue_indirect_dma source(%dma_start3A_193 : memref<1000x128xf32, #tpu.memory_space<vmem_shared>>) target(%dma_start3A_189 : memref<128x128xf32, #tpu.memory_space<vmem>>) offsets(%dma_start3A_190 : memref<128xi32, #tpu.memory_space<vmem>>) semaphore(%arg13 : memref<!tpu.dma_semaphore, #tpu.memory_space<semaphore_mem>>)
    %dma_start3A_194 = arith.constant 1 : i32
    %dma_start3A_195 = arith.constant 0 : i32
    %dma_start3A_196 = arith.constant 0 : i32
    %dma_start3A_197 = tpu.memref_slice %arg9[%dma_start3A_194, %dma_start3A_195, %dma_start3A_196] : memref<2x128x128xf32, #tpu.memory_space<vmem>> -> memref<1x128x128xf32, #tpu.memory_space<vmem>>
    %dma_start3A_198 = tpu.memref_squeeze %dma_start3A_197 : memref<1x128x128xf32, #tpu.memory_space<vmem>> -> memref<128x128xf32, #tpu.memory_space<vmem>>
    %dma_start3A_199 = arith.constant 0 : i32
    %dma_start3A_200 = tpu.memref_slice %arg4[%multiple_of3A_182, %dma_start3A_199] : memref<204800x128xf32, #tpu.memory_space<hbm>> -> memref<128x128xf32, #tpu.memory_space<hbm>>
    %dma_start3A_201 = arith.constant 0 : i32
    %dma_start3A_202 = arith.constant 0 : i32
    %dma_start3A_203 = tpu.memref_slice %arg9[%dma_start3A_194, %dma_start3A_201, %dma_start3A_202] : memref<2x128x128xf32, #tpu.memory_space<vmem>> -> memref<1x128x128xf32, #tpu.memory_space<vmem>>
    %dma_start3A_204 = tpu.memref_squeeze %dma_start3A_203 : memref<1x128x128xf32, #tpu.memory_space<vmem>> -> memref<128x128xf32, #tpu.memory_space<vmem>>
    %dma_start3A_205 = arith.constant 0 : i32
    %dma_start3A_206 = tpu.memref_slice %arg4[%multiple_of3A_182, %dma_start3A_205] : memref<204800x128xf32, #tpu.memory_space<hbm>> -> memref<128x128xf32, #tpu.memory_space<hbm>>
    tpu.enqueue_dma source(%dma_start3A_206 : memref<128x128xf32, #tpu.memory_space<hbm>>) target(%dma_start3A_204 : memref<128x128xf32, #tpu.memory_space<vmem>>) target_semaphore(%arg15 : memref<!tpu.dma_semaphore, #tpu.memory_space<semaphore_mem>>)
    %scan3A = arith.constant 0 : i32
    %scan3A_207 = arith.constant 1 : i32
    %scan3A_208 = arith.constant 23 : i32
    %scan3A_209 = arith.addi %scan3A_207, %scan3A_208 : i32
    %scan3A_210 = arith.constant 1 : i32
    scf.for %scan3A_368 = %scan3A_207 to %scan3A_209 step %scan3A_210  : i32 {
      %mul3A_369 = arith.constant 2 : i32
      %mul3A_370 = arith.muli %scan3A_368, %mul3A_369 : i32
      %add3A_371 = arith.constant 0 : i32
      %add3A_372 = arith.addi %mul3A_370, %add3A_371 : i32
      %mul3A_373 = arith.constant 128 : i32
      %mul3A_374 = arith.muli %add3A_372, %mul3A_373 : i32
      %add3A_375 = arith.addi %multiple_of3A, %mul3A_374 : i32
      %multiple_of3A_376 = tpu.assume_multiple %add3A_375, 128 : i32
      %mul3A_377 = arith.constant 128 : i32
      %mul3A_378 = arith.muli %add3A_372, %mul3A_377 : i32
      %multiple_of3A_379 = tpu.assume_multiple %mul3A_378, 128 : i32
      %dma_wait3A_380 = arith.constant 0 : i32
      %dma_wait3A_381 = arith.constant 0 : i32
      %dma_wait3A_382 = arith.constant 0 : i32
      %dma_wait3A_383 = tpu.memref_slice %arg8[%dma_wait3A_380, %dma_wait3A_381, %dma_wait3A_382] : memref<2x128x128xf32, #tpu.memory_space<vmem>> -> memref<1x128x128xf32, #tpu.memory_space<vmem>>
      %dma_wait3A_384 = tpu.memref_squeeze %dma_wait3A_383 : memref<1x128x128xf32, #tpu.memory_space<vmem>> -> memref<128x128xf32, #tpu.memory_space<vmem>>
      %dma_wait3A_385 = tpu.memref_slice %arg7[%multiple_of3A_379] : memref<6400xi32, #tpu.memory_space<vmem>> -> memref<128xi32, #tpu.memory_space<vmem>>
      %dma_wait3A_386 = arith.constant 0 : i32
      %dma_wait3A_387 = arith.constant 0 : i32
      %dma_wait3A_388 = tpu.memref_slice %arg6[%dma_wait3A_386, %dma_wait3A_387] : memref<1000x128xf32, #tpu.memory_space<vmem_shared>> -> memref<1000x128xf32, #tpu.memory_space<vmem_shared>>
      tpu.wait_indirect_dma semaphore(%arg12 : memref<!tpu.dma_semaphore, #tpu.memory_space<semaphore_mem>>) src(%dma_wait3A_388 : memref<1000x128xf32, #tpu.memory_space<vmem_shared>>) dst(%dma_wait3A_384 : memref<128x128xf32, #tpu.memory_space<vmem>>)
      %dma_wait3A_389 = arith.constant 0 : i32
      %dma_wait3A_390 = arith.constant 0 : i32
      %dma_wait3A_391 = arith.constant 0 : i32
      %dma_wait3A_392 = tpu.memref_slice %arg9[%dma_wait3A_389, %dma_wait3A_390, %dma_wait3A_391] : memref<2x128x128xf32, #tpu.memory_space<vmem>> -> memref<1x128x128xf32, #tpu.memory_space<vmem>>
      %dma_wait3A_393 = tpu.memref_squeeze %dma_wait3A_392 : memref<1x128x128xf32, #tpu.memory_space<vmem>> -> memref<128x128xf32, #tpu.memory_space<vmem>>
      %dma_wait3A_394 = arith.constant 0 : i32
      %dma_wait3A_395 = tpu.memref_slice %arg4[%multiple_of3A_376, %dma_wait3A_394] : memref<204800x128xf32, #tpu.memory_space<hbm>> -> memref<128x128xf32, #tpu.memory_space<hbm>>
      %dma_wait3A_396 = arith.constant 0 : i32
      %dma_wait3A_397 = arith.constant 0 : i32
      %dma_wait3A_398 = tpu.memref_slice %arg9[%dma_wait3A_389, %dma_wait3A_396, %dma_wait3A_397] : memref<2x128x128xf32, #tpu.memory_space<vmem>> -> memref<1x128x128xf32, #tpu.memory_space<vmem>>
      %dma_wait3A_399 = tpu.memref_squeeze %dma_wait3A_398 : memref<1x128x128xf32, #tpu.memory_space<vmem>> -> memref<128x128xf32, #tpu.memory_space<vmem>>
      %dma_wait3A_400 = arith.constant 0 : i32
      %dma_wait3A_401 = tpu.memref_slice %arg4[%multiple_of3A_376, %dma_wait3A_400] : memref<204800x128xf32, #tpu.memory_space<hbm>> -> memref<128x128xf32, #tpu.memory_space<hbm>>
      tpu.wait_dma2 semaphore(%arg14 : memref<!tpu.dma_semaphore, #tpu.memory_space<semaphore_mem>>) src(%dma_wait3A_401 : memref<128x128xf32, #tpu.memory_space<hbm>>) dst(%dma_wait3A_399 : memref<128x128xf32, #tpu.memory_space<vmem>>)
      %sub3A = arith.constant 2 : i32
      %sub3A_402 = arith.subi %add3A_372, %sub3A : i32
      %mul3A_403 = arith.constant 128 : i32
      %mul3A_404 = arith.muli %sub3A_402, %mul3A_403 : i32
      %add3A_405 = arith.addi %multiple_of3A, %mul3A_404 : i32
      %multiple_of3A_406 = tpu.assume_multiple %add3A_405, 128 : i32
      %dma_wait3A_407 = arith.constant 0 : i32
      %dma_wait3A_408 = arith.constant 0 : i32
      %dma_wait3A_409 = arith.constant 0 : i32
      %dma_wait3A_410 = tpu.memref_slice %arg10[%dma_wait3A_407, %dma_wait3A_408, %dma_wait3A_409] : memref<2x128x128xf32, #tpu.memory_space<vmem>> -> memref<1x128x128xf32, #tpu.memory_space<vmem>>
      %dma_wait3A_411 = tpu.memref_squeeze %dma_wait3A_410 : memref<1x128x128xf32, #tpu.memory_space<vmem>> -> memref<128x128xf32, #tpu.memory_space<vmem>>
      %dma_wait3A_412 = arith.constant 0 : i32
      %dma_wait3A_413 = tpu.memref_slice %arg5[%multiple_of3A_406, %dma_wait3A_412] : memref<204800x128xf32, #tpu.memory_space<hbm>> -> memref<128x128xf32, #tpu.memory_space<hbm>>
      %dma_wait3A_414 = arith.constant 0 : i32
      %dma_wait3A_415 = tpu.memref_slice %arg5[%multiple_of3A_406, %dma_wait3A_414] : memref<204800x128xf32, #tpu.memory_space<hbm>> -> memref<128x128xf32, #tpu.memory_space<hbm>>
      %dma_wait3A_416 = arith.constant 0 : i32
      %dma_wait3A_417 = arith.constant 0 : i32
      %dma_wait3A_418 = tpu.memref_slice %arg10[%dma_wait3A_407, %dma_wait3A_416, %dma_wait3A_417] : memref<2x128x128xf32, #tpu.memory_space<vmem>> -> memref<1x128x128xf32, #tpu.memory_space<vmem>>
      %dma_wait3A_419 = tpu.memref_squeeze %dma_wait3A_418 : memref<1x128x128xf32, #tpu.memory_space<vmem>> -> memref<128x128xf32, #tpu.memory_space<vmem>>
      tpu.wait_dma2 semaphore(%arg16 : memref<!tpu.dma_semaphore, #tpu.memory_space<semaphore_mem>>) src(%dma_wait3A_419 : memref<128x128xf32, #tpu.memory_space<vmem>>) dst(%dma_wait3A_415 : memref<128x128xf32, #tpu.memory_space<hbm>>)
      %parallel_loop3A_420 = arith.constant 0 : i32
      %parallel_loop3A_421 = arith.constant 128 : i32
      %parallel_loop3A_422 = arith.constant 1 : i32
      scf.for %parallel_loop3A_574 = %parallel_loop3A_420 to %parallel_loop3A_421 step %parallel_loop3A_422  : i32 {
        %parallel_loop3A_575 = arith.constant 0 : i32
        %parallel_loop3A_576 = arith.index_cast %parallel_loop3A_575 : i32 to index
        %parallel_loop3A_577 = arith.index_cast %parallel_loop3A_574 : i32 to index
        %parallel_loop3A_578 = arith.constant 0 : index
        %parallel_loop3A_579 = tpu.vector_load %arg8[%parallel_loop3A_576, %parallel_loop3A_577, %parallel_loop3A_578] {strides = array<i32>} : memref<2x128x128xf32, #tpu.memory_space<vmem>>, vector<1x1x16xf32>,
        %parallel_loop3A_580 = vector.shape_cast %parallel_loop3A_579 : vector<1x1x16xf32> to vector<16xf32>
        %parallel_loop3A_581 = arith.constant 11.3137083 : f32
        %parallel_loop3A_582 = vector.broadcast %parallel_loop3A_581 : f32 to vector<16xf32>
        %parallel_loop3A_583 = arith.mulf %parallel_loop3A_580, %parallel_loop3A_582 : vector<16xf32>
        %parallel_loop3A_584 = arith.constant 0 : i32
        %parallel_loop3A_585 = arith.index_cast %parallel_loop3A_584 : i32 to index
        %parallel_loop3A_586 = arith.index_cast %parallel_loop3A_574 : i32 to index
        %parallel_loop3A_587 = arith.constant 0 : index
        %parallel_loop3A_588 = tpu.vector_load %arg9[%parallel_loop3A_585, %parallel_loop3A_586, %parallel_loop3A_587] {strides = array<i32>} : memref<2x128x128xf32, #tpu.memory_space<vmem>>, vector<1x1x16xf32>,
        %parallel_loop3A_589 = vector.shape_cast %parallel_loop3A_588 : vector<1x1x16xf32> to vector<16xf32>
        %parallel_loop3A_590 = arith.addf %parallel_loop3A_583, %parallel_loop3A_589 : vector<16xf32>
        %parallel_loop3A_591 = arith.constant 0 : i32
        %parallel_loop3A_592 = arith.index_cast %parallel_loop3A_591 : i32 to index
        %parallel_loop3A_593 = arith.index_cast %parallel_loop3A_574 : i32 to index
        %parallel_loop3A_594 = arith.constant 0 : index
        %parallel_loop3A_595 = tpu.vector_load %arg10[%parallel_loop3A_592, %parallel_loop3A_593, %parallel_loop3A_594] {strides = array<i32>} : memref<2x128x128xf32, #tpu.memory_space<vmem>>, vector<1x1x16xf32>,
        %parallel_loop3A_596 = vector.shape_cast %parallel_loop3A_595 : vector<1x1x16xf32> to vector<16xf32>
        %parallel_loop3A_597 = vector.shape_cast %parallel_loop3A_590 : vector<16xf32> to vector<1x1x16xf32>
        tpu.vector_store %arg10[%parallel_loop3A_592, %parallel_loop3A_593, %parallel_loop3A_594], %parallel_loop3A_597 {strides = array<i32>} : memref<2x128x128xf32, #tpu.memory_space<vmem>>, vector<1x1x16xf32>,
        %parallel_loop3A_598 = arith.constant 0 : i32
        %parallel_loop3A_599 = arith.index_cast %parallel_loop3A_598 : i32 to index
        %parallel_loop3A_600 = arith.index_cast %parallel_loop3A_574 : i32 to index
        %parallel_loop3A_601 = arith.constant 16 : index
        %parallel_loop3A_602 = tpu.vector_load %arg8[%parallel_loop3A_599, %parallel_loop3A_600, %parallel_loop3A_601] {strides = array<i32>} : memref<2x128x128xf32, #tpu.memory_space<vmem>>, vector<1x1x16xf32>,
        %parallel_loop3A_603 = vector.shape_cast %parallel_loop3A_602 : vector<1x1x16xf32> to vector<16xf32>
        %parallel_loop3A_604 = arith.constant 11.3137083 : f32
        %parallel_loop3A_605 = vector.broadcast %parallel_loop3A_604 : f32 to vector<16xf32>
        %parallel_loop3A_606 = arith.mulf %parallel_loop3A_603, %parallel_loop3A_605 : vector<16xf32>
        %parallel_loop3A_607 = arith.constant 0 : i32
        %parallel_loop3A_608 = arith.index_cast %parallel_loop3A_607 : i32 to index
        %parallel_loop3A_609 = arith.index_cast %parallel_loop3A_574 : i32 to index
        %parallel_loop3A_610 = arith.constant 16 : index
        %parallel_loop3A_611 = tpu.vector_load %arg9[%parallel_loop3A_608, %parallel_loop3A_609, %parallel_loop3A_610] {strides = array<i32>} : memref<2x128x128xf32, #tpu.memory_space<vmem>>, vector<1x1x16xf32>,
        %parallel_loop3A_612 = vector.shape_cast %parallel_loop3A_611 : vector<1x1x16xf32> to vector<16xf32>
        %parallel_loop3A_613 = arith.addf %parallel_loop3A_606, %parallel_loop3A_612 : vector<16xf32>
        %parallel_loop3A_614 = arith.constant 0 : i32
        %parallel_loop3A_615 = arith.index_cast %parallel_loop3A_614 : i32 to index
        %parallel_loop3A_616 = arith.index_cast %parallel_loop3A_574 : i32 to index
        %parallel_loop3A_617 = arith.constant 16 : index
        %parallel_loop3A_618 = tpu.vector_load %arg10[%parallel_loop3A_615, %parallel_loop3A_616, %parallel_loop3A_617] {strides = array<i32>} : memref<2x128x128xf32, #tpu.memory_space<vmem>>, vector<1x1x16xf32>,
        %parallel_loop3A_619 = vector.shape_cast %parallel_loop3A_618 : vector<1x1x16xf32> to vector<16xf32>
        %parallel_loop3A_620 = vector.shape_cast %parallel_loop3A_613 : vector<16xf32> to vector<1x1x16xf32>
        tpu.vector_store %arg10[%parallel_loop3A_615, %parallel_loop3A_616, %parallel_loop3A_617], %parallel_loop3A_620 {strides = array<i32>} : memref<2x128x128xf32, #tpu.memory_space<vmem>>, vector<1x1x16xf32>,
        %parallel_loop3A_621 = arith.constant 0 : i32
        %parallel_loop3A_622 = arith.index_cast %parallel_loop3A_621 : i32 to index
        %parallel_loop3A_623 = arith.index_cast %parallel_loop3A_574 : i32 to index
        %parallel_loop3A_624 = arith.constant 32 : index
        %parallel_loop3A_625 = tpu.vector_load %arg8[%parallel_loop3A_622, %parallel_loop3A_623, %parallel_loop3A_624] {strides = array<i32>} : memref<2x128x128xf32, #tpu.memory_space<vmem>>, vector<1x1x16xf32>,
        %parallel_loop3A_626 = vector.shape_cast %parallel_loop3A_625 : vector<1x1x16xf32> to vector<16xf32>
        %parallel_loop3A_627 = arith.constant 11.3137083 : f32
        %parallel_loop3A_628 = vector.broadcast %parallel_loop3A_627 : f32 to vector<16xf32>
        %parallel_loop3A_629 = arith.mulf %parallel_loop3A_626, %parallel_loop3A_628 : vector<16xf32>
        %parallel_loop3A_630 = arith.constant 0 : i32
        %parallel_loop3A_631 = arith.index_cast %parallel_loop3A_630 : i32 to index
        %parallel_loop3A_632 = arith.index_cast %parallel_loop3A_574 : i32 to index
        %parallel_loop3A_633 = arith.constant 32 : index
        %parallel_loop3A_634 = tpu.vector_load %arg9[%parallel_loop3A_631, %parallel_loop3A_632, %parallel_loop3A_633] {strides = array<i32>} : memref<2x128x128xf32, #tpu.memory_space<vmem>>, vector<1x1x16xf32>,
        %parallel_loop3A_635 = vector.shape_cast %parallel_loop3A_634 : vector<1x1x16xf32> to vector<16xf32>
        %parallel_loop3A_636 = arith.addf %parallel_loop3A_629, %parallel_loop3A_635 : vector<16xf32>
        %parallel_loop3A_637 = arith.constant 0 : i32
        %parallel_loop3A_638 = arith.index_cast %parallel_loop3A_637 : i32 to index
        %parallel_loop3A_639 = arith.index_cast %parallel_loop3A_574 : i32 to index
        %parallel_loop3A_640 = arith.constant 32 : index
        %parallel_loop3A_641 = tpu.vector_load %arg10[%parallel_loop3A_638, %parallel_loop3A_639, %parallel_loop3A_640] {strides = array<i32>} : memref<2x128x128xf32, #tpu.memory_space<vmem>>, vector<1x1x16xf32>,
        %parallel_loop3A_642 = vector.shape_cast %parallel_loop3A_641 : vector<1x1x16xf32> to vector<16xf32>
        %parallel_loop3A_643 = vector.shape_cast %parallel_loop3A_636 : vector<16xf32> to vector<1x1x16xf32>
        tpu.vector_store %arg10[%parallel_loop3A_638, %parallel_loop3A_639, %parallel_loop3A_640], %parallel_loop3A_643 {strides = array<i32>} : memref<2x128x128xf32, #tpu.memory_space<vmem>>, vector<1x1x16xf32>,
        %parallel_loop3A_644 = arith.constant 0 : i32
        %parallel_loop3A_645 = arith.index_cast %parallel_loop3A_644 : i32 to index
        %parallel_loop3A_646 = arith.index_cast %parallel_loop3A_574 : i32 to index
        %parallel_loop3A_647 = arith.constant 48 : index
        %parallel_loop3A_648 = tpu.vector_load %arg8[%parallel_loop3A_645, %parallel_loop3A_646, %parallel_loop3A_647] {strides = array<i32>} : memref<2x128x128xf32, #tpu.memory_space<vmem>>, vector<1x1x16xf32>,
        %parallel_loop3A_649 = vector.shape_cast %parallel_loop3A_648 : vector<1x1x16xf32> to vector<16xf32>
        %parallel_loop3A_650 = arith.constant 11.3137083 : f32
        %parallel_loop3A_651 = vector.broadcast %parallel_loop3A_650 : f32 to vector<16xf32>
        %parallel_loop3A_652 = arith.mulf %parallel_loop3A_649, %parallel_loop3A_651 : vector<16xf32>
        %parallel_loop3A_653 = arith.constant 0 : i32
        %parallel_loop3A_654 = arith.index_cast %parallel_loop3A_653 : i32 to index
        %parallel_loop3A_655 = arith.index_cast %parallel_loop3A_574 : i32 to index
        %parallel_loop3A_656 = arith.constant 48 : index
        %parallel_loop3A_657 = tpu.vector_load %arg9[%parallel_loop3A_654, %parallel_loop3A_655, %parallel_loop3A_656] {strides = array<i32>} : memref<2x128x128xf32, #tpu.memory_space<vmem>>, vector<1x1x16xf32>,
        %parallel_loop3A_658 = vector.shape_cast %parallel_loop3A_657 : vector<1x1x16xf32> to vector<16xf32>
        %parallel_loop3A_659 = arith.addf %parallel_loop3A_652, %parallel_loop3A_658 : vector<16xf32>
        %parallel_loop3A_660 = arith.constant 0 : i32
        %parallel_loop3A_661 = arith.index_cast %parallel_loop3A_660 : i32 to index
        %parallel_loop3A_662 = arith.index_cast %parallel_loop3A_574 : i32 to index
        %parallel_loop3A_663 = arith.constant 48 : index
        %parallel_loop3A_664 = tpu.vector_load %arg10[%parallel_loop3A_661, %parallel_loop3A_662, %parallel_loop3A_663] {strides = array<i32>} : memref<2x128x128xf32, #tpu.memory_space<vmem>>, vector<1x1x16xf32>,
        %parallel_loop3A_665 = vector.shape_cast %parallel_loop3A_664 : vector<1x1x16xf32> to vector<16xf32>
        %parallel_loop3A_666 = vector.shape_cast %parallel_loop3A_659 : vector<16xf32> to vector<1x1x16xf32>
        tpu.vector_store %arg10[%parallel_loop3A_661, %parallel_loop3A_662, %parallel_loop3A_663], %parallel_loop3A_666 {strides = array<i32>} : memref<2x128x128xf32, #tpu.memory_space<vmem>>, vector<1x1x16xf32>,
        %parallel_loop3A_667 = arith.constant 0 : i32
        %parallel_loop3A_668 = arith.index_cast %parallel_loop3A_667 : i32 to index
        %parallel_loop3A_669 = arith.index_cast %parallel_loop3A_574 : i32 to index
        %parallel_loop3A_670 = arith.constant 64 : index
        %parallel_loop3A_671 = tpu.vector_load %arg8[%parallel_loop3A_668, %parallel_loop3A_669, %parallel_loop3A_670] {strides = array<i32>} : memref<2x128x128xf32, #tpu.memory_space<vmem>>, vector<1x1x16xf32>,
        %parallel_loop3A_672 = vector.shape_cast %parallel_loop3A_671 : vector<1x1x16xf32> to vector<16xf32>
        %parallel_loop3A_673 = arith.constant 11.3137083 : f32
        %parallel_loop3A_674 = vector.broadcast %parallel_loop3A_673 : f32 to vector<16xf32>
        %parallel_loop3A_675 = arith.mulf %parallel_loop3A_672, %parallel_loop3A_674 : vector<16xf32>
        %parallel_loop3A_676 = arith.constant 0 : i32
        %parallel_loop3A_677 = arith.index_cast %parallel_loop3A_676 : i32 to index
        %parallel_loop3A_678 = arith.index_cast %parallel_loop3A_574 : i32 to index
        %parallel_loop3A_679 = arith.constant 64 : index
        %parallel_loop3A_680 = tpu.vector_load %arg9[%parallel_loop3A_677, %parallel_loop3A_678, %parallel_loop3A_679] {strides = array<i32>} : memref<2x128x128xf32, #tpu.memory_space<vmem>>, vector<1x1x16xf32>,
        %parallel_loop3A_681 = vector.shape_cast %parallel_loop3A_680 : vector<1x1x16xf32> to vector<16xf32>
        %parallel_loop3A_682 = arith.addf %parallel_loop3A_675, %parallel_loop3A_681 : vector<16xf32>
        %parallel_loop3A_683 = arith.constant 0 : i32
        %parallel_loop3A_684 = arith.index_cast %parallel_loop3A_683 : i32 to index
        %parallel_loop3A_685 = arith.index_cast %parallel_loop3A_574 : i32 to index
        %parallel_loop3A_686 = arith.constant 64 : index
        %parallel_loop3A_687 = tpu.vector_load %arg10[%parallel_loop3A_684, %parallel_loop3A_685, %parallel_loop3A_686] {strides = array<i32>} : memref<2x128x128xf32, #tpu.memory_space<vmem>>, vector<1x1x16xf32>,
        %parallel_loop3A_688 = vector.shape_cast %parallel_loop3A_687 : vector<1x1x16xf32> to vector<16xf32>
        %parallel_loop3A_689 = vector.shape_cast %parallel_loop3A_682 : vector<16xf32> to vector<1x1x16xf32>
        tpu.vector_store %arg10[%parallel_loop3A_684, %parallel_loop3A_685, %parallel_loop3A_686], %parallel_loop3A_689 {strides = array<i32>} : memref<2x128x128xf32, #tpu.memory_space<vmem>>, vector<1x1x16xf32>,
        %parallel_loop3A_690 = arith.constant 0 : i32
        %parallel_loop3A_691 = arith.index_cast %parallel_loop3A_690 : i32 to index
        %parallel_loop3A_692 = arith.index_cast %parallel_loop3A_574 : i32 to index
        %parallel_loop3A_693 = arith.constant 80 : index
        %parallel_loop3A_694 = tpu.vector_load %arg8[%parallel_loop3A_691, %parallel_loop3A_692, %parallel_loop3A_693] {strides = array<i32>} : memref<2x128x128xf32, #tpu.memory_space<vmem>>, vector<1x1x16xf32>,
        %parallel_loop3A_695 = vector.shape_cast %parallel_loop3A_694 : vector<1x1x16xf32> to vector<16xf32>
        %parallel_loop3A_696 = arith.constant 11.3137083 : f32
        %parallel_loop3A_697 = vector.broadcast %parallel_loop3A_696 : f32 to vector<16xf32>
        %parallel_loop3A_698 = arith.mulf %parallel_loop3A_695, %parallel_loop3A_697 : vector<16xf32>
        %parallel_loop3A_699 = arith.constant 0 : i32
        %parallel_loop3A_700 = arith.index_cast %parallel_loop3A_699 : i32 to index
        %parallel_loop3A_701 = arith.index_cast %parallel_loop3A_574 : i32 to index
        %parallel_loop3A_702 = arith.constant 80 : index
        %parallel_loop3A_703 = tpu.vector_load %arg9[%parallel_loop3A_700, %parallel_loop3A_701, %parallel_loop3A_702] {strides = array<i32>} : memref<2x128x128xf32, #tpu.memory_space<vmem>>, vector<1x1x16xf32>,
        %parallel_loop3A_704 = vector.shape_cast %parallel_loop3A_703 : vector<1x1x16xf32> to vector<16xf32>
        %parallel_loop3A_705 = arith.addf %parallel_loop3A_698, %parallel_loop3A_704 : vector<16xf32>
        %parallel_loop3A_706 = arith.constant 0 : i32
        %parallel_loop3A_707 = arith.index_cast %parallel_loop3A_706 : i32 to index
        %parallel_loop3A_708 = arith.index_cast %parallel_loop3A_574 : i32 to index
        %parallel_loop3A_709 = arith.constant 80 : index
        %parallel_loop3A_710 = tpu.vector_load %arg10[%parallel_loop3A_707, %parallel_loop3A_708, %parallel_loop3A_709] {strides = array<i32>} : memref<2x128x128xf32, #tpu.memory_space<vmem>>, vector<1x1x16xf32>,
        %parallel_loop3A_711 = vector.shape_cast %parallel_loop3A_710 : vector<1x1x16xf32> to vector<16xf32>
        %parallel_loop3A_712 = vector.shape_cast %parallel_loop3A_705 : vector<16xf32> to vector<1x1x16xf32>
        tpu.vector_store %arg10[%parallel_loop3A_707, %parallel_loop3A_708, %parallel_loop3A_709], %parallel_loop3A_712 {strides = array<i32>} : memref<2x128x128xf32, #tpu.memory_space<vmem>>, vector<1x1x16xf32>,
        %parallel_loop3A_713 = arith.constant 0 : i32
        %parallel_loop3A_714 = arith.index_cast %parallel_loop3A_713 : i32 to index
        %parallel_loop3A_715 = arith.index_cast %parallel_loop3A_574 : i32 to index
        %parallel_loop3A_716 = arith.constant 96 : index
        %parallel_loop3A_717 = tpu.vector_load %arg8[%parallel_loop3A_714, %parallel_loop3A_715, %parallel_loop3A_716] {strides = array<i32>} : memref<2x128x128xf32, #tpu.memory_space<vmem>>, vector<1x1x16xf32>,
        %parallel_loop3A_718 = vector.shape_cast %parallel_loop3A_717 : vector<1x1x16xf32> to vector<16xf32>
        %parallel_loop3A_719 = arith.constant 11.3137083 : f32
        %parallel_loop3A_720 = vector.broadcast %parallel_loop3A_719 : f32 to vector<16xf32>
        %parallel_loop3A_721 = arith.mulf %parallel_loop3A_718, %parallel_loop3A_720 : vector<16xf32>
        %parallel_loop3A_722 = arith.constant 0 : i32
        %parallel_loop3A_723 = arith.index_cast %parallel_loop3A_722 : i32 to index
        %parallel_loop3A_724 = arith.index_cast %parallel_loop3A_574 : i32 to index
        %parallel_loop3A_725 = arith.constant 96 : index
        %parallel_loop3A_726 = tpu.vector_load %arg9[%parallel_loop3A_723, %parallel_loop3A_724, %parallel_loop3A_725] {strides = array<i32>} : memref<2x128x128xf32, #tpu.memory_space<vmem>>, vector<1x1x16xf32>,
        %parallel_loop3A_727 = vector.shape_cast %parallel_loop3A_726 : vector<1x1x16xf32> to vector<16xf32>
        %parallel_loop3A_728 = arith.addf %parallel_loop3A_721, %parallel_loop3A_727 : vector<16xf32>
        %parallel_loop3A_729 = arith.constant 0 : i32
        %parallel_loop3A_730 = arith.index_cast %parallel_loop3A_729 : i32 to index
        %parallel_loop3A_731 = arith.index_cast %parallel_loop3A_574 : i32 to index
        %parallel_loop3A_732 = arith.constant 96 : index
        %parallel_loop3A_733 = tpu.vector_load %arg10[%parallel_loop3A_730, %parallel_loop3A_731, %parallel_loop3A_732] {strides = array<i32>} : memref<2x128x128xf32, #tpu.memory_space<vmem>>, vector<1x1x16xf32>,
        %parallel_loop3A_734 = vector.shape_cast %parallel_loop3A_733 : vector<1x1x16xf32> to vector<16xf32>
        %parallel_loop3A_735 = vector.shape_cast %parallel_loop3A_728 : vector<16xf32> to vector<1x1x16xf32>
        tpu.vector_store %arg10[%parallel_loop3A_730, %parallel_loop3A_731, %parallel_loop3A_732], %parallel_loop3A_735 {strides = array<i32>} : memref<2x128x128xf32, #tpu.memory_space<vmem>>, vector<1x1x16xf32>,
        %parallel_loop3A_736 = arith.constant 0 : i32
        %parallel_loop3A_737 = arith.index_cast %parallel_loop3A_736 : i32 to index
        %parallel_loop3A_738 = arith.index_cast %parallel_loop3A_574 : i32 to index
        %parallel_loop3A_739 = arith.constant 112 : index
        %parallel_loop3A_740 = tpu.vector_load %arg8[%parallel_loop3A_737, %parallel_loop3A_738, %parallel_loop3A_739] {strides = array<i32>} : memref<2x128x128xf32, #tpu.memory_space<vmem>>, vector<1x1x16xf32>,
        %parallel_loop3A_741 = vector.shape_cast %parallel_loop3A_740 : vector<1x1x16xf32> to vector<16xf32>
        %parallel_loop3A_742 = arith.constant 11.3137083 : f32
        %parallel_loop3A_743 = vector.broadcast %parallel_loop3A_742 : f32 to vector<16xf32>
        %parallel_loop3A_744 = arith.mulf %parallel_loop3A_741, %parallel_loop3A_743 : vector<16xf32>
        %parallel_loop3A_745 = arith.constant 0 : i32
        %parallel_loop3A_746 = arith.index_cast %parallel_loop3A_745 : i32 to index
        %parallel_loop3A_747 = arith.index_cast %parallel_loop3A_574 : i32 to index
        %parallel_loop3A_748 = arith.constant 112 : index
        %parallel_loop3A_749 = tpu.vector_load %arg9[%parallel_loop3A_746, %parallel_loop3A_747, %parallel_loop3A_748] {strides = array<i32>} : memref<2x128x128xf32, #tpu.memory_space<vmem>>, vector<1x1x16xf32>,
        %parallel_loop3A_750 = vector.shape_cast %parallel_loop3A_749 : vector<1x1x16xf32> to vector<16xf32>
        %parallel_loop3A_751 = arith.addf %parallel_loop3A_744, %parallel_loop3A_750 : vector<16xf32>
        %parallel_loop3A_752 = arith.constant 0 : i32
        %parallel_loop3A_753 = arith.index_cast %parallel_loop3A_752 : i32 to index
        %parallel_loop3A_754 = arith.index_cast %parallel_loop3A_574 : i32 to index
        %parallel_loop3A_755 = arith.constant 112 : index
        %parallel_loop3A_756 = tpu.vector_load %arg10[%parallel_loop3A_753, %parallel_loop3A_754, %parallel_loop3A_755] {strides = array<i32>} : memref<2x128x128xf32, #tpu.memory_space<vmem>>, vector<1x1x16xf32>,
        %parallel_loop3A_757 = vector.shape_cast %parallel_loop3A_756 : vector<1x1x16xf32> to vector<16xf32>
        %parallel_loop3A_758 = vector.shape_cast %parallel_loop3A_751 : vector<16xf32> to vector<1x1x16xf32>
        tpu.vector_store %arg10[%parallel_loop3A_753, %parallel_loop3A_754, %parallel_loop3A_755], %parallel_loop3A_758 {strides = array<i32>} : memref<2x128x128xf32, #tpu.memory_space<vmem>>, vector<1x1x16xf32>,
      } {sc.loop_unroll_factor = 4 : i64, sc.parallel_access}
      %mul3A_423 = arith.constant 128 : i32
      %mul3A_424 = arith.muli %add3A_372, %mul3A_423 : i32
      %add3A_425 = arith.addi %multiple_of3A, %mul3A_424 : i32
      %multiple_of3A_426 = tpu.assume_multiple %add3A_425, 128 : i32
      %dma_start3A_427 = arith.constant 0 : i32
      %dma_start3A_428 = arith.constant 0 : i32
      %dma_start3A_429 = arith.constant 0 : i32
      %dma_start3A_430 = tpu.memref_slice %arg10[%dma_start3A_427, %dma_start3A_428, %dma_start3A_429] : memref<2x128x128xf32, #tpu.memory_space<vmem>> -> memref<1x128x128xf32, #tpu.memory_space<vmem>>
      %dma_start3A_431 = tpu.memref_squeeze %dma_start3A_430 : memref<1x128x128xf32, #tpu.memory_space<vmem>> -> memref<128x128xf32, #tpu.memory_space<vmem>>
      %dma_start3A_432 = arith.constant 0 : i32
      %dma_start3A_433 = tpu.memref_slice %arg5[%multiple_of3A_426, %dma_start3A_432] : memref<204800x128xf32, #tpu.memory_space<hbm>> -> memref<128x128xf32, #tpu.memory_space<hbm>>
      %dma_start3A_434 = arith.constant 0 : i32
      %dma_start3A_435 = tpu.memref_slice %arg5[%multiple_of3A_426, %dma_start3A_434] : memref<204800x128xf32, #tpu.memory_space<hbm>> -> memref<128x128xf32, #tpu.memory_space<hbm>>
      %dma_start3A_436 = arith.constant 0 : i32
      %dma_start3A_437 = arith.constant 0 : i32
      %dma_start3A_438 = tpu.memref_slice %arg10[%dma_start3A_427, %dma_start3A_436, %dma_start3A_437] : memref<2x128x128xf32, #tpu.memory_space<vmem>> -> memref<1x128x128xf32, #tpu.memory_space<vmem>>
      %dma_start3A_439 = tpu.memref_squeeze %dma_start3A_438 : memref<1x128x128xf32, #tpu.memory_space<vmem>> -> memref<128x128xf32, #tpu.memory_space<vmem>>
      tpu.enqueue_dma source(%dma_start3A_439 : memref<128x128xf32, #tpu.memory_space<vmem>>) target(%dma_start3A_435 : memref<128x128xf32, #tpu.memory_space<hbm>>) target_semaphore(%arg16 : memref<!tpu.dma_semaphore, #tpu.memory_space<semaphore_mem>>)
      %add3A_440 = arith.constant 2 : i32
      %add3A_441 = arith.addi %add3A_372, %add3A_440 : i32
      %mul3A_442 = arith.constant 128 : i32
      %mul3A_443 = arith.muli %add3A_441, %mul3A_442 : i32
      %add3A_444 = arith.addi %multiple_of3A, %mul3A_443 : i32
      %multiple_of3A_445 = tpu.assume_multiple %add3A_444, 128 : i32
      %mul3A_446 = arith.constant 128 : i32
      %mul3A_447 = arith.muli %add3A_441, %mul3A_446 : i32
      %multiple_of3A_448 = tpu.assume_multiple %mul3A_447, 128 : i32
      %dma_start3A_449 = arith.constant 0 : i32
      %dma_start3A_450 = arith.constant 0 : i32
      %dma_start3A_451 = arith.constant 0 : i32
      %dma_start3A_452 = tpu.memref_slice %arg8[%dma_start3A_449, %dma_start3A_450, %dma_start3A_451] : memref<2x128x128xf32, #tpu.memory_space<vmem>> -> memref<1x128x128xf32, #tpu.memory_space<vmem>>
      %dma_start3A_453 = tpu.memref_squeeze %dma_start3A_452 : memref<1x128x128xf32, #tpu.memory_space<vmem>> -> memref<128x128xf32, #tpu.memory_space<vmem>>
      %dma_start3A_454 = tpu.memref_slice %arg7[%multiple_of3A_448] : memref<6400xi32, #tpu.memory_space<vmem>> -> memref<128xi32, #tpu.memory_space<vmem>>
      %dma_start3A_455 = arith.constant 0 : i32
      %dma_start3A_456 = arith.constant 0 : i32
      %dma_start3A_457 = tpu.memref_slice %arg6[%dma_start3A_455, %dma_start3A_456] : memref<1000x128xf32, #tpu.memory_space<vmem_shared>> -> memref<1000x128xf32, #tpu.memory_space<vmem_shared>>
      tpu.enqueue_indirect_dma source(%dma_start3A_457 : memref<1000x128xf32, #tpu.memory_space<vmem_shared>>) target(%dma_start3A_453 : memref<128x128xf32, #tpu.memory_space<vmem>>) offsets(%dma_start3A_454 : memref<128xi32, #tpu.memory_space<vmem>>) semaphore(%arg12 : memref<!tpu.dma_semaphore, #tpu.memory_space<semaphore_mem>>)
      %dma_start3A_458 = arith.constant 0 : i32
      %dma_start3A_459 = arith.constant 0 : i32
      %dma_start3A_460 = arith.constant 0 : i32
      %dma_start3A_461 = tpu.memref_slice %arg9[%dma_start3A_458, %dma_start3A_459, %dma_start3A_460] : memref<2x128x128xf32, #tpu.memory_space<vmem>> -> memref<1x128x128xf32, #tpu.memory_space<vmem>>
      %dma_start3A_462 = tpu.memref_squeeze %dma_start3A_461 : memref<1x128x128xf32, #tpu.memory_space<vmem>> -> memref<128x128xf32, #tpu.memory_space<vmem>>
      %dma_start3A_463 = arith.constant 0 : i32
      %dma_start3A_464 = tpu.memref_slice %arg4[%multiple_of3A_445, %dma_start3A_463] : memref<204800x128xf32, #tpu.memory_space<hbm>> -> memref<128x128xf32, #tpu.memory_space<hbm>>
      %dma_start3A_465 = arith.constant 0 : i32
      %dma_start3A_466 = arith.constant 0 : i32
      %dma_start3A_467 = tpu.memref_slice %arg9[%dma_start3A_458, %dma_start3A_465, %dma_start3A_466] : memref<2x128x128xf32, #tpu.memory_space<vmem>> -> memref<1x128x128xf32, #tpu.memory_space<vmem>>
      %dma_start3A_468 = tpu.memref_squeeze %dma_start3A_467 : memref<1x128x128xf32, #tpu.memory_space<vmem>> -> memref<128x128xf32, #tpu.memory_space<vmem>>
      %dma_start3A_469 = arith.constant 0 : i32
      %dma_start3A_470 = tpu.memref_slice %arg4[%multiple_of3A_445, %dma_start3A_469] : memref<204800x128xf32, #tpu.memory_space<hbm>> -> memref<128x128xf32, #tpu.memory_space<hbm>>
      tpu.enqueue_dma source(%dma_start3A_470 : memref<128x128xf32, #tpu.memory_space<hbm>>) target(%dma_start3A_468 : memref<128x128xf32, #tpu.memory_space<vmem>>) target_semaphore(%arg14 : memref<!tpu.dma_semaphore, #tpu.memory_space<semaphore_mem>>)
      %mul3A_471 = arith.constant 2 : i32
      %mul3A_472 = arith.muli %scan3A_368, %mul3A_471 : i32
      %add3A_473 = arith.constant 1 : i32
      %add3A_474 = arith.addi %mul3A_472, %add3A_473 : i32
      %mul3A_475 = arith.constant 128 : i32
      %mul3A_476 = arith.muli %add3A_474, %mul3A_475 : i32
      %add3A_477 = arith.addi %multiple_of3A, %mul3A_476 : i32
      %multiple_of3A_478 = tpu.assume_multiple %add3A_477, 128 : i32
      %mul3A_479 = arith.constant 128 : i32
      %mul3A_480 = arith.muli %add3A_474, %mul3A_479 : i32
      %multiple_of3A_481 = tpu.assume_multiple %mul3A_480, 128 : i32
      %dma_wait3A_482 = arith.constant 1 : i32
      %dma_wait3A_483 = arith.constant 0 : i32
      %dma_wait3A_484 = arith.constant 0 : i32
      %dma_wait3A_485 = tpu.memref_slice %arg8[%dma_wait3A_482, %dma_wait3A_483, %dma_wait3A_484] : memref<2x128x128xf32, #tpu.memory_space<vmem>> -> memref<1x128x128xf32, #tpu.memory_space<vmem>>
      %dma_wait3A_486 = tpu.memref_squeeze %dma_wait3A_485 : memref<1x128x128xf32, #tpu.memory_space<vmem>> -> memref<128x128xf32, #tpu.memory_space<vmem>>
      %dma_wait3A_487 = tpu.memref_slice %arg7[%multiple_of3A_481] : memref<6400xi32, #tpu.memory_space<vmem>> -> memref<128xi32, #tpu.memory_space<vmem>>
      %dma_wait3A_488 = arith.constant 0 : i32
      %dma_wait3A_489 = arith.constant 0 : i32
      %dma_wait3A_490 = tpu.memref_slice %arg6[%dma_wait3A_488, %dma_wait3A_489] : memref<1000x128xf32, #tpu.memory_space<vmem_shared>> -> memref<1000x128xf32, #tpu.memory_space<vmem_shared>>
      tpu.wait_indirect_dma semaphore(%arg13 : memref<!tpu.dma_semaphore, #tpu.memory_space<semaphore_mem>>) src(%dma_wait3A_490 : memref<1000x128xf32, #tpu.memory_space<vmem_shared>>) dst(%dma_wait3A_486 : memref<128x128xf32, #tpu.memory_space<vmem>>)
      %dma_wait3A_491 = arith.constant 1 : i32
      %dma_wait3A_492 = arith.constant 0 : i32
      %dma_wait3A_493 = arith.constant 0 : i32
      %dma_wait3A_494 = tpu.memref_slice %arg9[%dma_wait3A_491, %dma_wait3A_492, %dma_wait3A_493] : memref<2x128x128xf32, #tpu.memory_space<vmem>> -> memref<1x128x128xf32, #tpu.memory_space<vmem>>
      %dma_wait3A_495 = tpu.memref_squeeze %dma_wait3A_494 : memref<1x128x128xf32, #tpu.memory_space<vmem>> -> memref<128x128xf32, #tpu.memory_space<vmem>>
      %dma_wait3A_496 = arith.constant 0 : i32
      %dma_wait3A_497 = tpu.memref_slice %arg4[%multiple_of3A_478, %dma_wait3A_496] : memref<204800x128xf32, #tpu.memory_space<hbm>> -> memref<128x128xf32, #tpu.memory_space<hbm>>
      %dma_wait3A_498 = arith.constant 0 : i32
      %dma_wait3A_499 = arith.constant 0 : i32
      %dma_wait3A_500 = tpu.memref_slice %arg9[%dma_wait3A_491, %dma_wait3A_498, %dma_wait3A_499] : memref<2x128x128xf32, #tpu.memory_space<vmem>> -> memref<1x128x128xf32, #tpu.memory_space<vmem>>
      %dma_wait3A_501 = tpu.memref_squeeze %dma_wait3A_500 : memref<1x128x128xf32, #tpu.memory_space<vmem>> -> memref<128x128xf32, #tpu.memory_space<vmem>>
      %dma_wait3A_502 = arith.constant 0 : i32
      %dma_wait3A_503 = tpu.memref_slice %arg4[%multiple_of3A_478, %dma_wait3A_502] : memref<204800x128xf32, #tpu.memory_space<hbm>> -> memref<128x128xf32, #tpu.memory_space<hbm>>
      tpu.wait_dma2 semaphore(%arg15 : memref<!tpu.dma_semaphore, #tpu.memory_space<semaphore_mem>>) src(%dma_wait3A_503 : memref<128x128xf32, #tpu.memory_space<hbm>>) dst(%dma_wait3A_501 : memref<128x128xf32, #tpu.memory_space<vmem>>)
      %sub3A_504 = arith.constant 2 : i32
      %sub3A_505 = arith.subi %add3A_474, %sub3A_504 : i32
      %mul3A_506 = arith.constant 128 : i32
      %mul3A_507 = arith.muli %sub3A_505, %mul3A_506 : i32
      %add3A_508 = arith.addi %multiple_of3A, %mul3A_507 : i32
      %multiple_of3A_509 = tpu.assume_multiple %add3A_508, 128 : i32
      %dma_wait3A_510 = arith.constant 1 : i32
      %dma_wait3A_511 = arith.constant 0 : i32
      %dma_wait3A_512 = arith.constant 0 : i32
      %dma_wait3A_513 = tpu.memref_slice %arg10[%dma_wait3A_510, %dma_wait3A_511, %dma_wait3A_512] : memref<2x128x128xf32, #tpu.memory_space<vmem>> -> memref<1x128x128xf32, #tpu.memory_space<vmem>>
      %dma_wait3A_514 = tpu.memref_squeeze %dma_wait3A_513 : memref<1x128x128xf32, #tpu.memory_space<vmem>> -> memref<128x128xf32, #tpu.memory_space<vmem>>
      %dma_wait3A_515 = arith.constant 0 : i32
      %dma_wait3A_516 = tpu.memref_slice %arg5[%multiple_of3A_509, %dma_wait3A_515] : memref<204800x128xf32, #tpu.memory_space<hbm>> -> memref<128x128xf32, #tpu.memory_space<hbm>>
      %dma_wait3A_517 = arith.constant 0 : i32
      %dma_wait3A_518 = tpu.memref_slice %arg5[%multiple_of3A_509, %dma_wait3A_517] : memref<204800x128xf32, #tpu.memory_space<hbm>> -> memref<128x128xf32, #tpu.memory_space<hbm>>
      %dma_wait3A_519 = arith.constant 0 : i32
      %dma_wait3A_520 = arith.constant 0 : i32
      %dma_wait3A_521 = tpu.memref_slice %arg10[%dma_wait3A_510, %dma_wait3A_519, %dma_wait3A_520] : memref<2x128x128xf32, #tpu.memory_space<vmem>> -> memref<1x128x128xf32, #tpu.memory_space<vmem>>
      %dma_wait3A_522 = tpu.memref_squeeze %dma_wait3A_521 : memref<1x128x128xf32, #tpu.memory_space<vmem>> -> memref<128x128xf32, #tpu.memory_space<vmem>>
      tpu.wait_dma2 semaphore(%arg17 : memref<!tpu.dma_semaphore, #tpu.memory_space<semaphore_mem>>) src(%dma_wait3A_522 : memref<128x128xf32, #tpu.memory_space<vmem>>) dst(%dma_wait3A_518 : memref<128x128xf32, #tpu.memory_space<hbm>>)
      %parallel_loop3A_523 = arith.constant 0 : i32
      %parallel_loop3A_524 = arith.constant 128 : i32
      %parallel_loop3A_525 = arith.constant 1 : i32
      scf.for %parallel_loop3A_574 = %parallel_loop3A_523 to %parallel_loop3A_524 step %parallel_loop3A_525  : i32 {
        %parallel_loop3A_575 = arith.constant 1 : i32
        %parallel_loop3A_576 = arith.index_cast %parallel_loop3A_575 : i32 to index
        %parallel_loop3A_577 = arith.index_cast %parallel_loop3A_574 : i32 to index
        %parallel_loop3A_578 = arith.constant 0 : index
        %parallel_loop3A_579 = tpu.vector_load %arg8[%parallel_loop3A_576, %parallel_loop3A_577, %parallel_loop3A_578] {strides = array<i32>} : memref<2x128x128xf32, #tpu.memory_space<vmem>>, vector<1x1x16xf32>,
        %parallel_loop3A_580 = vector.shape_cast %parallel_loop3A_579 : vector<1x1x16xf32> to vector<16xf32>
        %parallel_loop3A_581 = arith.constant 11.3137083 : f32
        %parallel_loop3A_582 = vector.broadcast %parallel_loop3A_581 : f32 to vector<16xf32>
        %parallel_loop3A_583 = arith.mulf %parallel_loop3A_580, %parallel_loop3A_582 : vector<16xf32>
        %parallel_loop3A_584 = arith.constant 1 : i32
        %parallel_loop3A_585 = arith.index_cast %parallel_loop3A_584 : i32 to index
        %parallel_loop3A_586 = arith.index_cast %parallel_loop3A_574 : i32 to index
        %parallel_loop3A_587 = arith.constant 0 : index
        %parallel_loop3A_588 = tpu.vector_load %arg9[%parallel_loop3A_585, %parallel_loop3A_586, %parallel_loop3A_587] {strides = array<i32>} : memref<2x128x128xf32, #tpu.memory_space<vmem>>, vector<1x1x16xf32>,
        %parallel_loop3A_589 = vector.shape_cast %parallel_loop3A_588 : vector<1x1x16xf32> to vector<16xf32>
        %parallel_loop3A_590 = arith.addf %parallel_loop3A_583, %parallel_loop3A_589 : vector<16xf32>
        %parallel_loop3A_591 = arith.constant 1 : i32
        %parallel_loop3A_592 = arith.index_cast %parallel_loop3A_591 : i32 to index
        %parallel_loop3A_593 = arith.index_cast %parallel_loop3A_574 : i32 to index
        %parallel_loop3A_594 = arith.constant 0 : index
        %parallel_loop3A_595 = tpu.vector_load %arg10[%parallel_loop3A_592, %parallel_loop3A_593, %parallel_loop3A_594] {strides = array<i32>} : memref<2x128x128xf32, #tpu.memory_space<vmem>>, vector<1x1x16xf32>,
        %parallel_loop3A_596 = vector.shape_cast %parallel_loop3A_595 : vector<1x1x16xf32> to vector<16xf32>
        %parallel_loop3A_597 = vector.shape_cast %parallel_loop3A_590 : vector<16xf32> to vector<1x1x16xf32>
        tpu.vector_store %arg10[%parallel_loop3A_592, %parallel_loop3A_593, %parallel_loop3A_594], %parallel_loop3A_597 {strides = array<i32>} : memref<2x128x128xf32, #tpu.memory_space<vmem>>, vector<1x1x16xf32>,
        %parallel_loop3A_598 = arith.constant 1 : i32
        %parallel_loop3A_599 = arith.index_cast %parallel_loop3A_598 : i32 to index
        %parallel_loop3A_600 = arith.index_cast %parallel_loop3A_574 : i32 to index
        %parallel_loop3A_601 = arith.constant 16 : index
        %parallel_loop3A_602 = tpu.vector_load %arg8[%parallel_loop3A_599, %parallel_loop3A_600, %parallel_loop3A_601] {strides = array<i32>} : memref<2x128x128xf32, #tpu.memory_space<vmem>>, vector<1x1x16xf32>,
        %parallel_loop3A_603 = vector.shape_cast %parallel_loop3A_602 : vector<1x1x16xf32> to vector<16xf32>
        %parallel_loop3A_604 = arith.constant 11.3137083 : f32
        %parallel_loop3A_605 = vector.broadcast %parallel_loop3A_604 : f32 to vector<16xf32>
        %parallel_loop3A_606 = arith.mulf %parallel_loop3A_603, %parallel_loop3A_605 : vector<16xf32>
        %parallel_loop3A_607 = arith.constant 1 : i32
        %parallel_loop3A_608 = arith.index_cast %parallel_loop3A_607 : i32 to index
        %parallel_loop3A_609 = arith.index_cast %parallel_loop3A_574 : i32 to index
        %parallel_loop3A_610 = arith.constant 16 : index
        %parallel_loop3A_611 = tpu.vector_load %arg9[%parallel_loop3A_608, %parallel_loop3A_609, %parallel_loop3A_610] {strides = array<i32>} : memref<2x128x128xf32, #tpu.memory_space<vmem>>, vector<1x1x16xf32>,
        %parallel_loop3A_612 = vector.shape_cast %parallel_loop3A_611 : vector<1x1x16xf32> to vector<16xf32>
        %parallel_loop3A_613 = arith.addf %parallel_loop3A_606, %parallel_loop3A_612 : vector<16xf32>
        %parallel_loop3A_614 = arith.constant 1 : i32
        %parallel_loop3A_615 = arith.index_cast %parallel_loop3A_614 : i32 to index
        %parallel_loop3A_616 = arith.index_cast %parallel_loop3A_574 : i32 to index
        %parallel_loop3A_617 = arith.constant 16 : index
        %parallel_loop3A_618 = tpu.vector_load %arg10[%parallel_loop3A_615, %parallel_loop3A_616, %parallel_loop3A_617] {strides = array<i32>} : memref<2x128x128xf32, #tpu.memory_space<vmem>>, vector<1x1x16xf32>,
        %parallel_loop3A_619 = vector.shape_cast %parallel_loop3A_618 : vector<1x1x16xf32> to vector<16xf32>
        %parallel_loop3A_620 = vector.shape_cast %parallel_loop3A_613 : vector<16xf32> to vector<1x1x16xf32>
        tpu.vector_store %arg10[%parallel_loop3A_615, %parallel_loop3A_616, %parallel_loop3A_617], %parallel_loop3A_620 {strides = array<i32>} : memref<2x128x128xf32, #tpu.memory_space<vmem>>, vector<1x1x16xf32>,
        %parallel_loop3A_621 = arith.constant 1 : i32
        %parallel_loop3A_622 = arith.index_cast %parallel_loop3A_621 : i32 to index
        %parallel_loop3A_623 = arith.index_cast %parallel_loop3A_574 : i32 to index
        %parallel_loop3A_624 = arith.constant 32 : index
        %parallel_loop3A_625 = tpu.vector_load %arg8[%parallel_loop3A_622, %parallel_loop3A_623, %parallel_loop3A_624] {strides = array<i32>} : memref<2x128x128xf32, #tpu.memory_space<vmem>>, vector<1x1x16xf32>,
        %parallel_loop3A_626 = vector.shape_cast %parallel_loop3A_625 : vector<1x1x16xf32> to vector<16xf32>
        %parallel_loop3A_627 = arith.constant 11.3137083 : f32
        %parallel_loop3A_628 = vector.broadcast %parallel_loop3A_627 : f32 to vector<16xf32>
        %parallel_loop3A_629 = arith.mulf %parallel_loop3A_626, %parallel_loop3A_628 : vector<16xf32>
        %parallel_loop3A_630 = arith.constant 1 : i32
        %parallel_loop3A_631 = arith.index_cast %parallel_loop3A_630 : i32 to index
        %parallel_loop3A_632 = arith.index_cast %parallel_loop3A_574 : i32 to index
        %parallel_loop3A_633 = arith.constant 32 : index
        %parallel_loop3A_634 = tpu.vector_load %arg9[%parallel_loop3A_631, %parallel_loop3A_632, %parallel_loop3A_633] {strides = array<i32>} : memref<2x128x128xf32, #tpu.memory_space<vmem>>, vector<1x1x16xf32>,
        %parallel_loop3A_635 = vector.shape_cast %parallel_loop3A_634 : vector<1x1x16xf32> to vector<16xf32>
        %parallel_loop3A_636 = arith.addf %parallel_loop3A_629, %parallel_loop3A_635 : vector<16xf32>
        %parallel_loop3A_637 = arith.constant 1 : i32
        %parallel_loop3A_638 = arith.index_cast %parallel_loop3A_637 : i32 to index
        %parallel_loop3A_639 = arith.index_cast %parallel_loop3A_574 : i32 to index
        %parallel_loop3A_640 = arith.constant 32 : index
        %parallel_loop3A_641 = tpu.vector_load %arg10[%parallel_loop3A_638, %parallel_loop3A_639, %parallel_loop3A_640] {strides = array<i32>} : memref<2x128x128xf32, #tpu.memory_space<vmem>>, vector<1x1x16xf32>,
        %parallel_loop3A_642 = vector.shape_cast %parallel_loop3A_641 : vector<1x1x16xf32> to vector<16xf32>
        %parallel_loop3A_643 = vector.shape_cast %parallel_loop3A_636 : vector<16xf32> to vector<1x1x16xf32>
        tpu.vector_store %arg10[%parallel_loop3A_638, %parallel_loop3A_639, %parallel_loop3A_640], %parallel_loop3A_643 {strides = array<i32>} : memref<2x128x128xf32, #tpu.memory_space<vmem>>, vector<1x1x16xf32>,
        %parallel_loop3A_644 = arith.constant 1 : i32
        %parallel_loop3A_645 = arith.index_cast %parallel_loop3A_644 : i32 to index
        %parallel_loop3A_646 = arith.index_cast %parallel_loop3A_574 : i32 to index
        %parallel_loop3A_647 = arith.constant 48 : index
        %parallel_loop3A_648 = tpu.vector_load %arg8[%parallel_loop3A_645, %parallel_loop3A_646, %parallel_loop3A_647] {strides = array<i32>} : memref<2x128x128xf32, #tpu.memory_space<vmem>>, vector<1x1x16xf32>,
        %parallel_loop3A_649 = vector.shape_cast %parallel_loop3A_648 : vector<1x1x16xf32> to vector<16xf32>
        %parallel_loop3A_650 = arith.constant 11.3137083 : f32
        %parallel_loop3A_651 = vector.broadcast %parallel_loop3A_650 : f32 to vector<16xf32>
        %parallel_loop3A_652 = arith.mulf %parallel_loop3A_649, %parallel_loop3A_651 : vector<16xf32>
        %parallel_loop3A_653 = arith.constant 1 : i32
        %parallel_loop3A_654 = arith.index_cast %parallel_loop3A_653 : i32 to index
        %parallel_loop3A_655 = arith.index_cast %parallel_loop3A_574 : i32 to index
        %parallel_loop3A_656 = arith.constant 48 : index
        %parallel_loop3A_657 = tpu.vector_load %arg9[%parallel_loop3A_654, %parallel_loop3A_655, %parallel_loop3A_656] {strides = array<i32>} : memref<2x128x128xf32, #tpu.memory_space<vmem>>, vector<1x1x16xf32>,
        %parallel_loop3A_658 = vector.shape_cast %parallel_loop3A_657 : vector<1x1x16xf32> to vector<16xf32>
        %parallel_loop3A_659 = arith.addf %parallel_loop3A_652, %parallel_loop3A_658 : vector<16xf32>
        %parallel_loop3A_660 = arith.constant 1 : i32
        %parallel_loop3A_661 = arith.index_cast %parallel_loop3A_660 : i32 to index
        %parallel_loop3A_662 = arith.index_cast %parallel_loop3A_574 : i32 to index
        %parallel_loop3A_663 = arith.constant 48 : index
        %parallel_loop3A_664 = tpu.vector_load %arg10[%parallel_loop3A_661, %parallel_loop3A_662, %parallel_loop3A_663] {strides = array<i32>} : memref<2x128x128xf32, #tpu.memory_space<vmem>>, vector<1x1x16xf32>,
        %parallel_loop3A_665 = vector.shape_cast %parallel_loop3A_664 : vector<1x1x16xf32> to vector<16xf32>
        %parallel_loop3A_666 = vector.shape_cast %parallel_loop3A_659 : vector<16xf32> to vector<1x1x16xf32>
        tpu.vector_store %arg10[%parallel_loop3A_661, %parallel_loop3A_662, %parallel_loop3A_663], %parallel_loop3A_666 {strides = array<i32>} : memref<2x128x128xf32, #tpu.memory_space<vmem>>, vector<1x1x16xf32>,
        %parallel_loop3A_667 = arith.constant 1 : i32
        %parallel_loop3A_668 = arith.index_cast %parallel_loop3A_667 : i32 to index
        %parallel_loop3A_669 = arith.index_cast %parallel_loop3A_574 : i32 to index
        %parallel_loop3A_670 = arith.constant 64 : index
        %parallel_loop3A_671 = tpu.vector_load %arg8[%parallel_loop3A_668, %parallel_loop3A_669, %parallel_loop3A_670] {strides = array<i32>} : memref<2x128x128xf32, #tpu.memory_space<vmem>>, vector<1x1x16xf32>,
        %parallel_loop3A_672 = vector.shape_cast %parallel_loop3A_671 : vector<1x1x16xf32> to vector<16xf32>
        %parallel_loop3A_673 = arith.constant 11.3137083 : f32
        %parallel_loop3A_674 = vector.broadcast %parallel_loop3A_673 : f32 to vector<16xf32>
        %parallel_loop3A_675 = arith.mulf %parallel_loop3A_672, %parallel_loop3A_674 : vector<16xf32>
        %parallel_loop3A_676 = arith.constant 1 : i32
        %parallel_loop3A_677 = arith.index_cast %parallel_loop3A_676 : i32 to index
        %parallel_loop3A_678 = arith.index_cast %parallel_loop3A_574 : i32 to index
        %parallel_loop3A_679 = arith.constant 64 : index
        %parallel_loop3A_680 = tpu.vector_load %arg9[%parallel_loop3A_677, %parallel_loop3A_678, %parallel_loop3A_679] {strides = array<i32>} : memref<2x128x128xf32, #tpu.memory_space<vmem>>, vector<1x1x16xf32>,
        %parallel_loop3A_681 = vector.shape_cast %parallel_loop3A_680 : vector<1x1x16xf32> to vector<16xf32>
        %parallel_loop3A_682 = arith.addf %parallel_loop3A_675, %parallel_loop3A_681 : vector<16xf32>
        %parallel_loop3A_683 = arith.constant 1 : i32
        %parallel_loop3A_684 = arith.index_cast %parallel_loop3A_683 : i32 to index
        %parallel_loop3A_685 = arith.index_cast %parallel_loop3A_574 : i32 to index
        %parallel_loop3A_686 = arith.constant 64 : index
        %parallel_loop3A_687 = tpu.vector_load %arg10[%parallel_loop3A_684, %parallel_loop3A_685, %parallel_loop3A_686] {strides = array<i32>} : memref<2x128x128xf32, #tpu.memory_space<vmem>>, vector<1x1x16xf32>,
        %parallel_loop3A_688 = vector.shape_cast %parallel_loop3A_687 : vector<1x1x16xf32> to vector<16xf32>
        %parallel_loop3A_689 = vector.shape_cast %parallel_loop3A_682 : vector<16xf32> to vector<1x1x16xf32>
        tpu.vector_store %arg10[%parallel_loop3A_684, %parallel_loop3A_685, %parallel_loop3A_686], %parallel_loop3A_689 {strides = array<i32>} : memref<2x128x128xf32, #tpu.memory_space<vmem>>, vector<1x1x16xf32>,
        %parallel_loop3A_690 = arith.constant 1 : i32
        %parallel_loop3A_691 = arith.index_cast %parallel_loop3A_690 : i32 to index
        %parallel_loop3A_692 = arith.index_cast %parallel_loop3A_574 : i32 to index
        %parallel_loop3A_693 = arith.constant 80 : index
        %parallel_loop3A_694 = tpu.vector_load %arg8[%parallel_loop3A_691, %parallel_loop3A_692, %parallel_loop3A_693] {strides = array<i32>} : memref<2x128x128xf32, #tpu.memory_space<vmem>>, vector<1x1x16xf32>,
        %parallel_loop3A_695 = vector.shape_cast %parallel_loop3A_694 : vector<1x1x16xf32> to vector<16xf32>
        %parallel_loop3A_696 = arith.constant 11.3137083 : f32
        %parallel_loop3A_697 = vector.broadcast %parallel_loop3A_696 : f32 to vector<16xf32>
        %parallel_loop3A_698 = arith.mulf %parallel_loop3A_695, %parallel_loop3A_697 : vector<16xf32>
        %parallel_loop3A_699 = arith.constant 1 : i32
        %parallel_loop3A_700 = arith.index_cast %parallel_loop3A_699 : i32 to index
        %parallel_loop3A_701 = arith.index_cast %parallel_loop3A_574 : i32 to index
        %parallel_loop3A_702 = arith.constant 80 : index
        %parallel_loop3A_703 = tpu.vector_load %arg9[%parallel_loop3A_700, %parallel_loop3A_701, %parallel_loop3A_702] {strides = array<i32>} : memref<2x128x128xf32, #tpu.memory_space<vmem>>, vector<1x1x16xf32>,
        %parallel_loop3A_704 = vector.shape_cast %parallel_loop3A_703 : vector<1x1x16xf32> to vector<16xf32>
        %parallel_loop3A_705 = arith.addf %parallel_loop3A_698, %parallel_loop3A_704 : vector<16xf32>
        %parallel_loop3A_706 = arith.constant 1 : i32
        %parallel_loop3A_707 = arith.index_cast %parallel_loop3A_706 : i32 to index
        %parallel_loop3A_708 = arith.index_cast %parallel_loop3A_574 : i32 to index
        %parallel_loop3A_709 = arith.constant 80 : index
        %parallel_loop3A_710 = tpu.vector_load %arg10[%parallel_loop3A_707, %parallel_loop3A_708, %parallel_loop3A_709] {strides = array<i32>} : memref<2x128x128xf32, #tpu.memory_space<vmem>>, vector<1x1x16xf32>,
        %parallel_loop3A_711 = vector.shape_cast %parallel_loop3A_710 : vector<1x1x16xf32> to vector<16xf32>
        %parallel_loop3A_712 = vector.shape_cast %parallel_loop3A_705 : vector<16xf32> to vector<1x1x16xf32>
        tpu.vector_store %arg10[%parallel_loop3A_707, %parallel_loop3A_708, %parallel_loop3A_709], %parallel_loop3A_712 {strides = array<i32>} : memref<2x128x128xf32, #tpu.memory_space<vmem>>, vector<1x1x16xf32>,
        %parallel_loop3A_713 = arith.constant 1 : i32
        %parallel_loop3A_714 = arith.index_cast %parallel_loop3A_713 : i32 to index
        %parallel_loop3A_715 = arith.index_cast %parallel_loop3A_574 : i32 to index
        %parallel_loop3A_716 = arith.constant 96 : index
        %parallel_loop3A_717 = tpu.vector_load %arg8[%parallel_loop3A_714, %parallel_loop3A_715, %parallel_loop3A_716] {strides = array<i32>} : memref<2x128x128xf32, #tpu.memory_space<vmem>>, vector<1x1x16xf32>,
        %parallel_loop3A_718 = vector.shape_cast %parallel_loop3A_717 : vector<1x1x16xf32> to vector<16xf32>
        %parallel_loop3A_719 = arith.constant 11.3137083 : f32
        %parallel_loop3A_720 = vector.broadcast %parallel_loop3A_719 : f32 to vector<16xf32>
        %parallel_loop3A_721 = arith.mulf %parallel_loop3A_718, %parallel_loop3A_720 : vector<16xf32>
        %parallel_loop3A_722 = arith.constant 1 : i32
        %parallel_loop3A_723 = arith.index_cast %parallel_loop3A_722 : i32 to index
        %parallel_loop3A_724 = arith.index_cast %parallel_loop3A_574 : i32 to index
        %parallel_loop3A_725 = arith.constant 96 : index
        %parallel_loop3A_726 = tpu.vector_load %arg9[%parallel_loop3A_723, %parallel_loop3A_724, %parallel_loop3A_725] {strides = array<i32>} : memref<2x128x128xf32, #tpu.memory_space<vmem>>, vector<1x1x16xf32>,
        %parallel_loop3A_727 = vector.shape_cast %parallel_loop3A_726 : vector<1x1x16xf32> to vector<16xf32>
        %parallel_loop3A_728 = arith.addf %parallel_loop3A_721, %parallel_loop3A_727 : vector<16xf32>
        %parallel_loop3A_729 = arith.constant 1 : i32
        %parallel_loop3A_730 = arith.index_cast %parallel_loop3A_729 : i32 to index
        %parallel_loop3A_731 = arith.index_cast %parallel_loop3A_574 : i32 to index
        %parallel_loop3A_732 = arith.constant 96 : index
        %parallel_loop3A_733 = tpu.vector_load %arg10[%parallel_loop3A_730, %parallel_loop3A_731, %parallel_loop3A_732] {strides = array<i32>} : memref<2x128x128xf32, #tpu.memory_space<vmem>>, vector<1x1x16xf32>,
        %parallel_loop3A_734 = vector.shape_cast %parallel_loop3A_733 : vector<1x1x16xf32> to vector<16xf32>
        %parallel_loop3A_735 = vector.shape_cast %parallel_loop3A_728 : vector<16xf32> to vector<1x1x16xf32>
        tpu.vector_store %arg10[%parallel_loop3A_730, %parallel_loop3A_731, %parallel_loop3A_732], %parallel_loop3A_735 {strides = array<i32>} : memref<2x128x128xf32, #tpu.memory_space<vmem>>, vector<1x1x16xf32>,
        %parallel_loop3A_736 = arith.constant 1 : i32
        %parallel_loop3A_737 = arith.index_cast %parallel_loop3A_736 : i32 to index
        %parallel_loop3A_738 = arith.index_cast %parallel_loop3A_574 : i32 to index
        %parallel_loop3A_739 = arith.constant 112 : index
        %parallel_loop3A_740 = tpu.vector_load %arg8[%parallel_loop3A_737, %parallel_loop3A_738, %parallel_loop3A_739] {strides = array<i32>} : memref<2x128x128xf32, #tpu.memory_space<vmem>>, vector<1x1x16xf32>,
        %parallel_loop3A_741 = vector.shape_cast %parallel_loop3A_740 : vector<1x1x16xf32> to vector<16xf32>
        %parallel_loop3A_742 = arith.constant 11.3137083 : f32
        %parallel_loop3A_743 = vector.broadcast %parallel_loop3A_742 : f32 to vector<16xf32>
        %parallel_loop3A_744 = arith.mulf %parallel_loop3A_741, %parallel_loop3A_743 : vector<16xf32>
        %parallel_loop3A_745 = arith.constant 1 : i32
        %parallel_loop3A_746 = arith.index_cast %parallel_loop3A_745 : i32 to index
        %parallel_loop3A_747 = arith.index_cast %parallel_loop3A_574 : i32 to index
        %parallel_loop3A_748 = arith.constant 112 : index
        %parallel_loop3A_749 = tpu.vector_load %arg9[%parallel_loop3A_746, %parallel_loop3A_747, %parallel_loop3A_748] {strides = array<i32>} : memref<2x128x128xf32, #tpu.memory_space<vmem>>, vector<1x1x16xf32>,
        %parallel_loop3A_750 = vector.shape_cast %parallel_loop3A_749 : vector<1x1x16xf32> to vector<16xf32>
        %parallel_loop3A_751 = arith.addf %parallel_loop3A_744, %parallel_loop3A_750 : vector<16xf32>
        %parallel_loop3A_752 = arith.constant 1 : i32
        %parallel_loop3A_753 = arith.index_cast %parallel_loop3A_752 : i32 to index
        %parallel_loop3A_754 = arith.index_cast %parallel_loop3A_574 : i32 to index
        %parallel_loop3A_755 = arith.constant 112 : index
        %parallel_loop3A_756 = tpu.vector_load %arg10[%parallel_loop3A_753, %parallel_loop3A_754, %parallel_loop3A_755] {strides = array<i32>} : memref<2x128x128xf32, #tpu.memory_space<vmem>>, vector<1x1x16xf32>,
        %parallel_loop3A_757 = vector.shape_cast %parallel_loop3A_756 : vector<1x1x16xf32> to vector<16xf32>
        %parallel_loop3A_758 = vector.shape_cast %parallel_loop3A_751 : vector<16xf32> to vector<1x1x16xf32>
        tpu.vector_store %arg10[%parallel_loop3A_753, %parallel_loop3A_754, %parallel_loop3A_755], %parallel_loop3A_758 {strides = array<i32>} : memref<2x128x128xf32, #tpu.memory_space<vmem>>, vector<1x1x16xf32>,
      } {sc.loop_unroll_factor = 4 : i64, sc.parallel_access}
      %mul3A_526 = arith.constant 128 : i32
      %mul3A_527 = arith.muli %add3A_474, %mul3A_526 : i32
      %add3A_528 = arith.addi %multiple_of3A, %mul3A_527 : i32
      %multiple_of3A_529 = tpu.assume_multiple %add3A_528, 128 : i32
      %dma_start3A_530 = arith.constant 1 : i32
      %dma_start3A_531 = arith.constant 0 : i32
      %dma_start3A_532 = arith.constant 0 : i32
      %dma_start3A_533 = tpu.memref_slice %arg10[%dma_start3A_530, %dma_start3A_531, %dma_start3A_532] : memref<2x128x128xf32, #tpu.memory_space<vmem>> -> memref<1x128x128xf32, #tpu.memory_space<vmem>>
      %dma_start3A_534 = tpu.memref_squeeze %dma_start3A_533 : memref<1x128x128xf32, #tpu.memory_space<vmem>> -> memref<128x128xf32, #tpu.memory_space<vmem>>
      %dma_start3A_535 = arith.constant 0 : i32
      %dma_start3A_536 = tpu.memref_slice %arg5[%multiple_of3A_529, %dma_start3A_535] : memref<204800x128xf32, #tpu.memory_space<hbm>> -> memref<128x128xf32, #tpu.memory_space<hbm>>
      %dma_start3A_537 = arith.constant 0 : i32
      %dma_start3A_538 = tpu.memref_slice %arg5[%multiple_of3A_529, %dma_start3A_537] : memref<204800x128xf32, #tpu.memory_space<hbm>> -> memref<128x128xf32, #tpu.memory_space<hbm>>
      %dma_start3A_539 = arith.constant 0 : i32
      %dma_start3A_540 = arith.constant 0 : i32
      %dma_start3A_541 = tpu.memref_slice %arg10[%dma_start3A_530, %dma_start3A_539, %dma_start3A_540] : memref<2x128x128xf32, #tpu.memory_space<vmem>> -> memref<1x128x128xf32, #tpu.memory_space<vmem>>
      %dma_start3A_542 = tpu.memref_squeeze %dma_start3A_541 : memref<1x128x128xf32, #tpu.memory_space<vmem>> -> memref<128x128xf32, #tpu.memory_space<vmem>>
      tpu.enqueue_dma source(%dma_start3A_542 : memref<128x128xf32, #tpu.memory_space<vmem>>) target(%dma_start3A_538 : memref<128x128xf32, #tpu.memory_space<hbm>>) target_semaphore(%arg17 : memref<!tpu.dma_semaphore, #tpu.memory_space<semaphore_mem>>)
      %add3A_543 = arith.constant 2 : i32
      %add3A_544 = arith.addi %add3A_474, %add3A_543 : i32
      %mul3A_545 = arith.constant 128 : i32
      %mul3A_546 = arith.muli %add3A_544, %mul3A_545 : i32
      %add3A_547 = arith.addi %multiple_of3A, %mul3A_546 : i32
      %multiple_of3A_548 = tpu.assume_multiple %add3A_547, 128 : i32
      %mul3A_549 = arith.constant 128 : i32
      %mul3A_550 = arith.muli %add3A_544, %mul3A_549 : i32
      %multiple_of3A_551 = tpu.assume_multiple %mul3A_550, 128 : i32
      %dma_start3A_552 = arith.constant 1 : i32
      %dma_start3A_553 = arith.constant 0 : i32
      %dma_start3A_554 = arith.constant 0 : i32
      %dma_start3A_555 = tpu.memref_slice %arg8[%dma_start3A_552, %dma_start3A_553, %dma_start3A_554] : memref<2x128x128xf32, #tpu.memory_space<vmem>> -> memref<1x128x128xf32, #tpu.memory_space<vmem>>
      %dma_start3A_556 = tpu.memref_squeeze %dma_start3A_555 : memref<1x128x128xf32, #tpu.memory_space<vmem>> -> memref<128x128xf32, #tpu.memory_space<vmem>>
      %dma_start3A_557 = tpu.memref_slice %arg7[%multiple_of3A_551] : memref<6400xi32, #tpu.memory_space<vmem>> -> memref<128xi32, #tpu.memory_space<vmem>>
      %dma_start3A_558 = arith.constant 0 : i32
      %dma_start3A_559 = arith.constant 0 : i32
      %dma_start3A_560 = tpu.memref_slice %arg6[%dma_start3A_558, %dma_start3A_559] : memref<1000x128xf32, #tpu.memory_space<vmem_shared>> -> memref<1000x128xf32, #tpu.memory_space<vmem_shared>>
      tpu.enqueue_indirect_dma source(%dma_start3A_560 : memref<1000x128xf32, #tpu.memory_space<vmem_shared>>) target(%dma_start3A_556 : memref<128x128xf32, #tpu.memory_space<vmem>>) offsets(%dma_start3A_557 : memref<128xi32, #tpu.memory_space<vmem>>) semaphore(%arg13 : memref<!tpu.dma_semaphore, #tpu.memory_space<semaphore_mem>>)
      %dma_start3A_561 = arith.constant 1 : i32
      %dma_start3A_562 = arith.constant 0 : i32
      %dma_start3A_563 = arith.constant 0 : i32
      %dma_start3A_564 = tpu.memref_slice %arg9[%dma_start3A_561, %dma_start3A_562, %dma_start3A_563] : memref<2x128x128xf32, #tpu.memory_space<vmem>> -> memref<1x128x128xf32, #tpu.memory_space<vmem>>
      %dma_start3A_565 = tpu.memref_squeeze %dma_start3A_564 : memref<1x128x128xf32, #tpu.memory_space<vmem>> -> memref<128x128xf32, #tpu.memory_space<vmem>>
      %dma_start3A_566 = arith.constant 0 : i32
      %dma_start3A_567 = tpu.memref_slice %arg4[%multiple_of3A_548, %dma_start3A_566] : memref<204800x128xf32, #tpu.memory_space<hbm>> -> memref<128x128xf32, #tpu.memory_space<hbm>>
      %dma_start3A_568 = arith.constant 0 : i32
      %dma_start3A_569 = arith.constant 0 : i32
      %dma_start3A_570 = tpu.memref_slice %arg9[%dma_start3A_561, %dma_start3A_568, %dma_start3A_569] : memref<2x128x128xf32, #tpu.memory_space<vmem>> -> memref<1x128x128xf32, #tpu.memory_space<vmem>>
      %dma_start3A_571 = tpu.memref_squeeze %dma_start3A_570 : memref<1x128x128xf32, #tpu.memory_space<vmem>> -> memref<128x128xf32, #tpu.memory_space<vmem>>
      %dma_start3A_572 = arith.constant 0 : i32
      %dma_start3A_573 = tpu.memref_slice %arg4[%multiple_of3A_548, %dma_start3A_572] : memref<204800x128xf32, #tpu.memory_space<hbm>> -> memref<128x128xf32, #tpu.memory_space<hbm>>
      tpu.enqueue_dma source(%dma_start3A_573 : memref<128x128xf32, #tpu.memory_space<hbm>>) target(%dma_start3A_571 : memref<128x128xf32, #tpu.memory_space<vmem>>) target_semaphore(%arg15 : memref<!tpu.dma_semaphore, #tpu.memory_space<semaphore_mem>>)
    }
    %scan3A_211 = arith.constant 23 : i32
    %add3A_212 = arith.constant 6144 : i32
    %add3A_213 = arith.addi %multiple_of3A, %add3A_212 : i32
    %multiple_of3A_214 = tpu.assume_multiple %add3A_213, 128 : i32
    %multiple_of3A_215 = arith.constant 6144 : i32
    %multiple_of3A_216 = tpu.assume_multiple %multiple_of3A_215, 128 : i32
    %dma_wait3A_217 = arith.constant 0 : i32
    %dma_wait3A_218 = arith.constant 0 : i32
    %dma_wait3A_219 = arith.constant 0 : i32
    %dma_wait3A_220 = tpu.memref_slice %arg8[%dma_wait3A_217, %dma_wait3A_218, %dma_wait3A_219] : memref<2x128x128xf32, #tpu.memory_space<vmem>> -> memref<1x128x128xf32, #tpu.memory_space<vmem>>
    %dma_wait3A_221 = tpu.memref_squeeze %dma_wait3A_220 : memref<1x128x128xf32, #tpu.memory_space<vmem>> -> memref<128x128xf32, #tpu.memory_space<vmem>>
    %dma_wait3A_222 = tpu.memref_slice %arg7[%multiple_of3A_216] : memref<6400xi32, #tpu.memory_space<vmem>> -> memref<128xi32, #tpu.memory_space<vmem>>
    %dma_wait3A_223 = arith.constant 0 : i32
    %dma_wait3A_224 = arith.constant 0 : i32
    %dma_wait3A_225 = tpu.memref_slice %arg6[%dma_wait3A_223, %dma_wait3A_224] : memref<1000x128xf32, #tpu.memory_space<vmem_shared>> -> memref<1000x128xf32, #tpu.memory_space<vmem_shared>>
    tpu.wait_indirect_dma semaphore(%arg12 : memref<!tpu.dma_semaphore, #tpu.memory_space<semaphore_mem>>) src(%dma_wait3A_225 : memref<1000x128xf32, #tpu.memory_space<vmem_shared>>) dst(%dma_wait3A_221 : memref<128x128xf32, #tpu.memory_space<vmem>>)
    %dma_wait3A_226 = arith.constant 0 : i32
    %dma_wait3A_227 = arith.constant 0 : i32
    %dma_wait3A_228 = arith.constant 0 : i32
    %dma_wait3A_229 = tpu.memref_slice %arg9[%dma_wait3A_226, %dma_wait3A_227, %dma_wait3A_228] : memref<2x128x128xf32, #tpu.memory_space<vmem>> -> memref<1x128x128xf32, #tpu.memory_space<vmem>>
    %dma_wait3A_230 = tpu.memref_squeeze %dma_wait3A_229 : memref<1x128x128xf32, #tpu.memory_space<vmem>> -> memref<128x128xf32, #tpu.memory_space<vmem>>
    %dma_wait3A_231 = arith.constant 0 : i32
    %dma_wait3A_232 = tpu.memref_slice %arg4[%multiple_of3A_214, %dma_wait3A_231] : memref<204800x128xf32, #tpu.memory_space<hbm>> -> memref<128x128xf32, #tpu.memory_space<hbm>>
    %dma_wait3A_233 = arith.constant 0 : i32
    %dma_wait3A_234 = arith.constant 0 : i32
    %dma_wait3A_235 = tpu.memref_slice %arg9[%dma_wait3A_226, %dma_wait3A_233, %dma_wait3A_234] : memref<2x128x128xf32, #tpu.memory_space<vmem>> -> memref<1x128x128xf32, #tpu.memory_space<vmem>>
    %dma_wait3A_236 = tpu.memref_squeeze %dma_wait3A_235 : memref<1x128x128xf32, #tpu.memory_space<vmem>> -> memref<128x128xf32, #tpu.memory_space<vmem>>
    %dma_wait3A_237 = arith.constant 0 : i32
    %dma_wait3A_238 = tpu.memref_slice %arg4[%multiple_of3A_214, %dma_wait3A_237] : memref<204800x128xf32, #tpu.memory_space<hbm>> -> memref<128x128xf32, #tpu.memory_space<hbm>>
    tpu.wait_dma2 semaphore(%arg14 : memref<!tpu.dma_semaphore, #tpu.memory_space<semaphore_mem>>) src(%dma_wait3A_238 : memref<128x128xf32, #tpu.memory_space<hbm>>) dst(%dma_wait3A_236 : memref<128x128xf32, #tpu.memory_space<vmem>>)
    %add3A_239 = arith.constant 5888 : i32
    %add3A_240 = arith.addi %multiple_of3A, %add3A_239 : i32
    %multiple_of3A_241 = tpu.assume_multiple %add3A_240, 128 : i32
    %dma_wait3A_242 = arith.constant 0 : i32
    %dma_wait3A_243 = arith.constant 0 : i32
    %dma_wait3A_244 = arith.constant 0 : i32
    %dma_wait3A_245 = tpu.memref_slice %arg10[%dma_wait3A_242, %dma_wait3A_243, %dma_wait3A_244] : memref<2x128x128xf32, #tpu.memory_space<vmem>> -> memref<1x128x128xf32, #tpu.memory_space<vmem>>
    %dma_wait3A_246 = tpu.memref_squeeze %dma_wait3A_245 : memref<1x128x128xf32, #tpu.memory_space<vmem>> -> memref<128x128xf32, #tpu.memory_space<vmem>>
    %dma_wait3A_247 = arith.constant 0 : i32
    %dma_wait3A_248 = tpu.memref_slice %arg5[%multiple_of3A_241, %dma_wait3A_247] : memref<204800x128xf32, #tpu.memory_space<hbm>> -> memref<128x128xf32, #tpu.memory_space<hbm>>
    %dma_wait3A_249 = arith.constant 0 : i32
    %dma_wait3A_250 = tpu.memref_slice %arg5[%multiple_of3A_241, %dma_wait3A_249] : memref<204800x128xf32, #tpu.memory_space<hbm>> -> memref<128x128xf32, #tpu.memory_space<hbm>>
    %dma_wait3A_251 = arith.constant 0 : i32
    %dma_wait3A_252 = arith.constant 0 : i32
    %dma_wait3A_253 = tpu.memref_slice %arg10[%dma_wait3A_242, %dma_wait3A_251, %dma_wait3A_252] : memref<2x128x128xf32, #tpu.memory_space<vmem>> -> memref<1x128x128xf32, #tpu.memory_space<vmem>>
    %dma_wait3A_254 = tpu.memref_squeeze %dma_wait3A_253 : memref<1x128x128xf32, #tpu.memory_space<vmem>> -> memref<128x128xf32, #tpu.memory_space<vmem>>
    tpu.wait_dma2 semaphore(%arg16 : memref<!tpu.dma_semaphore, #tpu.memory_space<semaphore_mem>>) src(%dma_wait3A_254 : memref<128x128xf32, #tpu.memory_space<vmem>>) dst(%dma_wait3A_250 : memref<128x128xf32, #tpu.memory_space<hbm>>)
    %parallel_loop3A_255 = arith.constant 0 : i32
    %parallel_loop3A_256 = arith.constant 128 : i32
    %parallel_loop3A_257 = arith.constant 1 : i32
    scf.for %parallel_loop3A_368 = %parallel_loop3A_255 to %parallel_loop3A_256 step %parallel_loop3A_257  : i32 {
      %parallel_loop3A_369 = arith.constant 0 : i32
      %parallel_loop3A_370 = arith.index_cast %parallel_loop3A_369 : i32 to index
      %parallel_loop3A_371 = arith.index_cast %parallel_loop3A_368 : i32 to index
      %parallel_loop3A_372 = arith.constant 0 : index
      %parallel_loop3A_373 = tpu.vector_load %arg8[%parallel_loop3A_370, %parallel_loop3A_371, %parallel_loop3A_372] {strides = array<i32>} : memref<2x128x128xf32, #tpu.memory_space<vmem>>, vector<1x1x16xf32>,
      %parallel_loop3A_374 = vector.shape_cast %parallel_loop3A_373 : vector<1x1x16xf32> to vector<16xf32>
      %parallel_loop3A_375 = arith.constant 11.3137083 : f32
      %parallel_loop3A_376 = vector.broadcast %parallel_loop3A_375 : f32 to vector<16xf32>
      %parallel_loop3A_377 = arith.mulf %parallel_loop3A_374, %parallel_loop3A_376 : vector<16xf32>
      %parallel_loop3A_378 = arith.constant 0 : i32
      %parallel_loop3A_379 = arith.index_cast %parallel_loop3A_378 : i32 to index
      %parallel_loop3A_380 = arith.index_cast %parallel_loop3A_368 : i32 to index
      %parallel_loop3A_381 = arith.constant 0 : index
      %parallel_loop3A_382 = tpu.vector_load %arg9[%parallel_loop3A_379, %parallel_loop3A_380, %parallel_loop3A_381] {strides = array<i32>} : memref<2x128x128xf32, #tpu.memory_space<vmem>>, vector<1x1x16xf32>,
      %parallel_loop3A_383 = vector.shape_cast %parallel_loop3A_382 : vector<1x1x16xf32> to vector<16xf32>
      %parallel_loop3A_384 = arith.addf %parallel_loop3A_377, %parallel_loop3A_383 : vector<16xf32>
      %parallel_loop3A_385 = arith.constant 0 : i32
      %parallel_loop3A_386 = arith.index_cast %parallel_loop3A_385 : i32 to index
      %parallel_loop3A_387 = arith.index_cast %parallel_loop3A_368 : i32 to index
      %parallel_loop3A_388 = arith.constant 0 : index
      %parallel_loop3A_389 = tpu.vector_load %arg10[%parallel_loop3A_386, %parallel_loop3A_387, %parallel_loop3A_388] {strides = array<i32>} : memref<2x128x128xf32, #tpu.memory_space<vmem>>, vector<1x1x16xf32>,
      %parallel_loop3A_390 = vector.shape_cast %parallel_loop3A_389 : vector<1x1x16xf32> to vector<16xf32>
      %parallel_loop3A_391 = vector.shape_cast %parallel_loop3A_384 : vector<16xf32> to vector<1x1x16xf32>
      tpu.vector_store %arg10[%parallel_loop3A_386, %parallel_loop3A_387, %parallel_loop3A_388], %parallel_loop3A_391 {strides = array<i32>} : memref<2x128x128xf32, #tpu.memory_space<vmem>>, vector<1x1x16xf32>,
      %parallel_loop3A_392 = arith.constant 0 : i32
      %parallel_loop3A_393 = arith.index_cast %parallel_loop3A_392 : i32 to index
      %parallel_loop3A_394 = arith.index_cast %parallel_loop3A_368 : i32 to index
      %parallel_loop3A_395 = arith.constant 16 : index
      %parallel_loop3A_396 = tpu.vector_load %arg8[%parallel_loop3A_393, %parallel_loop3A_394, %parallel_loop3A_395] {strides = array<i32>} : memref<2x128x128xf32, #tpu.memory_space<vmem>>, vector<1x1x16xf32>,
      %parallel_loop3A_397 = vector.shape_cast %parallel_loop3A_396 : vector<1x1x16xf32> to vector<16xf32>
      %parallel_loop3A_398 = arith.constant 11.3137083 : f32
      %parallel_loop3A_399 = vector.broadcast %parallel_loop3A_398 : f32 to vector<16xf32>
      %parallel_loop3A_400 = arith.mulf %parallel_loop3A_397, %parallel_loop3A_399 : vector<16xf32>
      %parallel_loop3A_401 = arith.constant 0 : i32
      %parallel_loop3A_402 = arith.index_cast %parallel_loop3A_401 : i32 to index
      %parallel_loop3A_403 = arith.index_cast %parallel_loop3A_368 : i32 to index
      %parallel_loop3A_404 = arith.constant 16 : index
      %parallel_loop3A_405 = tpu.vector_load %arg9[%parallel_loop3A_402, %parallel_loop3A_403, %parallel_loop3A_404] {strides = array<i32>} : memref<2x128x128xf32, #tpu.memory_space<vmem>>, vector<1x1x16xf32>,
      %parallel_loop3A_406 = vector.shape_cast %parallel_loop3A_405 : vector<1x1x16xf32> to vector<16xf32>
      %parallel_loop3A_407 = arith.addf %parallel_loop3A_400, %parallel_loop3A_406 : vector<16xf32>
      %parallel_loop3A_408 = arith.constant 0 : i32
      %parallel_loop3A_409 = arith.index_cast %parallel_loop3A_408 : i32 to index
      %parallel_loop3A_410 = arith.index_cast %parallel_loop3A_368 : i32 to index
      %parallel_loop3A_411 = arith.constant 16 : index
      %parallel_loop3A_412 = tpu.vector_load %arg10[%parallel_loop3A_409, %parallel_loop3A_410, %parallel_loop3A_411] {strides = array<i32>} : memref<2x128x128xf32, #tpu.memory_space<vmem>>, vector<1x1x16xf32>,
      %parallel_loop3A_413 = vector.shape_cast %parallel_loop3A_412 : vector<1x1x16xf32> to vector<16xf32>
      %parallel_loop3A_414 = vector.shape_cast %parallel_loop3A_407 : vector<16xf32> to vector<1x1x16xf32>
      tpu.vector_store %arg10[%parallel_loop3A_409, %parallel_loop3A_410, %parallel_loop3A_411], %parallel_loop3A_414 {strides = array<i32>} : memref<2x128x128xf32, #tpu.memory_space<vmem>>, vector<1x1x16xf32>,
      %parallel_loop3A_415 = arith.constant 0 : i32
      %parallel_loop3A_416 = arith.index_cast %parallel_loop3A_415 : i32 to index
      %parallel_loop3A_417 = arith.index_cast %parallel_loop3A_368 : i32 to index
      %parallel_loop3A_418 = arith.constant 32 : index
      %parallel_loop3A_419 = tpu.vector_load %arg8[%parallel_loop3A_416, %parallel_loop3A_417, %parallel_loop3A_418] {strides = array<i32>} : memref<2x128x128xf32, #tpu.memory_space<vmem>>, vector<1x1x16xf32>,
      %parallel_loop3A_420 = vector.shape_cast %parallel_loop3A_419 : vector<1x1x16xf32> to vector<16xf32>
      %parallel_loop3A_421 = arith.constant 11.3137083 : f32
      %parallel_loop3A_422 = vector.broadcast %parallel_loop3A_421 : f32 to vector<16xf32>
      %parallel_loop3A_423 = arith.mulf %parallel_loop3A_420, %parallel_loop3A_422 : vector<16xf32>
      %parallel_loop3A_424 = arith.constant 0 : i32
      %parallel_loop3A_425 = arith.index_cast %parallel_loop3A_424 : i32 to index
      %parallel_loop3A_426 = arith.index_cast %parallel_loop3A_368 : i32 to index
      %parallel_loop3A_427 = arith.constant 32 : index
      %parallel_loop3A_428 = tpu.vector_load %arg9[%parallel_loop3A_425, %parallel_loop3A_426, %parallel_loop3A_427] {strides = array<i32>} : memref<2x128x128xf32, #tpu.memory_space<vmem>>, vector<1x1x16xf32>,
      %parallel_loop3A_429 = vector.shape_cast %parallel_loop3A_428 : vector<1x1x16xf32> to vector<16xf32>
      %parallel_loop3A_430 = arith.addf %parallel_loop3A_423, %parallel_loop3A_429 : vector<16xf32>
      %parallel_loop3A_431 = arith.constant 0 : i32
      %parallel_loop3A_432 = arith.index_cast %parallel_loop3A_431 : i32 to index
      %parallel_loop3A_433 = arith.index_cast %parallel_loop3A_368 : i32 to index
      %parallel_loop3A_434 = arith.constant 32 : index
      %parallel_loop3A_435 = tpu.vector_load %arg10[%parallel_loop3A_432, %parallel_loop3A_433, %parallel_loop3A_434] {strides = array<i32>} : memref<2x128x128xf32, #tpu.memory_space<vmem>>, vector<1x1x16xf32>,
      %parallel_loop3A_436 = vector.shape_cast %parallel_loop3A_435 : vector<1x1x16xf32> to vector<16xf32>
      %parallel_loop3A_437 = vector.shape_cast %parallel_loop3A_430 : vector<16xf32> to vector<1x1x16xf32>
      tpu.vector_store %arg10[%parallel_loop3A_432, %parallel_loop3A_433, %parallel_loop3A_434], %parallel_loop3A_437 {strides = array<i32>} : memref<2x128x128xf32, #tpu.memory_space<vmem>>, vector<1x1x16xf32>,
      %parallel_loop3A_438 = arith.constant 0 : i32
      %parallel_loop3A_439 = arith.index_cast %parallel_loop3A_438 : i32 to index
      %parallel_loop3A_440 = arith.index_cast %parallel_loop3A_368 : i32 to index
      %parallel_loop3A_441 = arith.constant 48 : index
      %parallel_loop3A_442 = tpu.vector_load %arg8[%parallel_loop3A_439, %parallel_loop3A_440, %parallel_loop3A_441] {strides = array<i32>} : memref<2x128x128xf32, #tpu.memory_space<vmem>>, vector<1x1x16xf32>,
      %parallel_loop3A_443 = vector.shape_cast %parallel_loop3A_442 : vector<1x1x16xf32> to vector<16xf32>
      %parallel_loop3A_444 = arith.constant 11.3137083 : f32
      %parallel_loop3A_445 = vector.broadcast %parallel_loop3A_444 : f32 to vector<16xf32>
      %parallel_loop3A_446 = arith.mulf %parallel_loop3A_443, %parallel_loop3A_445 : vector<16xf32>
      %parallel_loop3A_447 = arith.constant 0 : i32
      %parallel_loop3A_448 = arith.index_cast %parallel_loop3A_447 : i32 to index
      %parallel_loop3A_449 = arith.index_cast %parallel_loop3A_368 : i32 to index
      %parallel_loop3A_450 = arith.constant 48 : index
      %parallel_loop3A_451 = tpu.vector_load %arg9[%parallel_loop3A_448, %parallel_loop3A_449, %parallel_loop3A_450] {strides = array<i32>} : memref<2x128x128xf32, #tpu.memory_space<vmem>>, vector<1x1x16xf32>,
      %parallel_loop3A_452 = vector.shape_cast %parallel_loop3A_451 : vector<1x1x16xf32> to vector<16xf32>
      %parallel_loop3A_453 = arith.addf %parallel_loop3A_446, %parallel_loop3A_452 : vector<16xf32>
      %parallel_loop3A_454 = arith.constant 0 : i32
      %parallel_loop3A_455 = arith.index_cast %parallel_loop3A_454 : i32 to index
      %parallel_loop3A_456 = arith.index_cast %parallel_loop3A_368 : i32 to index
      %parallel_loop3A_457 = arith.constant 48 : index
      %parallel_loop3A_458 = tpu.vector_load %arg10[%parallel_loop3A_455, %parallel_loop3A_456, %parallel_loop3A_457] {strides = array<i32>} : memref<2x128x128xf32, #tpu.memory_space<vmem>>, vector<1x1x16xf32>,
      %parallel_loop3A_459 = vector.shape_cast %parallel_loop3A_458 : vector<1x1x16xf32> to vector<16xf32>
      %parallel_loop3A_460 = vector.shape_cast %parallel_loop3A_453 : vector<16xf32> to vector<1x1x16xf32>
      tpu.vector_store %arg10[%parallel_loop3A_455, %parallel_loop3A_456, %parallel_loop3A_457], %parallel_loop3A_460 {strides = array<i32>} : memref<2x128x128xf32, #tpu.memory_space<vmem>>, vector<1x1x16xf32>,
      %parallel_loop3A_461 = arith.constant 0 : i32
      %parallel_loop3A_462 = arith.index_cast %parallel_loop3A_461 : i32 to index
      %parallel_loop3A_463 = arith.index_cast %parallel_loop3A_368 : i32 to index
      %parallel_loop3A_464 = arith.constant 64 : index
      %parallel_loop3A_465 = tpu.vector_load %arg8[%parallel_loop3A_462, %parallel_loop3A_463, %parallel_loop3A_464] {strides = array<i32>} : memref<2x128x128xf32, #tpu.memory_space<vmem>>, vector<1x1x16xf32>,
      %parallel_loop3A_466 = vector.shape_cast %parallel_loop3A_465 : vector<1x1x16xf32> to vector<16xf32>
      %parallel_loop3A_467 = arith.constant 11.3137083 : f32
      %parallel_loop3A_468 = vector.broadcast %parallel_loop3A_467 : f32 to vector<16xf32>
      %parallel_loop3A_469 = arith.mulf %parallel_loop3A_466, %parallel_loop3A_468 : vector<16xf32>
      %parallel_loop3A_470 = arith.constant 0 : i32
      %parallel_loop3A_471 = arith.index_cast %parallel_loop3A_470 : i32 to index
      %parallel_loop3A_472 = arith.index_cast %parallel_loop3A_368 : i32 to index
      %parallel_loop3A_473 = arith.constant 64 : index
      %parallel_loop3A_474 = tpu.vector_load %arg9[%parallel_loop3A_471, %parallel_loop3A_472, %parallel_loop3A_473] {strides = array<i32>} : memref<2x128x128xf32, #tpu.memory_space<vmem>>, vector<1x1x16xf32>,
      %parallel_loop3A_475 = vector.shape_cast %parallel_loop3A_474 : vector<1x1x16xf32> to vector<16xf32>
      %parallel_loop3A_476 = arith.addf %parallel_loop3A_469, %parallel_loop3A_475 : vector<16xf32>
      %parallel_loop3A_477 = arith.constant 0 : i32
      %parallel_loop3A_478 = arith.index_cast %parallel_loop3A_477 : i32 to index
      %parallel_loop3A_479 = arith.index_cast %parallel_loop3A_368 : i32 to index
      %parallel_loop3A_480 = arith.constant 64 : index
      %parallel_loop3A_481 = tpu.vector_load %arg10[%parallel_loop3A_478, %parallel_loop3A_479, %parallel_loop3A_480] {strides = array<i32>} : memref<2x128x128xf32, #tpu.memory_space<vmem>>, vector<1x1x16xf32>,
      %parallel_loop3A_482 = vector.shape_cast %parallel_loop3A_481 : vector<1x1x16xf32> to vector<16xf32>
      %parallel_loop3A_483 = vector.shape_cast %parallel_loop3A_476 : vector<16xf32> to vector<1x1x16xf32>
      tpu.vector_store %arg10[%parallel_loop3A_478, %parallel_loop3A_479, %parallel_loop3A_480], %parallel_loop3A_483 {strides = array<i32>} : memref<2x128x128xf32, #tpu.memory_space<vmem>>, vector<1x1x16xf32>,
      %parallel_loop3A_484 = arith.constant 0 : i32
      %parallel_loop3A_485 = arith.index_cast %parallel_loop3A_484 : i32 to index
      %parallel_loop3A_486 = arith.index_cast %parallel_loop3A_368 : i32 to index
      %parallel_loop3A_487 = arith.constant 80 : index
      %parallel_loop3A_488 = tpu.vector_load %arg8[%parallel_loop3A_485, %parallel_loop3A_486, %parallel_loop3A_487] {strides = array<i32>} : memref<2x128x128xf32, #tpu.memory_space<vmem>>, vector<1x1x16xf32>,
      %parallel_loop3A_489 = vector.shape_cast %parallel_loop3A_488 : vector<1x1x16xf32> to vector<16xf32>
      %parallel_loop3A_490 = arith.constant 11.3137083 : f32
      %parallel_loop3A_491 = vector.broadcast %parallel_loop3A_490 : f32 to vector<16xf32>
      %parallel_loop3A_492 = arith.mulf %parallel_loop3A_489, %parallel_loop3A_491 : vector<16xf32>
      %parallel_loop3A_493 = arith.constant 0 : i32
      %parallel_loop3A_494 = arith.index_cast %parallel_loop3A_493 : i32 to index
      %parallel_loop3A_495 = arith.index_cast %parallel_loop3A_368 : i32 to index
      %parallel_loop3A_496 = arith.constant 80 : index
      %parallel_loop3A_497 = tpu.vector_load %arg9[%parallel_loop3A_494, %parallel_loop3A_495, %parallel_loop3A_496] {strides = array<i32>} : memref<2x128x128xf32, #tpu.memory_space<vmem>>, vector<1x1x16xf32>,
      %parallel_loop3A_498 = vector.shape_cast %parallel_loop3A_497 : vector<1x1x16xf32> to vector<16xf32>
      %parallel_loop3A_499 = arith.addf %parallel_loop3A_492, %parallel_loop3A_498 : vector<16xf32>
      %parallel_loop3A_500 = arith.constant 0 : i32
      %parallel_loop3A_501 = arith.index_cast %parallel_loop3A_500 : i32 to index
      %parallel_loop3A_502 = arith.index_cast %parallel_loop3A_368 : i32 to index
      %parallel_loop3A_503 = arith.constant 80 : index
      %parallel_loop3A_504 = tpu.vector_load %arg10[%parallel_loop3A_501, %parallel_loop3A_502, %parallel_loop3A_503] {strides = array<i32>} : memref<2x128x128xf32, #tpu.memory_space<vmem>>, vector<1x1x16xf32>,
      %parallel_loop3A_505 = vector.shape_cast %parallel_loop3A_504 : vector<1x1x16xf32> to vector<16xf32>
      %parallel_loop3A_506 = vector.shape_cast %parallel_loop3A_499 : vector<16xf32> to vector<1x1x16xf32>
      tpu.vector_store %arg10[%parallel_loop3A_501, %parallel_loop3A_502, %parallel_loop3A_503], %parallel_loop3A_506 {strides = array<i32>} : memref<2x128x128xf32, #tpu.memory_space<vmem>>, vector<1x1x16xf32>,
      %parallel_loop3A_507 = arith.constant 0 : i32
      %parallel_loop3A_508 = arith.index_cast %parallel_loop3A_507 : i32 to index
      %parallel_loop3A_509 = arith.index_cast %parallel_loop3A_368 : i32 to index
      %parallel_loop3A_510 = arith.constant 96 : index
      %parallel_loop3A_511 = tpu.vector_load %arg8[%parallel_loop3A_508, %parallel_loop3A_509, %parallel_loop3A_510] {strides = array<i32>} : memref<2x128x128xf32, #tpu.memory_space<vmem>>, vector<1x1x16xf32>,
      %parallel_loop3A_512 = vector.shape_cast %parallel_loop3A_511 : vector<1x1x16xf32> to vector<16xf32>
      %parallel_loop3A_513 = arith.constant 11.3137083 : f32
      %parallel_loop3A_514 = vector.broadcast %parallel_loop3A_513 : f32 to vector<16xf32>
      %parallel_loop3A_515 = arith.mulf %parallel_loop3A_512, %parallel_loop3A_514 : vector<16xf32>
      %parallel_loop3A_516 = arith.constant 0 : i32
      %parallel_loop3A_517 = arith.index_cast %parallel_loop3A_516 : i32 to index
      %parallel_loop3A_518 = arith.index_cast %parallel_loop3A_368 : i32 to index
      %parallel_loop3A_519 = arith.constant 96 : index
      %parallel_loop3A_520 = tpu.vector_load %arg9[%parallel_loop3A_517, %parallel_loop3A_518, %parallel_loop3A_519] {strides = array<i32>} : memref<2x128x128xf32, #tpu.memory_space<vmem>>, vector<1x1x16xf32>,
      %parallel_loop3A_521 = vector.shape_cast %parallel_loop3A_520 : vector<1x1x16xf32> to vector<16xf32>
      %parallel_loop3A_522 = arith.addf %parallel_loop3A_515, %parallel_loop3A_521 : vector<16xf32>
      %parallel_loop3A_523 = arith.constant 0 : i32
      %parallel_loop3A_524 = arith.index_cast %parallel_loop3A_523 : i32 to index
      %parallel_loop3A_525 = arith.index_cast %parallel_loop3A_368 : i32 to index
      %parallel_loop3A_526 = arith.constant 96 : index
      %parallel_loop3A_527 = tpu.vector_load %arg10[%parallel_loop3A_524, %parallel_loop3A_525, %parallel_loop3A_526] {strides = array<i32>} : memref<2x128x128xf32, #tpu.memory_space<vmem>>, vector<1x1x16xf32>,
      %parallel_loop3A_528 = vector.shape_cast %parallel_loop3A_527 : vector<1x1x16xf32> to vector<16xf32>
      %parallel_loop3A_529 = vector.shape_cast %parallel_loop3A_522 : vector<16xf32> to vector<1x1x16xf32>
      tpu.vector_store %arg10[%parallel_loop3A_524, %parallel_loop3A_525, %parallel_loop3A_526], %parallel_loop3A_529 {strides = array<i32>} : memref<2x128x128xf32, #tpu.memory_space<vmem>>, vector<1x1x16xf32>,
      %parallel_loop3A_530 = arith.constant 0 : i32
      %parallel_loop3A_531 = arith.index_cast %parallel_loop3A_530 : i32 to index
      %parallel_loop3A_532 = arith.index_cast %parallel_loop3A_368 : i32 to index
      %parallel_loop3A_533 = arith.constant 112 : index
      %parallel_loop3A_534 = tpu.vector_load %arg8[%parallel_loop3A_531, %parallel_loop3A_532, %parallel_loop3A_533] {strides = array<i32>} : memref<2x128x128xf32, #tpu.memory_space<vmem>>, vector<1x1x16xf32>,
      %parallel_loop3A_535 = vector.shape_cast %parallel_loop3A_534 : vector<1x1x16xf32> to vector<16xf32>
      %parallel_loop3A_536 = arith.constant 11.3137083 : f32
      %parallel_loop3A_537 = vector.broadcast %parallel_loop3A_536 : f32 to vector<16xf32>
      %parallel_loop3A_538 = arith.mulf %parallel_loop3A_535, %parallel_loop3A_537 : vector<16xf32>
      %parallel_loop3A_539 = arith.constant 0 : i32
      %parallel_loop3A_540 = arith.index_cast %parallel_loop3A_539 : i32 to index
      %parallel_loop3A_541 = arith.index_cast %parallel_loop3A_368 : i32 to index
      %parallel_loop3A_542 = arith.constant 112 : index
      %parallel_loop3A_543 = tpu.vector_load %arg9[%parallel_loop3A_540, %parallel_loop3A_541, %parallel_loop3A_542] {strides = array<i32>} : memref<2x128x128xf32, #tpu.memory_space<vmem>>, vector<1x1x16xf32>,
      %parallel_loop3A_544 = vector.shape_cast %parallel_loop3A_543 : vector<1x1x16xf32> to vector<16xf32>
      %parallel_loop3A_545 = arith.addf %parallel_loop3A_538, %parallel_loop3A_544 : vector<16xf32>
      %parallel_loop3A_546 = arith.constant 0 : i32
      %parallel_loop3A_547 = arith.index_cast %parallel_loop3A_546 : i32 to index
      %parallel_loop3A_548 = arith.index_cast %parallel_loop3A_368 : i32 to index
      %parallel_loop3A_549 = arith.constant 112 : index
      %parallel_loop3A_550 = tpu.vector_load %arg10[%parallel_loop3A_547, %parallel_loop3A_548, %parallel_loop3A_549] {strides = array<i32>} : memref<2x128x128xf32, #tpu.memory_space<vmem>>, vector<1x1x16xf32>,
      %parallel_loop3A_551 = vector.shape_cast %parallel_loop3A_550 : vector<1x1x16xf32> to vector<16xf32>
      %parallel_loop3A_552 = vector.shape_cast %parallel_loop3A_545 : vector<16xf32> to vector<1x1x16xf32>
      tpu.vector_store %arg10[%parallel_loop3A_547, %parallel_loop3A_548, %parallel_loop3A_549], %parallel_loop3A_552 {strides = array<i32>} : memref<2x128x128xf32, #tpu.memory_space<vmem>>, vector<1x1x16xf32>,
    } {sc.loop_unroll_factor = 4 : i64, sc.parallel_access}
    %add3A_258 = arith.constant 6144 : i32
    %add3A_259 = arith.addi %multiple_of3A, %add3A_258 : i32
    %multiple_of3A_260 = tpu.assume_multiple %add3A_259, 128 : i32
    %dma_start3A_261 = arith.constant 0 : i32
    %dma_start3A_262 = arith.constant 0 : i32
    %dma_start3A_263 = arith.constant 0 : i32
    %dma_start3A_264 = tpu.memref_slice %arg10[%dma_start3A_261, %dma_start3A_262, %dma_start3A_263] : memref<2x128x128xf32, #tpu.memory_space<vmem>> -> memref<1x128x128xf32, #tpu.memory_space<vmem>>
    %dma_start3A_265 = tpu.memref_squeeze %dma_start3A_264 : memref<1x128x128xf32, #tpu.memory_space<vmem>> -> memref<128x128xf32, #tpu.memory_space<vmem>>
    %dma_start3A_266 = arith.constant 0 : i32
    %dma_start3A_267 = tpu.memref_slice %arg5[%multiple_of3A_260, %dma_start3A_266] : memref<204800x128xf32, #tpu.memory_space<hbm>> -> memref<128x128xf32, #tpu.memory_space<hbm>>
    %dma_start3A_268 = arith.constant 0 : i32
    %dma_start3A_269 = tpu.memref_slice %arg5[%multiple_of3A_260, %dma_start3A_268] : memref<204800x128xf32, #tpu.memory_space<hbm>> -> memref<128x128xf32, #tpu.memory_space<hbm>>
    %dma_start3A_270 = arith.constant 0 : i32
    %dma_start3A_271 = arith.constant 0 : i32
    %dma_start3A_272 = tpu.memref_slice %arg10[%dma_start3A_261, %dma_start3A_270, %dma_start3A_271] : memref<2x128x128xf32, #tpu.memory_space<vmem>> -> memref<1x128x128xf32, #tpu.memory_space<vmem>>
    %dma_start3A_273 = tpu.memref_squeeze %dma_start3A_272 : memref<1x128x128xf32, #tpu.memory_space<vmem>> -> memref<128x128xf32, #tpu.memory_space<vmem>>
    tpu.enqueue_dma source(%dma_start3A_273 : memref<128x128xf32, #tpu.memory_space<vmem>>) target(%dma_start3A_269 : memref<128x128xf32, #tpu.memory_space<hbm>>) target_semaphore(%arg16 : memref<!tpu.dma_semaphore, #tpu.memory_space<semaphore_mem>>)
    %add3A_274 = arith.constant 6272 : i32
    %add3A_275 = arith.addi %multiple_of3A, %add3A_274 : i32
    %multiple_of3A_276 = tpu.assume_multiple %add3A_275, 128 : i32
    %multiple_of3A_277 = arith.constant 6272 : i32
    %multiple_of3A_278 = tpu.assume_multiple %multiple_of3A_277, 128 : i32
    %dma_wait3A_279 = arith.constant 1 : i32
    %dma_wait3A_280 = arith.constant 0 : i32
    %dma_wait3A_281 = arith.constant 0 : i32
    %dma_wait3A_282 = tpu.memref_slice %arg8[%dma_wait3A_279, %dma_wait3A_280, %dma_wait3A_281] : memref<2x128x128xf32, #tpu.memory_space<vmem>> -> memref<1x128x128xf32, #tpu.memory_space<vmem>>
    %dma_wait3A_283 = tpu.memref_squeeze %dma_wait3A_282 : memref<1x128x128xf32, #tpu.memory_space<vmem>> -> memref<128x128xf32, #tpu.memory_space<vmem>>
    %dma_wait3A_284 = tpu.memref_slice %arg7[%multiple_of3A_278] : memref<6400xi32, #tpu.memory_space<vmem>> -> memref<128xi32, #tpu.memory_space<vmem>>
    %dma_wait3A_285 = arith.constant 0 : i32
    %dma_wait3A_286 = arith.constant 0 : i32
    %dma_wait3A_287 = tpu.memref_slice %arg6[%dma_wait3A_285, %dma_wait3A_286] : memref<1000x128xf32, #tpu.memory_space<vmem_shared>> -> memref<1000x128xf32, #tpu.memory_space<vmem_shared>>
    tpu.wait_indirect_dma semaphore(%arg13 : memref<!tpu.dma_semaphore, #tpu.memory_space<semaphore_mem>>) src(%dma_wait3A_287 : memref<1000x128xf32, #tpu.memory_space<vmem_shared>>) dst(%dma_wait3A_283 : memref<128x128xf32, #tpu.memory_space<vmem>>)
    %dma_wait3A_288 = arith.constant 1 : i32
    %dma_wait3A_289 = arith.constant 0 : i32
    %dma_wait3A_290 = arith.constant 0 : i32
    %dma_wait3A_291 = tpu.memref_slice %arg9[%dma_wait3A_288, %dma_wait3A_289, %dma_wait3A_290] : memref<2x128x128xf32, #tpu.memory_space<vmem>> -> memref<1x128x128xf32, #tpu.memory_space<vmem>>
    %dma_wait3A_292 = tpu.memref_squeeze %dma_wait3A_291 : memref<1x128x128xf32, #tpu.memory_space<vmem>> -> memref<128x128xf32, #tpu.memory_space<vmem>>
    %dma_wait3A_293 = arith.constant 0 : i32
    %dma_wait3A_294 = tpu.memref_slice %arg4[%multiple_of3A_276, %dma_wait3A_293] : memref<204800x128xf32, #tpu.memory_space<hbm>> -> memref<128x128xf32, #tpu.memory_space<hbm>>
    %dma_wait3A_295 = arith.constant 0 : i32
    %dma_wait3A_296 = arith.constant 0 : i32
    %dma_wait3A_297 = tpu.memref_slice %arg9[%dma_wait3A_288, %dma_wait3A_295, %dma_wait3A_296] : memref<2x128x128xf32, #tpu.memory_space<vmem>> -> memref<1x128x128xf32, #tpu.memory_space<vmem>>
    %dma_wait3A_298 = tpu.memref_squeeze %dma_wait3A_297 : memref<1x128x128xf32, #tpu.memory_space<vmem>> -> memref<128x128xf32, #tpu.memory_space<vmem>>
    %dma_wait3A_299 = arith.constant 0 : i32
    %dma_wait3A_300 = tpu.memref_slice %arg4[%multiple_of3A_276, %dma_wait3A_299] : memref<204800x128xf32, #tpu.memory_space<hbm>> -> memref<128x128xf32, #tpu.memory_space<hbm>>
    tpu.wait_dma2 semaphore(%arg15 : memref<!tpu.dma_semaphore, #tpu.memory_space<semaphore_mem>>) src(%dma_wait3A_300 : memref<128x128xf32, #tpu.memory_space<hbm>>) dst(%dma_wait3A_298 : memref<128x128xf32, #tpu.memory_space<vmem>>)
    %add3A_301 = arith.constant 6016 : i32
    %add3A_302 = arith.addi %multiple_of3A, %add3A_301 : i32
    %multiple_of3A_303 = tpu.assume_multiple %add3A_302, 128 : i32
    %dma_wait3A_304 = arith.constant 1 : i32
    %dma_wait3A_305 = arith.constant 0 : i32
    %dma_wait3A_306 = arith.constant 0 : i32
    %dma_wait3A_307 = tpu.memref_slice %arg10[%dma_wait3A_304, %dma_wait3A_305, %dma_wait3A_306] : memref<2x128x128xf32, #tpu.memory_space<vmem>> -> memref<1x128x128xf32, #tpu.memory_space<vmem>>
    %dma_wait3A_308 = tpu.memref_squeeze %dma_wait3A_307 : memref<1x128x128xf32, #tpu.memory_space<vmem>> -> memref<128x128xf32, #tpu.memory_space<vmem>>
    %dma_wait3A_309 = arith.constant 0 : i32
    %dma_wait3A_310 = tpu.memref_slice %arg5[%multiple_of3A_303, %dma_wait3A_309] : memref<204800x128xf32, #tpu.memory_space<hbm>> -> memref<128x128xf32, #tpu.memory_space<hbm>>
    %dma_wait3A_311 = arith.constant 0 : i32
    %dma_wait3A_312 = tpu.memref_slice %arg5[%multiple_of3A_303, %dma_wait3A_311] : memref<204800x128xf32, #tpu.memory_space<hbm>> -> memref<128x128xf32, #tpu.memory_space<hbm>>
    %dma_wait3A_313 = arith.constant 0 : i32
    %dma_wait3A_314 = arith.constant 0 : i32
    %dma_wait3A_315 = tpu.memref_slice %arg10[%dma_wait3A_304, %dma_wait3A_313, %dma_wait3A_314] : memref<2x128x128xf32, #tpu.memory_space<vmem>> -> memref<1x128x128xf32, #tpu.memory_space<vmem>>
    %dma_wait3A_316 = tpu.memref_squeeze %dma_wait3A_315 : memref<1x128x128xf32, #tpu.memory_space<vmem>> -> memref<128x128xf32, #tpu.memory_space<vmem>>
    tpu.wait_dma2 semaphore(%arg17 : memref<!tpu.dma_semaphore, #tpu.memory_space<semaphore_mem>>) src(%dma_wait3A_316 : memref<128x128xf32, #tpu.memory_space<vmem>>) dst(%dma_wait3A_312 : memref<128x128xf32, #tpu.memory_space<hbm>>)
    %parallel_loop3A_317 = arith.constant 0 : i32
    %parallel_loop3A_318 = arith.constant 128 : i32
    %parallel_loop3A_319 = arith.constant 1 : i32
    scf.for %parallel_loop3A_368 = %parallel_loop3A_317 to %parallel_loop3A_318 step %parallel_loop3A_319  : i32 {
      %parallel_loop3A_369 = arith.constant 1 : i32
      %parallel_loop3A_370 = arith.index_cast %parallel_loop3A_369 : i32 to index
      %parallel_loop3A_371 = arith.index_cast %parallel_loop3A_368 : i32 to index
      %parallel_loop3A_372 = arith.constant 0 : index
      %parallel_loop3A_373 = tpu.vector_load %arg8[%parallel_loop3A_370, %parallel_loop3A_371, %parallel_loop3A_372] {strides = array<i32>} : memref<2x128x128xf32, #tpu.memory_space<vmem>>, vector<1x1x16xf32>,
      %parallel_loop3A_374 = vector.shape_cast %parallel_loop3A_373 : vector<1x1x16xf32> to vector<16xf32>
      %parallel_loop3A_375 = arith.constant 11.3137083 : f32
      %parallel_loop3A_376 = vector.broadcast %parallel_loop3A_375 : f32 to vector<16xf32>
      %parallel_loop3A_377 = arith.mulf %parallel_loop3A_374, %parallel_loop3A_376 : vector<16xf32>
      %parallel_loop3A_378 = arith.constant 1 : i32
      %parallel_loop3A_379 = arith.index_cast %parallel_loop3A_378 : i32 to index
      %parallel_loop3A_380 = arith.index_cast %parallel_loop3A_368 : i32 to index
      %parallel_loop3A_381 = arith.constant 0 : index
      %parallel_loop3A_382 = tpu.vector_load %arg9[%parallel_loop3A_379, %parallel_loop3A_380, %parallel_loop3A_381] {strides = array<i32>} : memref<2x128x128xf32, #tpu.memory_space<vmem>>, vector<1x1x16xf32>,
      %parallel_loop3A_383 = vector.shape_cast %parallel_loop3A_382 : vector<1x1x16xf32> to vector<16xf32>
      %parallel_loop3A_384 = arith.addf %parallel_loop3A_377, %parallel_loop3A_383 : vector<16xf32>
      %parallel_loop3A_385 = arith.constant 1 : i32
      %parallel_loop3A_386 = arith.index_cast %parallel_loop3A_385 : i32 to index
      %parallel_loop3A_387 = arith.index_cast %parallel_loop3A_368 : i32 to index
      %parallel_loop3A_388 = arith.constant 0 : index
      %parallel_loop3A_389 = tpu.vector_load %arg10[%parallel_loop3A_386, %parallel_loop3A_387, %parallel_loop3A_388] {strides = array<i32>} : memref<2x128x128xf32, #tpu.memory_space<vmem>>, vector<1x1x16xf32>,
      %parallel_loop3A_390 = vector.shape_cast %parallel_loop3A_389 : vector<1x1x16xf32> to vector<16xf32>
      %parallel_loop3A_391 = vector.shape_cast %parallel_loop3A_384 : vector<16xf32> to vector<1x1x16xf32>
      tpu.vector_store %arg10[%parallel_loop3A_386, %parallel_loop3A_387, %parallel_loop3A_388], %parallel_loop3A_391 {strides = array<i32>} : memref<2x128x128xf32, #tpu.memory_space<vmem>>, vector<1x1x16xf32>,
      %parallel_loop3A_392 = arith.constant 1 : i32
      %parallel_loop3A_393 = arith.index_cast %parallel_loop3A_392 : i32 to index
      %parallel_loop3A_394 = arith.index_cast %parallel_loop3A_368 : i32 to index
      %parallel_loop3A_395 = arith.constant 16 : index
      %parallel_loop3A_396 = tpu.vector_load %arg8[%parallel_loop3A_393, %parallel_loop3A_394, %parallel_loop3A_395] {strides = array<i32>} : memref<2x128x128xf32, #tpu.memory_space<vmem>>, vector<1x1x16xf32>,
      %parallel_loop3A_397 = vector.shape_cast %parallel_loop3A_396 : vector<1x1x16xf32> to vector<16xf32>
      %parallel_loop3A_398 = arith.constant 11.3137083 : f32
      %parallel_loop3A_399 = vector.broadcast %parallel_loop3A_398 : f32 to vector<16xf32>
      %parallel_loop3A_400 = arith.mulf %parallel_loop3A_397, %parallel_loop3A_399 : vector<16xf32>
      %parallel_loop3A_401 = arith.constant 1 : i32
      %parallel_loop3A_402 = arith.index_cast %parallel_loop3A_401 : i32 to index
      %parallel_loop3A_403 = arith.index_cast %parallel_loop3A_368 : i32 to index
      %parallel_loop3A_404 = arith.constant 16 : index
      %parallel_loop3A_405 = tpu.vector_load %arg9[%parallel_loop3A_402, %parallel_loop3A_403, %parallel_loop3A_404] {strides = array<i32>} : memref<2x128x128xf32, #tpu.memory_space<vmem>>, vector<1x1x16xf32>,
      %parallel_loop3A_406 = vector.shape_cast %parallel_loop3A_405 : vector<1x1x16xf32> to vector<16xf32>
      %parallel_loop3A_407 = arith.addf %parallel_loop3A_400, %parallel_loop3A_406 : vector<16xf32>
      %parallel_loop3A_408 = arith.constant 1 : i32
      %parallel_loop3A_409 = arith.index_cast %parallel_loop3A_408 : i32 to index
      %parallel_loop3A_410 = arith.index_cast %parallel_loop3A_368 : i32 to index
      %parallel_loop3A_411 = arith.constant 16 : index
      %parallel_loop3A_412 = tpu.vector_load %arg10[%parallel_loop3A_409, %parallel_loop3A_410, %parallel_loop3A_411] {strides = array<i32>} : memref<2x128x128xf32, #tpu.memory_space<vmem>>, vector<1x1x16xf32>,
      %parallel_loop3A_413 = vector.shape_cast %parallel_loop3A_412 : vector<1x1x16xf32> to vector<16xf32>
      %parallel_loop3A_414 = vector.shape_cast %parallel_loop3A_407 : vector<16xf32> to vector<1x1x16xf32>
      tpu.vector_store %arg10[%parallel_loop3A_409, %parallel_loop3A_410, %parallel_loop3A_411], %parallel_loop3A_414 {strides = array<i32>} : memref<2x128x128xf32, #tpu.memory_space<vmem>>, vector<1x1x16xf32>,
      %parallel_loop3A_415 = arith.constant 1 : i32
      %parallel_loop3A_416 = arith.index_cast %parallel_loop3A_415 : i32 to index
      %parallel_loop3A_417 = arith.index_cast %parallel_loop3A_368 : i32 to index
      %parallel_loop3A_418 = arith.constant 32 : index
      %parallel_loop3A_419 = tpu.vector_load %arg8[%parallel_loop3A_416, %parallel_loop3A_417, %parallel_loop3A_418] {strides = array<i32>} : memref<2x128x128xf32, #tpu.memory_space<vmem>>, vector<1x1x16xf32>,
      %parallel_loop3A_420 = vector.shape_cast %parallel_loop3A_419 : vector<1x1x16xf32> to vector<16xf32>
      %parallel_loop3A_421 = arith.constant 11.3137083 : f32
      %parallel_loop3A_422 = vector.broadcast %parallel_loop3A_421 : f32 to vector<16xf32>
      %parallel_loop3A_423 = arith.mulf %parallel_loop3A_420, %parallel_loop3A_422 : vector<16xf32>
      %parallel_loop3A_424 = arith.constant 1 : i32
      %parallel_loop3A_425 = arith.index_cast %parallel_loop3A_424 : i32 to index
      %parallel_loop3A_426 = arith.index_cast %parallel_loop3A_368 : i32 to index
      %parallel_loop3A_427 = arith.constant 32 : index
      %parallel_loop3A_428 = tpu.vector_load %arg9[%parallel_loop3A_425, %parallel_loop3A_426, %parallel_loop3A_427] {strides = array<i32>} : memref<2x128x128xf32, #tpu.memory_space<vmem>>, vector<1x1x16xf32>,
      %parallel_loop3A_429 = vector.shape_cast %parallel_loop3A_428 : vector<1x1x16xf32> to vector<16xf32>
      %parallel_loop3A_430 = arith.addf %parallel_loop3A_423, %parallel_loop3A_429 : vector<16xf32>
      %parallel_loop3A_431 = arith.constant 1 : i32
      %parallel_loop3A_432 = arith.index_cast %parallel_loop3A_431 : i32 to index
      %parallel_loop3A_433 = arith.index_cast %parallel_loop3A_368 : i32 to index
      %parallel_loop3A_434 = arith.constant 32 : index
      %parallel_loop3A_435 = tpu.vector_load %arg10[%parallel_loop3A_432, %parallel_loop3A_433, %parallel_loop3A_434] {strides = array<i32>} : memref<2x128x128xf32, #tpu.memory_space<vmem>>, vector<1x1x16xf32>,
      %parallel_loop3A_436 = vector.shape_cast %parallel_loop3A_435 : vector<1x1x16xf32> to vector<16xf32>
      %parallel_loop3A_437 = vector.shape_cast %parallel_loop3A_430 : vector<16xf32> to vector<1x1x16xf32>
      tpu.vector_store %arg10[%parallel_loop3A_432, %parallel_loop3A_433, %parallel_loop3A_434], %parallel_loop3A_437 {strides = array<i32>} : memref<2x128x128xf32, #tpu.memory_space<vmem>>, vector<1x1x16xf32>,
      %parallel_loop3A_438 = arith.constant 1 : i32
      %parallel_loop3A_439 = arith.index_cast %parallel_loop3A_438 : i32 to index
      %parallel_loop3A_440 = arith.index_cast %parallel_loop3A_368 : i32 to index
      %parallel_loop3A_441 = arith.constant 48 : index
      %parallel_loop3A_442 = tpu.vector_load %arg8[%parallel_loop3A_439, %parallel_loop3A_440, %parallel_loop3A_441] {strides = array<i32>} : memref<2x128x128xf32, #tpu.memory_space<vmem>>, vector<1x1x16xf32>,
      %parallel_loop3A_443 = vector.shape_cast %parallel_loop3A_442 : vector<1x1x16xf32> to vector<16xf32>
      %parallel_loop3A_444 = arith.constant 11.3137083 : f32
      %parallel_loop3A_445 = vector.broadcast %parallel_loop3A_444 : f32 to vector<16xf32>
      %parallel_loop3A_446 = arith.mulf %parallel_loop3A_443, %parallel_loop3A_445 : vector<16xf32>
      %parallel_loop3A_447 = arith.constant 1 : i32
      %parallel_loop3A_448 = arith.index_cast %parallel_loop3A_447 : i32 to index
      %parallel_loop3A_449 = arith.index_cast %parallel_loop3A_368 : i32 to index
      %parallel_loop3A_450 = arith.constant 48 : index
      %parallel_loop3A_451 = tpu.vector_load %arg9[%parallel_loop3A_448, %parallel_loop3A_449, %parallel_loop3A_450] {strides = array<i32>} : memref<2x128x128xf32, #tpu.memory_space<vmem>>, vector<1x1x16xf32>,
      %parallel_loop3A_452 = vector.shape_cast %parallel_loop3A_451 : vector<1x1x16xf32> to vector<16xf32>
      %parallel_loop3A_453 = arith.addf %parallel_loop3A_446, %parallel_loop3A_452 : vector<16xf32>
      %parallel_loop3A_454 = arith.constant 1 : i32
      %parallel_loop3A_455 = arith.index_cast %parallel_loop3A_454 : i32 to index
      %parallel_loop3A_456 = arith.index_cast %parallel_loop3A_368 : i32 to index
      %parallel_loop3A_457 = arith.constant 48 : index
      %parallel_loop3A_458 = tpu.vector_load %arg10[%parallel_loop3A_455, %parallel_loop3A_456, %parallel_loop3A_457] {strides = array<i32>} : memref<2x128x128xf32, #tpu.memory_space<vmem>>, vector<1x1x16xf32>,
      %parallel_loop3A_459 = vector.shape_cast %parallel_loop3A_458 : vector<1x1x16xf32> to vector<16xf32>
      %parallel_loop3A_460 = vector.shape_cast %parallel_loop3A_453 : vector<16xf32> to vector<1x1x16xf32>
      tpu.vector_store %arg10[%parallel_loop3A_455, %parallel_loop3A_456, %parallel_loop3A_457], %parallel_loop3A_460 {strides = array<i32>} : memref<2x128x128xf32, #tpu.memory_space<vmem>>, vector<1x1x16xf32>,
      %parallel_loop3A_461 = arith.constant 1 : i32
      %parallel_loop3A_462 = arith.index_cast %parallel_loop3A_461 : i32 to index
      %parallel_loop3A_463 = arith.index_cast %parallel_loop3A_368 : i32 to index
      %parallel_loop3A_464 = arith.constant 64 : index
      %parallel_loop3A_465 = tpu.vector_load %arg8[%parallel_loop3A_462, %parallel_loop3A_463, %parallel_loop3A_464] {strides = array<i32>} : memref<2x128x128xf32, #tpu.memory_space<vmem>>, vector<1x1x16xf32>,
      %parallel_loop3A_466 = vector.shape_cast %parallel_loop3A_465 : vector<1x1x16xf32> to vector<16xf32>
      %parallel_loop3A_467 = arith.constant 11.3137083 : f32
      %parallel_loop3A_468 = vector.broadcast %parallel_loop3A_467 : f32 to vector<16xf32>
      %parallel_loop3A_469 = arith.mulf %parallel_loop3A_466, %parallel_loop3A_468 : vector<16xf32>
      %parallel_loop3A_470 = arith.constant 1 : i32
      %parallel_loop3A_471 = arith.index_cast %parallel_loop3A_470 : i32 to index
      %parallel_loop3A_472 = arith.index_cast %parallel_loop3A_368 : i32 to index
      %parallel_loop3A_473 = arith.constant 64 : index
      %parallel_loop3A_474 = tpu.vector_load %arg9[%parallel_loop3A_471, %parallel_loop3A_472, %parallel_loop3A_473] {strides = array<i32>} : memref<2x128x128xf32, #tpu.memory_space<vmem>>, vector<1x1x16xf32>,
      %parallel_loop3A_475 = vector.shape_cast %parallel_loop3A_474 : vector<1x1x16xf32> to vector<16xf32>
      %parallel_loop3A_476 = arith.addf %parallel_loop3A_469, %parallel_loop3A_475 : vector<16xf32>
      %parallel_loop3A_477 = arith.constant 1 : i32
      %parallel_loop3A_478 = arith.index_cast %parallel_loop3A_477 : i32 to index
      %parallel_loop3A_479 = arith.index_cast %parallel_loop3A_368 : i32 to index
      %parallel_loop3A_480 = arith.constant 64 : index
      %parallel_loop3A_481 = tpu.vector_load %arg10[%parallel_loop3A_478, %parallel_loop3A_479, %parallel_loop3A_480] {strides = array<i32>} : memref<2x128x128xf32, #tpu.memory_space<vmem>>, vector<1x1x16xf32>,
      %parallel_loop3A_482 = vector.shape_cast %parallel_loop3A_481 : vector<1x1x16xf32> to vector<16xf32>
      %parallel_loop3A_483 = vector.shape_cast %parallel_loop3A_476 : vector<16xf32> to vector<1x1x16xf32>
      tpu.vector_store %arg10[%parallel_loop3A_478, %parallel_loop3A_479, %parallel_loop3A_480], %parallel_loop3A_483 {strides = array<i32>} : memref<2x128x128xf32, #tpu.memory_space<vmem>>, vector<1x1x16xf32>,
      %parallel_loop3A_484 = arith.constant 1 : i32
      %parallel_loop3A_485 = arith.index_cast %parallel_loop3A_484 : i32 to index
      %parallel_loop3A_486 = arith.index_cast %parallel_loop3A_368 : i32 to index
      %parallel_loop3A_487 = arith.constant 80 : index
      %parallel_loop3A_488 = tpu.vector_load %arg8[%parallel_loop3A_485, %parallel_loop3A_486, %parallel_loop3A_487] {strides = array<i32>} : memref<2x128x128xf32, #tpu.memory_space<vmem>>, vector<1x1x16xf32>,
      %parallel_loop3A_489 = vector.shape_cast %parallel_loop3A_488 : vector<1x1x16xf32> to vector<16xf32>
      %parallel_loop3A_490 = arith.constant 11.3137083 : f32
      %parallel_loop3A_491 = vector.broadcast %parallel_loop3A_490 : f32 to vector<16xf32>
      %parallel_loop3A_492 = arith.mulf %parallel_loop3A_489, %parallel_loop3A_491 : vector<16xf32>
      %parallel_loop3A_493 = arith.constant 1 : i32
      %parallel_loop3A_494 = arith.index_cast %parallel_loop3A_493 : i32 to index
      %parallel_loop3A_495 = arith.index_cast %parallel_loop3A_368 : i32 to index
      %parallel_loop3A_496 = arith.constant 80 : index
      %parallel_loop3A_497 = tpu.vector_load %arg9[%parallel_loop3A_494, %parallel_loop3A_495, %parallel_loop3A_496] {strides = array<i32>} : memref<2x128x128xf32, #tpu.memory_space<vmem>>, vector<1x1x16xf32>,
      %parallel_loop3A_498 = vector.shape_cast %parallel_loop3A_497 : vector<1x1x16xf32> to vector<16xf32>
      %parallel_loop3A_499 = arith.addf %parallel_loop3A_492, %parallel_loop3A_498 : vector<16xf32>
      %parallel_loop3A_500 = arith.constant 1 : i32
      %parallel_loop3A_501 = arith.index_cast %parallel_loop3A_500 : i32 to index
      %parallel_loop3A_502 = arith.index_cast %parallel_loop3A_368 : i32 to index
      %parallel_loop3A_503 = arith.constant 80 : index
      %parallel_loop3A_504 = tpu.vector_load %arg10[%parallel_loop3A_501, %parallel_loop3A_502, %parallel_loop3A_503] {strides = array<i32>} : memref<2x128x128xf32, #tpu.memory_space<vmem>>, vector<1x1x16xf32>,
      %parallel_loop3A_505 = vector.shape_cast %parallel_loop3A_504 : vector<1x1x16xf32> to vector<16xf32>
      %parallel_loop3A_506 = vector.shape_cast %parallel_loop3A_499 : vector<16xf32> to vector<1x1x16xf32>
      tpu.vector_store %arg10[%parallel_loop3A_501, %parallel_loop3A_502, %parallel_loop3A_503], %parallel_loop3A_506 {strides = array<i32>} : memref<2x128x128xf32, #tpu.memory_space<vmem>>, vector<1x1x16xf32>,
      %parallel_loop3A_507 = arith.constant 1 : i32
      %parallel_loop3A_508 = arith.index_cast %parallel_loop3A_507 : i32 to index
      %parallel_loop3A_509 = arith.index_cast %parallel_loop3A_368 : i32 to index
      %parallel_loop3A_510 = arith.constant 96 : index
      %parallel_loop3A_511 = tpu.vector_load %arg8[%parallel_loop3A_508, %parallel_loop3A_509, %parallel_loop3A_510] {strides = array<i32>} : memref<2x128x128xf32, #tpu.memory_space<vmem>>, vector<1x1x16xf32>,
      %parallel_loop3A_512 = vector.shape_cast %parallel_loop3A_511 : vector<1x1x16xf32> to vector<16xf32>
      %parallel_loop3A_513 = arith.constant 11.3137083 : f32
      %parallel_loop3A_514 = vector.broadcast %parallel_loop3A_513 : f32 to vector<16xf32>
      %parallel_loop3A_515 = arith.mulf %parallel_loop3A_512, %parallel_loop3A_514 : vector<16xf32>
      %parallel_loop3A_516 = arith.constant 1 : i32
      %parallel_loop3A_517 = arith.index_cast %parallel_loop3A_516 : i32 to index
      %parallel_loop3A_518 = arith.index_cast %parallel_loop3A_368 : i32 to index
      %parallel_loop3A_519 = arith.constant 96 : index
      %parallel_loop3A_520 = tpu.vector_load %arg9[%parallel_loop3A_517, %parallel_loop3A_518, %parallel_loop3A_519] {strides = array<i32>} : memref<2x128x128xf32, #tpu.memory_space<vmem>>, vector<1x1x16xf32>,
      %parallel_loop3A_521 = vector.shape_cast %parallel_loop3A_520 : vector<1x1x16xf32> to vector<16xf32>
      %parallel_loop3A_522 = arith.addf %parallel_loop3A_515, %parallel_loop3A_521 : vector<16xf32>
      %parallel_loop3A_523 = arith.constant 1 : i32
      %parallel_loop3A_524 = arith.index_cast %parallel_loop3A_523 : i32 to index
      %parallel_loop3A_525 = arith.index_cast %parallel_loop3A_368 : i32 to index
      %parallel_loop3A_526 = arith.constant 96 : index
      %parallel_loop3A_527 = tpu.vector_load %arg10[%parallel_loop3A_524, %parallel_loop3A_525, %parallel_loop3A_526] {strides = array<i32>} : memref<2x128x128xf32, #tpu.memory_space<vmem>>, vector<1x1x16xf32>,
      %parallel_loop3A_528 = vector.shape_cast %parallel_loop3A_527 : vector<1x1x16xf32> to vector<16xf32>
      %parallel_loop3A_529 = vector.shape_cast %parallel_loop3A_522 : vector<16xf32> to vector<1x1x16xf32>
      tpu.vector_store %arg10[%parallel_loop3A_524, %parallel_loop3A_525, %parallel_loop3A_526], %parallel_loop3A_529 {strides = array<i32>} : memref<2x128x128xf32, #tpu.memory_space<vmem>>, vector<1x1x16xf32>,
      %parallel_loop3A_530 = arith.constant 1 : i32
      %parallel_loop3A_531 = arith.index_cast %parallel_loop3A_530 : i32 to index
      %parallel_loop3A_532 = arith.index_cast %parallel_loop3A_368 : i32 to index
      %parallel_loop3A_533 = arith.constant 112 : index
      %parallel_loop3A_534 = tpu.vector_load %arg8[%parallel_loop3A_531, %parallel_loop3A_532, %parallel_loop3A_533] {strides = array<i32>} : memref<2x128x128xf32, #tpu.memory_space<vmem>>, vector<1x1x16xf32>,
      %parallel_loop3A_535 = vector.shape_cast %parallel_loop3A_534 : vector<1x1x16xf32> to vector<16xf32>
      %parallel_loop3A_536 = arith.constant 11.3137083 : f32
      %parallel_loop3A_537 = vector.broadcast %parallel_loop3A_536 : f32 to vector<16xf32>
      %parallel_loop3A_538 = arith.mulf %parallel_loop3A_535, %parallel_loop3A_537 : vector<16xf32>
      %parallel_loop3A_539 = arith.constant 1 : i32
      %parallel_loop3A_540 = arith.index_cast %parallel_loop3A_539 : i32 to index
      %parallel_loop3A_541 = arith.index_cast %parallel_loop3A_368 : i32 to index
      %parallel_loop3A_542 = arith.constant 112 : index
      %parallel_loop3A_543 = tpu.vector_load %arg9[%parallel_loop3A_540, %parallel_loop3A_541, %parallel_loop3A_542] {strides = array<i32>} : memref<2x128x128xf32, #tpu.memory_space<vmem>>, vector<1x1x16xf32>,
      %parallel_loop3A_544 = vector.shape_cast %parallel_loop3A_543 : vector<1x1x16xf32> to vector<16xf32>
      %parallel_loop3A_545 = arith.addf %parallel_loop3A_538, %parallel_loop3A_544 : vector<16xf32>
      %parallel_loop3A_546 = arith.constant 1 : i32
      %parallel_loop3A_547 = arith.index_cast %parallel_loop3A_546 : i32 to index
      %parallel_loop3A_548 = arith.index_cast %parallel_loop3A_368 : i32 to index
      %parallel_loop3A_549 = arith.constant 112 : index
      %parallel_loop3A_550 = tpu.vector_load %arg10[%parallel_loop3A_547, %parallel_loop3A_548, %parallel_loop3A_549] {strides = array<i32>} : memref<2x128x128xf32, #tpu.memory_space<vmem>>, vector<1x1x16xf32>,
      %parallel_loop3A_551 = vector.shape_cast %parallel_loop3A_550 : vector<1x1x16xf32> to vector<16xf32>
      %parallel_loop3A_552 = vector.shape_cast %parallel_loop3A_545 : vector<16xf32> to vector<1x1x16xf32>
      tpu.vector_store %arg10[%parallel_loop3A_547, %parallel_loop3A_548, %parallel_loop3A_549], %parallel_loop3A_552 {strides = array<i32>} : memref<2x128x128xf32, #tpu.memory_space<vmem>>, vector<1x1x16xf32>,
    } {sc.loop_unroll_factor = 4 : i64, sc.parallel_access}
    %add3A_320 = arith.constant 6272 : i32
    %add3A_321 = arith.addi %multiple_of3A, %add3A_320 : i32
    %multiple_of3A_322 = tpu.assume_multiple %add3A_321, 128 : i32
    %dma_start3A_323 = arith.constant 1 : i32
    %dma_start3A_324 = arith.constant 0 : i32
    %dma_start3A_325 = arith.constant 0 : i32
    %dma_start3A_326 = tpu.memref_slice %arg10[%dma_start3A_323, %dma_start3A_324, %dma_start3A_325] : memref<2x128x128xf32, #tpu.memory_space<vmem>> -> memref<1x128x128xf32, #tpu.memory_space<vmem>>
    %dma_start3A_327 = tpu.memref_squeeze %dma_start3A_326 : memref<1x128x128xf32, #tpu.memory_space<vmem>> -> memref<128x128xf32, #tpu.memory_space<vmem>>
    %dma_start3A_328 = arith.constant 0 : i32
    %dma_start3A_329 = tpu.memref_slice %arg5[%multiple_of3A_322, %dma_start3A_328] : memref<204800x128xf32, #tpu.memory_space<hbm>> -> memref<128x128xf32, #tpu.memory_space<hbm>>
    %dma_start3A_330 = arith.constant 0 : i32
    %dma_start3A_331 = tpu.memref_slice %arg5[%multiple_of3A_322, %dma_start3A_330] : memref<204800x128xf32, #tpu.memory_space<hbm>> -> memref<128x128xf32, #tpu.memory_space<hbm>>
    %dma_start3A_332 = arith.constant 0 : i32
    %dma_start3A_333 = arith.constant 0 : i32
    %dma_start3A_334 = tpu.memref_slice %arg10[%dma_start3A_323, %dma_start3A_332, %dma_start3A_333] : memref<2x128x128xf32, #tpu.memory_space<vmem>> -> memref<1x128x128xf32, #tpu.memory_space<vmem>>
    %dma_start3A_335 = tpu.memref_squeeze %dma_start3A_334 : memref<1x128x128xf32, #tpu.memory_space<vmem>> -> memref<128x128xf32, #tpu.memory_space<vmem>>
    tpu.enqueue_dma source(%dma_start3A_335 : memref<128x128xf32, #tpu.memory_space<vmem>>) target(%dma_start3A_331 : memref<128x128xf32, #tpu.memory_space<hbm>>) target_semaphore(%arg17 : memref<!tpu.dma_semaphore, #tpu.memory_space<semaphore_mem>>)
    %add3A_336 = arith.constant 6144 : i32
    %add3A_337 = arith.addi %multiple_of3A, %add3A_336 : i32
    %multiple_of3A_338 = tpu.assume_multiple %add3A_337, 128 : i32
    %dma_wait3A_339 = arith.constant 0 : i32
    %dma_wait3A_340 = arith.constant 0 : i32
    %dma_wait3A_341 = arith.constant 0 : i32
    %dma_wait3A_342 = tpu.memref_slice %arg10[%dma_wait3A_339, %dma_wait3A_340, %dma_wait3A_341] : memref<2x128x128xf32, #tpu.memory_space<vmem>> -> memref<1x128x128xf32, #tpu.memory_space<vmem>>
    %dma_wait3A_343 = tpu.memref_squeeze %dma_wait3A_342 : memref<1x128x128xf32, #tpu.memory_space<vmem>> -> memref<128x128xf32, #tpu.memory_space<vmem>>
    %dma_wait3A_344 = arith.constant 0 : i32
    %dma_wait3A_345 = tpu.memref_slice %arg5[%multiple_of3A_338, %dma_wait3A_344] : memref<204800x128xf32, #tpu.memory_space<hbm>> -> memref<128x128xf32, #tpu.memory_space<hbm>>
    %dma_wait3A_346 = arith.constant 0 : i32
    %dma_wait3A_347 = tpu.memref_slice %arg5[%multiple_of3A_338, %dma_wait3A_346] : memref<204800x128xf32, #tpu.memory_space<hbm>> -> memref<128x128xf32, #tpu.memory_space<hbm>>
    %dma_wait3A_348 = arith.constant 0 : i32
    %dma_wait3A_349 = arith.constant 0 : i32
    %dma_wait3A_350 = tpu.memref_slice %arg10[%dma_wait3A_339, %dma_wait3A_348, %dma_wait3A_349] : memref<2x128x128xf32, #tpu.memory_space<vmem>> -> memref<1x128x128xf32, #tpu.memory_space<vmem>>
    %dma_wait3A_351 = tpu.memref_squeeze %dma_wait3A_350 : memref<1x128x128xf32, #tpu.memory_space<vmem>> -> memref<128x128xf32, #tpu.memory_space<vmem>>
    tpu.wait_dma2 semaphore(%arg16 : memref<!tpu.dma_semaphore, #tpu.memory_space<semaphore_mem>>) src(%dma_wait3A_351 : memref<128x128xf32, #tpu.memory_space<vmem>>) dst(%dma_wait3A_347 : memref<128x128xf32, #tpu.memory_space<hbm>>)
    %add3A_352 = arith.constant 6272 : i32
    %add3A_353 = arith.addi %multiple_of3A, %add3A_352 : i32
    %multiple_of3A_354 = tpu.assume_multiple %add3A_353, 128 : i32
    %dma_wait3A_355 = arith.constant 1 : i32
    %dma_wait3A_356 = arith.constant 0 : i32
    %dma_wait3A_357 = arith.constant 0 : i32
    %dma_wait3A_358 = tpu.memref_slice %arg10[%dma_wait3A_355, %dma_wait3A_356, %dma_wait3A_357] : memref<2x128x128xf32, #tpu.memory_space<vmem>> -> memref<1x128x128xf32, #tpu.memory_space<vmem>>
    %dma_wait3A_359 = tpu.memref_squeeze %dma_wait3A_358 : memref<1x128x128xf32, #tpu.memory_space<vmem>> -> memref<128x128xf32, #tpu.memory_space<vmem>>
    %dma_wait3A_360 = arith.constant 0 : i32
    %dma_wait3A_361 = tpu.memref_slice %arg5[%multiple_of3A_354, %dma_wait3A_360] : memref<204800x128xf32, #tpu.memory_space<hbm>> -> memref<128x128xf32, #tpu.memory_space<hbm>>
    %dma_wait3A_362 = arith.constant 0 : i32
    %dma_wait3A_363 = tpu.memref_slice %arg5[%multiple_of3A_354, %dma_wait3A_362] : memref<204800x128xf32, #tpu.memory_space<hbm>> -> memref<128x128xf32, #tpu.memory_space<hbm>>
    %dma_wait3A_364 = arith.constant 0 : i32
    %dma_wait3A_365 = arith.constant 0 : i32
    %dma_wait3A_366 = tpu.memref_slice %arg10[%dma_wait3A_355, %dma_wait3A_364, %dma_wait3A_365] : memref<2x128x128xf32, #tpu.memory_space<vmem>> -> memref<1x128x128xf32, #tpu.memory_space<vmem>>
    %dma_wait3A_367 = tpu.memref_squeeze %dma_wait3A_366 : memref<1x128x128xf32, #tpu.memory_space<vmem>> -> memref<128x128xf32, #tpu.memory_space<vmem>>
    tpu.wait_dma2 semaphore(%arg17 : memref<!tpu.dma_semaphore, #tpu.memory_space<semaphore_mem>>) src(%dma_wait3A_367 : memref<128x128xf32, #tpu.memory_space<vmem>>) dst(%dma_wait3A_363 : memref<128x128xf32, #tpu.memory_space<hbm>>)
    return
  }
}

</mosaic_0001>

<sc_bundles>
// kernel: _sc_embed.3.cloned.1.call-start
scs
__scs_entry_jumppad:
0x0: {  	(pc) =	sbr.rel $0x88, $3  }
0x1: {  	(tag) =	ssettag $0x0;
	lr =	simm.s32 $0x1  }
0x2: {  	[smem:$0x3F9E] =	sst lr;
	_ =	strace $0xD0000000  }
0x3: {  	_ = 	snop  }
0x4: {  	_ = 	snop  }
0x5: {  	_ = 	snop  }
0x6: {  	_ = 	snop  }
0x7: {  	_ = 	snop  }
__scs_overlays_trampoline_lowered:
0x8: {  	[smem:$0x3FAD] =	sst s0  }
0x9: {  	[smem:$0x3FAE] =	sst s1  }
0xa: {  	[smem:$0x3FAF] =	sst s2  }
0xb: {  	[smem:$0x3FB0] =	sst s3  }
0xc: {  	[smem:$0x3FB1] =	sst s4  }
0xd: {  	[smem:$0x3FB2] =	sst s5  }
0xe: {  	[smem:$0x3FB3] =	sst s6  }
0xf: {  	[smem:$0x3FB4] =	sst s7  }
0x10: {  	[smem:$0x3FB5] =	sst s8  }
0x11: {  	[smem:$0x3FB6] =	sst s9;
	s0 =	simm.s32 @!p0 $0x0  }
0x12: {  	s1 =	sld [smem:$0x3F9C];
	s0 =	simm.s32 @p0 $0x1  }
0x13: {  	[smem:$0x3FB7] =	sst s0;
	s0 =	simm.s32 @!p1 $0x0  }
0x14: {  	s2 =	sld [smem:$0x3F9B];
	s0 =	simm.s32 @p1 $0x1  }
0x15: {  	[smem:$0x3FB8] =	sst s0;
	s0 =	simm.s32 @!p2 $0x0  }
0x16: {  	s3 =	sld [smem:$0x3FDB];
	s0 =	simm.s32 @p2 $0x1  }
0x17: {  	s4 =	simm.s32 $0x1BF5;
	[smem:$0x3FBA] =	sst s0  }
0x18: {  	s0 =	sld [smem:$0x3F9D];
	_ =	swait.ge [sflag:s4], $0x0  }
0x19: {  	s7 =	sld [smem:$0x3F9E]  }
0x1a: {  	s8 =	sadd.s32 $0xFFFFE003, lr  }
0x1b: {  	s9 =	sadd.s32 $0xFFFFFEF7, lr;
	s5 =	simm.s32 $0xFFFFFFFF;
	p2 =	slt.u32 s8, $0xFFFFF086  }
0x1c: {  	p1 =	slt.u32 s9, $0xF7A;
	s5 =	simm.s32 @!p2 $0x0  }
0x1d: {  	s5 =	simm.s32 @p1 $0x1;
	p0 =	seq.s32 s7, s2  }
0x1e: {  	s7 =	smul.u32 @!p0 $0xF7A, s2;
	p2 =	seq.s32 @!p0 s5, $0x0  }
0x1f: {  	s9 =	smul.u32 $0xF7A, s1;
	s8 =	simm.s32 @!p0 $0x1BF5;
	p2 =	por !p2, p0  }
0x20: {  	[sflag:s8] =	ssyncset.s32 @!p0 $0xFFFFF086;
	s6 =	sadd.s32 @!p0 s3, s7;
	s7 =	simm.s32 @!p0 $0x108  }
0x21: {  	s3 =	sadd.s32 s3, s9;
	s6 =	sadd.s32 @!p0 $0x88, s6;
	s7 =	simm.s32 @p2 $0x1082  }
0x22: {  	[simem:s7], [sflag:s8] =	dma.local @!p0 [hbm:s6], $0xF7A  }
0x23: {  	s9 =	sor.u32 $0xD0000000, s2;
	s6 =	simm.s32 $0x108;
	_ =	swait.ge @!p0 [sflag:s8], $0x0  }
0x24: {  	s3 =	sadd.s32 $0x88, s3;
	s6 =	simm.s32 @!p1 $0x1082;
	[sflag:s4] =	ssyncset.s32 $0xFFFFF086  }
0x25: {  	[simem:s6], [sflag:s4] =	dma.local [hbm:s3], $0xF7A  }
0x26: {  	[smem:$0x3F9E] =	sst s1;
	(tag) =	ssettag s2;
	_ =	strace s9  }
0x27: {  	s1 =	sld [smem:$0x3FAE]  }
0x28: {  	s2 =	sld [smem:$0x3FAF]  }
0x29: {  	s4 =	sld [smem:$0x3FB1]  }
0x2a: {  	p0 =	seq.s32 s5, $0x0;
	s5 =	sld [smem:$0x3FB2]  }
0x2b: {  	s6 =	sld [smem:$0x3FB3]  }
0x2c: {  	s7 =	sld [smem:$0x3FB4]  }
0x2d: {  	s3 =	simm.s32 $0x108;
	s8 =	sld [smem:$0x3FB5]  }
0x2e: {  	s3 =	simm.s32 @!p0 $0x1082;
	s9 =	sld [smem:$0x3FB6]  }
0x2f: {  	lr =	sadd.s32 s0, s3;
	s0 =	sld [smem:$0x3FAD]  }
0x30: {  	s3 =	sld [smem:$0x3FB0]  }
0x31: {  	[smem:$0x3FB9] =	sst s10  }
0x32: {  	s10 =	sld [smem:$0x3FB7];
	_ =	sdelay $0x3  }
0x33: {  	p0 =	seq.s32 s10, $0x1;
	s10 =	sld [smem:$0x3FB9];
	_ =	sdelay $0x3  }
0x34: {  	[smem:$0x3FB9] =	sst s10  }
0x35: {  	s10 =	sld [smem:$0x3FB8];
	_ =	sdelay $0x3  }
0x36: {  	p1 =	seq.s32 s10, $0x1;
	s10 =	sld [smem:$0x3FB9];
	_ =	sdelay $0x3  }
0x37: {  	[smem:$0x3FB9] =	sst s10  }
0x38: {  	s10 =	sld [smem:$0x3FBA]  }
0x39: {  	_ = 	snop;
	(pc) =	sbr.ind lr, $3  }
0x3a: {  	_ = 	snop  }
0x3b: {  	_ = 	snop  }
0x3c: {  	p2 =	seq.s32 s10, $0x1;
	s10 =	sld [smem:$0x3FB9]  }
0x3d: {  	_ =	shalt  }
0x3e: {  	_ =	shalt  }
0x3f: {  	_ =	shalt  }
0x40: {  	_ =	shalt  }
0x41: {  	_ =	shalt  }
0x42: {  	_ =	shalt  }
0x43: {  	_ =	shalt  }
0x44: {  	_ =	shalt  }
0x45: {  	_ =	shalt  }
0x46: {  	_ =	shalt  }
0x47: {  	_ =	shalt  }
0x48: {  	_ =	shalt  }
0x49: {  	_ =	shalt  }
0x4a: {  	_ =	shalt  }
0x4b: {  	_ =	shalt  }
0x4c: {  	_ =	shalt  }
0x4d: {  	_ =	shalt  }
0x4e: {  	_ =	shalt  }
0x4f: {  	_ =	shalt  }
0x50: {  	_ =	shalt  }
0x51: {  	_ =	shalt  }
0x52: {  	_ =	shalt  }
0x53: {  	_ =	shalt  }
0x54: {  	_ =	shalt  }
0x55: {  	_ =	shalt  }
0x56: {  	_ =	shalt  }
0x57: {  	_ =	shalt  }
0x58: {  	_ =	shalt  }
0x59: {  	_ =	shalt  }
0x5a: {  	_ =	shalt  }
0x5b: {  	_ =	shalt  }
0x5c: {  	_ =	shalt  }
0x5d: {  	_ =	shalt  }
0x5e: {  	_ =	shalt  }
0x5f: {  	_ =	shalt  }
0x60: {  	_ =	shalt  }
0x61: {  	_ =	shalt  }
0x62: {  	_ =	shalt  }
0x63: {  	_ =	shalt  }
0x64: {  	_ =	shalt  }
0x65: {  	_ =	shalt  }
0x66: {  	_ =	shalt  }
0x67: {  	_ =	shalt  }
0x68: {  	_ =	shalt  }
0x69: {  	_ =	shalt  }
0x6a: {  	_ =	shalt  }
0x6b: {  	_ =	shalt  }
0x6c: {  	_ =	shalt  }
0x6d: {  	_ =	shalt  }
0x6e: {  	_ =	shalt  }
0x6f: {  	_ =	shalt  }
0x70: {  	_ =	shalt  }
0x71: {  	_ =	shalt  }
0x72: {  	_ =	shalt  }
0x73: {  	_ =	shalt  }
0x74: {  	_ =	shalt  }
0x75: {  	_ =	shalt  }
0x76: {  	_ =	shalt  }
0x77: {  	_ =	shalt  }
0x78: {  	_ =	shalt  }
0x79: {  	_ =	shalt  }
0x7a: {  	_ =	shalt  }
0x7b: {  	_ =	shalt  }
0x7c: {  	_ =	shalt  }
0x7d: {  	_ =	shalt  }
0x7e: {  	_ =	shalt  }
0x7f: {  	_ =	shalt  }
0x80: {  	_ =	shalt  }
0x81: {  	_ =	shalt  }
0x82: {  	_ =	shalt  }
0x83: {  	_ =	shalt  }
0x84: {  	_ =	shalt  }
0x85: {  	_ =	shalt  }
0x86: {  	_ =	shalt  }
0x87: {  	_ =	shalt  }
.Lfunc_end0:
.L_simem_size_0:
called_computation_lowered:
.L_overlay_start_0:
0x88: {  	s2 =	sld [smem:$0x3FD9]  }
0x89: {  	s3 =	sld [smem:$0x3FFE];
	_ =	sdelay $0x1  }
0x8a: {  	s1 =	srdreg.scid  }
0x8b: {  	s0 =	sand.u32 $0x1, s1  }
0x8c: {  	s18 =	sshll.u32 s0, $0xA;
	s2 =	sadd.s32 s3, s2  }
0x8d: {  	s2 =	sadd.s32 s2, s18  }
0x8e: {  	[smem:$0x3FC5] =	sst s2  }
0x8f: {  	_ = 	snop  }
0x90: {  	s2 =	sld [smem:$0x3FC9]  }
0x91: {  	s19 =	sld [smem:$0x3FC8]  }
0x92: {  	s4 =	sld [smem:$0x3FC7]  }
0x93: {  	s5 =	sld [smem:$0x3FD0];
	(tm) =	ssettm $0x1  }
0x94: {  	s6 =	sld [smem:$0x3FFB];
	_ =	sdelay $0x3  }
0x95: {  	_ =	strace s6  }
0x96: {  	s6 =	sld [smem:$0x3FFC];
	_ =	sdelay $0x3  }
0x97: {  	_ =	strace s6  }
0x98: {  	s6 =	sld [smem:$0x3FFD];
	_ =	sdelay $0x3  }
0x99: {  	_ =	strace s6  }
0x9a: {  	_ =	strace $0x8FFFFFFF  }
0x9b: {  	s20 =	sld [smem:$0x3FDB];
	_ =	sdelay $0x1  }
0x9c: {  	s7 =	simm.s32 $_scs_section_size  }
0x9d: {  	s8 =	simm.s32 $_size__tile_overlayer_lowered;
	s9 =	simm.s32 $_tile_overlayer_lowered  }
0x9e: {  	s23 =	simm.s32 $0x1BFF;
	s22 =	sshll.u32 s9, $0x1;
	s6 =	sadd.s32 s7, s20  }
0x9f: {  	s10 =	simm.s32 $0x0;
	s21 =	sshll.u32 s8, $0x1;
	s8 =	sadd.s32 s22, s6  }
0xa0: {  	[timem:s10], [sflag:s23] =	dma.local [hbm:s8], s21  }
0xa1: {  	_ =	swait.ge [sflag:s23], s21  }
0xa2: {  	s7 =	ssub.s32 $0x0, s21;
	[sflag:s23] =	ssyncset.done $0x0  }
0xa3: {  	[sflag:s23] =	ssyncadd.s32 s7;
	_ =	sdelay $0x1  }
0xa4: {  	s24 =	simm.s32 $0x1B8B  }
0xa5: {  	_ =	swait.ge [sflag:s24], $0x1  }
0xa6: {  	[sflag:s24] =	ssyncset.done $0x0  }
0xa7: {  	s25 =	simm.s32 $0x1B8E;
	[sflag:s24] =	ssyncadd.s32 $0xFFFFFFFF  }
0xa8: {  	s26 =	simm.s32 $execute0_lowered;
	[smem:$0x3FD2] =	sst s25  }
0xa9: {  	s7 =	sshll.u32 s26, $0x1;
	_ =	strace $0x80000046;
	[dreg:$0x1] =	wrdreg $0xFFFFFFFF  }
0xaa: {  	s28 =	simm.s32 $_size_execute0_lowered;
	s6 =	sadd.s32 s6, s7;
	[dreg:$0x0] =	wrdreg $0x0  }
0xab: {  	s7 =	sshll.u32 s28, $0x1;
	[dreg:$0x2] =	wrdreg s6  }
0xac: {  	[dreg:$0x3] =	wrdreg s7  }
0xad: {  	[dreg:$0x4] =	wrdreg $0xC0  }
0xae: {  	_ =	task [dreg:s10], $0x5FFFF  }
0xaf: {  	[dreg:$0x1] =	wrdreg $0xFFFFFFFF  }
0xb0: {  	[dreg:$0x0] =	wrdreg $0x60  }
0xb1: {  	[dreg:$0x2] =	wrdreg s4  }
0xb2: {  	[dreg:$0x3] =	wrdreg s2  }
0xb3: {  	[dreg:$0x4] =	wrdreg s19  }
0xb4: {  	[dreg:$0x5] =	wrdreg s5  }
0xb5: {  	[dreg:$0x6] =	wrdreg $0x0  }
0xb6: {  	[dreg:$0x7] =	wrdreg $0x9  }
0xb7: {  	_ =	task.clear_ibuf [dreg:s10], $0x8FFFF;
	_ =	strace $0x90000046  }
0xb8: {  	s29 =	simm.s32 $0x9;
	_ =	strace $0x80000048  }
0xb9: {  	_ =	swait.ge [sflag:s29], $0x1  }
0xba: {  	[sflag:s29] =	ssyncadd.s32 $0xFFFFFFFF  }
0xbb: {  	_ =	strace $0x90000048  }
0xbc: {  	_ =	sfence  }
0xbd: {  	s30 =	sld [smem:$0x0];
	_ =	sdelay $0x2  }
0xbe: {  	s31 =	sshll.u32 s1, $0xD;
	s1 =	sshrl.u32 s1, $0x2  }
0xbf: {  	s3 =	sand.u32 $0x4000, s31;
	s1 =	sadd.s32 s1, s30  }
0xc0: {  	s0 =	sor.u32 s3, s0;
	s1 =	sshll.u32 s1, $0x11  }
0xc1: {  	s0 =	sor.u32 s1, s0  }
0xc2: {  	s0 =	sadd.s32 $0x8F2B, s0  }
0xc3: {  	[sflag:s0] =	ssyncadd.remote.s32 $0x1  }
0xc4: {  	_ =	sfence.sel $0xFFFF  }
0xc5: {  	[dreg:$0x0] =	wrdreg $0xFFFFFFFF;
	(pc) =	sbr.abs _section_cstart, $3  }
0xc6: {  	[dreg:$0x1] =	wrdreg $0xFFFFFFFF  }
0xc7: {  	_ =	task.clear_ibuf [dreg:s10], $0x2FFFF;
	_ =	strace $0x9FFFFFFF  }
0xc8: {  	(tm) =	ssettm $0x7FFFFFFF  }
0xc9: {  	_ =	shalt  }
tec
execute0_lowered:
.L_overlay_start_1:
0x0: {  	(tag) =	ssettag $0x1  }
0x1: {  	s0 =	rddreg [dreg:$0x1]  }
0x2: {  	s1 =	rddreg [dreg:$0x2]  }
0x3: {  	s2 =	rddreg [dreg:$0x3]  }
0x4: {  	s3 =	srdreg.scid;
	s9 =	stileid.u32  }
0x5: {  	s4 =	rddreg [dreg:$0x4];
	s5 =	simm.s32 $0x0;
	s28 =	simm.s32 $0x2  }
0x6: {  	s29 =	simm.s32 $0x4;
	s3 =	sand.u32 $0x1, s3;
	s6 =	sshll.u32 s9, $0x1  }
0x7: {  	s30 =	simm.s32 $0x13840;
	s31 =	simm.s32 $0x6;
	s8 =	sor.u32 s3, s6  }
0x8: {  	[smem:$0x7FF] =	sst s5;
	p0 =	sne.s32 s9, $0x0;
	s6 =	smul.u32 $0x1900, s8  }
0x9: {  	s9 =	simm.s32 $0x0;
	s3 =	ssub.s32 $0x2, s3;
	s7 =	smul.u32 $0xC8000, s8  }
0xa: {  	_ =	strace $0x80000047;
	s10 =	sshrl.u32 s3, $0x1;
	s12 =	smul.u32 $0x19000, s8  }
0xb: {  	s3 =	ssub.s32 s3, s10;
	s11 =	sshrl.u32 s6, $0x3;
	s19 =	sshrl.u32 s7, $0x3  }
0xc: {  	s20 =	sadd.s32 s1, s12;
	s21 =	sor.u32 $0x800, s12;
	s12 =	sadd.s32 s2, s12  }
0xd: {  	s15 =	sor.u32 $0x80, s6;
	s26 =	smax.u32 s3, $0x1;
	[dreg:$0x6] =	wrdreg s20  }
0xe: {  	s3 =	simm.s32 $0x3;
	s8 =	sadd.s32 s0, s11;
	[dreg:$0x8] =	wrdreg s12  }
0xf: {  	s22 =	sadd.s32 s1, s19;
	s13 =	sadd.s32 s1, s21;
	[dreg:$0xe] =	wrdreg s26  }
0x10: {  	s10 =	sadd.s32 s2, s21;
	s0 =	sadd.s32 s2, s19;
	[dreg:$0x7] =	wrdreg s13  }
0x11: {  	s19 =	sshrl.u32 @!p0 s4, $0x3;
	s23 =	sadd.s32 $0x1000, s22;
	[dreg:$0xa] =	wrdreg s10  }
0x12: {  	s20 =	simm.s32 $0x80;
	s24 =	sadd.s32 $0x1800, s22;
	[dreg:$0x9] =	wrdreg s23  }
0x13: {  	s26 =	simm.s32 $0xF840;
	s25 =	sadd.s32 $0x18000, s0;
	[dreg:$0xb] =	wrdreg s24  }
0x14: {  	s21 =	simm.s32 $0x17840;
	s0 =	sadd.s32 $0x18800, s0;
	[dreg:$0xc] =	wrdreg s25  }
0x15: {  	s22 =	simm.s32 $0x3840;
	[dreg:$0xd] =	wrdreg s0;
	s23 =	simm.s32 $0xB840  }
0x16: {  	s25 =	simm.s32 $0x7840;
	s0 =	simm.s32 $0x5;
	s24 =	simm.s32 $0x7  }
.LBB2_1:
0x17: {  	s10 =	simm.s32 @p0 $0x0;
	s11 =	simm.s32 @p0 $0x1F40  }
0x18: {  	[tilespmem:s11], [sflag:$0x8] =	stream.linear.gather @p0 [hbm4b:s8+s10], $0x1900, $0x38;
	[tilespmem:$0x1B840] =	vst v63  }
0x19: {  	s10 =	simm.s32 @p0 $0x8  }
0x1a: {  	_ =	swait.ge @p0 [sflag:s10], $0x1900  }
0x1b: {  	[sflag:s10] =	ssyncset.done @p0 $0x0  }
0x1c: {  	[sflag:s10] =	ssyncadd.s32 @p0 $0xFFFFE700  }
0x1d: {  	s10 =	simm.s32 @!p0 $0x1C01;
	s11 =	rddreg [dreg:$0x0]  }
0x1e: {  	[spmem:s19], [sflag:s10] =	dma.local @!p0 [hbm:s11], $0x3E80  }
0x1f: {  	s10 =	simm.s32 @!p0 $0x0;
	s11 =	simm.s32 @!p0 $0x1F40  }
0x20: {  	[tilespmem:s11], [sflag:$0x8] =	stream.linear.gather @!p0 [hbm4b:s8+s10], $0x1900, $0x38;
	[tilespmem:$0x1B840] =	vst v63  }
0x21: {  	s10 =	simm.s32 @!p0 $0x8  }
0x22: {  	_ =	swait.ge @!p0 [sflag:s10], $0x1900  }
0x23: {  	[sflag:s10] =	ssyncset.done @!p0 $0x0  }
0x24: {  	[sflag:s10] =	ssyncadd.s32 @!p0 $0xFFFFE700;
	s10 =	simm.s32 @!p0 $0x1  }
0x25: {  	_ =	swait.ge @!p0 [sflag:s10], $0x3E80  }
0x26: {  	[sflag:s10] =	ssyncset.done @!p0 $0x0  }
0x27: {  	[sflag:s10] =	ssyncadd.s32 @!p0 $0xFFFFC180  }
0x28: {  	s14 =	simm.s32 $0x1F40;
	[bflag:$0x0] =	sbarrier.arrive $0xFFFF  }
0x29: {  	[tilespmem:s22], [sflag:$0x2] =	stream.indirect.gather [spmem:s4], $0x80, s14, s20, $0xb8;
	[tilespmem:$0x1B840] =	vst v63  }
0x2a: {  	s16 =	rddreg [dreg:$0x6]  }
0x2b: {  	[tilespmem:s23], [sflag:$0x4] =	stream.linear.gather [hbm4b:s16+s5], $0x4000, $0x38;
	[tilespmem:$0x1B840] =	vst v63  }
0x2c: {  	s17 =	simm.s32 $0x1FC0  }
0x2d: {  	[tilespmem:s25], [sflag:$0x3] =	stream.indirect.gather [spmem:s4], $0x80, s17, s20, $0xb8;
	[tilespmem:$0x1B840] =	vst v63  }
0x2e: {  	s18 =	rddreg [dreg:$0x7]  }
0x2f: {  	[tilespmem:s26], [sflag:$0x5] =	stream.linear.gather [hbm4b:s18+s5], $0x4000, $0x38;
	[tilespmem:$0x1B840] =	vst v63  }
0x30: {  	_ =	swait.ge [sflag:s28], $0x4000  }
0x31: {  	[sflag:s28] =	ssyncset.done $0x0  }
0x32: {  	[sflag:s28] =	ssyncadd.s32 $0xFFFFC000  }
0x33: {  	_ =	swait.ge [sflag:s29], $0x4000  }
0x34: {  	[sflag:s29] =	ssyncset.done $0x0  }
0x35: {  	s16 =	simm.s32 $0x3940;
	[sflag:s29] =	ssyncadd.s32 $0xFFFFC000  }
0x36: {  	v0 =	vld [tilespmem:s16+$0x80]  }
0x37: {  	s14 =	simm.s32 $0xB940  }
0x38: {  	v1 =	vld [tilespmem:s14+$0x80]  }
0x39: {  	v2 =	vld [tilespmem:s16+$0xFFFFFF80]  }
0x3a: {  	v3 =	vld [tilespmem:s16+$0xFFFFFF00]  }
0x3b: {  	v4 =	vld [tilespmem:s16+$0x0];
	v0 =	vmul.f32 $1.131370830e+01, v0  }
0x3c: {  	v5 =	vld [tilespmem:s14+$0xFFFFFF00]  }
0x3d: {  	v6 =	vld [tilespmem:s14+$0xFFFFFF80];
	v0 =	vadd.f32 v1, v0  }
0x3e: {  	s10 =	simm.s32 $0x13940  }
0x3f: {  	v1 =	vmul.f32 $1.131370830e+01, v3;
	v3 =	vld [tilespmem:s14+$0x0];
	[tilespmem:s10+$0x80] =	vst v0  }
0x40: {  	v0 =	vmul.f32 $1.131370830e+01, v2;
	v2 =	vld [tilespmem:s16+$0x90]  }
0x41: {  	v1 =	vadd.f32 v5, v1  }
0x42: {  	v4 =	vmul.f32 $1.131370830e+01, v4;
	v5 =	vld [tilespmem:s14+$0x90];
	v0 =	vadd.f32 v6, v0  }
0x43: {  	[tilespmem:s10+$0xFFFFFF00] =	vst v1  }
0x44: {  	v1 =	vld [tilespmem:s16+$0xFFFFFF10];
	[tilespmem:s10+$0xFFFFFF80] =	vst v0;
	v0 =	vadd.f32 v3, v4  }
0x45: {  	v4 =	vld [tilespmem:s14+$0xFFFFFF10];
	v2 =	vmul.f32 $1.131370830e+01, v2  }
0x46: {  	v3 =	vld [tilespmem:s16+$0xFFFFFF90];
	[tilespmem:s10+$0x0] =	vst v0  }
0x47: {  	v0 =	vld [tilespmem:s16+$0x10];
	v2 =	vadd.f32 v5, v2  }
0x48: {  	v5 =	vld [tilespmem:s14+$0xFFFFFF90]  }
0x49: {  	v6 =	vld [tilespmem:s14+$0x10];
	v1 =	vmul.f32 $1.131370830e+01, v1;
	[tilespmem:s10+$0x90] =	vst v2  }
0x4a: {  	v2 =	vld [tilespmem:s16+$0xA0]  }
0x4b: {  	v3 =	vmul.f32 $1.131370830e+01, v3;
	v1 =	vadd.f32 v4, v1  }
0x4c: {  	v4 =	vld [tilespmem:s14+$0xA0]  }
0x4d: {  	v0 =	vmul.f32 $1.131370830e+01, v0;
	[tilespmem:s10+$0xFFFFFF10] =	vst v1;
	v1 =	vadd.f32 v5, v3;
	_ =	sdelay $0x1  }
0x4e: {  	v3 =	vld [tilespmem:s16+$0xFFFFFF20];
	v0 =	vadd.f32 v6, v0;
	[tilespmem:s10+$0xFFFFFF90] =	vst v1;
	v1 =	vmul.f32 $1.131370830e+01, v2  }
0x4f: {  	v5 =	vld [tilespmem:s14+$0xFFFFFF20]  }
0x50: {  	v2 =	vld [tilespmem:s16+$0xFFFFFFA0];
	[tilespmem:s10+$0x10] =	vst v0;
	v1 =	vadd.f32 v4, v1  }
0x51: {  	v0 =	vld [tilespmem:s16+$0x20]  }
0x52: {  	v6 =	vld [tilespmem:s14+$0x20];
	[tilespmem:s10+$0xA0] =	vst v1  }
0x53: {  	v3 =	vmul.f32 $1.131370830e+01, v3;
	v1 =	vld [tilespmem:s16+$0xB0]  }
0x54: {  	v4 =	vld [tilespmem:s14+$0xFFFFFFA0]  }
0x55: {  	v3 =	vadd.f32 v5, v3;
	v5 =	vld [tilespmem:s14+$0xB0]  }
0x56: {  	v0 =	vmul.f32 $1.131370830e+01, v0  }
0x57: {  	[tilespmem:s10+$0xFFFFFF20] =	vst v3  }
0x58: {  	v2 =	vmul.f32 $1.131370830e+01, v2;
	v3 =	vld [tilespmem:s16+$0xFFFFFF30];
	v0 =	vadd.f32 v6, v0;
	v1 =	vmul.f32 $1.131370830e+01, v1;
	_ =	sdelay $0x1  }
0x59: {  	v2 =	vadd.f32 v4, v2;
	v4 =	vld [tilespmem:s14+$0xFFFFFF30];
	[tilespmem:s10+$0x20] =	vst v0;
	v1 =	vadd.f32 v5, v1  }
0x5a: {  	v0 =	vld [tilespmem:s16+$0x30]  }
0x5b: {  	v6 =	vld [tilespmem:s14+$0x30];
	[tilespmem:s10+$0xB0] =	vst v1  }
0x5c: {  	[tilespmem:s10+$0xFFFFFFA0] =	vst v2;
	v1 =	vmul.f32 $1.131370830e+01, v3;
	v3 =	vld [tilespmem:s16+$0xC0]  }
0x5d: {  	v2 =	vld [tilespmem:s16+$0xFFFFFFB0]  }
0x5e: {  	v1 =	vadd.f32 v4, v1;
	v4 =	vld [tilespmem:s14+$0xC0]  }
0x5f: {  	v5 =	vld [tilespmem:s14+$0xFFFFFFB0];
	v0 =	vmul.f32 $1.131370830e+01, v0;
	_ =	sdelay $0x1  }
0x60: {  	v0 =	vadd.f32 v6, v0;
	v3 =	vmul.f32 $1.131370830e+01, v3  }
0x61: {  	s12 =	simm.s32 $0x3B40;
	v2 =	vmul.f32 $1.131370830e+01, v2;
	[tilespmem:s10+$0xFFFFFF30] =	vst v1  }
0x62: {  	v8 =	vld [tilespmem:s12+$0x80];
	[tilespmem:s10+$0x30] =	vst v0;
	v0 =	vadd.f32 v4, v3  }
0x63: {  	v1 =	vadd.f32 v5, v2;
	v2 =	vld [tilespmem:s16+$0xFFFFFF40]  }
0x64: {  	v5 =	vld [tilespmem:s14+$0xFFFFFF40];
	[tilespmem:s10+$0xC0] =	vst v0  }
0x65: {  	[tilespmem:s10+$0xFFFFFFB0] =	vst v1;
	v0 =	vld [tilespmem:s16+$0xD0]  }
0x66: {  	v1 =	vld [tilespmem:s16+$0xFFFFFFC0]  }
0x67: {  	v7 =	vld [tilespmem:s14+$0xD0]  }
0x68: {  	v4 =	vld [tilespmem:s14+$0xFFFFFFC0];
	v2 =	vmul.f32 $1.131370830e+01, v2  }
0x69: {  	v9 =	vld [tilespmem:s12+$0xFFFFFF80]  }
0x6a: {  	s13 =	simm.s32 $0xBB40;
	v3 =	vld [tilespmem:s16+$0x40];
	v2 =	vadd.f32 v5, v2;
	v0 =	vmul.f32 $1.131370830e+01, v0  }
0x6b: {  	v10 =	vld [tilespmem:s13+$0x80];
	v1 =	vmul.f32 $1.131370830e+01, v1  }
0x6c: {  	v6 =	vld [tilespmem:s14+$0x40];
	[tilespmem:s10+$0xFFFFFF40] =	vst v2;
	v0 =	vadd.f32 v7, v0  }
0x6d: {  	v1 =	vadd.f32 v4, v1;
	v2 =	vld [tilespmem:s16+$0xFFFFFF50]  }
0x6e: {  	v4 =	vld [tilespmem:s14+$0xFFFFFF50];
	[tilespmem:s10+$0xD0] =	vst v0  }
0x6f: {  	v3 =	vmul.f32 $1.131370830e+01, v3;
	[tilespmem:s10+$0xFFFFFFC0] =	vst v1;
	v0 =	vld [tilespmem:s16+$0xE0]  }
0x70: {  	v1 =	vld [tilespmem:s16+$0xFFFFFFD0]  }
0x71: {  	v3 =	vadd.f32 v6, v3;
	v6 =	vld [tilespmem:s14+$0xE0]  }
0x72: {  	v11 =	vld [tilespmem:s12+$0x0]  }
0x73: {  	v5 =	vld [tilespmem:s14+$0xFFFFFFD0]  }
0x74: {  	v12 =	vld [tilespmem:s13+$0xFFFFFF00];
	v2 =	vmul.f32 $1.131370830e+01, v2;
	v0 =	vmul.f32 $1.131370830e+01, v0  }
0x75: {  	v13 =	vld [tilespmem:s13+$0xFFFFFF80];
	v8 =	vmul.f32 $1.131370830e+01, v8  }
0x76: {  	[tilespmem:s10+$0x40] =	vst v3;
	v2 =	vadd.f32 v4, v2;
	v4 =	vmul.f32 $1.131370830e+01, v1;
	v0 =	vadd.f32 v6, v0;
	v6 =	vld [tilespmem:s12+$0xFFFFFF00]  }
0x77: {  	v8 =	vadd.f32 v10, v8;
	v3 =	vld [tilespmem:s16+$0x50]  }
0x78: {  	s11 =	simm.s32 $0x13B40;
	v10 =	vld [tilespmem:s13+$0x0];
	[tilespmem:s10+$0xFFFFFF50] =	vst v2;
	v2 =	vadd.f32 v5, v4;
	v4 =	vmul.f32 $1.131370830e+01, v9  }
0x79: {  	[tilespmem:s11+$0x80] =	vst v8;
	v7 =	vld [tilespmem:s14+$0x50]  }
0x7a: {  	v5 =	vld [tilespmem:s12+$0x90];
	v4 =	vadd.f32 v13, v4  }
0x7b: {  	v9 =	vld [tilespmem:s13+$0x90];
	v6 =	vmul.f32 $1.131370830e+01, v6  }
0x7c: {  	v3 =	vmul.f32 $1.131370830e+01, v3;
	v8 =	vld [tilespmem:s16+$0xFFFFFF60];
	[tilespmem:s11+$0xFFFFFF80] =	vst v4  }
0x7d: {  	[tilespmem:s10+$0xFFFFFFD0] =	vst v2;
	v4 =	vld [tilespmem:s12+$0xFFFFFF90];
	v6 =	vadd.f32 v12, v6  }
0x7e: {  	v3 =	vadd.f32 v7, v3;
	v2 =	vmul.f32 $1.131370830e+01, v11;
	v7 =	vld [tilespmem:s13+$0xFFFFFF90];
	[tilespmem:s10+$0xE0] =	vst v0  }
0x7f: {  	v5 =	vmul.f32 $1.131370830e+01, v5;
	v0 =	vld [tilespmem:s16+$0xF0];
	[tilespmem:s11+$0xFFFFFF00] =	vst v6  }
0x80: {  	v2 =	vadd.f32 v10, v2;
	v11 =	vld [tilespmem:s12+$0xFFFFFF10]  }
0x81: {  	v1 =	vld [tilespmem:s14+$0xF0];
	v5 =	vadd.f32 v9, v5  }
0x82: {  	[tilespmem:s11+$0x0] =	vst v2;
	v4 =	vmul.f32 $1.131370830e+01, v4;
	v10 =	vld [tilespmem:s13+$0xFFFFFF10]  }
0x83: {  	v2 =	vld [tilespmem:s12+$0x10];
	[tilespmem:s11+$0x90] =	vst v5  }
0x84: {  	[tilespmem:s10+$0x50] =	vst v3;
	v3 =	vld [tilespmem:s12+$0xA0];
	v4 =	vadd.f32 v7, v4  }
0x85: {  	v9 =	vmul.f32 $1.131370830e+01, v11;
	v11 =	vld [tilespmem:s13+$0x10]  }
0x86: {  	v6 =	vld [tilespmem:s16+$0xFFFFFFE0];
	[tilespmem:s11+$0xFFFFFF90] =	vst v4  }
0x87: {  	v4 =	vld [tilespmem:s12+$0xFFFFFFA0];
	v5 =	vadd.f32 v10, v9  }
0x88: {  	v2 =	vmul.f32 $1.131370830e+01, v2;
	v10 =	vld [tilespmem:s13+$0xA0]  }
0x89: {  	v9 =	vld [tilespmem:s16+$0x60];
	[tilespmem:s11+$0xFFFFFF10] =	vst v5  }
0x8a: {  	v7 =	vld [tilespmem:s12+$0xFFFFFF20];
	v2 =	vadd.f32 v11, v2  }
0x8b: {  	v3 =	vmul.f32 $1.131370830e+01, v3;
	v5 =	vld [tilespmem:s14+$0xFFFFFF60]  }
0x8c: {  	v11 =	vld [tilespmem:s13+$0xFFFFFF20];
	[tilespmem:s11+$0x10] =	vst v2  }
0x8d: {  	v3 =	vadd.f32 v10, v3;
	v2 =	vld [tilespmem:s12+$0x20]  }
0x8e: {  	v10 =	vld [tilespmem:s13+$0xFFFFFFA0]  }
0x8f: {  	v60 =	vld [tilespmem:s13+$0x20];
	[tilespmem:s11+$0xA0] =	vst v3;
	v7 =	vmul.f32 $1.131370830e+01, v7  }
0x90: {  	v3 =	vld [tilespmem:s12+$0xB0]  }
0x91: {  	v4 =	vmul.f32 $1.131370830e+01, v4;
	v61 =	vld [tilespmem:s13+$0xB0];
	v7 =	vadd.f32 v11, v7  }
0x92: {  	v11 =	vld [tilespmem:s14+$0xFFFFFFE0];
	v2 =	vmul.f32 $1.131370830e+01, v2  }
0x93: {  	v4 =	vadd.f32 v10, v4;
	[tilespmem:s11+$0xFFFFFF20] =	vst v7;
	v7 =	vld [tilespmem:s14+$0x60]  }
0x94: {  	v2 =	vadd.f32 v60, v2;
	v10 =	vld [tilespmem:s12+$0xFFFFFF30]  }
0x95: {  	[tilespmem:s11+$0xFFFFFFA0] =	vst v4;
	v4 =	vld [tilespmem:s13+$0xFFFFFF30];
	v3 =	vmul.f32 $1.131370830e+01, v3  }
0x96: {  	v8 =	vmul.f32 $1.131370830e+01, v8;
	[tilespmem:s11+$0x20] =	vst v2;
	v2 =	vld [tilespmem:s12+$0xFFFFFFB0]  }
0x97: {  	v3 =	vadd.f32 v61, v3;
	v62 =	vld [tilespmem:s12+$0x30]  }
0x98: {  	v6 =	vmul.f32 $1.131370830e+01, v6;
	v5 =	vadd.f32 v5, v8;
	v8 =	vld [tilespmem:s13+$0xFFFFFFB0]  }
0x99: {  	[tilespmem:s11+$0xB0] =	vst v3;
	v3 =	vld [tilespmem:s13+$0x30];
	v10 =	vmul.f32 $1.131370830e+01, v10  }
0x9a: {  	[tilespmem:s10+$0xFFFFFF60] =	vst v5;
	v5 =	vadd.f32 v11, v6;
	v6 =	vld [tilespmem:s12+$0xC0]  }
0x9b: {  	v11 =	vld [tilespmem:s13+$0xC0];
	v4 =	vadd.f32 v4, v10;
	v2 =	vmul.f32 $1.131370830e+01, v2  }
0x9c: {  	[tilespmem:s10+$0xFFFFFFE0] =	vst v5;
	v10 =	vld [tilespmem:s16+$0xFFFFFF70];
	v5 =	vmul.f32 $1.131370830e+01, v62  }
0x9d: {  	[tilespmem:s11+$0xFFFFFF30] =	vst v4;
	v2 =	vadd.f32 v8, v2;
	v8 =	vld [tilespmem:s16+$0xFFFFFFF0]  }
0x9e: {  	v4 =	vld [tilespmem:s12+$0xFFFFFF40];
	v3 =	vadd.f32 v3, v5  }
0x9f: {  	v5 =	vld [tilespmem:s13+$0xFFFFFF40];
	[tilespmem:s11+$0xFFFFFFB0] =	vst v2;
	v2 =	vmul.f32 $1.131370830e+01, v6  }
0xa0: {  	v6 =	vmul.f32 $1.131370830e+01, v9;
	v9 =	vld [tilespmem:s12+$0xFFFFFFC0];
	[tilespmem:s11+$0x30] =	vst v3  }
0xa1: {  	v3 =	vld [tilespmem:s12+$0x40];
	v2 =	vadd.f32 v11, v2  }
0xa2: {  	v6 =	vadd.f32 v7, v6;
	v7 =	vld [tilespmem:s13+$0xFFFFFFC0]  }
0xa3: {  	v11 =	vld [tilespmem:s13+$0x40];
	v4 =	vmul.f32 $1.131370830e+01, v4;
	[tilespmem:s11+$0xC0] =	vst v2  }
0xa4: {  	v2 =	vld [tilespmem:s12+$0xD0]  }
0xa5: {  	[tilespmem:s10+$0x60] =	vst v6;
	v6 =	vld [tilespmem:s13+$0xD0];
	v4 =	vadd.f32 v5, v4;
	v5 =	vmul.f32 $1.131370830e+01, v9  }
0xa6: {  	v9 =	vld [tilespmem:s16+$0x70];
	v3 =	vmul.f32 $1.131370830e+01, v3  }
0xa7: {  	[tilespmem:s11+$0xFFFFFF40] =	vst v4;
	v4 =	vadd.f32 v7, v5;
	v5 =	vld [tilespmem:s14+$0xFFFFFF70]  }
0xa8: {  	v7 =	vld [tilespmem:s12+$0xFFFFFF50];
	v3 =	vadd.f32 v11, v3  }
0xa9: {  	v11 =	vld [tilespmem:s13+$0xFFFFFF50];
	[tilespmem:s11+$0xFFFFFFC0] =	vst v4;
	v2 =	vmul.f32 $1.131370830e+01, v2  }
0xaa: {  	v63 =	vld [tilespmem:s12+$0xFFFFFFD0];
	[tilespmem:s11+$0x40] =	vst v3  }
0xab: {  	v0 =	vmul.f32 $1.131370830e+01, v0;
	v3 =	vld [tilespmem:s12+$0x50];
	v2 =	vadd.f32 v6, v2  }
0xac: {  	v4 =	vmul.f32 $1.131370830e+01, v10;
	v10 =	vld [tilespmem:s13+$0xFFFFFFD0]  }
0xad: {  	v0 =	vadd.f32 v1, v0;
	v6 =	vld [tilespmem:s13+$0x50];
	v1 =	vmul.f32 $1.131370830e+01, v7;
	[tilespmem:s11+$0xD0] =	vst v2  }
0xae: {  	v5 =	vadd.f32 v5, v4;
	v4 =	vld [tilespmem:s12+$0xE0]  }
0xaf: {  	[tilespmem:s10+$0xF0] =	vst v0;
	v2 =	vld [tilespmem:s14+$0xFFFFFFF0];
	v11 =	vadd.f32 v11, v1;
	v12 =	vmul.f32 $1.131370830e+01, v63  }
0xb0: {  	[tilespmem:s10+$0xFFFFFF70] =	vst v5;
	v5 =	vld [tilespmem:s13+$0xE0];
	v7 =	vmul.f32 $1.131370830e+01, v3  }
0xb1: {  	s17 =	simm.s32 $0x3D40;
	v0 =	vmul.f32 $1.131370830e+01, v8;
	s16 =	simm.s32 $0x4;
	v1 =	vmul.f32 $1.131370830e+01, v9;
	v3 =	vld [tilespmem:s14+$0x70];
	s14 =	simm.s32 $0xBB40;
	[tilespmem:s11+$0xFFFFFF50] =	vst v11;
	v8 =	vadd.f32 v10, v12  }
.LBB2_2:
0xb2: {  	v9 =	vld [tilespmem:s17+$0x80];
	s16 =	sadd.s32 $0x4, s16;
	v6 =	vadd.f32 v6, v7  }
0xb3: {  	s13 =	sadd.s32 $0x200, s13;
	v7 =	vld [tilespmem:s17+$0xFFFFFF80];
	p1 =	slt.u32 s16, $0x7C;
	[tilespmem:s11+$0xFFFFFFD0] =	vst v8;
	v4 =	vmul.f32 $1.131370830e+01, v4  }
0xb4: {  	v8 =	vld [tilespmem:s13+$0x80];
	[tilespmem:s11+$0x50] =	vst v6;
	v0 =	vadd.f32 v2, v0  }
0xb5: {  	v2 =	vld [tilespmem:s17+$0x0];
	v4 =	vadd.f32 v5, v4  }
0xb6: {  	v5 =	vld [tilespmem:s17+$0xFFFFFF00];
	[tilespmem:s10+$0xFFFFFFF0] =	vst v0;
	v0 =	vadd.f32 v3, v1  }
0xb7: {  	v1 =	vld [tilespmem:s13+$0xFFFFFF00];
	v3 =	vmul.f32 $1.131370830e+01, v9;
	[tilespmem:s11+$0xE0] =	vst v4  }
0xb8: {  	v4 =	vmul.f32 $1.131370830e+01, v7;
	v6 =	vld [tilespmem:s12+$0xF0];
	[tilespmem:s10+$0x70] =	vst v0;
	s10 =	smov.u32 s11  }
0xb9: {  	v0 =	vld [tilespmem:s13+$0xFFFFFF80];
	v3 =	vadd.f32 v8, v3  }
0xba: {  	s11 =	sadd.s32 $0x200, s11;
	v2 =	vmul.f32 $1.131370830e+01, v2;
	v7 =	vld [tilespmem:s14+$0xF0]  }
0xbb: {  	v5 =	vmul.f32 $1.131370830e+01, v5;
	v8 =	vld [tilespmem:s13+$0x0];
	[tilespmem:s11+$0x80] =	vst v3  }
0xbc: {  	v3 =	vld [tilespmem:s17+$0x90]  }
0xbd: {  	v1 =	vadd.f32 v1, v5;
	v5 =	vld [tilespmem:s12+$0xFFFFFF60];
	v6 =	vmul.f32 $1.131370830e+01, v6  }
0xbe: {  	v0 =	vadd.f32 v0, v4;
	v4 =	vld [tilespmem:s13+$0x90]  }
0xbf: {  	[tilespmem:s11+$0xFFFFFF00] =	vst v1;
	v1 =	vld [tilespmem:s12+$0xFFFFFFE0];
	v6 =	vadd.f32 v7, v6  }
0xc0: {  	v7 =	vld [tilespmem:s17+$0xFFFFFF10];
	[tilespmem:s11+$0xFFFFFF80] =	vst v0;
	v0 =	vadd.f32 v8, v2  }
0xc1: {  	v2 =	vld [tilespmem:s17+$0xFFFFFF90];
	v3 =	vmul.f32 $1.131370830e+01, v3;
	[tilespmem:s10+$0xF0] =	vst v6  }
0xc2: {  	v6 =	vld [tilespmem:s13+$0xFFFFFF10];
	[tilespmem:s11+$0x0] =	vst v0;
	v0 =	vmul.f32 $1.131370830e+01, v5  }
0xc3: {  	v5 =	vld [tilespmem:s17+$0x10];
	v3 =	vadd.f32 v4, v3  }
0xc4: {  	v4 =	vld [tilespmem:s13+$0xFFFFFF90];
	v1 =	vmul.f32 $1.131370830e+01, v1  }
0xc5: {  	v7 =	vmul.f32 $1.131370830e+01, v7;
	v8 =	vld [tilespmem:s13+$0x10];
	[tilespmem:s11+$0x90] =	vst v3  }
0xc6: {  	v2 =	vmul.f32 $1.131370830e+01, v2;
	v3 =	vld [tilespmem:s17+$0xA0]  }
0xc7: {  	v6 =	vadd.f32 v6, v7;
	v7 =	vld [tilespmem:s12+$0x60]  }
0xc8: {  	v5 =	vmul.f32 $1.131370830e+01, v5;
	v9 =	vld [tilespmem:s13+$0xA0]  }
0xc9: {  	[tilespmem:s11+$0xFFFFFF10] =	vst v6;
	v2 =	vadd.f32 v4, v2;
	v4 =	vld [tilespmem:s14+$0xFFFFFF60]  }
0xca: {  	v6 =	vld [tilespmem:s17+$0xFFFFFF20];
	v5 =	vadd.f32 v8, v5  }
0xcb: {  	v8 =	vld [tilespmem:s13+$0xFFFFFF20];
	[tilespmem:s11+$0xFFFFFF90] =	vst v2;
	v2 =	vmul.f32 $1.131370830e+01, v3  }
0xcc: {  	v3 =	vld [tilespmem:s17+$0xFFFFFFA0];
	[tilespmem:s11+$0x10] =	vst v5;
	v5 =	vmul.f32 $1.131370830e+01, v7  }
0xcd: {  	v7 =	vld [tilespmem:s17+$0x20];
	v2 =	vadd.f32 v9, v2  }
0xce: {  	v9 =	vld [tilespmem:s13+$0xFFFFFFA0];
	v0 =	vadd.f32 v4, v0  }
0xcf: {  	v4 =	vmul.f32 $1.131370830e+01, v6;
	v6 =	vld [tilespmem:s13+$0x20];
	[tilespmem:s11+$0xA0] =	vst v2  }
0xd0: {  	v2 =	vld [tilespmem:s17+$0xB0];
	[tilespmem:s10+$0xFFFFFF60] =	vst v0  }
0xd1: {  	v0 =	vadd.f32 v8, v4;
	v3 =	vmul.f32 $1.131370830e+01, v3;
	v4 =	vld [tilespmem:s14+$0xFFFFFFE0]  }
0xd2: {  	v7 =	vmul.f32 $1.131370830e+01, v7;
	v8 =	vld [tilespmem:s13+$0xB0]  }
0xd3: {  	[tilespmem:s11+$0xFFFFFF20] =	vst v0;
	v0 =	vadd.f32 v9, v3;
	v3 =	vld [tilespmem:s14+$0x60]  }
0xd4: {  	v9 =	vld [tilespmem:s17+$0xFFFFFF30];
	v6 =	vadd.f32 v6, v7  }
0xd5: {  	v7 =	vld [tilespmem:s13+$0xFFFFFF30];
	[tilespmem:s11+$0xFFFFFFA0] =	vst v0;
	v0 =	vmul.f32 $1.131370830e+01, v2  }
0xd6: {  	v2 =	vld [tilespmem:s17+$0xFFFFFFB0];
	[tilespmem:s11+$0x20] =	vst v6;
	v1 =	vadd.f32 v4, v1  }
0xd7: {  	v4 =	vld [tilespmem:s17+$0x30];
	v0 =	vadd.f32 v8, v0  }
0xd8: {  	v6 =	vld [tilespmem:s13+$0xFFFFFFB0];
	[tilespmem:s10+$0xFFFFFFE0] =	vst v1;
	v1 =	vadd.f32 v3, v5  }
0xd9: {  	v3 =	vmul.f32 $1.131370830e+01, v9;
	v5 =	vld [tilespmem:s13+$0x30];
	[tilespmem:s11+$0xB0] =	vst v0  }
0xda: {  	v0 =	vld [tilespmem:s17+$0xC0];
	[tilespmem:s10+$0x60] =	vst v1  }
0xdb: {  	v1 =	vadd.f32 v7, v3;
	v2 =	vmul.f32 $1.131370830e+01, v2;
	v3 =	vld [tilespmem:s12+$0xFFFFFF70]  }
0xdc: {  	v4 =	vmul.f32 $1.131370830e+01, v4;
	v7 =	vld [tilespmem:s13+$0xC0]  }
0xdd: {  	[tilespmem:s11+$0xFFFFFF30] =	vst v1;
	v1 =	vadd.f32 v6, v2;
	v2 =	vld [tilespmem:s12+$0xFFFFFFF0]  }
0xde: {  	v6 =	vld [tilespmem:s17+$0xFFFFFF40];
	v4 =	vadd.f32 v5, v4  }
0xdf: {  	v5 =	vld [tilespmem:s13+$0xFFFFFF40];
	[tilespmem:s11+$0xFFFFFFB0] =	vst v1;
	v0 =	vmul.f32 $1.131370830e+01, v0  }
0xe0: {  	v1 =	vld [tilespmem:s17+$0xFFFFFFC0];
	[tilespmem:s11+$0x30] =	vst v4;
	v3 =	vmul.f32 $1.131370830e+01, v3  }
0xe1: {  	v4 =	vld [tilespmem:s17+$0x40];
	v7 =	vadd.f32 v7, v0  }
0xe2: {  	v8 =	vld [tilespmem:s13+$0xFFFFFFC0];
	v0 =	vmul.f32 $1.131370830e+01, v2  }
0xe3: {  	v2 =	vmul.f32 $1.131370830e+01, v6;
	v6 =	vld [tilespmem:s13+$0x40];
	[tilespmem:s11+$0xC0] =	vst v7  }
0xe4: {  	v7 =	vld [tilespmem:s17+$0xD0]  }
0xe5: {  	v2 =	vadd.f32 v5, v2;
	v1 =	vmul.f32 $1.131370830e+01, v1;
	v5 =	vld [tilespmem:s12+$0x70];
	s12 =	smov.u32 s17  }
0xe6: {  	v4 =	vmul.f32 $1.131370830e+01, v4;
	v9 =	vld [tilespmem:s13+$0xD0]  }
0xe7: {  	[tilespmem:s11+$0xFFFFFF40] =	vst v2;
	v1 =	vadd.f32 v8, v1;
	v2 =	vld [tilespmem:s14+$0xFFFFFF70]  }
0xe8: {  	v8 =	vld [tilespmem:s17+$0xFFFFFF50];
	v4 =	vadd.f32 v6, v4  }
0xe9: {  	v10 =	vld [tilespmem:s13+$0xFFFFFF50];
	[tilespmem:s11+$0xFFFFFFC0] =	vst v1;
	v6 =	vmul.f32 $1.131370830e+01, v7  }
0xea: {  	v7 =	vld [tilespmem:s17+$0xFFFFFFD0];
	[tilespmem:s11+$0x40] =	vst v4;
	v1 =	vmul.f32 $1.131370830e+01, v5  }
0xeb: {  	v5 =	vld [tilespmem:s17+$0x50];
	v4 =	vadd.f32 v9, v6  }
0xec: {  	v9 =	vld [tilespmem:s13+$0xFFFFFFD0];
	v2 =	vadd.f32 v2, v3  }
.Ltmp0:
0xed: {  	v3 =	vmul.f32 $1.131370830e+01, v8;
	v6 =	vld [tilespmem:s13+$0x50];
	[tilespmem:s11+$0xD0] =	vst v4;
	(pc) =	sbr.rel @p1 .LBB2_2-.Ltmp0, $4  }
0xee: {  	v4 =	vld [tilespmem:s17+$0xE0];
	[tilespmem:s10+$0xFFFFFF70] =	vst v2  }
0xef: {  	v3 =	vadd.f32 v10, v3;
	v8 =	vmul.f32 $1.131370830e+01, v7;
	v2 =	vld [tilespmem:s14+$0xFFFFFFF0]  }
0xf0: {  	v7 =	vmul.f32 $1.131370830e+01, v5;
	v5 =	vld [tilespmem:s13+$0xE0]  }
0xf1: {  	s17 =	sadd.s32 $0x200, s17;
	[tilespmem:s11+$0xFFFFFF50] =	vst v3;
	v8 =	vadd.f32 v9, v8;
	v3 =	vld [tilespmem:s14+$0x70];
	s14 =	smov.u32 s13  }
0xf2: {  	v6 =	vadd.f32 v6, v7;
	v7 =	vld [tilespmem:s12+$0xFFFFFF60]  }
0xf3: {  	v9 =	vld [tilespmem:s14+$0xFFFFFF60];
	[tilespmem:s11+$0xFFFFFFD0] =	vst v8  }
0xf4: {  	[tilespmem:s11+$0x50] =	vst v6;
	v6 =	vld [tilespmem:s12+$0xFFFFFFE0]  }
0xf5: {  	v4 =	vmul.f32 $1.131370830e+01, v4;
	v8 =	vld [tilespmem:s12+$0x60]  }
0xf6: {  	v10 =	vld [tilespmem:s14+$0xFFFFFFE0]  }
0xf7: {  	v11 =	vld [tilespmem:s14+$0x60];
	v4 =	vadd.f32 v5, v4;
	v5 =	vmul.f32 $1.131370830e+01, v7;
	_ =	sdelay $0x1  }
0xf8: {  	[tilespmem:s11+$0xE0] =	vst v4;
	v6 =	vmul.f32 $1.131370830e+01, v6;
	v5 =	vadd.f32 v9, v5  }
0xf9: {  	v7 =	vld [tilespmem:s12+$0xF0];
	v4 =	vmul.f32 $1.131370830e+01, v8  }
0xfa: {  	v8 =	vld [tilespmem:s14+$0xF0];
	v6 =	vadd.f32 v10, v6;
	[tilespmem:s11+$0xFFFFFF60] =	vst v5  }
0xfb: {  	v4 =	vadd.f32 v11, v4;
	v5 =	vld [tilespmem:s12+$0xFFFFFF70]  }
0xfc: {  	v9 =	vld [tilespmem:s14+$0xFFFFFF70];
	[tilespmem:s11+$0xFFFFFFE0] =	vst v6  }
0xfd: {  	[tilespmem:s11+$0x60] =	vst v4;
	v4 =	vld [tilespmem:s12+$0xFFFFFFF0]  }
0xfe: {  	v6 =	vld [tilespmem:s12+$0x70]  }
0xff: {  	v10 =	vld [tilespmem:s14+$0xFFFFFFF0]  }
0x100: {  	v0 =	vadd.f32 v2, v0;
	v2 =	vmul.f32 $1.131370830e+01, v7;
	v7 =	vld [tilespmem:s14+$0x70]  }
0x101: {  	v1 =	vadd.f32 v3, v1;
	v3 =	vmul.f32 $1.131370830e+01, v5  }
0x102: {  	[tilespmem:s10+$0xFFFFFFF0] =	vst v0;
	v0 =	vadd.f32 v8, v2;
	v2 =	vmul.f32 $1.131370830e+01, v4  }
0x103: {  	[tilespmem:s10+$0x70] =	vst v1;
	v3 =	vadd.f32 v9, v3;
	v1 =	vmul.f32 $1.131370830e+01, v6  }
0x104: {  	[tilespmem:s11+$0xF0] =	vst v0;
	v0 =	vadd.f32 v10, v2  }
0x105: {  	[tilespmem:s11+$0xFFFFFF70] =	vst v3;
	v1 =	vadd.f32 v7, v1  }
0x106: {  	[tilespmem:s11+$0xFFFFFFF0] =	vst v0  }
0x107: {  	[tilespmem:s11+$0x70] =	vst v1  }
0x108: {  	s16 =	simm.s32 $0x0;
	s11 =	rddreg [dreg:$0x8]  }
0x109: {  	[hbm4b:s11+s16] =	stream.linear.scatter [tilespmem:s30], [sflag:$0x6], $0x4000, $0x38;
	[tilespmem:$0x1B840] =	vst v63  }
0x10a: {  	s17 =	simm.s32 $0x2040  }
0x10b: {  	[tilespmem:s22], [sflag:$0x2] =	stream.indirect.gather [spmem:s4], $0x80, s17, s20, $0xb8;
	[tilespmem:$0x1B840] =	vst v63  }
0x10c: {  	s18 =	rddreg [dreg:$0x9]  }
0x10d: {  	[tilespmem:s23], [sflag:$0x4] =	stream.linear.gather [hbm4b:s18+s16], $0x4000, $0x38;
	[tilespmem:$0x1B840] =	vst v63  }
0x10e: {  	_ =	swait.ge [sflag:s3], $0x4000  }
0x10f: {  	[sflag:s3] =	ssyncset.done $0x0  }
0x110: {  	[sflag:s3] =	ssyncadd.s32 $0xFFFFC000  }
0x111: {  	_ =	swait.ge [sflag:s0], $0x4000  }
0x112: {  	[sflag:s0] =	ssyncset.done $0x0  }
0x113: {  	s10 =	simm.s32 $0x0;
	[sflag:s0] =	ssyncadd.s32 $0xFFFFC000  }
0x114: {  	v0 =	vld [tilespmem:s10+$0x7A30]  }
0x115: {  	v1 =	vld [tilespmem:s10+$0x7840]  }
0x116: {  	v2 =	vld [tilespmem:s10+$0xFA30]  }
0x117: {  	v3 =	vld [tilespmem:s10+$0x7850]  }
0x118: {  	v4 =	vld [tilespmem:s10+$0x7860]  }
0x119: {  	v5 =	vld [tilespmem:s10+$0x7870]  }
0x11a: {  	v6 =	vld [tilespmem:s10+$0x7880]  }
0x11b: {  	v7 =	vld [tilespmem:s10+$0x7890]  }
0x11c: {  	v8 =	vld [tilespmem:s10+$0x78A0]  }
0x11d: {  	v9 =	vld [tilespmem:s10+$0x78B0]  }
0x11e: {  	v10 =	vld [tilespmem:s10+$0x78C0]  }
0x11f: {  	v11 =	vld [tilespmem:s10+$0x78D0]  }
0x120: {  	v12 =	vld [tilespmem:s10+$0x78E0]  }
0x121: {  	v13 =	vld [tilespmem:s10+$0x78F0]  }
0x122: {  	v14 =	vld [tilespmem:s10+$0x7900]  }
0x123: {  	v15 =	vld [tilespmem:s10+$0x7910]  }
0x124: {  	v16 =	vld [tilespmem:s10+$0x7920]  }
0x125: {  	v17 =	vld [tilespmem:s10+$0x7930]  }
0x126: {  	v18 =	vld [tilespmem:s10+$0x7940]  }
0x127: {  	v19 =	vld [tilespmem:s10+$0x7950]  }
0x128: {  	v20 =	vld [tilespmem:s10+$0x7960]  }
0x129: {  	v21 =	vld [tilespmem:s10+$0x7970]  }
0x12a: {  	v22 =	vld [tilespmem:s10+$0x7980]  }
0x12b: {  	v23 =	vld [tilespmem:s10+$0x79A0]  }
0x12c: {  	v24 =	vld [tilespmem:s10+$0x79C0]  }
0x12d: {  	v25 =	vld [tilespmem:s10+$0x79D0]  }
0x12e: {  	v26 =	vld [tilespmem:s10+$0x79E0]  }
0x12f: {  	v27 =	vld [tilespmem:s10+$0x79F0]  }
0x130: {  	v28 =	vld [tilespmem:s10+$0xF840]  }
0x131: {  	v29 =	vld [tilespmem:s10+$0xF850]  }
0x132: {  	v30 =	vld [tilespmem:s10+$0xF860]  }
0x133: {  	v31 =	vld [tilespmem:s10+$0xF870]  }
0x134: {  	v32 =	vld [tilespmem:s10+$0xF880]  }
0x135: {  	v60 =	vld [tilespmem:s10+$0xF890]  }
0x136: {  	v33 =	vld [tilespmem:s10+$0xF8A0]  }
0x137: {  	v34 =	vld [tilespmem:s10+$0x7A00];
	v1 =	vmul.f32 $1.131370830e+01, v1  }
0x138: {  	v61 =	vld [tilespmem:s10+$0xF8C0];
	v0 =	vmul.f32 $1.131370830e+01, v0  }
0x139: {  	v62 =	vld [tilespmem:s10+$0xF8D0];
	v3 =	vmul.f32 $1.131370830e+01, v3;
	v1 =	vadd.f32 v28, v1  }
0x13a: {  	v63 =	vld [tilespmem:s10+$0x7A10];
	v8 =	vmul.f32 $1.131370830e+01, v8;
	v0 =	vadd.f32 v2, v0  }
0x13b: {  	v2 =	vld [tilespmem:s10+$0x7990];
	v3 =	vadd.f32 v29, v3;
	[tilespmem:s10+$0x17840] =	vst v1;
	v1 =	vmul.f32 $1.131370830e+01, v4  }
0x13c: {  	v5 =	vmul.f32 $1.131370830e+01, v5;
	v8 =	vadd.f32 v33, v8;
	[tilespmem:s10+$0x17A30] =	vst v0;
	v0 =	vld [tilespmem:s10+$0x79B0]  }
0x13d: {  	v6 =	vmul.f32 $1.131370830e+01, v6;
	v11 =	vmul.f32 $1.131370830e+01, v11;
	v4 =	vld [tilespmem:s10+$0xF8B0];
	[tilespmem:s10+$0x17850] =	vst v3;
	v1 =	vadd.f32 v30, v1  }
0x13e: {  	v7 =	vmul.f32 $1.131370830e+01, v7;
	v10 =	vmul.f32 $1.131370830e+01, v10;
	v3 =	vadd.f32 v31, v5;
	v5 =	vld [tilespmem:s10+$0xF8E0];
	[tilespmem:s10+$0x178A0] =	vst v8  }
0x13f: {  	v8 =	vadd.f32 v62, v11;
	v11 =	vmul.f32 $1.131370830e+01, v14;
	v14 =	vld [tilespmem:s10+$0xF9B0];
	[tilespmem:s10+$0x17860] =	vst v1;
	v1 =	vadd.f32 v32, v6  }
0x140: {  	v9 =	vmul.f32 $1.131370830e+01, v9;
	[tilespmem:s10+$0x17870] =	vst v3;
	v3 =	vadd.f32 v60, v7;
	v6 =	vld [tilespmem:s10+$0xF8F0]  }
0x141: {  	v7 =	vld [tilespmem:s10+$0xF900];
	[tilespmem:s10+$0x17880] =	vst v1;
	v1 =	vadd.f32 v61, v10  }
0x142: {  	v12 =	vmul.f32 $1.131370830e+01, v12;
	[tilespmem:s10+$0x17890] =	vst v3;
	v4 =	vadd.f32 v4, v9;
	v10 =	vld [tilespmem:s10+$0xF910]  }
0x143: {  	v3 =	vld [tilespmem:s10+$0xF920];
	[tilespmem:s10+$0x178C0] =	vst v1;
	v1 =	vmul.f32 $1.131370830e+01, v13  }
0x144: {  	[tilespmem:s10+$0x178B0] =	vst v4;
	v4 =	vadd.f32 v5, v12;
	v5 =	vld [tilespmem:s10+$0xF940]  }
0x145: {  	[tilespmem:s10+$0x178D0] =	vst v8;
	v9 =	vld [tilespmem:s10+$0xF930];
	v12 =	vmul.f32 $1.131370830e+01, v15;
	v1 =	vadd.f32 v6, v1  }
0x146: {  	v8 =	vmul.f32 $1.131370830e+01, v16;
	[tilespmem:s10+$0x178E0] =	vst v4;
	v4 =	vadd.f32 v7, v11;
	v6 =	vld [tilespmem:s10+$0xF950]  }
0x147: {  	v7 =	vld [tilespmem:s10+$0xF960];
	v11 =	vmul.f32 $1.131370830e+01, v18;
	[tilespmem:s10+$0x178F0] =	vst v1;
	v1 =	vadd.f32 v10, v12  }
0x148: {  	v3 =	vadd.f32 v3, v8;
	[tilespmem:s10+$0x17900] =	vst v4;
	v10 =	vld [tilespmem:s10+$0xF970];
	v12 =	vmul.f32 $1.131370830e+01, v17  }
0x149: {  	v8 =	vmul.f32 $1.131370830e+01, v19;
	v4 =	vld [tilespmem:s10+$0xF980];
	[tilespmem:s10+$0x17910] =	vst v1;
	v1 =	vadd.f32 v5, v11  }
0x14a: {  	[tilespmem:s10+$0x17920] =	vst v3;
	v11 =	vld [tilespmem:s10+$0xF990];
	v5 =	vmul.f32 $1.131370830e+01, v20;
	v9 =	vadd.f32 v9, v12  }
0x14b: {  	v3 =	vld [tilespmem:s10+$0xF9A0];
	v12 =	vmul.f32 $1.131370830e+01, v21;
	v6 =	vadd.f32 v6, v8;
	[tilespmem:s10+$0x17940] =	vst v1  }
0x14c: {  	v13 =	vld [tilespmem:s10+$0x7A20];
	v1 =	vmul.f32 $1.131370830e+01, v22;
	[tilespmem:s10+$0x17930] =	vst v9;
	v5 =	vadd.f32 v7, v5  }
0x14d: {  	v2 =	vmul.f32 $1.131370830e+01, v2;
	[tilespmem:s10+$0x17950] =	vst v6;
	v7 =	vadd.f32 v10, v12;
	v10 =	vld [tilespmem:s10+$0xF9C0]  }
0x14e: {  	v8 =	vmul.f32 $1.131370830e+01, v23;
	v12 =	vmul.f32 $1.131370830e+01, v0;
	v6 =	vld [tilespmem:s10+$0xF9D0];
	[tilespmem:s10+$0x17960] =	vst v5;
	v0 =	vadd.f32 v4, v1  }
0x14f: {  	v15 =	vmul.f32 $1.131370830e+01, v24;
	[tilespmem:s10+$0x17970] =	vst v7;
	v2 =	vadd.f32 v11, v2;
	v7 =	vld [tilespmem:s10+$0xF9E0]  }
0x150: {  	v5 =	vmul.f32 $1.131370830e+01, v25;
	v4 =	vmul.f32 $1.131370830e+01, v26;
	v11 =	vadd.f32 v3, v8;
	v8 =	vld [tilespmem:s10+$0xF9F0];
	[tilespmem:s10+$0x17980] =	vst v0  }
0x151: {  	v9 =	vld [tilespmem:s10+$0xFA00];
	v1 =	vmul.f32 $1.131370830e+01, v27;
	v3 =	vmul.f32 $1.131370830e+01, v34;
	v12 =	vadd.f32 v14, v12;
	[tilespmem:s10+$0x17990] =	vst v2  }
0x152: {  	s12 =	simm.s32 $0x800;
	s11 =	simm.s32 $0x0;
	v0 =	vmul.f32 $1.131370830e+01, v63;
	v2 =	vmul.f32 $1.131370830e+01, v13;
	[tilespmem:s10+$0x179A0] =	vst v11;
	v11 =	vadd.f32 v10, v15;
	v10 =	vld [tilespmem:s10+$0xFA10]  }
.LBB2_4:
0x153: {  	s13 =	sshra.s32 s12, $0x2;
	s11 =	sadd.s32 $0x4, s11;
	[tilespmem:s10+$0x179B0] =	vst v12;
	v5 =	vadd.f32 v6, v5;
	v6 =	vld [tilespmem:s10+$0xFA20]  }
0x154: {  	v12 =	vld [tilespmem:s13+$0x7A30];
	p1 =	slt.u32 s11, $0x7C;
	[tilespmem:s10+$0x179C0] =	vst v11;
	v4 =	vadd.f32 v7, v4  }
0x155: {  	v7 =	vld [tilespmem:s13+$0x7840];
	[tilespmem:s10+$0x179D0] =	vst v5;
	v1 =	vadd.f32 v8, v1  }
0x156: {  	v5 =	vld [tilespmem:s13+$0xFA30];
	[tilespmem:s10+$0x179E0] =	vst v4;
	v3 =	vadd.f32 v9, v3  }
0x157: {  	v4 =	vld [tilespmem:s13+$0x7850];
	[tilespmem:s10+$0x179F0] =	vst v1;
	v0 =	vadd.f32 v10, v0  }
0x158: {  	v1 =	vld [tilespmem:s13+$0x7860];
	[tilespmem:s10+$0x17A00] =	vst v3;
	v2 =	vadd.f32 v6, v2  }
0x159: {  	v3 =	vld [tilespmem:s13+$0x7870];
	v6 =	vmul.f32 $1.131370830e+01, v12;
	[tilespmem:s10+$0x17A10] =	vst v0  }
0x15a: {  	v7 =	vmul.f32 $1.131370830e+01, v7;
	v0 =	vld [tilespmem:s13+$0x7880];
	[tilespmem:s10+$0x17A20] =	vst v2;
	s10 =	smov.u32 s13  }
0x15b: {  	v2 =	vld [tilespmem:s10+$0x7890];
	v5 =	vadd.f32 v5, v6  }
0x15c: {  	v6 =	vmul.f32 $1.131370830e+01, v4;
	v4 =	vld [tilespmem:s10+$0x78A0]  }
0x15d: {  	v8 =	vmul.f32 $1.131370830e+01, v1;
	v1 =	vld [tilespmem:s10+$0x78B0];
	[tilespmem:s10+$0x17A30] =	vst v5  }
0x15e: {  	v9 =	vmul.f32 $1.131370830e+01, v3;
	v3 =	vld [tilespmem:s10+$0x78C0]  }
0x15f: {  	v10 =	vmul.f32 $1.131370830e+01, v0;
	v0 =	vld [tilespmem:s10+$0x78D0]  }
0x160: {  	v11 =	vmul.f32 $1.131370830e+01, v2;
	v2 =	vld [tilespmem:s10+$0x78E0]  }
0x161: {  	v12 =	vmul.f32 $1.131370830e+01, v4;
	v4 =	vld [tilespmem:s10+$0x78F0]  }
0x162: {  	v13 =	vmul.f32 $1.131370830e+01, v1;
	v1 =	vld [tilespmem:s10+$0x7900]  }
0x163: {  	v14 =	vmul.f32 $1.131370830e+01, v3;
	v3 =	vld [tilespmem:s10+$0x7910]  }
0x164: {  	v15 =	vmul.f32 $1.131370830e+01, v0;
	v0 =	vld [tilespmem:s10+$0x7920]  }
0x165: {  	v16 =	vmul.f32 $1.131370830e+01, v2;
	v2 =	vld [tilespmem:s10+$0x7930]  }
0x166: {  	v17 =	vmul.f32 $1.131370830e+01, v4;
	v4 =	vld [tilespmem:s10+$0x7940]  }
0x167: {  	v18 =	vmul.f32 $1.131370830e+01, v1;
	v1 =	vld [tilespmem:s10+$0x7950]  }
0x168: {  	v19 =	vmul.f32 $1.131370830e+01, v3;
	v3 =	vld [tilespmem:s10+$0x7960]  }
0x169: {  	v20 =	vmul.f32 $1.131370830e+01, v0;
	v0 =	vld [tilespmem:s10+$0x7970]  }
0x16a: {  	v21 =	vmul.f32 $1.131370830e+01, v2;
	v2 =	vld [tilespmem:s10+$0x7980]  }
0x16b: {  	v22 =	vmul.f32 $1.131370830e+01, v4;
	v4 =	vld [tilespmem:s10+$0x7990]  }
0x16c: {  	v23 =	vmul.f32 $1.131370830e+01, v1;
	v1 =	vld [tilespmem:s10+$0x79A0]  }
0x16d: {  	v24 =	vmul.f32 $1.131370830e+01, v3;
	v3 =	vld [tilespmem:s10+$0x79B0]  }
0x16e: {  	v25 =	vmul.f32 $1.131370830e+01, v0;
	v0 =	vld [tilespmem:s10+$0x79C0]  }
0x16f: {  	v26 =	vmul.f32 $1.131370830e+01, v2;
	v2 =	vld [tilespmem:s10+$0x79D0]  }
0x170: {  	v27 =	vmul.f32 $1.131370830e+01, v4;
	v4 =	vld [tilespmem:s10+$0x79E0]  }
0x171: {  	v28 =	vmul.f32 $1.131370830e+01, v1;
	v1 =	vld [tilespmem:s10+$0x79F0]  }
0x172: {  	v29 =	vmul.f32 $1.131370830e+01, v3;
	v3 =	vld [tilespmem:s10+$0x7A00]  }
0x173: {  	v30 =	vmul.f32 $1.131370830e+01, v0;
	v0 =	vld [tilespmem:s10+$0x7A10]  }
0x174: {  	v5 =	vmul.f32 $1.131370830e+01, v2;
	v2 =	vld [tilespmem:s10+$0x7A20]  }
0x175: {  	v31 =	vld [tilespmem:s10+$0xF840];
	v4 =	vmul.f32 $1.131370830e+01, v4  }
0x176: {  	v32 =	vld [tilespmem:s10+$0xF850];
	v1 =	vmul.f32 $1.131370830e+01, v1  }
0x177: {  	v33 =	vld [tilespmem:s10+$0xF860];
	v3 =	vmul.f32 $1.131370830e+01, v3  }
0x178: {  	v34 =	vld [tilespmem:s10+$0xF870];
	v0 =	vmul.f32 $1.131370830e+01, v0  }
0x179: {  	v35 =	vld [tilespmem:s10+$0xF880];
	v2 =	vmul.f32 $1.131370830e+01, v2  }
0x17a: {  	v7 =	vadd.f32 v31, v7;
	v31 =	vld [tilespmem:s10+$0xF890]  }
0x17b: {  	v6 =	vadd.f32 v32, v6;
	v32 =	vld [tilespmem:s10+$0xF8A0]  }
0x17c: {  	[tilespmem:s10+$0x17840] =	vst v7;
	v7 =	vadd.f32 v33, v8;
	v8 =	vld [tilespmem:s10+$0xF8B0]  }
0x17d: {  	[tilespmem:s10+$0x17850] =	vst v6;
	v6 =	vadd.f32 v34, v9;
	v9 =	vld [tilespmem:s10+$0xF8C0]  }
0x17e: {  	[tilespmem:s10+$0x17860] =	vst v7;
	v7 =	vadd.f32 v35, v10;
	v10 =	vld [tilespmem:s10+$0xF8D0]  }
0x17f: {  	[tilespmem:s10+$0x17870] =	vst v6;
	v6 =	vadd.f32 v31, v11;
	v11 =	vld [tilespmem:s10+$0xF8E0]  }
0x180: {  	[tilespmem:s10+$0x17880] =	vst v7;
	v7 =	vadd.f32 v32, v12;
	v12 =	vld [tilespmem:s10+$0xF8F0]  }
0x181: {  	[tilespmem:s10+$0x17890] =	vst v6;
	v6 =	vadd.f32 v8, v13;
	v8 =	vld [tilespmem:s10+$0xF900]  }
0x182: {  	[tilespmem:s10+$0x178A0] =	vst v7;
	v7 =	vadd.f32 v9, v14;
	v9 =	vld [tilespmem:s10+$0xF910]  }
0x183: {  	[tilespmem:s10+$0x178B0] =	vst v6;
	v6 =	vadd.f32 v10, v15;
	v10 =	vld [tilespmem:s10+$0xF920]  }
0x184: {  	[tilespmem:s10+$0x178C0] =	vst v7;
	v7 =	vadd.f32 v11, v16;
	v11 =	vld [tilespmem:s10+$0xF930]  }
0x185: {  	[tilespmem:s10+$0x178D0] =	vst v6;
	v6 =	vadd.f32 v12, v17;
	v12 =	vld [tilespmem:s10+$0xF940]  }
0x186: {  	[tilespmem:s10+$0x178E0] =	vst v7;
	v7 =	vadd.f32 v8, v18;
	v8 =	vld [tilespmem:s10+$0xF950]  }
0x187: {  	[tilespmem:s10+$0x178F0] =	vst v6;
	v6 =	vadd.f32 v9, v19;
	v9 =	vld [tilespmem:s10+$0xF960]  }
0x188: {  	[tilespmem:s10+$0x17900] =	vst v7;
	v7 =	vadd.f32 v10, v20;
	v10 =	vld [tilespmem:s10+$0xF970]  }
0x189: {  	[tilespmem:s10+$0x17910] =	vst v6;
	v6 =	vadd.f32 v11, v21;
	v11 =	vld [tilespmem:s10+$0xF980]  }
0x18a: {  	[tilespmem:s10+$0x17920] =	vst v7;
	v7 =	vadd.f32 v12, v22;
	v12 =	vld [tilespmem:s10+$0xF990]  }
0x18b: {  	[tilespmem:s10+$0x17930] =	vst v6;
	v6 =	vadd.f32 v8, v23;
	v8 =	vld [tilespmem:s10+$0xF9A0]  }
0x18c: {  	[tilespmem:s10+$0x17940] =	vst v7;
	v7 =	vadd.f32 v9, v24;
	v9 =	vld [tilespmem:s10+$0xF9B0]  }
0x18d: {  	[tilespmem:s10+$0x17950] =	vst v6;
	v10 =	vadd.f32 v10, v25;
	v13 =	vld [tilespmem:s10+$0xF9C0]  }
.Ltmp1:
0x18e: {  	[tilespmem:s10+$0x17960] =	vst v7;
	v11 =	vadd.f32 v11, v26;
	v6 =	vld [tilespmem:s10+$0xF9D0];
	(pc) =	sbr.rel @p1 .LBB2_4-.Ltmp1, $4  }
0x18f: {  	[tilespmem:s10+$0x17970] =	vst v10;
	v10 =	vadd.f32 v12, v27;
	v7 =	vld [tilespmem:s10+$0xF9E0]  }
0x190: {  	[tilespmem:s10+$0x17980] =	vst v11;
	v11 =	vadd.f32 v8, v28;
	v8 =	vld [tilespmem:s10+$0xF9F0]  }
0x191: {  	[tilespmem:s10+$0x17990] =	vst v10;
	v12 =	vadd.f32 v9, v29;
	v9 =	vld [tilespmem:s10+$0xFA00]  }
0x192: {  	s12 =	sadd.s32 $0x800, s12;
	[tilespmem:s10+$0x179A0] =	vst v11;
	v11 =	vadd.f32 v13, v30;
	v10 =	vld [tilespmem:s10+$0xFA10]  }
0x193: {  	[tilespmem:s10+$0x179B0] =	vst v12;
	v5 =	vadd.f32 v6, v5;
	v62 =	vld [tilespmem:s10+$0xFA20]  }
0x194: {  	[tilespmem:s10+$0x179C0] =	vst v11;
	v4 =	vadd.f32 v7, v4  }
0x195: {  	[tilespmem:s10+$0x179D0] =	vst v5;
	v1 =	vadd.f32 v8, v1  }
0x196: {  	[tilespmem:s10+$0x179E0] =	vst v4;
	v3 =	vadd.f32 v9, v3  }
0x197: {  	[tilespmem:s10+$0x179F0] =	vst v1;
	v0 =	vadd.f32 v10, v0  }
0x198: {  	[tilespmem:s10+$0x17A00] =	vst v3;
	v63 =	vadd.f32 v62, v2  }
0x199: {  	[tilespmem:s10+$0x17A10] =	vst v0  }
0x19a: {  	[tilespmem:s10+$0x17A20] =	vst v63  }
0x19b: {  	s10 =	rddreg [dreg:$0xa]  }
0x19c: {  	[hbm4b:s10+s5] =	stream.linear.scatter [tilespmem:s21], [sflag:$0x7], $0x4000, $0x38;
	[tilespmem:$0x1B840] =	vst v63  }
0x19d: {  	s17 =	simm.s32 $0x20C0  }
0x19e: {  	[tilespmem:s25], [sflag:$0x3] =	stream.indirect.gather [spmem:s4], $0x80, s17, s20, $0xb8;
	[tilespmem:$0x1B840] =	vst v63  }
0x19f: {  	s18 =	rddreg [dreg:$0xb];
	s10 =	simm.s32 $0x1  }
0x1a0: {  	[tilespmem:s26], [sflag:$0x5] =	stream.linear.gather [hbm4b:s18+s5], $0x4000, $0x38;
	[tilespmem:$0x1B840] =	vst v63  }
.LBB2_6:
0x1a1: {  	_ =	swait.ge [sflag:s28], $0x4000  }
0x1a2: {  	[sflag:s28] =	ssyncset.done $0x0  }
0x1a3: {  	[sflag:s28] =	ssyncadd.s32 $0xFFFFC000  }
0x1a4: {  	_ =	swait.ge [sflag:s29], $0x4000  }
0x1a5: {  	[sflag:s29] =	ssyncset.done $0x0  }
0x1a6: {  	[sflag:s29] =	ssyncadd.s32 $0xFFFFC000  }
0x1a7: {  	_ =	swait.ge [sflag:s31], $0x4000  }
0x1a8: {  	[sflag:s31] =	ssyncset.done $0x0  }
0x1a9: {  	s17 =	simm.s32 $0x3940;
	[sflag:s31] =	ssyncadd.s32 $0xFFFFC000  }
0x1aa: {  	v0 =	vld [tilespmem:s17+$0x80]  }
0x1ab: {  	s16 =	simm.s32 $0xB940  }
0x1ac: {  	v1 =	vld [tilespmem:s16+$0x80]  }
0x1ad: {  	v2 =	vld [tilespmem:s17+$0xFFFFFF80]  }
0x1ae: {  	v3 =	vld [tilespmem:s17+$0xFFFFFF00]  }
0x1af: {  	v4 =	vld [tilespmem:s17+$0x0];
	v0 =	vmul.f32 $1.131370830e+01, v0  }
0x1b0: {  	v5 =	vld [tilespmem:s16+$0xFFFFFF00]  }
0x1b1: {  	v6 =	vld [tilespmem:s16+$0xFFFFFF80];
	v0 =	vadd.f32 v1, v0  }
0x1b2: {  	s11 =	simm.s32 $0x13940  }
0x1b3: {  	v1 =	vmul.f32 $1.131370830e+01, v3;
	v3 =	vld [tilespmem:s16+$0x0];
	[tilespmem:s11+$0x80] =	vst v0  }
0x1b4: {  	v0 =	vmul.f32 $1.131370830e+01, v2;
	v2 =	vld [tilespmem:s17+$0x90]  }
0x1b5: {  	v1 =	vadd.f32 v5, v1  }
0x1b6: {  	v4 =	vmul.f32 $1.131370830e+01, v4;
	v5 =	vld [tilespmem:s16+$0x90];
	v0 =	vadd.f32 v6, v0  }
0x1b7: {  	[tilespmem:s11+$0xFFFFFF00] =	vst v1  }
0x1b8: {  	v1 =	vld [tilespmem:s17+$0xFFFFFF10];
	[tilespmem:s11+$0xFFFFFF80] =	vst v0;
	v0 =	vadd.f32 v3, v4  }
0x1b9: {  	v4 =	vld [tilespmem:s16+$0xFFFFFF10];
	v2 =	vmul.f32 $1.131370830e+01, v2  }
0x1ba: {  	v3 =	vld [tilespmem:s17+$0xFFFFFF90];
	[tilespmem:s11+$0x0] =	vst v0  }
0x1bb: {  	v0 =	vld [tilespmem:s17+$0x10];
	v2 =	vadd.f32 v5, v2  }
0x1bc: {  	v5 =	vld [tilespmem:s16+$0xFFFFFF90]  }
0x1bd: {  	v6 =	vld [tilespmem:s16+$0x10];
	v1 =	vmul.f32 $1.131370830e+01, v1;
	[tilespmem:s11+$0x90] =	vst v2  }
0x1be: {  	v2 =	vld [tilespmem:s17+$0xA0]  }
0x1bf: {  	v3 =	vmul.f32 $1.131370830e+01, v3;
	v1 =	vadd.f32 v4, v1  }
0x1c0: {  	v4 =	vld [tilespmem:s16+$0xA0]  }
0x1c1: {  	v0 =	vmul.f32 $1.131370830e+01, v0;
	[tilespmem:s11+$0xFFFFFF10] =	vst v1;
	v1 =	vadd.f32 v5, v3;
	_ =	sdelay $0x1  }
0x1c2: {  	v3 =	vld [tilespmem:s17+$0xFFFFFF20];
	v0 =	vadd.f32 v6, v0;
	[tilespmem:s11+$0xFFFFFF90] =	vst v1;
	v1 =	vmul.f32 $1.131370830e+01, v2  }
0x1c3: {  	v5 =	vld [tilespmem:s16+$0xFFFFFF20]  }
0x1c4: {  	v2 =	vld [tilespmem:s17+$0xFFFFFFA0];
	[tilespmem:s11+$0x10] =	vst v0;
	v1 =	vadd.f32 v4, v1  }
0x1c5: {  	v0 =	vld [tilespmem:s17+$0x20]  }
0x1c6: {  	v6 =	vld [tilespmem:s16+$0x20];
	[tilespmem:s11+$0xA0] =	vst v1  }
0x1c7: {  	v3 =	vmul.f32 $1.131370830e+01, v3;
	v1 =	vld [tilespmem:s17+$0xB0]  }
0x1c8: {  	v4 =	vld [tilespmem:s16+$0xFFFFFFA0]  }
0x1c9: {  	v3 =	vadd.f32 v5, v3;
	v5 =	vld [tilespmem:s16+$0xB0]  }
0x1ca: {  	v0 =	vmul.f32 $1.131370830e+01, v0  }
0x1cb: {  	[tilespmem:s11+$0xFFFFFF20] =	vst v3  }
0x1cc: {  	v2 =	vmul.f32 $1.131370830e+01, v2;
	v3 =	vld [tilespmem:s17+$0xFFFFFF30];
	v0 =	vadd.f32 v6, v0;
	v1 =	vmul.f32 $1.131370830e+01, v1;
	_ =	sdelay $0x1  }
0x1cd: {  	v2 =	vadd.f32 v4, v2;
	v4 =	vld [tilespmem:s16+$0xFFFFFF30];
	[tilespmem:s11+$0x20] =	vst v0;
	v1 =	vadd.f32 v5, v1  }
0x1ce: {  	v0 =	vld [tilespmem:s17+$0x30]  }
0x1cf: {  	v6 =	vld [tilespmem:s16+$0x30];
	[tilespmem:s11+$0xB0] =	vst v1  }
0x1d0: {  	[tilespmem:s11+$0xFFFFFFA0] =	vst v2;
	v1 =	vmul.f32 $1.131370830e+01, v3;
	v3 =	vld [tilespmem:s17+$0xC0]  }
0x1d1: {  	v2 =	vld [tilespmem:s17+$0xFFFFFFB0]  }
0x1d2: {  	v1 =	vadd.f32 v4, v1;
	v4 =	vld [tilespmem:s16+$0xC0]  }
0x1d3: {  	v5 =	vld [tilespmem:s16+$0xFFFFFFB0];
	v0 =	vmul.f32 $1.131370830e+01, v0;
	_ =	sdelay $0x1  }
0x1d4: {  	v0 =	vadd.f32 v6, v0;
	v3 =	vmul.f32 $1.131370830e+01, v3  }
0x1d5: {  	s13 =	simm.s32 $0x3B40;
	v2 =	vmul.f32 $1.131370830e+01, v2;
	[tilespmem:s11+$0xFFFFFF30] =	vst v1  }
0x1d6: {  	v8 =	vld [tilespmem:s13+$0x80];
	[tilespmem:s11+$0x30] =	vst v0;
	v0 =	vadd.f32 v4, v3  }
0x1d7: {  	v1 =	vadd.f32 v5, v2;
	v2 =	vld [tilespmem:s17+$0xFFFFFF40]  }
0x1d8: {  	v5 =	vld [tilespmem:s16+$0xFFFFFF40];
	[tilespmem:s11+$0xC0] =	vst v0  }
0x1d9: {  	[tilespmem:s11+$0xFFFFFFB0] =	vst v1;
	v0 =	vld [tilespmem:s17+$0xD0]  }
0x1da: {  	v1 =	vld [tilespmem:s17+$0xFFFFFFC0]  }
0x1db: {  	v7 =	vld [tilespmem:s16+$0xD0]  }
0x1dc: {  	v4 =	vld [tilespmem:s16+$0xFFFFFFC0];
	v2 =	vmul.f32 $1.131370830e+01, v2  }
0x1dd: {  	v9 =	vld [tilespmem:s13+$0xFFFFFF80]  }
0x1de: {  	s14 =	simm.s32 $0xBB40;
	v3 =	vld [tilespmem:s17+$0x40];
	v2 =	vadd.f32 v5, v2;
	v0 =	vmul.f32 $1.131370830e+01, v0  }
0x1df: {  	v10 =	vld [tilespmem:s14+$0x80];
	v1 =	vmul.f32 $1.131370830e+01, v1  }
0x1e0: {  	v6 =	vld [tilespmem:s16+$0x40];
	[tilespmem:s11+$0xFFFFFF40] =	vst v2;
	v0 =	vadd.f32 v7, v0  }
0x1e1: {  	v1 =	vadd.f32 v4, v1;
	v2 =	vld [tilespmem:s17+$0xFFFFFF50]  }
0x1e2: {  	v4 =	vld [tilespmem:s16+$0xFFFFFF50];
	[tilespmem:s11+$0xD0] =	vst v0  }
0x1e3: {  	v3 =	vmul.f32 $1.131370830e+01, v3;
	[tilespmem:s11+$0xFFFFFFC0] =	vst v1;
	v0 =	vld [tilespmem:s17+$0xE0]  }
0x1e4: {  	v1 =	vld [tilespmem:s17+$0xFFFFFFD0]  }
0x1e5: {  	v3 =	vadd.f32 v6, v3;
	v6 =	vld [tilespmem:s16+$0xE0]  }
0x1e6: {  	v11 =	vld [tilespmem:s13+$0x0]  }
0x1e7: {  	v5 =	vld [tilespmem:s16+$0xFFFFFFD0]  }
0x1e8: {  	v12 =	vld [tilespmem:s14+$0xFFFFFF00];
	v2 =	vmul.f32 $1.131370830e+01, v2;
	v0 =	vmul.f32 $1.131370830e+01, v0  }
0x1e9: {  	v13 =	vld [tilespmem:s14+$0xFFFFFF80];
	v8 =	vmul.f32 $1.131370830e+01, v8  }
0x1ea: {  	[tilespmem:s11+$0x40] =	vst v3;
	v2 =	vadd.f32 v4, v2;
	v4 =	vmul.f32 $1.131370830e+01, v1;
	v0 =	vadd.f32 v6, v0;
	v6 =	vld [tilespmem:s13+$0xFFFFFF00]  }
0x1eb: {  	v8 =	vadd.f32 v10, v8;
	v3 =	vld [tilespmem:s17+$0x50]  }
0x1ec: {  	s12 =	simm.s32 $0x13B40;
	v10 =	vld [tilespmem:s14+$0x0];
	[tilespmem:s11+$0xFFFFFF50] =	vst v2;
	v2 =	vadd.f32 v5, v4;
	v4 =	vmul.f32 $1.131370830e+01, v9  }
0x1ed: {  	[tilespmem:s12+$0x80] =	vst v8;
	v7 =	vld [tilespmem:s16+$0x50]  }
0x1ee: {  	v5 =	vld [tilespmem:s13+$0x90];
	v4 =	vadd.f32 v13, v4  }
0x1ef: {  	v9 =	vld [tilespmem:s14+$0x90];
	v6 =	vmul.f32 $1.131370830e+01, v6  }
0x1f0: {  	v3 =	vmul.f32 $1.131370830e+01, v3;
	v8 =	vld [tilespmem:s17+$0xFFFFFF60];
	[tilespmem:s12+$0xFFFFFF80] =	vst v4  }
0x1f1: {  	[tilespmem:s11+$0xFFFFFFD0] =	vst v2;
	v4 =	vld [tilespmem:s13+$0xFFFFFF90];
	v6 =	vadd.f32 v12, v6  }
0x1f2: {  	v3 =	vadd.f32 v7, v3;
	v2 =	vmul.f32 $1.131370830e+01, v11;
	v7 =	vld [tilespmem:s14+$0xFFFFFF90];
	[tilespmem:s11+$0xE0] =	vst v0  }
0x1f3: {  	v5 =	vmul.f32 $1.131370830e+01, v5;
	v0 =	vld [tilespmem:s17+$0xF0];
	[tilespmem:s12+$0xFFFFFF00] =	vst v6  }
0x1f4: {  	v2 =	vadd.f32 v10, v2;
	v11 =	vld [tilespmem:s13+$0xFFFFFF10]  }
0x1f5: {  	v1 =	vld [tilespmem:s16+$0xF0];
	v5 =	vadd.f32 v9, v5  }
0x1f6: {  	[tilespmem:s12+$0x0] =	vst v2;
	v4 =	vmul.f32 $1.131370830e+01, v4;
	v10 =	vld [tilespmem:s14+$0xFFFFFF10]  }
0x1f7: {  	v2 =	vld [tilespmem:s13+$0x10];
	[tilespmem:s12+$0x90] =	vst v5  }
0x1f8: {  	[tilespmem:s11+$0x50] =	vst v3;
	v3 =	vld [tilespmem:s13+$0xA0];
	v4 =	vadd.f32 v7, v4  }
0x1f9: {  	v9 =	vmul.f32 $1.131370830e+01, v11;
	v11 =	vld [tilespmem:s14+$0x10]  }
0x1fa: {  	v6 =	vld [tilespmem:s17+$0xFFFFFFE0];
	[tilespmem:s12+$0xFFFFFF90] =	vst v4  }
0x1fb: {  	v4 =	vld [tilespmem:s13+$0xFFFFFFA0];
	v5 =	vadd.f32 v10, v9  }
0x1fc: {  	v2 =	vmul.f32 $1.131370830e+01, v2;
	v10 =	vld [tilespmem:s14+$0xA0]  }
0x1fd: {  	v9 =	vld [tilespmem:s17+$0x60];
	[tilespmem:s12+$0xFFFFFF10] =	vst v5  }
0x1fe: {  	v7 =	vld [tilespmem:s13+$0xFFFFFF20];
	v2 =	vadd.f32 v11, v2  }
0x1ff: {  	v3 =	vmul.f32 $1.131370830e+01, v3;
	v5 =	vld [tilespmem:s16+$0xFFFFFF60]  }
0x200: {  	v11 =	vld [tilespmem:s14+$0xFFFFFF20];
	[tilespmem:s12+$0x10] =	vst v2  }
0x201: {  	v3 =	vadd.f32 v10, v3;
	v2 =	vld [tilespmem:s13+$0x20]  }
0x202: {  	v10 =	vld [tilespmem:s14+$0xFFFFFFA0]  }
0x203: {  	v60 =	vld [tilespmem:s14+$0x20];
	[tilespmem:s12+$0xA0] =	vst v3;
	v7 =	vmul.f32 $1.131370830e+01, v7  }
0x204: {  	v3 =	vld [tilespmem:s13+$0xB0]  }
0x205: {  	v4 =	vmul.f32 $1.131370830e+01, v4;
	v61 =	vld [tilespmem:s14+$0xB0];
	v7 =	vadd.f32 v11, v7  }
0x206: {  	v11 =	vld [tilespmem:s16+$0xFFFFFFE0];
	v2 =	vmul.f32 $1.131370830e+01, v2  }
0x207: {  	v4 =	vadd.f32 v10, v4;
	[tilespmem:s12+$0xFFFFFF20] =	vst v7;
	v7 =	vld [tilespmem:s16+$0x60]  }
0x208: {  	v2 =	vadd.f32 v60, v2;
	v10 =	vld [tilespmem:s13+$0xFFFFFF30]  }
0x209: {  	[tilespmem:s12+$0xFFFFFFA0] =	vst v4;
	v4 =	vld [tilespmem:s14+$0xFFFFFF30];
	v3 =	vmul.f32 $1.131370830e+01, v3  }
0x20a: {  	v8 =	vmul.f32 $1.131370830e+01, v8;
	[tilespmem:s12+$0x20] =	vst v2;
	v2 =	vld [tilespmem:s13+$0xFFFFFFB0]  }
0x20b: {  	v3 =	vadd.f32 v61, v3;
	v62 =	vld [tilespmem:s13+$0x30]  }
0x20c: {  	v6 =	vmul.f32 $1.131370830e+01, v6;
	v5 =	vadd.f32 v5, v8;
	v8 =	vld [tilespmem:s14+$0xFFFFFFB0]  }
0x20d: {  	[tilespmem:s12+$0xB0] =	vst v3;
	v3 =	vld [tilespmem:s14+$0x30];
	v10 =	vmul.f32 $1.131370830e+01, v10  }
0x20e: {  	[tilespmem:s11+$0xFFFFFF60] =	vst v5;
	v5 =	vadd.f32 v11, v6;
	v6 =	vld [tilespmem:s13+$0xC0]  }
0x20f: {  	v11 =	vld [tilespmem:s14+$0xC0];
	v4 =	vadd.f32 v4, v10;
	v2 =	vmul.f32 $1.131370830e+01, v2  }
0x210: {  	[tilespmem:s11+$0xFFFFFFE0] =	vst v5;
	v10 =	vld [tilespmem:s17+$0xFFFFFF70];
	v5 =	vmul.f32 $1.131370830e+01, v62  }
0x211: {  	[tilespmem:s12+$0xFFFFFF30] =	vst v4;
	v2 =	vadd.f32 v8, v2;
	v8 =	vld [tilespmem:s17+$0xFFFFFFF0]  }
0x212: {  	v4 =	vld [tilespmem:s13+$0xFFFFFF40];
	v3 =	vadd.f32 v3, v5  }
0x213: {  	v5 =	vld [tilespmem:s14+$0xFFFFFF40];
	[tilespmem:s12+$0xFFFFFFB0] =	vst v2;
	v2 =	vmul.f32 $1.131370830e+01, v6  }
0x214: {  	v6 =	vmul.f32 $1.131370830e+01, v9;
	v9 =	vld [tilespmem:s13+$0xFFFFFFC0];
	[tilespmem:s12+$0x30] =	vst v3  }
0x215: {  	v3 =	vld [tilespmem:s13+$0x40];
	v2 =	vadd.f32 v11, v2  }
0x216: {  	v6 =	vadd.f32 v7, v6;
	v7 =	vld [tilespmem:s14+$0xFFFFFFC0]  }
0x217: {  	v11 =	vld [tilespmem:s14+$0x40];
	v4 =	vmul.f32 $1.131370830e+01, v4;
	[tilespmem:s12+$0xC0] =	vst v2  }
0x218: {  	v2 =	vld [tilespmem:s13+$0xD0]  }
0x219: {  	[tilespmem:s11+$0x60] =	vst v6;
	v6 =	vld [tilespmem:s14+$0xD0];
	v4 =	vadd.f32 v5, v4;
	v5 =	vmul.f32 $1.131370830e+01, v9  }
0x21a: {  	v9 =	vld [tilespmem:s17+$0x70];
	v3 =	vmul.f32 $1.131370830e+01, v3  }
0x21b: {  	[tilespmem:s12+$0xFFFFFF40] =	vst v4;
	v4 =	vadd.f32 v7, v5;
	v5 =	vld [tilespmem:s16+$0xFFFFFF70]  }
0x21c: {  	v7 =	vld [tilespmem:s13+$0xFFFFFF50];
	v3 =	vadd.f32 v11, v3  }
0x21d: {  	v11 =	vld [tilespmem:s14+$0xFFFFFF50];
	[tilespmem:s12+$0xFFFFFFC0] =	vst v4;
	v2 =	vmul.f32 $1.131370830e+01, v2  }
0x21e: {  	v63 =	vld [tilespmem:s13+$0xFFFFFFD0];
	[tilespmem:s12+$0x40] =	vst v3  }
0x21f: {  	v0 =	vmul.f32 $1.131370830e+01, v0;
	v3 =	vld [tilespmem:s13+$0x50];
	v2 =	vadd.f32 v6, v2  }
0x220: {  	v4 =	vmul.f32 $1.131370830e+01, v10;
	v10 =	vld [tilespmem:s14+$0xFFFFFFD0]  }
0x221: {  	v0 =	vadd.f32 v1, v0;
	v6 =	vld [tilespmem:s14+$0x50];
	v1 =	vmul.f32 $1.131370830e+01, v7;
	[tilespmem:s12+$0xD0] =	vst v2  }
0x222: {  	v5 =	vadd.f32 v5, v4;
	v4 =	vld [tilespmem:s13+$0xE0]  }
0x223: {  	[tilespmem:s11+$0xF0] =	vst v0;
	v2 =	vld [tilespmem:s16+$0xFFFFFFF0];
	v11 =	vadd.f32 v11, v1;
	v12 =	vmul.f32 $1.131370830e+01, v63  }
0x224: {  	[tilespmem:s11+$0xFFFFFF70] =	vst v5;
	v5 =	vld [tilespmem:s14+$0xE0];
	v7 =	vmul.f32 $1.131370830e+01, v3  }
0x225: {  	s18 =	simm.s32 $0x3D40;
	v0 =	vmul.f32 $1.131370830e+01, v8;
	s17 =	simm.s32 $0x4;
	v1 =	vmul.f32 $1.131370830e+01, v9;
	v3 =	vld [tilespmem:s16+$0x70];
	s16 =	simm.s32 $0xBB40;
	[tilespmem:s12+$0xFFFFFF50] =	vst v11;
	v8 =	vadd.f32 v10, v12  }
.LBB2_7:
0x226: {  	v9 =	vld [tilespmem:s18+$0x80];
	s17 =	sadd.s32 $0x4, s17;
	v6 =	vadd.f32 v6, v7  }
0x227: {  	s14 =	sadd.s32 $0x200, s14;
	v7 =	vld [tilespmem:s18+$0xFFFFFF80];
	p1 =	slt.u32 s17, $0x7C;
	[tilespmem:s12+$0xFFFFFFD0] =	vst v8;
	v4 =	vmul.f32 $1.131370830e+01, v4  }
0x228: {  	v8 =	vld [tilespmem:s14+$0x80];
	[tilespmem:s12+$0x50] =	vst v6;
	v0 =	vadd.f32 v2, v0  }
0x229: {  	v2 =	vld [tilespmem:s18+$0x0];
	v4 =	vadd.f32 v5, v4  }
0x22a: {  	v5 =	vld [tilespmem:s18+$0xFFFFFF00];
	[tilespmem:s11+$0xFFFFFFF0] =	vst v0;
	v0 =	vadd.f32 v3, v1  }
0x22b: {  	v1 =	vld [tilespmem:s14+$0xFFFFFF00];
	v3 =	vmul.f32 $1.131370830e+01, v9;
	[tilespmem:s12+$0xE0] =	vst v4  }
0x22c: {  	v4 =	vmul.f32 $1.131370830e+01, v7;
	v6 =	vld [tilespmem:s13+$0xF0];
	[tilespmem:s11+$0x70] =	vst v0;
	s11 =	smov.u32 s12  }
0x22d: {  	v0 =	vld [tilespmem:s14+$0xFFFFFF80];
	v3 =	vadd.f32 v8, v3  }
0x22e: {  	s12 =	sadd.s32 $0x200, s12;
	v2 =	vmul.f32 $1.131370830e+01, v2;
	v7 =	vld [tilespmem:s16+$0xF0]  }
0x22f: {  	v5 =	vmul.f32 $1.131370830e+01, v5;
	v8 =	vld [tilespmem:s14+$0x0];
	[tilespmem:s12+$0x80] =	vst v3  }
0x230: {  	v3 =	vld [tilespmem:s18+$0x90]  }
0x231: {  	v1 =	vadd.f32 v1, v5;
	v5 =	vld [tilespmem:s13+$0xFFFFFF60];
	v6 =	vmul.f32 $1.131370830e+01, v6  }
0x232: {  	v0 =	vadd.f32 v0, v4;
	v4 =	vld [tilespmem:s14+$0x90]  }
0x233: {  	[tilespmem:s12+$0xFFFFFF00] =	vst v1;
	v1 =	vld [tilespmem:s13+$0xFFFFFFE0];
	v6 =	vadd.f32 v7, v6  }
0x234: {  	v7 =	vld [tilespmem:s18+$0xFFFFFF10];
	[tilespmem:s12+$0xFFFFFF80] =	vst v0;
	v0 =	vadd.f32 v8, v2  }
0x235: {  	v2 =	vld [tilespmem:s18+$0xFFFFFF90];
	v3 =	vmul.f32 $1.131370830e+01, v3;
	[tilespmem:s11+$0xF0] =	vst v6  }
0x236: {  	v6 =	vld [tilespmem:s14+$0xFFFFFF10];
	[tilespmem:s12+$0x0] =	vst v0;
	v0 =	vmul.f32 $1.131370830e+01, v5  }
0x237: {  	v5 =	vld [tilespmem:s18+$0x10];
	v3 =	vadd.f32 v4, v3  }
0x238: {  	v4 =	vld [tilespmem:s14+$0xFFFFFF90];
	v1 =	vmul.f32 $1.131370830e+01, v1  }
0x239: {  	v7 =	vmul.f32 $1.131370830e+01, v7;
	v8 =	vld [tilespmem:s14+$0x10];
	[tilespmem:s12+$0x90] =	vst v3  }
0x23a: {  	v2 =	vmul.f32 $1.131370830e+01, v2;
	v3 =	vld [tilespmem:s18+$0xA0]  }
0x23b: {  	v6 =	vadd.f32 v6, v7;
	v7 =	vld [tilespmem:s13+$0x60]  }
0x23c: {  	v5 =	vmul.f32 $1.131370830e+01, v5;
	v9 =	vld [tilespmem:s14+$0xA0]  }
0x23d: {  	[tilespmem:s12+$0xFFFFFF10] =	vst v6;
	v2 =	vadd.f32 v4, v2;
	v4 =	vld [tilespmem:s16+$0xFFFFFF60]  }
0x23e: {  	v6 =	vld [tilespmem:s18+$0xFFFFFF20];
	v5 =	vadd.f32 v8, v5  }
0x23f: {  	v8 =	vld [tilespmem:s14+$0xFFFFFF20];
	[tilespmem:s12+$0xFFFFFF90] =	vst v2;
	v2 =	vmul.f32 $1.131370830e+01, v3  }
0x240: {  	v3 =	vld [tilespmem:s18+$0xFFFFFFA0];
	[tilespmem:s12+$0x10] =	vst v5;
	v5 =	vmul.f32 $1.131370830e+01, v7  }
0x241: {  	v7 =	vld [tilespmem:s18+$0x20];
	v2 =	vadd.f32 v9, v2  }
0x242: {  	v9 =	vld [tilespmem:s14+$0xFFFFFFA0];
	v0 =	vadd.f32 v4, v0  }
0x243: {  	v4 =	vmul.f32 $1.131370830e+01, v6;
	v6 =	vld [tilespmem:s14+$0x20];
	[tilespmem:s12+$0xA0] =	vst v2  }
0x244: {  	v2 =	vld [tilespmem:s18+$0xB0];
	[tilespmem:s11+$0xFFFFFF60] =	vst v0  }
0x245: {  	v0 =	vadd.f32 v8, v4;
	v3 =	vmul.f32 $1.131370830e+01, v3;
	v4 =	vld [tilespmem:s16+$0xFFFFFFE0]  }
0x246: {  	v7 =	vmul.f32 $1.131370830e+01, v7;
	v8 =	vld [tilespmem:s14+$0xB0]  }
0x247: {  	[tilespmem:s12+$0xFFFFFF20] =	vst v0;
	v0 =	vadd.f32 v9, v3;
	v3 =	vld [tilespmem:s16+$0x60]  }
0x248: {  	v9 =	vld [tilespmem:s18+$0xFFFFFF30];
	v6 =	vadd.f32 v6, v7  }
0x249: {  	v7 =	vld [tilespmem:s14+$0xFFFFFF30];
	[tilespmem:s12+$0xFFFFFFA0] =	vst v0;
	v0 =	vmul.f32 $1.131370830e+01, v2  }
0x24a: {  	v2 =	vld [tilespmem:s18+$0xFFFFFFB0];
	[tilespmem:s12+$0x20] =	vst v6;
	v1 =	vadd.f32 v4, v1  }
0x24b: {  	v4 =	vld [tilespmem:s18+$0x30];
	v0 =	vadd.f32 v8, v0  }
0x24c: {  	v6 =	vld [tilespmem:s14+$0xFFFFFFB0];
	[tilespmem:s11+$0xFFFFFFE0] =	vst v1;
	v1 =	vadd.f32 v3, v5  }
0x24d: {  	v3 =	vmul.f32 $1.131370830e+01, v9;
	v5 =	vld [tilespmem:s14+$0x30];
	[tilespmem:s12+$0xB0] =	vst v0  }
0x24e: {  	v0 =	vld [tilespmem:s18+$0xC0];
	[tilespmem:s11+$0x60] =	vst v1  }
0x24f: {  	v1 =	vadd.f32 v7, v3;
	v2 =	vmul.f32 $1.131370830e+01, v2;
	v3 =	vld [tilespmem:s13+$0xFFFFFF70]  }
0x250: {  	v4 =	vmul.f32 $1.131370830e+01, v4;
	v7 =	vld [tilespmem:s14+$0xC0]  }
0x251: {  	[tilespmem:s12+$0xFFFFFF30] =	vst v1;
	v1 =	vadd.f32 v6, v2;
	v2 =	vld [tilespmem:s13+$0xFFFFFFF0]  }
0x252: {  	v6 =	vld [tilespmem:s18+$0xFFFFFF40];
	v4 =	vadd.f32 v5, v4  }
0x253: {  	v5 =	vld [tilespmem:s14+$0xFFFFFF40];
	[tilespmem:s12+$0xFFFFFFB0] =	vst v1;
	v0 =	vmul.f32 $1.131370830e+01, v0  }
0x254: {  	v1 =	vld [tilespmem:s18+$0xFFFFFFC0];
	[tilespmem:s12+$0x30] =	vst v4;
	v3 =	vmul.f32 $1.131370830e+01, v3  }
0x255: {  	v4 =	vld [tilespmem:s18+$0x40];
	v7 =	vadd.f32 v7, v0  }
0x256: {  	v8 =	vld [tilespmem:s14+$0xFFFFFFC0];
	v0 =	vmul.f32 $1.131370830e+01, v2  }
0x257: {  	v2 =	vmul.f32 $1.131370830e+01, v6;
	v6 =	vld [tilespmem:s14+$0x40];
	[tilespmem:s12+$0xC0] =	vst v7  }
0x258: {  	v7 =	vld [tilespmem:s18+$0xD0]  }
0x259: {  	v2 =	vadd.f32 v5, v2;
	v1 =	vmul.f32 $1.131370830e+01, v1;
	v5 =	vld [tilespmem:s13+$0x70];
	s13 =	smov.u32 s18  }
0x25a: {  	v4 =	vmul.f32 $1.131370830e+01, v4;
	v9 =	vld [tilespmem:s14+$0xD0]  }
0x25b: {  	[tilespmem:s12+$0xFFFFFF40] =	vst v2;
	v1 =	vadd.f32 v8, v1;
	v2 =	vld [tilespmem:s16+$0xFFFFFF70]  }
0x25c: {  	v8 =	vld [tilespmem:s18+$0xFFFFFF50];
	v4 =	vadd.f32 v6, v4  }
0x25d: {  	v10 =	vld [tilespmem:s14+$0xFFFFFF50];
	[tilespmem:s12+$0xFFFFFFC0] =	vst v1;
	v6 =	vmul.f32 $1.131370830e+01, v7  }
0x25e: {  	v7 =	vld [tilespmem:s18+$0xFFFFFFD0];
	[tilespmem:s12+$0x40] =	vst v4;
	v1 =	vmul.f32 $1.131370830e+01, v5  }
0x25f: {  	v5 =	vld [tilespmem:s18+$0x50];
	v4 =	vadd.f32 v9, v6  }
0x260: {  	v9 =	vld [tilespmem:s14+$0xFFFFFFD0];
	v2 =	vadd.f32 v2, v3  }
.Ltmp2:
0x261: {  	v3 =	vmul.f32 $1.131370830e+01, v8;
	v6 =	vld [tilespmem:s14+$0x50];
	[tilespmem:s12+$0xD0] =	vst v4;
	(pc) =	sbr.rel @p1 .LBB2_7-.Ltmp2, $4  }
0x262: {  	v4 =	vld [tilespmem:s18+$0xE0];
	[tilespmem:s11+$0xFFFFFF70] =	vst v2  }
0x263: {  	v3 =	vadd.f32 v10, v3;
	v8 =	vmul.f32 $1.131370830e+01, v7;
	v2 =	vld [tilespmem:s16+$0xFFFFFFF0]  }
0x264: {  	v7 =	vmul.f32 $1.131370830e+01, v5;
	v5 =	vld [tilespmem:s14+$0xE0]  }
0x265: {  	s18 =	sadd.s32 $0x200, s18;
	[tilespmem:s12+$0xFFFFFF50] =	vst v3;
	v8 =	vadd.f32 v9, v8;
	v3 =	vld [tilespmem:s16+$0x70];
	s16 =	smov.u32 s14  }
0x266: {  	v6 =	vadd.f32 v6, v7;
	v7 =	vld [tilespmem:s13+$0xFFFFFF60]  }
0x267: {  	v9 =	vld [tilespmem:s16+$0xFFFFFF60];
	[tilespmem:s12+$0xFFFFFFD0] =	vst v8  }
0x268: {  	[tilespmem:s12+$0x50] =	vst v6;
	v6 =	vld [tilespmem:s13+$0xFFFFFFE0]  }
0x269: {  	v4 =	vmul.f32 $1.131370830e+01, v4;
	v8 =	vld [tilespmem:s13+$0x60]  }
0x26a: {  	v10 =	vld [tilespmem:s16+$0xFFFFFFE0]  }
0x26b: {  	v11 =	vld [tilespmem:s16+$0x60];
	v4 =	vadd.f32 v5, v4;
	v5 =	vmul.f32 $1.131370830e+01, v7;
	_ =	sdelay $0x1  }
0x26c: {  	[tilespmem:s12+$0xE0] =	vst v4;
	v6 =	vmul.f32 $1.131370830e+01, v6;
	v5 =	vadd.f32 v9, v5  }
0x26d: {  	v7 =	vld [tilespmem:s13+$0xF0];
	v4 =	vmul.f32 $1.131370830e+01, v8  }
0x26e: {  	v8 =	vld [tilespmem:s16+$0xF0];
	v6 =	vadd.f32 v10, v6;
	[tilespmem:s12+$0xFFFFFF60] =	vst v5  }
0x26f: {  	v4 =	vadd.f32 v11, v4;
	v5 =	vld [tilespmem:s13+$0xFFFFFF70]  }
0x270: {  	v9 =	vld [tilespmem:s16+$0xFFFFFF70];
	[tilespmem:s12+$0xFFFFFFE0] =	vst v6  }
0x271: {  	[tilespmem:s12+$0x60] =	vst v4;
	v4 =	vld [tilespmem:s13+$0xFFFFFFF0]  }
0x272: {  	v6 =	vld [tilespmem:s13+$0x70]  }
0x273: {  	v10 =	vld [tilespmem:s16+$0xFFFFFFF0]  }
0x274: {  	v0 =	vadd.f32 v2, v0;
	v2 =	vmul.f32 $1.131370830e+01, v7;
	v7 =	vld [tilespmem:s16+$0x70]  }
0x275: {  	v1 =	vadd.f32 v3, v1;
	v3 =	vmul.f32 $1.131370830e+01, v5  }
0x276: {  	[tilespmem:s11+$0xFFFFFFF0] =	vst v0;
	v0 =	vadd.f32 v8, v2;
	v2 =	vmul.f32 $1.131370830e+01, v4  }
0x277: {  	s17 =	sshll.u32 s10, $0xF;
	[tilespmem:s11+$0x70] =	vst v1;
	v3 =	vadd.f32 v9, v3;
	v1 =	vmul.f32 $1.131370830e+01, v6  }
0x278: {  	s11 =	sadd.s32 s7, s17;
	[tilespmem:s12+$0xF0] =	vst v0;
	v0 =	vadd.f32 v10, v2  }
0x279: {  	s18 =	sshrl.u32 s11, $0x3;
	s11 =	sshll.u32 s10, $0x8;
	[tilespmem:s12+$0xFFFFFF70] =	vst v3;
	v1 =	vadd.f32 v7, v1  }
0x27a: {  	s17 =	sadd.s32 s6, s11;
	[tilespmem:s12+$0xFFFFFFF0] =	vst v0  }
0x27b: {  	s14 =	sadd.s32 s2, s18;
	s16 =	simm.s32 $0x0;
	[tilespmem:s12+$0x70] =	vst v1;
	s12 =	sshll.u32 s17, $0x4  }
0x27c: {  	[hbm4b:s14+s16] =	stream.linear.scatter [tilespmem:s30], [sflag:$0x6], $0x4000, $0x38;
	[tilespmem:$0x1B840] =	vst v63  }
0x27d: {  	s14 =	sadd.s32 $0x2040, s11;
	s12 =	sadd.s32 s1, s12  }
0x27e: {  	[tilespmem:s22], [sflag:$0x2] =	stream.indirect.gather [spmem:s4], $0x80, s14, s20, $0xb8;
	[tilespmem:$0x1B840] =	vst v63  }
0x27f: {  	s18 =	sadd.s32 $0x1000, s12  }
0x280: {  	[tilespmem:s23], [sflag:$0x4] =	stream.linear.gather [hbm4b:s18+s16], $0x4000, $0x38;
	[tilespmem:$0x1B840] =	vst v63  }
0x281: {  	_ =	swait.ge [sflag:s3], $0x4000  }
0x282: {  	[sflag:s3] =	ssyncset.done $0x0  }
0x283: {  	[sflag:s3] =	ssyncadd.s32 $0xFFFFC000  }
0x284: {  	_ =	swait.ge [sflag:s0], $0x4000  }
0x285: {  	[sflag:s0] =	ssyncset.done $0x0  }
0x286: {  	[sflag:s0] =	ssyncadd.s32 $0xFFFFC000  }
0x287: {  	_ =	swait.ge [sflag:s24], $0x4000  }
0x288: {  	[sflag:s24] =	ssyncset.done $0x0  }
0x289: {  	s13 =	simm.s32 $0x0;
	[sflag:s24] =	ssyncadd.s32 $0xFFFFC000  }
0x28a: {  	v0 =	vld [tilespmem:s13+$0x7A30]  }
0x28b: {  	v1 =	vld [tilespmem:s13+$0x7840]  }
0x28c: {  	v2 =	vld [tilespmem:s13+$0xFA30]  }
0x28d: {  	v3 =	vld [tilespmem:s13+$0x7850]  }
0x28e: {  	v4 =	vld [tilespmem:s13+$0x7860]  }
0x28f: {  	v5 =	vld [tilespmem:s13+$0x7870]  }
0x290: {  	v6 =	vld [tilespmem:s13+$0x7880]  }
0x291: {  	v7 =	vld [tilespmem:s13+$0x7890]  }
0x292: {  	v8 =	vld [tilespmem:s13+$0x78A0]  }
0x293: {  	v9 =	vld [tilespmem:s13+$0x78B0]  }
0x294: {  	v10 =	vld [tilespmem:s13+$0x78C0]  }
0x295: {  	v11 =	vld [tilespmem:s13+$0x78D0]  }
0x296: {  	v12 =	vld [tilespmem:s13+$0x78E0]  }
0x297: {  	v13 =	vld [tilespmem:s13+$0x78F0]  }
0x298: {  	v14 =	vld [tilespmem:s13+$0x7900]  }
0x299: {  	v15 =	vld [tilespmem:s13+$0x7910]  }
0x29a: {  	v16 =	vld [tilespmem:s13+$0x7920]  }
0x29b: {  	v17 =	vld [tilespmem:s13+$0x7930]  }
0x29c: {  	v18 =	vld [tilespmem:s13+$0x7940]  }
0x29d: {  	v19 =	vld [tilespmem:s13+$0x7950]  }
0x29e: {  	v20 =	vld [tilespmem:s13+$0x7960]  }
0x29f: {  	v21 =	vld [tilespmem:s13+$0x7970]  }
0x2a0: {  	v22 =	vld [tilespmem:s13+$0x7980]  }
0x2a1: {  	v23 =	vld [tilespmem:s13+$0x79A0]  }
0x2a2: {  	v24 =	vld [tilespmem:s13+$0x79C0]  }
0x2a3: {  	v25 =	vld [tilespmem:s13+$0x79D0]  }
0x2a4: {  	v26 =	vld [tilespmem:s13+$0x79E0]  }
0x2a5: {  	v27 =	vld [tilespmem:s13+$0x79F0]  }
0x2a6: {  	v28 =	vld [tilespmem:s13+$0xF840]  }
0x2a7: {  	v29 =	vld [tilespmem:s13+$0xF850]  }
0x2a8: {  	v30 =	vld [tilespmem:s13+$0xF860]  }
0x2a9: {  	v31 =	vld [tilespmem:s13+$0xF870]  }
0x2aa: {  	v32 =	vld [tilespmem:s13+$0xF880]  }
0x2ab: {  	v60 =	vld [tilespmem:s13+$0xF890]  }
0x2ac: {  	v33 =	vld [tilespmem:s13+$0xF8A0]  }
0x2ad: {  	v34 =	vld [tilespmem:s13+$0x7A00];
	v1 =	vmul.f32 $1.131370830e+01, v1  }
0x2ae: {  	v61 =	vld [tilespmem:s13+$0xF8C0];
	v0 =	vmul.f32 $1.131370830e+01, v0  }
0x2af: {  	v62 =	vld [tilespmem:s13+$0xF8D0];
	v3 =	vmul.f32 $1.131370830e+01, v3;
	v1 =	vadd.f32 v28, v1  }
0x2b0: {  	v63 =	vld [tilespmem:s13+$0x7A10];
	v8 =	vmul.f32 $1.131370830e+01, v8;
	v0 =	vadd.f32 v2, v0  }
0x2b1: {  	v2 =	vld [tilespmem:s13+$0x7990];
	v3 =	vadd.f32 v29, v3;
	[tilespmem:s13+$0x17840] =	vst v1;
	v1 =	vmul.f32 $1.131370830e+01, v4  }
0x2b2: {  	v5 =	vmul.f32 $1.131370830e+01, v5;
	v8 =	vadd.f32 v33, v8;
	[tilespmem:s13+$0x17A30] =	vst v0;
	v0 =	vld [tilespmem:s13+$0x79B0]  }
0x2b3: {  	v6 =	vmul.f32 $1.131370830e+01, v6;
	v11 =	vmul.f32 $1.131370830e+01, v11;
	v4 =	vld [tilespmem:s13+$0xF8B0];
	[tilespmem:s13+$0x17850] =	vst v3;
	v1 =	vadd.f32 v30, v1  }
0x2b4: {  	v7 =	vmul.f32 $1.131370830e+01, v7;
	v10 =	vmul.f32 $1.131370830e+01, v10;
	v3 =	vadd.f32 v31, v5;
	v5 =	vld [tilespmem:s13+$0xF8E0];
	[tilespmem:s13+$0x178A0] =	vst v8  }
0x2b5: {  	v8 =	vadd.f32 v62, v11;
	v11 =	vmul.f32 $1.131370830e+01, v14;
	v14 =	vld [tilespmem:s13+$0xF9B0];
	[tilespmem:s13+$0x17860] =	vst v1;
	v1 =	vadd.f32 v32, v6  }
0x2b6: {  	v9 =	vmul.f32 $1.131370830e+01, v9;
	[tilespmem:s13+$0x17870] =	vst v3;
	v3 =	vadd.f32 v60, v7;
	v6 =	vld [tilespmem:s13+$0xF8F0]  }
0x2b7: {  	v7 =	vld [tilespmem:s13+$0xF900];
	[tilespmem:s13+$0x17880] =	vst v1;
	v1 =	vadd.f32 v61, v10  }
0x2b8: {  	v12 =	vmul.f32 $1.131370830e+01, v12;
	[tilespmem:s13+$0x17890] =	vst v3;
	v4 =	vadd.f32 v4, v9;
	v10 =	vld [tilespmem:s13+$0xF910]  }
0x2b9: {  	v3 =	vld [tilespmem:s13+$0xF920];
	[tilespmem:s13+$0x178C0] =	vst v1;
	v1 =	vmul.f32 $1.131370830e+01, v13  }
0x2ba: {  	[tilespmem:s13+$0x178B0] =	vst v4;
	v4 =	vadd.f32 v5, v12;
	v5 =	vld [tilespmem:s13+$0xF940]  }
0x2bb: {  	[tilespmem:s13+$0x178D0] =	vst v8;
	v9 =	vld [tilespmem:s13+$0xF930];
	v12 =	vmul.f32 $1.131370830e+01, v15;
	v1 =	vadd.f32 v6, v1  }
0x2bc: {  	v8 =	vmul.f32 $1.131370830e+01, v16;
	[tilespmem:s13+$0x178E0] =	vst v4;
	v4 =	vadd.f32 v7, v11;
	v6 =	vld [tilespmem:s13+$0xF950]  }
0x2bd: {  	v7 =	vld [tilespmem:s13+$0xF960];
	v11 =	vmul.f32 $1.131370830e+01, v18;
	[tilespmem:s13+$0x178F0] =	vst v1;
	v1 =	vadd.f32 v10, v12  }
0x2be: {  	v3 =	vadd.f32 v3, v8;
	[tilespmem:s13+$0x17900] =	vst v4;
	v10 =	vld [tilespmem:s13+$0xF970];
	v12 =	vmul.f32 $1.131370830e+01, v17  }
0x2bf: {  	v8 =	vmul.f32 $1.131370830e+01, v19;
	v4 =	vld [tilespmem:s13+$0xF980];
	[tilespmem:s13+$0x17910] =	vst v1;
	v1 =	vadd.f32 v5, v11  }
0x2c0: {  	[tilespmem:s13+$0x17920] =	vst v3;
	v11 =	vld [tilespmem:s13+$0xF990];
	v5 =	vmul.f32 $1.131370830e+01, v20;
	v9 =	vadd.f32 v9, v12  }
0x2c1: {  	v3 =	vld [tilespmem:s13+$0xF9A0];
	v12 =	vmul.f32 $1.131370830e+01, v21;
	v6 =	vadd.f32 v6, v8;
	[tilespmem:s13+$0x17940] =	vst v1  }
0x2c2: {  	v13 =	vld [tilespmem:s13+$0x7A20];
	v1 =	vmul.f32 $1.131370830e+01, v22;
	[tilespmem:s13+$0x17930] =	vst v9;
	v5 =	vadd.f32 v7, v5  }
0x2c3: {  	v2 =	vmul.f32 $1.131370830e+01, v2;
	[tilespmem:s13+$0x17950] =	vst v6;
	v7 =	vadd.f32 v10, v12;
	v10 =	vld [tilespmem:s13+$0xF9C0]  }
0x2c4: {  	v8 =	vmul.f32 $1.131370830e+01, v23;
	v12 =	vmul.f32 $1.131370830e+01, v0;
	v6 =	vld [tilespmem:s13+$0xF9D0];
	[tilespmem:s13+$0x17960] =	vst v5;
	v0 =	vadd.f32 v4, v1  }
0x2c5: {  	v15 =	vmul.f32 $1.131370830e+01, v24;
	[tilespmem:s13+$0x17970] =	vst v7;
	v2 =	vadd.f32 v11, v2;
	v7 =	vld [tilespmem:s13+$0xF9E0]  }
0x2c6: {  	v5 =	vmul.f32 $1.131370830e+01, v25;
	v4 =	vmul.f32 $1.131370830e+01, v26;
	v11 =	vadd.f32 v3, v8;
	v8 =	vld [tilespmem:s13+$0xF9F0];
	[tilespmem:s13+$0x17980] =	vst v0  }
0x2c7: {  	v9 =	vld [tilespmem:s13+$0xFA00];
	v1 =	vmul.f32 $1.131370830e+01, v27;
	v3 =	vmul.f32 $1.131370830e+01, v34;
	v12 =	vadd.f32 v14, v12;
	[tilespmem:s13+$0x17990] =	vst v2  }
0x2c8: {  	s14 =	simm.s32 $0x0;
	s16 =	simm.s32 $0x800;
	v0 =	vmul.f32 $1.131370830e+01, v63;
	v2 =	vmul.f32 $1.131370830e+01, v13;
	[tilespmem:s13+$0x179A0] =	vst v11;
	v11 =	vadd.f32 v10, v15;
	v10 =	vld [tilespmem:s13+$0xFA10]  }
.LBB2_9:
0x2c9: {  	s17 =	sshra.s32 s16, $0x2;
	s14 =	sadd.s32 $0x4, s14;
	[tilespmem:s13+$0x179B0] =	vst v12;
	v5 =	vadd.f32 v6, v5;
	v6 =	vld [tilespmem:s13+$0xFA20]  }
0x2ca: {  	v12 =	vld [tilespmem:s17+$0x7A30];
	p1 =	slt.u32 s14, $0x7C;
	[tilespmem:s13+$0x179C0] =	vst v11;
	v4 =	vadd.f32 v7, v4  }
0x2cb: {  	v7 =	vld [tilespmem:s17+$0x7840];
	[tilespmem:s13+$0x179D0] =	vst v5;
	v1 =	vadd.f32 v8, v1  }
0x2cc: {  	v5 =	vld [tilespmem:s17+$0xFA30];
	[tilespmem:s13+$0x179E0] =	vst v4;
	v3 =	vadd.f32 v9, v3  }
0x2cd: {  	v4 =	vld [tilespmem:s17+$0x7850];
	[tilespmem:s13+$0x179F0] =	vst v1;
	v0 =	vadd.f32 v10, v0  }
0x2ce: {  	v1 =	vld [tilespmem:s17+$0x7860];
	[tilespmem:s13+$0x17A00] =	vst v3;
	v2 =	vadd.f32 v6, v2  }
0x2cf: {  	v3 =	vld [tilespmem:s17+$0x7870];
	v6 =	vmul.f32 $1.131370830e+01, v12;
	[tilespmem:s13+$0x17A10] =	vst v0  }
0x2d0: {  	v7 =	vmul.f32 $1.131370830e+01, v7;
	v0 =	vld [tilespmem:s17+$0x7880];
	[tilespmem:s13+$0x17A20] =	vst v2;
	s13 =	smov.u32 s17  }
0x2d1: {  	v2 =	vld [tilespmem:s13+$0x7890];
	v5 =	vadd.f32 v5, v6  }
0x2d2: {  	v6 =	vmul.f32 $1.131370830e+01, v4;
	v4 =	vld [tilespmem:s13+$0x78A0]  }
0x2d3: {  	v8 =	vmul.f32 $1.131370830e+01, v1;
	v1 =	vld [tilespmem:s13+$0x78B0];
	[tilespmem:s13+$0x17A30] =	vst v5  }
0x2d4: {  	v9 =	vmul.f32 $1.131370830e+01, v3;
	v3 =	vld [tilespmem:s13+$0x78C0]  }
0x2d5: {  	v10 =	vmul.f32 $1.131370830e+01, v0;
	v0 =	vld [tilespmem:s13+$0x78D0]  }
0x2d6: {  	v11 =	vmul.f32 $1.131370830e+01, v2;
	v2 =	vld [tilespmem:s13+$0x78E0]  }
0x2d7: {  	v12 =	vmul.f32 $1.131370830e+01, v4;
	v4 =	vld [tilespmem:s13+$0x78F0]  }
0x2d8: {  	v13 =	vmul.f32 $1.131370830e+01, v1;
	v1 =	vld [tilespmem:s13+$0x7900]  }
0x2d9: {  	v14 =	vmul.f32 $1.131370830e+01, v3;
	v3 =	vld [tilespmem:s13+$0x7910]  }
0x2da: {  	v15 =	vmul.f32 $1.131370830e+01, v0;
	v0 =	vld [tilespmem:s13+$0x7920]  }
0x2db: {  	v16 =	vmul.f32 $1.131370830e+01, v2;
	v2 =	vld [tilespmem:s13+$0x7930]  }
0x2dc: {  	v17 =	vmul.f32 $1.131370830e+01, v4;
	v4 =	vld [tilespmem:s13+$0x7940]  }
0x2dd: {  	v18 =	vmul.f32 $1.131370830e+01, v1;
	v1 =	vld [tilespmem:s13+$0x7950]  }
0x2de: {  	v19 =	vmul.f32 $1.131370830e+01, v3;
	v3 =	vld [tilespmem:s13+$0x7960]  }
0x2df: {  	v20 =	vmul.f32 $1.131370830e+01, v0;
	v0 =	vld [tilespmem:s13+$0x7970]  }
0x2e0: {  	v21 =	vmul.f32 $1.131370830e+01, v2;
	v2 =	vld [tilespmem:s13+$0x7980]  }
0x2e1: {  	v22 =	vmul.f32 $1.131370830e+01, v4;
	v4 =	vld [tilespmem:s13+$0x7990]  }
0x2e2: {  	v23 =	vmul.f32 $1.131370830e+01, v1;
	v1 =	vld [tilespmem:s13+$0x79A0]  }
0x2e3: {  	v24 =	vmul.f32 $1.131370830e+01, v3;
	v3 =	vld [tilespmem:s13+$0x79B0]  }
0x2e4: {  	v25 =	vmul.f32 $1.131370830e+01, v0;
	v0 =	vld [tilespmem:s13+$0x79C0]  }
0x2e5: {  	v26 =	vmul.f32 $1.131370830e+01, v2;
	v2 =	vld [tilespmem:s13+$0x79D0]  }
0x2e6: {  	v27 =	vmul.f32 $1.131370830e+01, v4;
	v4 =	vld [tilespmem:s13+$0x79E0]  }
0x2e7: {  	v28 =	vmul.f32 $1.131370830e+01, v1;
	v1 =	vld [tilespmem:s13+$0x79F0]  }
0x2e8: {  	v29 =	vmul.f32 $1.131370830e+01, v3;
	v3 =	vld [tilespmem:s13+$0x7A00]  }
0x2e9: {  	v30 =	vmul.f32 $1.131370830e+01, v0;
	v0 =	vld [tilespmem:s13+$0x7A10]  }
0x2ea: {  	v5 =	vmul.f32 $1.131370830e+01, v2;
	v2 =	vld [tilespmem:s13+$0x7A20]  }
0x2eb: {  	v31 =	vld [tilespmem:s13+$0xF840];
	v4 =	vmul.f32 $1.131370830e+01, v4  }
0x2ec: {  	v32 =	vld [tilespmem:s13+$0xF850];
	v1 =	vmul.f32 $1.131370830e+01, v1  }
0x2ed: {  	v33 =	vld [tilespmem:s13+$0xF860];
	v3 =	vmul.f32 $1.131370830e+01, v3  }
0x2ee: {  	v34 =	vld [tilespmem:s13+$0xF870];
	v0 =	vmul.f32 $1.131370830e+01, v0  }
0x2ef: {  	v35 =	vld [tilespmem:s13+$0xF880];
	v2 =	vmul.f32 $1.131370830e+01, v2  }
0x2f0: {  	v7 =	vadd.f32 v31, v7;
	v31 =	vld [tilespmem:s13+$0xF890]  }
0x2f1: {  	v6 =	vadd.f32 v32, v6;
	v32 =	vld [tilespmem:s13+$0xF8A0]  }
0x2f2: {  	[tilespmem:s13+$0x17840] =	vst v7;
	v7 =	vadd.f32 v33, v8;
	v8 =	vld [tilespmem:s13+$0xF8B0]  }
0x2f3: {  	[tilespmem:s13+$0x17850] =	vst v6;
	v6 =	vadd.f32 v34, v9;
	v9 =	vld [tilespmem:s13+$0xF8C0]  }
0x2f4: {  	[tilespmem:s13+$0x17860] =	vst v7;
	v7 =	vadd.f32 v35, v10;
	v10 =	vld [tilespmem:s13+$0xF8D0]  }
0x2f5: {  	[tilespmem:s13+$0x17870] =	vst v6;
	v6 =	vadd.f32 v31, v11;
	v11 =	vld [tilespmem:s13+$0xF8E0]  }
0x2f6: {  	[tilespmem:s13+$0x17880] =	vst v7;
	v7 =	vadd.f32 v32, v12;
	v12 =	vld [tilespmem:s13+$0xF8F0]  }
0x2f7: {  	[tilespmem:s13+$0x17890] =	vst v6;
	v6 =	vadd.f32 v8, v13;
	v8 =	vld [tilespmem:s13+$0xF900]  }
0x2f8: {  	[tilespmem:s13+$0x178A0] =	vst v7;
	v7 =	vadd.f32 v9, v14;
	v9 =	vld [tilespmem:s13+$0xF910]  }
0x2f9: {  	[tilespmem:s13+$0x178B0] =	vst v6;
	v6 =	vadd.f32 v10, v15;
	v10 =	vld [tilespmem:s13+$0xF920]  }
0x2fa: {  	[tilespmem:s13+$0x178C0] =	vst v7;
	v7 =	vadd.f32 v11, v16;
	v11 =	vld [tilespmem:s13+$0xF930]  }
0x2fb: {  	[tilespmem:s13+$0x178D0] =	vst v6;
	v6 =	vadd.f32 v12, v17;
	v12 =	vld [tilespmem:s13+$0xF940]  }
0x2fc: {  	[tilespmem:s13+$0x178E0] =	vst v7;
	v7 =	vadd.f32 v8, v18;
	v8 =	vld [tilespmem:s13+$0xF950]  }
0x2fd: {  	[tilespmem:s13+$0x178F0] =	vst v6;
	v6 =	vadd.f32 v9, v19;
	v9 =	vld [tilespmem:s13+$0xF960]  }
0x2fe: {  	[tilespmem:s13+$0x17900] =	vst v7;
	v7 =	vadd.f32 v10, v20;
	v10 =	vld [tilespmem:s13+$0xF970]  }
0x2ff: {  	[tilespmem:s13+$0x17910] =	vst v6;
	v6 =	vadd.f32 v11, v21;
	v11 =	vld [tilespmem:s13+$0xF980]  }
0x300: {  	[tilespmem:s13+$0x17920] =	vst v7;
	v7 =	vadd.f32 v12, v22;
	v12 =	vld [tilespmem:s13+$0xF990]  }
0x301: {  	[tilespmem:s13+$0x17930] =	vst v6;
	v6 =	vadd.f32 v8, v23;
	v8 =	vld [tilespmem:s13+$0xF9A0]  }
0x302: {  	[tilespmem:s13+$0x17940] =	vst v7;
	v7 =	vadd.f32 v9, v24;
	v9 =	vld [tilespmem:s13+$0xF9B0]  }
0x303: {  	[tilespmem:s13+$0x17950] =	vst v6;
	v10 =	vadd.f32 v10, v25;
	v13 =	vld [tilespmem:s13+$0xF9C0]  }
.Ltmp3:
0x304: {  	[tilespmem:s13+$0x17960] =	vst v7;
	v11 =	vadd.f32 v11, v26;
	v6 =	vld [tilespmem:s13+$0xF9D0];
	(pc) =	sbr.rel @p1 .LBB2_9-.Ltmp3, $4  }
0x305: {  	[tilespmem:s13+$0x17970] =	vst v10;
	v10 =	vadd.f32 v12, v27;
	v7 =	vld [tilespmem:s13+$0xF9E0]  }
0x306: {  	[tilespmem:s13+$0x17980] =	vst v11;
	v11 =	vadd.f32 v8, v28;
	v8 =	vld [tilespmem:s13+$0xF9F0]  }
0x307: {  	[tilespmem:s13+$0x17990] =	vst v10;
	v12 =	vadd.f32 v9, v29;
	v9 =	vld [tilespmem:s13+$0xFA00]  }
0x308: {  	s16 =	sadd.s32 $0x800, s16;
	[tilespmem:s13+$0x179A0] =	vst v11;
	v11 =	vadd.f32 v13, v30;
	v10 =	vld [tilespmem:s13+$0xFA10]  }
0x309: {  	[tilespmem:s13+$0x179B0] =	vst v12;
	v5 =	vadd.f32 v6, v5;
	v62 =	vld [tilespmem:s13+$0xFA20]  }
0x30a: {  	[tilespmem:s13+$0x179C0] =	vst v11;
	v4 =	vadd.f32 v7, v4  }
0x30b: {  	[tilespmem:s13+$0x179D0] =	vst v5;
	v1 =	vadd.f32 v8, v1  }
0x30c: {  	[tilespmem:s13+$0x179E0] =	vst v4;
	v3 =	vadd.f32 v9, v3  }
0x30d: {  	[tilespmem:s13+$0x179F0] =	vst v1;
	v0 =	vadd.f32 v10, v0  }
0x30e: {  	s14 =	sadd.s32 s11, s15;
	[tilespmem:s13+$0x17A00] =	vst v3;
	v63 =	vadd.f32 v62, v2  }
0x30f: {  	s10 =	sadd.s32 $0x1, s10;
	s14 =	sshll.u32 s14, $0x4;
	[tilespmem:s13+$0x17A10] =	vst v0  }
0x310: {  	p1 =	sne.s32 s10, $0x18;
	s16 =	sadd.s32 s2, s14;
	[tilespmem:s13+$0x17A20] =	vst v63  }
0x311: {  	[hbm4b:s16+s5] =	stream.linear.scatter [tilespmem:s21], [sflag:$0x7], $0x4000, $0x38;
	[tilespmem:$0x1B840] =	vst v63  }
.Ltmp4:
0x312: {  	_ = 	snop;
	(pc) =	sbr.rel @p1 .LBB2_6-.Ltmp4, $4  }
0x313: {  	s17 =	sadd.s32 $0x20C0, s11  }
0x314: {  	[tilespmem:s25], [sflag:$0x3] =	stream.indirect.gather [spmem:s4], $0x80, s17, s20, $0xb8;
	[tilespmem:$0x1B840] =	vst v63  }
0x315: {  	s18 =	sadd.s32 $0x1800, s12  }
0x316: {  	[tilespmem:s26], [sflag:$0x5] =	stream.linear.gather [hbm4b:s18+s5], $0x4000, $0x38;
	[tilespmem:$0x1B840] =	vst v63  }
0x317: {  	_ =	swait.ge [sflag:s28], $0x4000  }
0x318: {  	[sflag:s28] =	ssyncset.done $0x0  }
0x319: {  	[sflag:s28] =	ssyncadd.s32 $0xFFFFC000  }
0x31a: {  	_ =	swait.ge [sflag:s29], $0x4000  }
0x31b: {  	[sflag:s29] =	ssyncset.done $0x0  }
0x31c: {  	[sflag:s29] =	ssyncadd.s32 $0xFFFFC000  }
0x31d: {  	_ =	swait.ge [sflag:s31], $0x4000  }
0x31e: {  	[sflag:s31] =	ssyncset.done $0x0  }
0x31f: {  	s16 =	simm.s32 $0x3940;
	[sflag:s31] =	ssyncadd.s32 $0xFFFFC000  }
0x320: {  	v0 =	vld [tilespmem:s16+$0x80]  }
0x321: {  	s14 =	simm.s32 $0xB940  }
0x322: {  	v1 =	vld [tilespmem:s14+$0x80]  }
0x323: {  	v2 =	vld [tilespmem:s16+$0xFFFFFF80]  }
0x324: {  	v3 =	vld [tilespmem:s16+$0xFFFFFF00]  }
0x325: {  	v4 =	vld [tilespmem:s16+$0x0];
	v0 =	vmul.f32 $1.131370830e+01, v0  }
0x326: {  	v5 =	vld [tilespmem:s14+$0xFFFFFF00]  }
0x327: {  	v6 =	vld [tilespmem:s14+$0xFFFFFF80];
	v0 =	vadd.f32 v1, v0  }
0x328: {  	s10 =	simm.s32 $0x13940  }
0x329: {  	v1 =	vmul.f32 $1.131370830e+01, v3;
	v3 =	vld [tilespmem:s14+$0x0];
	[tilespmem:s10+$0x80] =	vst v0  }
0x32a: {  	v0 =	vmul.f32 $1.131370830e+01, v2;
	v2 =	vld [tilespmem:s16+$0x90]  }
0x32b: {  	v1 =	vadd.f32 v5, v1  }
0x32c: {  	v4 =	vmul.f32 $1.131370830e+01, v4;
	v5 =	vld [tilespmem:s14+$0x90];
	v0 =	vadd.f32 v6, v0  }
0x32d: {  	[tilespmem:s10+$0xFFFFFF00] =	vst v1  }
0x32e: {  	v1 =	vld [tilespmem:s16+$0xFFFFFF10];
	[tilespmem:s10+$0xFFFFFF80] =	vst v0;
	v0 =	vadd.f32 v3, v4  }
0x32f: {  	v4 =	vld [tilespmem:s14+$0xFFFFFF10];
	v2 =	vmul.f32 $1.131370830e+01, v2  }
0x330: {  	v3 =	vld [tilespmem:s16+$0xFFFFFF90];
	[tilespmem:s10+$0x0] =	vst v0  }
0x331: {  	v0 =	vld [tilespmem:s16+$0x10];
	v2 =	vadd.f32 v5, v2  }
0x332: {  	v5 =	vld [tilespmem:s14+$0xFFFFFF90]  }
0x333: {  	v6 =	vld [tilespmem:s14+$0x10];
	v1 =	vmul.f32 $1.131370830e+01, v1;
	[tilespmem:s10+$0x90] =	vst v2  }
0x334: {  	v2 =	vld [tilespmem:s16+$0xA0]  }
0x335: {  	v3 =	vmul.f32 $1.131370830e+01, v3;
	v1 =	vadd.f32 v4, v1  }
0x336: {  	v4 =	vld [tilespmem:s14+$0xA0]  }
0x337: {  	v0 =	vmul.f32 $1.131370830e+01, v0;
	[tilespmem:s10+$0xFFFFFF10] =	vst v1;
	v1 =	vadd.f32 v5, v3;
	_ =	sdelay $0x1  }
0x338: {  	v3 =	vld [tilespmem:s16+$0xFFFFFF20];
	v0 =	vadd.f32 v6, v0;
	[tilespmem:s10+$0xFFFFFF90] =	vst v1;
	v1 =	vmul.f32 $1.131370830e+01, v2  }
0x339: {  	v5 =	vld [tilespmem:s14+$0xFFFFFF20]  }
0x33a: {  	v2 =	vld [tilespmem:s16+$0xFFFFFFA0];
	[tilespmem:s10+$0x10] =	vst v0;
	v1 =	vadd.f32 v4, v1  }
0x33b: {  	v0 =	vld [tilespmem:s16+$0x20]  }
0x33c: {  	v6 =	vld [tilespmem:s14+$0x20];
	[tilespmem:s10+$0xA0] =	vst v1  }
0x33d: {  	v3 =	vmul.f32 $1.131370830e+01, v3;
	v1 =	vld [tilespmem:s16+$0xB0]  }
0x33e: {  	v4 =	vld [tilespmem:s14+$0xFFFFFFA0]  }
0x33f: {  	v3 =	vadd.f32 v5, v3;
	v5 =	vld [tilespmem:s14+$0xB0]  }
0x340: {  	v0 =	vmul.f32 $1.131370830e+01, v0  }
0x341: {  	[tilespmem:s10+$0xFFFFFF20] =	vst v3  }
0x342: {  	v2 =	vmul.f32 $1.131370830e+01, v2;
	v3 =	vld [tilespmem:s16+$0xFFFFFF30];
	v0 =	vadd.f32 v6, v0;
	v1 =	vmul.f32 $1.131370830e+01, v1;
	_ =	sdelay $0x1  }
0x343: {  	v2 =	vadd.f32 v4, v2;
	v4 =	vld [tilespmem:s14+$0xFFFFFF30];
	[tilespmem:s10+$0x20] =	vst v0;
	v1 =	vadd.f32 v5, v1  }
0x344: {  	v0 =	vld [tilespmem:s16+$0x30]  }
0x345: {  	v6 =	vld [tilespmem:s14+$0x30];
	[tilespmem:s10+$0xB0] =	vst v1  }
0x346: {  	[tilespmem:s10+$0xFFFFFFA0] =	vst v2;
	v1 =	vmul.f32 $1.131370830e+01, v3;
	v3 =	vld [tilespmem:s16+$0xC0]  }
0x347: {  	v2 =	vld [tilespmem:s16+$0xFFFFFFB0]  }
0x348: {  	v1 =	vadd.f32 v4, v1;
	v4 =	vld [tilespmem:s14+$0xC0]  }
0x349: {  	v5 =	vld [tilespmem:s14+$0xFFFFFFB0];
	v0 =	vmul.f32 $1.131370830e+01, v0;
	_ =	sdelay $0x1  }
0x34a: {  	v0 =	vadd.f32 v6, v0;
	v3 =	vmul.f32 $1.131370830e+01, v3  }
0x34b: {  	s12 =	simm.s32 $0x3B40;
	v2 =	vmul.f32 $1.131370830e+01, v2;
	[tilespmem:s10+$0xFFFFFF30] =	vst v1  }
0x34c: {  	v8 =	vld [tilespmem:s12+$0x80];
	[tilespmem:s10+$0x30] =	vst v0;
	v0 =	vadd.f32 v4, v3  }
0x34d: {  	v1 =	vadd.f32 v5, v2;
	v2 =	vld [tilespmem:s16+$0xFFFFFF40]  }
0x34e: {  	v5 =	vld [tilespmem:s14+$0xFFFFFF40];
	[tilespmem:s10+$0xC0] =	vst v0  }
0x34f: {  	[tilespmem:s10+$0xFFFFFFB0] =	vst v1;
	v0 =	vld [tilespmem:s16+$0xD0]  }
0x350: {  	v1 =	vld [tilespmem:s16+$0xFFFFFFC0]  }
0x351: {  	v7 =	vld [tilespmem:s14+$0xD0]  }
0x352: {  	v4 =	vld [tilespmem:s14+$0xFFFFFFC0];
	v2 =	vmul.f32 $1.131370830e+01, v2  }
0x353: {  	v9 =	vld [tilespmem:s12+$0xFFFFFF80]  }
0x354: {  	s13 =	simm.s32 $0xBB40;
	v3 =	vld [tilespmem:s16+$0x40];
	v2 =	vadd.f32 v5, v2;
	v0 =	vmul.f32 $1.131370830e+01, v0  }
0x355: {  	v10 =	vld [tilespmem:s13+$0x80];
	v1 =	vmul.f32 $1.131370830e+01, v1  }
0x356: {  	v6 =	vld [tilespmem:s14+$0x40];
	[tilespmem:s10+$0xFFFFFF40] =	vst v2;
	v0 =	vadd.f32 v7, v0  }
0x357: {  	v1 =	vadd.f32 v4, v1;
	v2 =	vld [tilespmem:s16+$0xFFFFFF50]  }
0x358: {  	v4 =	vld [tilespmem:s14+$0xFFFFFF50];
	[tilespmem:s10+$0xD0] =	vst v0  }
0x359: {  	v3 =	vmul.f32 $1.131370830e+01, v3;
	[tilespmem:s10+$0xFFFFFFC0] =	vst v1;
	v0 =	vld [tilespmem:s16+$0xE0]  }
0x35a: {  	v1 =	vld [tilespmem:s16+$0xFFFFFFD0]  }
0x35b: {  	v3 =	vadd.f32 v6, v3;
	v6 =	vld [tilespmem:s14+$0xE0]  }
0x35c: {  	v11 =	vld [tilespmem:s12+$0x0]  }
0x35d: {  	v5 =	vld [tilespmem:s14+$0xFFFFFFD0]  }
0x35e: {  	v12 =	vld [tilespmem:s13+$0xFFFFFF00];
	v2 =	vmul.f32 $1.131370830e+01, v2;
	v0 =	vmul.f32 $1.131370830e+01, v0  }
0x35f: {  	v13 =	vld [tilespmem:s13+$0xFFFFFF80];
	v8 =	vmul.f32 $1.131370830e+01, v8  }
0x360: {  	[tilespmem:s10+$0x40] =	vst v3;
	v2 =	vadd.f32 v4, v2;
	v4 =	vmul.f32 $1.131370830e+01, v1;
	v0 =	vadd.f32 v6, v0;
	v6 =	vld [tilespmem:s12+$0xFFFFFF00]  }
0x361: {  	v8 =	vadd.f32 v10, v8;
	v3 =	vld [tilespmem:s16+$0x50]  }
0x362: {  	s11 =	simm.s32 $0x13B40;
	v10 =	vld [tilespmem:s13+$0x0];
	[tilespmem:s10+$0xFFFFFF50] =	vst v2;
	v2 =	vadd.f32 v5, v4;
	v4 =	vmul.f32 $1.131370830e+01, v9  }
0x363: {  	[tilespmem:s11+$0x80] =	vst v8;
	v7 =	vld [tilespmem:s14+$0x50]  }
0x364: {  	v5 =	vld [tilespmem:s12+$0x90];
	v4 =	vadd.f32 v13, v4  }
0x365: {  	v9 =	vld [tilespmem:s13+$0x90];
	v6 =	vmul.f32 $1.131370830e+01, v6  }
0x366: {  	v3 =	vmul.f32 $1.131370830e+01, v3;
	v8 =	vld [tilespmem:s16+$0xFFFFFF60];
	[tilespmem:s11+$0xFFFFFF80] =	vst v4  }
0x367: {  	[tilespmem:s10+$0xFFFFFFD0] =	vst v2;
	v4 =	vld [tilespmem:s12+$0xFFFFFF90];
	v6 =	vadd.f32 v12, v6  }
0x368: {  	v3 =	vadd.f32 v7, v3;
	v2 =	vmul.f32 $1.131370830e+01, v11;
	v7 =	vld [tilespmem:s13+$0xFFFFFF90];
	[tilespmem:s10+$0xE0] =	vst v0  }
0x369: {  	v5 =	vmul.f32 $1.131370830e+01, v5;
	v0 =	vld [tilespmem:s16+$0xF0];
	[tilespmem:s11+$0xFFFFFF00] =	vst v6  }
0x36a: {  	v2 =	vadd.f32 v10, v2;
	v11 =	vld [tilespmem:s12+$0xFFFFFF10]  }
0x36b: {  	v1 =	vld [tilespmem:s14+$0xF0];
	v5 =	vadd.f32 v9, v5  }
0x36c: {  	[tilespmem:s11+$0x0] =	vst v2;
	v4 =	vmul.f32 $1.131370830e+01, v4;
	v10 =	vld [tilespmem:s13+$0xFFFFFF10]  }
0x36d: {  	v2 =	vld [tilespmem:s12+$0x10];
	[tilespmem:s11+$0x90] =	vst v5  }
0x36e: {  	[tilespmem:s10+$0x50] =	vst v3;
	v3 =	vld [tilespmem:s12+$0xA0];
	v4 =	vadd.f32 v7, v4  }
0x36f: {  	v9 =	vmul.f32 $1.131370830e+01, v11;
	v11 =	vld [tilespmem:s13+$0x10]  }
0x370: {  	v6 =	vld [tilespmem:s16+$0xFFFFFFE0];
	[tilespmem:s11+$0xFFFFFF90] =	vst v4  }
0x371: {  	v4 =	vld [tilespmem:s12+$0xFFFFFFA0];
	v5 =	vadd.f32 v10, v9  }
0x372: {  	v2 =	vmul.f32 $1.131370830e+01, v2;
	v10 =	vld [tilespmem:s13+$0xA0]  }
0x373: {  	v9 =	vld [tilespmem:s16+$0x60];
	[tilespmem:s11+$0xFFFFFF10] =	vst v5  }
0x374: {  	v7 =	vld [tilespmem:s12+$0xFFFFFF20];
	v2 =	vadd.f32 v11, v2  }
0x375: {  	v3 =	vmul.f32 $1.131370830e+01, v3;
	v5 =	vld [tilespmem:s14+$0xFFFFFF60]  }
0x376: {  	v11 =	vld [tilespmem:s13+$0xFFFFFF20];
	[tilespmem:s11+$0x10] =	vst v2  }
0x377: {  	v3 =	vadd.f32 v10, v3;
	v2 =	vld [tilespmem:s12+$0x20]  }
0x378: {  	v10 =	vld [tilespmem:s13+$0xFFFFFFA0]  }
0x379: {  	v60 =	vld [tilespmem:s13+$0x20];
	[tilespmem:s11+$0xA0] =	vst v3;
	v7 =	vmul.f32 $1.131370830e+01, v7  }
0x37a: {  	v3 =	vld [tilespmem:s12+$0xB0]  }
0x37b: {  	v4 =	vmul.f32 $1.131370830e+01, v4;
	v61 =	vld [tilespmem:s13+$0xB0];
	v7 =	vadd.f32 v11, v7  }
0x37c: {  	v11 =	vld [tilespmem:s14+$0xFFFFFFE0];
	v2 =	vmul.f32 $1.131370830e+01, v2  }
0x37d: {  	v4 =	vadd.f32 v10, v4;
	[tilespmem:s11+$0xFFFFFF20] =	vst v7;
	v7 =	vld [tilespmem:s14+$0x60]  }
0x37e: {  	v2 =	vadd.f32 v60, v2;
	v10 =	vld [tilespmem:s12+$0xFFFFFF30]  }
0x37f: {  	[tilespmem:s11+$0xFFFFFFA0] =	vst v4;
	v4 =	vld [tilespmem:s13+$0xFFFFFF30];
	v3 =	vmul.f32 $1.131370830e+01, v3  }
0x380: {  	v8 =	vmul.f32 $1.131370830e+01, v8;
	[tilespmem:s11+$0x20] =	vst v2;
	v2 =	vld [tilespmem:s12+$0xFFFFFFB0]  }
0x381: {  	v3 =	vadd.f32 v61, v3;
	v62 =	vld [tilespmem:s12+$0x30]  }
0x382: {  	v6 =	vmul.f32 $1.131370830e+01, v6;
	v5 =	vadd.f32 v5, v8;
	v8 =	vld [tilespmem:s13+$0xFFFFFFB0]  }
0x383: {  	[tilespmem:s11+$0xB0] =	vst v3;
	v3 =	vld [tilespmem:s13+$0x30];
	v10 =	vmul.f32 $1.131370830e+01, v10  }
0x384: {  	[tilespmem:s10+$0xFFFFFF60] =	vst v5;
	v5 =	vadd.f32 v11, v6;
	v6 =	vld [tilespmem:s12+$0xC0]  }
0x385: {  	v11 =	vld [tilespmem:s13+$0xC0];
	v4 =	vadd.f32 v4, v10;
	v2 =	vmul.f32 $1.131370830e+01, v2  }
0x386: {  	[tilespmem:s10+$0xFFFFFFE0] =	vst v5;
	v10 =	vld [tilespmem:s16+$0xFFFFFF70];
	v5 =	vmul.f32 $1.131370830e+01, v62  }
0x387: {  	[tilespmem:s11+$0xFFFFFF30] =	vst v4;
	v2 =	vadd.f32 v8, v2;
	v8 =	vld [tilespmem:s16+$0xFFFFFFF0]  }
0x388: {  	v4 =	vld [tilespmem:s12+$0xFFFFFF40];
	v3 =	vadd.f32 v3, v5  }
0x389: {  	v5 =	vld [tilespmem:s13+$0xFFFFFF40];
	[tilespmem:s11+$0xFFFFFFB0] =	vst v2;
	v2 =	vmul.f32 $1.131370830e+01, v6  }
0x38a: {  	v6 =	vmul.f32 $1.131370830e+01, v9;
	v9 =	vld [tilespmem:s12+$0xFFFFFFC0];
	[tilespmem:s11+$0x30] =	vst v3  }
0x38b: {  	v3 =	vld [tilespmem:s12+$0x40];
	v2 =	vadd.f32 v11, v2  }
0x38c: {  	v6 =	vadd.f32 v7, v6;
	v7 =	vld [tilespmem:s13+$0xFFFFFFC0]  }
0x38d: {  	v11 =	vld [tilespmem:s13+$0x40];
	v4 =	vmul.f32 $1.131370830e+01, v4;
	[tilespmem:s11+$0xC0] =	vst v2  }
0x38e: {  	v2 =	vld [tilespmem:s12+$0xD0]  }
0x38f: {  	[tilespmem:s10+$0x60] =	vst v6;
	v6 =	vld [tilespmem:s13+$0xD0];
	v4 =	vadd.f32 v5, v4;
	v5 =	vmul.f32 $1.131370830e+01, v9  }
0x390: {  	v9 =	vld [tilespmem:s16+$0x70];
	v3 =	vmul.f32 $1.131370830e+01, v3  }
0x391: {  	[tilespmem:s11+$0xFFFFFF40] =	vst v4;
	v4 =	vadd.f32 v7, v5;
	v5 =	vld [tilespmem:s14+$0xFFFFFF70]  }
0x392: {  	v7 =	vld [tilespmem:s12+$0xFFFFFF50];
	v3 =	vadd.f32 v11, v3  }
0x393: {  	v11 =	vld [tilespmem:s13+$0xFFFFFF50];
	[tilespmem:s11+$0xFFFFFFC0] =	vst v4;
	v2 =	vmul.f32 $1.131370830e+01, v2  }
0x394: {  	v63 =	vld [tilespmem:s12+$0xFFFFFFD0];
	[tilespmem:s11+$0x40] =	vst v3  }
0x395: {  	v0 =	vmul.f32 $1.131370830e+01, v0;
	v3 =	vld [tilespmem:s12+$0x50];
	v2 =	vadd.f32 v6, v2  }
0x396: {  	v4 =	vmul.f32 $1.131370830e+01, v10;
	v10 =	vld [tilespmem:s13+$0xFFFFFFD0]  }
0x397: {  	v0 =	vadd.f32 v1, v0;
	v6 =	vld [tilespmem:s13+$0x50];
	v1 =	vmul.f32 $1.131370830e+01, v7;
	[tilespmem:s11+$0xD0] =	vst v2  }
0x398: {  	v5 =	vadd.f32 v5, v4;
	v4 =	vld [tilespmem:s12+$0xE0]  }
0x399: {  	[tilespmem:s10+$0xF0] =	vst v0;
	v2 =	vld [tilespmem:s14+$0xFFFFFFF0];
	v11 =	vadd.f32 v11, v1;
	v12 =	vmul.f32 $1.131370830e+01, v63  }
0x39a: {  	[tilespmem:s10+$0xFFFFFF70] =	vst v5;
	v5 =	vld [tilespmem:s13+$0xE0];
	v7 =	vmul.f32 $1.131370830e+01, v3  }
0x39b: {  	s17 =	simm.s32 $0x3D40;
	v0 =	vmul.f32 $1.131370830e+01, v8;
	s16 =	simm.s32 $0x4;
	v1 =	vmul.f32 $1.131370830e+01, v9;
	v3 =	vld [tilespmem:s14+$0x70];
	s14 =	simm.s32 $0xBB40;
	[tilespmem:s11+$0xFFFFFF50] =	vst v11;
	v8 =	vadd.f32 v10, v12  }
.LBB2_12:
0x39c: {  	v9 =	vld [tilespmem:s17+$0x80];
	s16 =	sadd.s32 $0x4, s16;
	v6 =	vadd.f32 v6, v7  }
0x39d: {  	s13 =	sadd.s32 $0x200, s13;
	v7 =	vld [tilespmem:s17+$0xFFFFFF80];
	p1 =	slt.u32 s16, $0x7C;
	[tilespmem:s11+$0xFFFFFFD0] =	vst v8;
	v4 =	vmul.f32 $1.131370830e+01, v4  }
0x39e: {  	v8 =	vld [tilespmem:s13+$0x80];
	[tilespmem:s11+$0x50] =	vst v6;
	v0 =	vadd.f32 v2, v0  }
0x39f: {  	v2 =	vld [tilespmem:s17+$0x0];
	v4 =	vadd.f32 v5, v4  }
0x3a0: {  	v5 =	vld [tilespmem:s17+$0xFFFFFF00];
	[tilespmem:s10+$0xFFFFFFF0] =	vst v0;
	v0 =	vadd.f32 v3, v1  }
0x3a1: {  	v1 =	vld [tilespmem:s13+$0xFFFFFF00];
	v3 =	vmul.f32 $1.131370830e+01, v9;
	[tilespmem:s11+$0xE0] =	vst v4  }
0x3a2: {  	v4 =	vmul.f32 $1.131370830e+01, v7;
	v6 =	vld [tilespmem:s12+$0xF0];
	[tilespmem:s10+$0x70] =	vst v0;
	s10 =	smov.u32 s11  }
0x3a3: {  	v0 =	vld [tilespmem:s13+$0xFFFFFF80];
	v3 =	vadd.f32 v8, v3  }
0x3a4: {  	s11 =	sadd.s32 $0x200, s11;
	v2 =	vmul.f32 $1.131370830e+01, v2;
	v7 =	vld [tilespmem:s14+$0xF0]  }
0x3a5: {  	v5 =	vmul.f32 $1.131370830e+01, v5;
	v8 =	vld [tilespmem:s13+$0x0];
	[tilespmem:s11+$0x80] =	vst v3  }
0x3a6: {  	v3 =	vld [tilespmem:s17+$0x90]  }
0x3a7: {  	v1 =	vadd.f32 v1, v5;
	v5 =	vld [tilespmem:s12+$0xFFFFFF60];
	v6 =	vmul.f32 $1.131370830e+01, v6  }
0x3a8: {  	v0 =	vadd.f32 v0, v4;
	v4 =	vld [tilespmem:s13+$0x90]  }
0x3a9: {  	[tilespmem:s11+$0xFFFFFF00] =	vst v1;
	v1 =	vld [tilespmem:s12+$0xFFFFFFE0];
	v6 =	vadd.f32 v7, v6  }
0x3aa: {  	v7 =	vld [tilespmem:s17+$0xFFFFFF10];
	[tilespmem:s11+$0xFFFFFF80] =	vst v0;
	v0 =	vadd.f32 v8, v2  }
0x3ab: {  	v2 =	vld [tilespmem:s17+$0xFFFFFF90];
	v3 =	vmul.f32 $1.131370830e+01, v3;
	[tilespmem:s10+$0xF0] =	vst v6  }
0x3ac: {  	v6 =	vld [tilespmem:s13+$0xFFFFFF10];
	[tilespmem:s11+$0x0] =	vst v0;
	v0 =	vmul.f32 $1.131370830e+01, v5  }
0x3ad: {  	v5 =	vld [tilespmem:s17+$0x10];
	v3 =	vadd.f32 v4, v3  }
0x3ae: {  	v4 =	vld [tilespmem:s13+$0xFFFFFF90];
	v1 =	vmul.f32 $1.131370830e+01, v1  }
0x3af: {  	v7 =	vmul.f32 $1.131370830e+01, v7;
	v8 =	vld [tilespmem:s13+$0x10];
	[tilespmem:s11+$0x90] =	vst v3  }
0x3b0: {  	v2 =	vmul.f32 $1.131370830e+01, v2;
	v3 =	vld [tilespmem:s17+$0xA0]  }
0x3b1: {  	v6 =	vadd.f32 v6, v7;
	v7 =	vld [tilespmem:s12+$0x60]  }
0x3b2: {  	v5 =	vmul.f32 $1.131370830e+01, v5;
	v9 =	vld [tilespmem:s13+$0xA0]  }
0x3b3: {  	[tilespmem:s11+$0xFFFFFF10] =	vst v6;
	v2 =	vadd.f32 v4, v2;
	v4 =	vld [tilespmem:s14+$0xFFFFFF60]  }
0x3b4: {  	v6 =	vld [tilespmem:s17+$0xFFFFFF20];
	v5 =	vadd.f32 v8, v5  }
0x3b5: {  	v8 =	vld [tilespmem:s13+$0xFFFFFF20];
	[tilespmem:s11+$0xFFFFFF90] =	vst v2;
	v2 =	vmul.f32 $1.131370830e+01, v3  }
0x3b6: {  	v3 =	vld [tilespmem:s17+$0xFFFFFFA0];
	[tilespmem:s11+$0x10] =	vst v5;
	v5 =	vmul.f32 $1.131370830e+01, v7  }
0x3b7: {  	v7 =	vld [tilespmem:s17+$0x20];
	v2 =	vadd.f32 v9, v2  }
0x3b8: {  	v9 =	vld [tilespmem:s13+$0xFFFFFFA0];
	v0 =	vadd.f32 v4, v0  }
0x3b9: {  	v4 =	vmul.f32 $1.131370830e+01, v6;
	v6 =	vld [tilespmem:s13+$0x20];
	[tilespmem:s11+$0xA0] =	vst v2  }
0x3ba: {  	v2 =	vld [tilespmem:s17+$0xB0];
	[tilespmem:s10+$0xFFFFFF60] =	vst v0  }
0x3bb: {  	v0 =	vadd.f32 v8, v4;
	v3 =	vmul.f32 $1.131370830e+01, v3;
	v4 =	vld [tilespmem:s14+$0xFFFFFFE0]  }
0x3bc: {  	v7 =	vmul.f32 $1.131370830e+01, v7;
	v8 =	vld [tilespmem:s13+$0xB0]  }
0x3bd: {  	[tilespmem:s11+$0xFFFFFF20] =	vst v0;
	v0 =	vadd.f32 v9, v3;
	v3 =	vld [tilespmem:s14+$0x60]  }
0x3be: {  	v9 =	vld [tilespmem:s17+$0xFFFFFF30];
	v6 =	vadd.f32 v6, v7  }
0x3bf: {  	v7 =	vld [tilespmem:s13+$0xFFFFFF30];
	[tilespmem:s11+$0xFFFFFFA0] =	vst v0;
	v0 =	vmul.f32 $1.131370830e+01, v2  }
0x3c0: {  	v2 =	vld [tilespmem:s17+$0xFFFFFFB0];
	[tilespmem:s11+$0x20] =	vst v6;
	v1 =	vadd.f32 v4, v1  }
0x3c1: {  	v4 =	vld [tilespmem:s17+$0x30];
	v0 =	vadd.f32 v8, v0  }
0x3c2: {  	v6 =	vld [tilespmem:s13+$0xFFFFFFB0];
	[tilespmem:s10+$0xFFFFFFE0] =	vst v1;
	v1 =	vadd.f32 v3, v5  }
0x3c3: {  	v3 =	vmul.f32 $1.131370830e+01, v9;
	v5 =	vld [tilespmem:s13+$0x30];
	[tilespmem:s11+$0xB0] =	vst v0  }
0x3c4: {  	v0 =	vld [tilespmem:s17+$0xC0];
	[tilespmem:s10+$0x60] =	vst v1  }
0x3c5: {  	v1 =	vadd.f32 v7, v3;
	v2 =	vmul.f32 $1.131370830e+01, v2;
	v3 =	vld [tilespmem:s12+$0xFFFFFF70]  }
0x3c6: {  	v4 =	vmul.f32 $1.131370830e+01, v4;
	v7 =	vld [tilespmem:s13+$0xC0]  }
0x3c7: {  	[tilespmem:s11+$0xFFFFFF30] =	vst v1;
	v1 =	vadd.f32 v6, v2;
	v2 =	vld [tilespmem:s12+$0xFFFFFFF0]  }
0x3c8: {  	v6 =	vld [tilespmem:s17+$0xFFFFFF40];
	v4 =	vadd.f32 v5, v4  }
0x3c9: {  	v5 =	vld [tilespmem:s13+$0xFFFFFF40];
	[tilespmem:s11+$0xFFFFFFB0] =	vst v1;
	v0 =	vmul.f32 $1.131370830e+01, v0  }
0x3ca: {  	v1 =	vld [tilespmem:s17+$0xFFFFFFC0];
	[tilespmem:s11+$0x30] =	vst v4;
	v3 =	vmul.f32 $1.131370830e+01, v3  }
0x3cb: {  	v4 =	vld [tilespmem:s17+$0x40];
	v7 =	vadd.f32 v7, v0  }
0x3cc: {  	v8 =	vld [tilespmem:s13+$0xFFFFFFC0];
	v0 =	vmul.f32 $1.131370830e+01, v2  }
0x3cd: {  	v2 =	vmul.f32 $1.131370830e+01, v6;
	v6 =	vld [tilespmem:s13+$0x40];
	[tilespmem:s11+$0xC0] =	vst v7  }
0x3ce: {  	v7 =	vld [tilespmem:s17+$0xD0]  }
0x3cf: {  	v2 =	vadd.f32 v5, v2;
	v1 =	vmul.f32 $1.131370830e+01, v1;
	v5 =	vld [tilespmem:s12+$0x70];
	s12 =	smov.u32 s17  }
0x3d0: {  	v4 =	vmul.f32 $1.131370830e+01, v4;
	v9 =	vld [tilespmem:s13+$0xD0]  }
0x3d1: {  	[tilespmem:s11+$0xFFFFFF40] =	vst v2;
	v1 =	vadd.f32 v8, v1;
	v2 =	vld [tilespmem:s14+$0xFFFFFF70]  }
0x3d2: {  	v8 =	vld [tilespmem:s17+$0xFFFFFF50];
	v4 =	vadd.f32 v6, v4  }
0x3d3: {  	v10 =	vld [tilespmem:s13+$0xFFFFFF50];
	[tilespmem:s11+$0xFFFFFFC0] =	vst v1;
	v6 =	vmul.f32 $1.131370830e+01, v7  }
0x3d4: {  	v7 =	vld [tilespmem:s17+$0xFFFFFFD0];
	[tilespmem:s11+$0x40] =	vst v4;
	v1 =	vmul.f32 $1.131370830e+01, v5  }
0x3d5: {  	v5 =	vld [tilespmem:s17+$0x50];
	v4 =	vadd.f32 v9, v6  }
0x3d6: {  	v9 =	vld [tilespmem:s13+$0xFFFFFFD0];
	v2 =	vadd.f32 v2, v3  }
.Ltmp5:
0x3d7: {  	v3 =	vmul.f32 $1.131370830e+01, v8;
	v6 =	vld [tilespmem:s13+$0x50];
	[tilespmem:s11+$0xD0] =	vst v4;
	(pc) =	sbr.rel @p1 .LBB2_12-.Ltmp5, $4  }
0x3d8: {  	v4 =	vld [tilespmem:s17+$0xE0];
	[tilespmem:s10+$0xFFFFFF70] =	vst v2  }
0x3d9: {  	v3 =	vadd.f32 v10, v3;
	v8 =	vmul.f32 $1.131370830e+01, v7;
	v2 =	vld [tilespmem:s14+$0xFFFFFFF0]  }
0x3da: {  	v7 =	vmul.f32 $1.131370830e+01, v5;
	v5 =	vld [tilespmem:s13+$0xE0]  }
0x3db: {  	s17 =	sadd.s32 $0x200, s17;
	[tilespmem:s11+$0xFFFFFF50] =	vst v3;
	v8 =	vadd.f32 v9, v8;
	v3 =	vld [tilespmem:s14+$0x70];
	s14 =	smov.u32 s13  }
0x3dc: {  	v6 =	vadd.f32 v6, v7;
	v7 =	vld [tilespmem:s12+$0xFFFFFF60]  }
0x3dd: {  	v9 =	vld [tilespmem:s14+$0xFFFFFF60];
	[tilespmem:s11+$0xFFFFFFD0] =	vst v8  }
0x3de: {  	[tilespmem:s11+$0x50] =	vst v6;
	v6 =	vld [tilespmem:s12+$0xFFFFFFE0]  }
0x3df: {  	v4 =	vmul.f32 $1.131370830e+01, v4;
	v8 =	vld [tilespmem:s12+$0x60]  }
0x3e0: {  	v10 =	vld [tilespmem:s14+$0xFFFFFFE0]  }
0x3e1: {  	v11 =	vld [tilespmem:s14+$0x60];
	v4 =	vadd.f32 v5, v4;
	v5 =	vmul.f32 $1.131370830e+01, v7;
	_ =	sdelay $0x1  }
0x3e2: {  	[tilespmem:s11+$0xE0] =	vst v4;
	v6 =	vmul.f32 $1.131370830e+01, v6;
	v5 =	vadd.f32 v9, v5  }
0x3e3: {  	v7 =	vld [tilespmem:s12+$0xF0];
	v4 =	vmul.f32 $1.131370830e+01, v8  }
0x3e4: {  	v8 =	vld [tilespmem:s14+$0xF0];
	v6 =	vadd.f32 v10, v6;
	[tilespmem:s11+$0xFFFFFF60] =	vst v5  }
0x3e5: {  	v4 =	vadd.f32 v11, v4;
	v5 =	vld [tilespmem:s12+$0xFFFFFF70]  }
0x3e6: {  	v9 =	vld [tilespmem:s14+$0xFFFFFF70];
	[tilespmem:s11+$0xFFFFFFE0] =	vst v6  }
0x3e7: {  	[tilespmem:s11+$0x60] =	vst v4;
	v4 =	vld [tilespmem:s12+$0xFFFFFFF0]  }
0x3e8: {  	v6 =	vld [tilespmem:s12+$0x70]  }
0x3e9: {  	v10 =	vld [tilespmem:s14+$0xFFFFFFF0]  }
0x3ea: {  	v0 =	vadd.f32 v2, v0;
	v2 =	vmul.f32 $1.131370830e+01, v7;
	v7 =	vld [tilespmem:s14+$0x70]  }
0x3eb: {  	v1 =	vadd.f32 v3, v1;
	v3 =	vmul.f32 $1.131370830e+01, v5  }
0x3ec: {  	[tilespmem:s10+$0xFFFFFFF0] =	vst v0;
	v0 =	vadd.f32 v8, v2;
	v2 =	vmul.f32 $1.131370830e+01, v4  }
0x3ed: {  	[tilespmem:s10+$0x70] =	vst v1;
	v3 =	vadd.f32 v9, v3;
	v1 =	vmul.f32 $1.131370830e+01, v6  }
0x3ee: {  	[tilespmem:s11+$0xF0] =	vst v0;
	v0 =	vadd.f32 v10, v2  }
0x3ef: {  	[tilespmem:s11+$0xFFFFFF70] =	vst v3;
	v1 =	vadd.f32 v7, v1  }
0x3f0: {  	[tilespmem:s11+$0xFFFFFFF0] =	vst v0  }
0x3f1: {  	[tilespmem:s11+$0x70] =	vst v1  }
0x3f2: {  	s18 =	simm.s32 $0x0;
	s11 =	rddreg [dreg:$0xc]  }
0x3f3: {  	[hbm4b:s11+s18] =	stream.linear.scatter [tilespmem:s30], [sflag:$0x6], $0x4000, $0x38;
	[tilespmem:$0x1B840] =	vst v63  }
0x3f4: {  	_ =	swait.ge [sflag:s3], $0x4000  }
0x3f5: {  	[sflag:s3] =	ssyncset.done $0x0  }
0x3f6: {  	[sflag:s3] =	ssyncadd.s32 $0xFFFFC000  }
0x3f7: {  	_ =	swait.ge [sflag:s0], $0x4000  }
0x3f8: {  	[sflag:s0] =	ssyncset.done $0x0  }
0x3f9: {  	[sflag:s0] =	ssyncadd.s32 $0xFFFFC000  }
0x3fa: {  	_ =	swait.ge [sflag:s24], $0x4000  }
0x3fb: {  	[sflag:s24] =	ssyncset.done $0x0  }
0x3fc: {  	s10 =	simm.s32 $0x0;
	[sflag:s24] =	ssyncadd.s32 $0xFFFFC000  }
0x3fd: {  	v0 =	vld [tilespmem:s10+$0x7A30]  }
0x3fe: {  	v1 =	vld [tilespmem:s10+$0x7840]  }
0x3ff: {  	v2 =	vld [tilespmem:s10+$0xFA30]  }
0x400: {  	v3 =	vld [tilespmem:s10+$0x7850]  }
0x401: {  	v4 =	vld [tilespmem:s10+$0x7860]  }
0x402: {  	v5 =	vld [tilespmem:s10+$0x7870]  }
0x403: {  	v6 =	vld [tilespmem:s10+$0x7880]  }
0x404: {  	v7 =	vld [tilespmem:s10+$0x7890]  }
0x405: {  	v8 =	vld [tilespmem:s10+$0x78A0]  }
0x406: {  	v9 =	vld [tilespmem:s10+$0x78B0]  }
0x407: {  	v10 =	vld [tilespmem:s10+$0x78C0]  }
0x408: {  	v11 =	vld [tilespmem:s10+$0x78D0]  }
0x409: {  	v12 =	vld [tilespmem:s10+$0x78E0]  }
0x40a: {  	v13 =	vld [tilespmem:s10+$0x78F0]  }
0x40b: {  	v14 =	vld [tilespmem:s10+$0x7900]  }
0x40c: {  	v15 =	vld [tilespmem:s10+$0x7910]  }
0x40d: {  	v16 =	vld [tilespmem:s10+$0x7920]  }
0x40e: {  	v17 =	vld [tilespmem:s10+$0x7930]  }
0x40f: {  	v18 =	vld [tilespmem:s10+$0x7940]  }
0x410: {  	v19 =	vld [tilespmem:s10+$0x7950]  }
0x411: {  	v20 =	vld [tilespmem:s10+$0x7960]  }
0x412: {  	v21 =	vld [tilespmem:s10+$0x7970]  }
0x413: {  	v22 =	vld [tilespmem:s10+$0x7980]  }
0x414: {  	v23 =	vld [tilespmem:s10+$0x79A0]  }
0x415: {  	v24 =	vld [tilespmem:s10+$0x79C0]  }
0x416: {  	v25 =	vld [tilespmem:s10+$0x79D0]  }
0x417: {  	v26 =	vld [tilespmem:s10+$0x79E0]  }
0x418: {  	v27 =	vld [tilespmem:s10+$0x79F0]  }
0x419: {  	v28 =	vld [tilespmem:s10+$0xF840]  }
0x41a: {  	v29 =	vld [tilespmem:s10+$0xF850]  }
0x41b: {  	v30 =	vld [tilespmem:s10+$0xF860]  }
0x41c: {  	v31 =	vld [tilespmem:s10+$0xF870]  }
0x41d: {  	v32 =	vld [tilespmem:s10+$0xF880]  }
0x41e: {  	v60 =	vld [tilespmem:s10+$0xF890]  }
0x41f: {  	v33 =	vld [tilespmem:s10+$0xF8A0]  }
0x420: {  	v34 =	vld [tilespmem:s10+$0x7A00];
	v1 =	vmul.f32 $1.131370830e+01, v1  }
0x421: {  	v61 =	vld [tilespmem:s10+$0xF8C0];
	v0 =	vmul.f32 $1.131370830e+01, v0  }
0x422: {  	v62 =	vld [tilespmem:s10+$0xF8D0];
	v3 =	vmul.f32 $1.131370830e+01, v3;
	v1 =	vadd.f32 v28, v1  }
0x423: {  	v63 =	vld [tilespmem:s10+$0x7A10];
	v8 =	vmul.f32 $1.131370830e+01, v8;
	v0 =	vadd.f32 v2, v0  }
0x424: {  	v2 =	vld [tilespmem:s10+$0x7990];
	v3 =	vadd.f32 v29, v3;
	[tilespmem:s10+$0x17840] =	vst v1;
	v1 =	vmul.f32 $1.131370830e+01, v4  }
0x425: {  	v5 =	vmul.f32 $1.131370830e+01, v5;
	v8 =	vadd.f32 v33, v8;
	[tilespmem:s10+$0x17A30] =	vst v0;
	v0 =	vld [tilespmem:s10+$0x79B0]  }
0x426: {  	v6 =	vmul.f32 $1.131370830e+01, v6;
	v11 =	vmul.f32 $1.131370830e+01, v11;
	v4 =	vld [tilespmem:s10+$0xF8B0];
	[tilespmem:s10+$0x17850] =	vst v3;
	v1 =	vadd.f32 v30, v1  }
0x427: {  	v7 =	vmul.f32 $1.131370830e+01, v7;
	v10 =	vmul.f32 $1.131370830e+01, v10;
	v3 =	vadd.f32 v31, v5;
	v5 =	vld [tilespmem:s10+$0xF8E0];
	[tilespmem:s10+$0x178A0] =	vst v8  }
0x428: {  	v8 =	vadd.f32 v62, v11;
	v11 =	vmul.f32 $1.131370830e+01, v14;
	v14 =	vld [tilespmem:s10+$0xF9B0];
	[tilespmem:s10+$0x17860] =	vst v1;
	v1 =	vadd.f32 v32, v6  }
0x429: {  	v9 =	vmul.f32 $1.131370830e+01, v9;
	[tilespmem:s10+$0x17870] =	vst v3;
	v3 =	vadd.f32 v60, v7;
	v6 =	vld [tilespmem:s10+$0xF8F0]  }
0x42a: {  	v7 =	vld [tilespmem:s10+$0xF900];
	[tilespmem:s10+$0x17880] =	vst v1;
	v1 =	vadd.f32 v61, v10  }
0x42b: {  	v12 =	vmul.f32 $1.131370830e+01, v12;
	[tilespmem:s10+$0x17890] =	vst v3;
	v4 =	vadd.f32 v4, v9;
	v10 =	vld [tilespmem:s10+$0xF910]  }
0x42c: {  	v3 =	vld [tilespmem:s10+$0xF920];
	[tilespmem:s10+$0x178C0] =	vst v1;
	v1 =	vmul.f32 $1.131370830e+01, v13  }
0x42d: {  	[tilespmem:s10+$0x178B0] =	vst v4;
	v4 =	vadd.f32 v5, v12;
	v5 =	vld [tilespmem:s10+$0xF940]  }
0x42e: {  	[tilespmem:s10+$0x178D0] =	vst v8;
	v9 =	vld [tilespmem:s10+$0xF930];
	v12 =	vmul.f32 $1.131370830e+01, v15;
	v1 =	vadd.f32 v6, v1  }
0x42f: {  	v8 =	vmul.f32 $1.131370830e+01, v16;
	[tilespmem:s10+$0x178E0] =	vst v4;
	v4 =	vadd.f32 v7, v11;
	v6 =	vld [tilespmem:s10+$0xF950]  }
0x430: {  	v7 =	vld [tilespmem:s10+$0xF960];
	v11 =	vmul.f32 $1.131370830e+01, v18;
	[tilespmem:s10+$0x178F0] =	vst v1;
	v1 =	vadd.f32 v10, v12  }
0x431: {  	v3 =	vadd.f32 v3, v8;
	[tilespmem:s10+$0x17900] =	vst v4;
	v10 =	vld [tilespmem:s10+$0xF970];
	v12 =	vmul.f32 $1.131370830e+01, v17  }
0x432: {  	v8 =	vmul.f32 $1.131370830e+01, v19;
	v4 =	vld [tilespmem:s10+$0xF980];
	[tilespmem:s10+$0x17910] =	vst v1;
	v1 =	vadd.f32 v5, v11  }
0x433: {  	[tilespmem:s10+$0x17920] =	vst v3;
	v11 =	vld [tilespmem:s10+$0xF990];
	v5 =	vmul.f32 $1.131370830e+01, v20;
	v9 =	vadd.f32 v9, v12  }
0x434: {  	v3 =	vld [tilespmem:s10+$0xF9A0];
	v12 =	vmul.f32 $1.131370830e+01, v21;
	v6 =	vadd.f32 v6, v8;
	[tilespmem:s10+$0x17940] =	vst v1  }
0x435: {  	v13 =	vld [tilespmem:s10+$0x7A20];
	v1 =	vmul.f32 $1.131370830e+01, v22;
	[tilespmem:s10+$0x17930] =	vst v9;
	v5 =	vadd.f32 v7, v5  }
0x436: {  	v2 =	vmul.f32 $1.131370830e+01, v2;
	[tilespmem:s10+$0x17950] =	vst v6;
	v7 =	vadd.f32 v10, v12;
	v10 =	vld [tilespmem:s10+$0xF9C0]  }
0x437: {  	v8 =	vmul.f32 $1.131370830e+01, v23;
	v12 =	vmul.f32 $1.131370830e+01, v0;
	v6 =	vld [tilespmem:s10+$0xF9D0];
	[tilespmem:s10+$0x17960] =	vst v5;
	v0 =	vadd.f32 v4, v1  }
0x438: {  	v15 =	vmul.f32 $1.131370830e+01, v24;
	[tilespmem:s10+$0x17970] =	vst v7;
	v2 =	vadd.f32 v11, v2;
	v7 =	vld [tilespmem:s10+$0xF9E0]  }
0x439: {  	v5 =	vmul.f32 $1.131370830e+01, v25;
	v4 =	vmul.f32 $1.131370830e+01, v26;
	v11 =	vadd.f32 v3, v8;
	v8 =	vld [tilespmem:s10+$0xF9F0];
	[tilespmem:s10+$0x17980] =	vst v0  }
0x43a: {  	v9 =	vld [tilespmem:s10+$0xFA00];
	v1 =	vmul.f32 $1.131370830e+01, v27;
	v3 =	vmul.f32 $1.131370830e+01, v34;
	v12 =	vadd.f32 v14, v12;
	[tilespmem:s10+$0x17990] =	vst v2  }
0x43b: {  	s12 =	simm.s32 $0x800;
	s11 =	simm.s32 $0x0;
	v0 =	vmul.f32 $1.131370830e+01, v63;
	v2 =	vmul.f32 $1.131370830e+01, v13;
	[tilespmem:s10+$0x179A0] =	vst v11;
	v11 =	vadd.f32 v10, v15;
	v10 =	vld [tilespmem:s10+$0xFA10]  }
.LBB2_14:
0x43c: {  	s13 =	sshra.s32 s12, $0x2;
	s11 =	sadd.s32 $0x4, s11;
	[tilespmem:s10+$0x179B0] =	vst v12;
	v5 =	vadd.f32 v6, v5;
	v6 =	vld [tilespmem:s10+$0xFA20]  }
0x43d: {  	v12 =	vld [tilespmem:s13+$0x7A30];
	p1 =	slt.u32 s11, $0x7C;
	[tilespmem:s10+$0x179C0] =	vst v11;
	v4 =	vadd.f32 v7, v4  }
0x43e: {  	v7 =	vld [tilespmem:s13+$0x7840];
	[tilespmem:s10+$0x179D0] =	vst v5;
	v1 =	vadd.f32 v8, v1  }
0x43f: {  	v5 =	vld [tilespmem:s13+$0xFA30];
	[tilespmem:s10+$0x179E0] =	vst v4;
	v3 =	vadd.f32 v9, v3  }
0x440: {  	v4 =	vld [tilespmem:s13+$0x7850];
	[tilespmem:s10+$0x179F0] =	vst v1;
	v0 =	vadd.f32 v10, v0  }
0x441: {  	v1 =	vld [tilespmem:s13+$0x7860];
	[tilespmem:s10+$0x17A00] =	vst v3;
	v2 =	vadd.f32 v6, v2  }
0x442: {  	v3 =	vld [tilespmem:s13+$0x7870];
	v6 =	vmul.f32 $1.131370830e+01, v12;
	[tilespmem:s10+$0x17A10] =	vst v0  }
0x443: {  	v7 =	vmul.f32 $1.131370830e+01, v7;
	v0 =	vld [tilespmem:s13+$0x7880];
	[tilespmem:s10+$0x17A20] =	vst v2;
	s10 =	smov.u32 s13  }
0x444: {  	v2 =	vld [tilespmem:s10+$0x7890];
	v5 =	vadd.f32 v5, v6  }
0x445: {  	v6 =	vmul.f32 $1.131370830e+01, v4;
	v4 =	vld [tilespmem:s10+$0x78A0]  }
0x446: {  	v8 =	vmul.f32 $1.131370830e+01, v1;
	v1 =	vld [tilespmem:s10+$0x78B0];
	[tilespmem:s10+$0x17A30] =	vst v5  }
0x447: {  	v9 =	vmul.f32 $1.131370830e+01, v3;
	v3 =	vld [tilespmem:s10+$0x78C0]  }
0x448: {  	v10 =	vmul.f32 $1.131370830e+01, v0;
	v0 =	vld [tilespmem:s10+$0x78D0]  }
0x449: {  	v11 =	vmul.f32 $1.131370830e+01, v2;
	v2 =	vld [tilespmem:s10+$0x78E0]  }
0x44a: {  	v12 =	vmul.f32 $1.131370830e+01, v4;
	v4 =	vld [tilespmem:s10+$0x78F0]  }
0x44b: {  	v13 =	vmul.f32 $1.131370830e+01, v1;
	v1 =	vld [tilespmem:s10+$0x7900]  }
0x44c: {  	v14 =	vmul.f32 $1.131370830e+01, v3;
	v3 =	vld [tilespmem:s10+$0x7910]  }
0x44d: {  	v15 =	vmul.f32 $1.131370830e+01, v0;
	v0 =	vld [tilespmem:s10+$0x7920]  }
0x44e: {  	v16 =	vmul.f32 $1.131370830e+01, v2;
	v2 =	vld [tilespmem:s10+$0x7930]  }
0x44f: {  	v17 =	vmul.f32 $1.131370830e+01, v4;
	v4 =	vld [tilespmem:s10+$0x7940]  }
0x450: {  	v18 =	vmul.f32 $1.131370830e+01, v1;
	v1 =	vld [tilespmem:s10+$0x7950]  }
0x451: {  	v19 =	vmul.f32 $1.131370830e+01, v3;
	v3 =	vld [tilespmem:s10+$0x7960]  }
0x452: {  	v20 =	vmul.f32 $1.131370830e+01, v0;
	v0 =	vld [tilespmem:s10+$0x7970]  }
0x453: {  	v21 =	vmul.f32 $1.131370830e+01, v2;
	v2 =	vld [tilespmem:s10+$0x7980]  }
0x454: {  	v22 =	vmul.f32 $1.131370830e+01, v4;
	v4 =	vld [tilespmem:s10+$0x7990]  }
0x455: {  	v23 =	vmul.f32 $1.131370830e+01, v1;
	v1 =	vld [tilespmem:s10+$0x79A0]  }
0x456: {  	v24 =	vmul.f32 $1.131370830e+01, v3;
	v3 =	vld [tilespmem:s10+$0x79B0]  }
0x457: {  	v25 =	vmul.f32 $1.131370830e+01, v0;
	v0 =	vld [tilespmem:s10+$0x79C0]  }
0x458: {  	v26 =	vmul.f32 $1.131370830e+01, v2;
	v2 =	vld [tilespmem:s10+$0x79D0]  }
0x459: {  	v27 =	vmul.f32 $1.131370830e+01, v4;
	v4 =	vld [tilespmem:s10+$0x79E0]  }
0x45a: {  	v28 =	vmul.f32 $1.131370830e+01, v1;
	v1 =	vld [tilespmem:s10+$0x79F0]  }
0x45b: {  	v29 =	vmul.f32 $1.131370830e+01, v3;
	v3 =	vld [tilespmem:s10+$0x7A00]  }
0x45c: {  	v30 =	vmul.f32 $1.131370830e+01, v0;
	v0 =	vld [tilespmem:s10+$0x7A10]  }
0x45d: {  	v5 =	vmul.f32 $1.131370830e+01, v2;
	v2 =	vld [tilespmem:s10+$0x7A20]  }
0x45e: {  	v31 =	vld [tilespmem:s10+$0xF840];
	v4 =	vmul.f32 $1.131370830e+01, v4  }
0x45f: {  	v32 =	vld [tilespmem:s10+$0xF850];
	v1 =	vmul.f32 $1.131370830e+01, v1  }
0x460: {  	v33 =	vld [tilespmem:s10+$0xF860];
	v3 =	vmul.f32 $1.131370830e+01, v3  }
0x461: {  	v34 =	vld [tilespmem:s10+$0xF870];
	v0 =	vmul.f32 $1.131370830e+01, v0  }
0x462: {  	v35 =	vld [tilespmem:s10+$0xF880];
	v2 =	vmul.f32 $1.131370830e+01, v2  }
0x463: {  	v7 =	vadd.f32 v31, v7;
	v31 =	vld [tilespmem:s10+$0xF890]  }
0x464: {  	v6 =	vadd.f32 v32, v6;
	v32 =	vld [tilespmem:s10+$0xF8A0]  }
0x465: {  	[tilespmem:s10+$0x17840] =	vst v7;
	v7 =	vadd.f32 v33, v8;
	v8 =	vld [tilespmem:s10+$0xF8B0]  }
0x466: {  	[tilespmem:s10+$0x17850] =	vst v6;
	v6 =	vadd.f32 v34, v9;
	v9 =	vld [tilespmem:s10+$0xF8C0]  }
0x467: {  	[tilespmem:s10+$0x17860] =	vst v7;
	v7 =	vadd.f32 v35, v10;
	v10 =	vld [tilespmem:s10+$0xF8D0]  }
0x468: {  	[tilespmem:s10+$0x17870] =	vst v6;
	v6 =	vadd.f32 v31, v11;
	v11 =	vld [tilespmem:s10+$0xF8E0]  }
0x469: {  	[tilespmem:s10+$0x17880] =	vst v7;
	v7 =	vadd.f32 v32, v12;
	v12 =	vld [tilespmem:s10+$0xF8F0]  }
0x46a: {  	[tilespmem:s10+$0x17890] =	vst v6;
	v6 =	vadd.f32 v8, v13;
	v8 =	vld [tilespmem:s10+$0xF900]  }
0x46b: {  	[tilespmem:s10+$0x178A0] =	vst v7;
	v7 =	vadd.f32 v9, v14;
	v9 =	vld [tilespmem:s10+$0xF910]  }
0x46c: {  	[tilespmem:s10+$0x178B0] =	vst v6;
	v6 =	vadd.f32 v10, v15;
	v10 =	vld [tilespmem:s10+$0xF920]  }
0x46d: {  	[tilespmem:s10+$0x178C0] =	vst v7;
	v7 =	vadd.f32 v11, v16;
	v11 =	vld [tilespmem:s10+$0xF930]  }
0x46e: {  	[tilespmem:s10+$0x178D0] =	vst v6;
	v6 =	vadd.f32 v12, v17;
	v12 =	vld [tilespmem:s10+$0xF940]  }
0x46f: {  	[tilespmem:s10+$0x178E0] =	vst v7;
	v7 =	vadd.f32 v8, v18;
	v8 =	vld [tilespmem:s10+$0xF950]  }
0x470: {  	[tilespmem:s10+$0x178F0] =	vst v6;
	v6 =	vadd.f32 v9, v19;
	v9 =	vld [tilespmem:s10+$0xF960]  }
0x471: {  	[tilespmem:s10+$0x17900] =	vst v7;
	v7 =	vadd.f32 v10, v20;
	v10 =	vld [tilespmem:s10+$0xF970]  }
0x472: {  	[tilespmem:s10+$0x17910] =	vst v6;
	v6 =	vadd.f32 v11, v21;
	v11 =	vld [tilespmem:s10+$0xF980]  }
0x473: {  	[tilespmem:s10+$0x17920] =	vst v7;
	v7 =	vadd.f32 v12, v22;
	v12 =	vld [tilespmem:s10+$0xF990]  }
0x474: {  	[tilespmem:s10+$0x17930] =	vst v6;
	v6 =	vadd.f32 v8, v23;
	v8 =	vld [tilespmem:s10+$0xF9A0]  }
0x475: {  	[tilespmem:s10+$0x17940] =	vst v7;
	v7 =	vadd.f32 v9, v24;
	v9 =	vld [tilespmem:s10+$0xF9B0]  }
0x476: {  	[tilespmem:s10+$0x17950] =	vst v6;
	v10 =	vadd.f32 v10, v25;
	v13 =	vld [tilespmem:s10+$0xF9C0]  }
.Ltmp6:
0x477: {  	[tilespmem:s10+$0x17960] =	vst v7;
	v11 =	vadd.f32 v11, v26;
	v6 =	vld [tilespmem:s10+$0xF9D0];
	(pc) =	sbr.rel @p1 .LBB2_14-.Ltmp6, $4  }
0x478: {  	[tilespmem:s10+$0x17970] =	vst v10;
	v10 =	vadd.f32 v12, v27;
	v7 =	vld [tilespmem:s10+$0xF9E0]  }
0x479: {  	[tilespmem:s10+$0x17980] =	vst v11;
	v11 =	vadd.f32 v8, v28;
	v8 =	vld [tilespmem:s10+$0xF9F0]  }
0x47a: {  	[tilespmem:s10+$0x17990] =	vst v10;
	v12 =	vadd.f32 v9, v29;
	v9 =	vld [tilespmem:s10+$0xFA00]  }
0x47b: {  	s12 =	sadd.s32 $0x800, s12;
	[tilespmem:s10+$0x179A0] =	vst v11;
	v11 =	vadd.f32 v13, v30;
	v10 =	vld [tilespmem:s10+$0xFA10]  }
0x47c: {  	[tilespmem:s10+$0x179B0] =	vst v12;
	v5 =	vadd.f32 v6, v5;
	v62 =	vld [tilespmem:s10+$0xFA20]  }
0x47d: {  	[tilespmem:s10+$0x179C0] =	vst v11;
	v4 =	vadd.f32 v7, v4  }
0x47e: {  	[tilespmem:s10+$0x179D0] =	vst v5;
	v1 =	vadd.f32 v8, v1  }
0x47f: {  	[tilespmem:s10+$0x179E0] =	vst v4;
	v3 =	vadd.f32 v9, v3  }
0x480: {  	[tilespmem:s10+$0x179F0] =	vst v1;
	v0 =	vadd.f32 v10, v0  }
0x481: {  	[tilespmem:s10+$0x17A00] =	vst v3;
	v63 =	vadd.f32 v62, v2  }
0x482: {  	[tilespmem:s10+$0x17A10] =	vst v0  }
0x483: {  	[tilespmem:s10+$0x17A20] =	vst v63  }
0x484: {  	s10 =	rddreg [dreg:$0xd]  }
0x485: {  	[hbm4b:s10+s5] =	stream.linear.scatter [tilespmem:s21], [sflag:$0x7], $0x4000, $0x38;
	[tilespmem:$0x1B840] =	vst v63  }
0x486: {  	_ =	swait.ge [sflag:s31], $0x4000  }
0x487: {  	[sflag:s31] =	ssyncset.done $0x0  }
0x488: {  	[sflag:s31] =	ssyncadd.s32 $0xFFFFC000  }
0x489: {  	_ =	swait.ge [sflag:s24], $0x4000  }
0x48a: {  	s9 =	sadd.s32 $0x1, s9;
	s18 =	rddreg [dreg:$0xe]  }
0x48b: {  	p1 =	sne.s32 s9, s18  }
.Ltmp7:
0x48c: {  	_ = 	snop;
	(pc) =	sbr.rel @p1 .LBB2_1-.Ltmp7, $3  }
0x48d: {  	_ =	sdelay $0x1  }
0x48e: {  	[sflag:s24] =	ssyncset.done $0x0  }
0x48f: {  	[sflag:s24] =	ssyncadd.s32 $0xFFFFC000  }
0x490: {  	_ =	sfence.sel $0x180000  }
0x491: {  	[bflag:$0x0] =	sbarrier.arrive $0xFFFF  }
0x492: {  	_ =	strace $0x90000047  }
0x493: {  	[bflag:$0x2] =	sbarrier.arrive $0xFFFF  }
0x494: {  	s0 =	rddreg [dreg:$0x5]  }
0x495: {  	s0 =	sadd.s32 @!p0 $0x100000, s0  }
0x496: {  	[sflag:s0] =	ssyncadd.tile.s32 @!p0 $0x1;
	_ =	shalt  }
.Lfunc_end2:
_tile_overlayer_lowered:
.L_overlay_start_2:
0x497: {  	(tag) =	ssettag $0x2  }
0x498: {  	s0 =	rddreg [dreg:$0x0];
	s2 =	stileid.u32  }
0x499: {  	s1 =	rddreg [dreg:$0x1];
	p0 =	sne.s32 s2, $0x0  }
0x49a: {  	s3 =	rddreg [dreg:$0x2];
	[bflag:$0x3] =	sbarrier.arrive $0xFFFF;
	s2 =	simm.s32 @!p0 $0x1C08  }
0x49b: {  	[timem:s3], [sflag:s2] =	dma.local @!p0 [hbm:s0], s1  }
0x49c: {  	s0 =	simm.s32 @!p0 $0x8  }
0x49d: {  	_ =	swait.ge @!p0 [sflag:s0], s1  }
0x49e: {  	s1 =	ssub.s32 @!p0 $0x0, s1;
	[sflag:s0] =	ssyncset.done @!p0 $0x0  }
0x49f: {  	[sflag:s0] =	ssyncadd.s32 @!p0 s1  }
0x4a0: {  	[bflag:$0x3] =	sbarrier.arrive $0xFFFF  }
0x4a1: {  	_ =	shalt  }

</sc_bundles>
